<compile_context>
chip_gen: v7x
topology: tpu7x:2x2x1
jax: 0.10.2.dev20260603
libtpu: 0.0.44.dev20260713+nightly
codegen_flags: <defaults>
</compile_context>

<pallas_src>
import functools

import jax
import jax.numpy as jnp
from jax import lax
from jax.experimental import pallas as pl
from jax.experimental.pallas import tpu as pltpu
from jax.experimental.pallas import tpu_sc as plsc

B = 4096
NPG = 13
N = B * NPG
E = B * 24
NODE_DIM = 20
EDGE_DIM = 4
H = 64
HEADS = 4
NJ = 12
NR = 5

LN_EPS = 1e-5
SEG_EPS = 1e-16

_NBLK = 128
_EBLK = 512



def _stage_a1_body(x_ref, t_ref, wp_ref, bp_ref, wl_ref, bl_ref, wr_ref,
                   br_ref, xl_ref, xr_ref):
    xb = x_ref[...]
    tb = t_ref[...]
    acc = jnp.zeros((_NBLK, H), jnp.float32)
    for r in range(NR):
        pr = jnp.dot(xb, wp_ref[r], preferred_element_type=jnp.float32)
        pr = pr + bp_ref[r][None, :]
        acc = jnp.where(tb == r, pr, acc)
    h0 = jnp.where(acc > 0, acc, jnp.exp(acc) - 1.0)
    yl = jnp.dot(h0, wl_ref[...], preferred_element_type=jnp.float32) + bl_ref[...]
    yr = jnp.dot(h0, wr_ref[...], preferred_element_type=jnp.float32) + br_ref[...]
    for h in range(HEADS):
        xl_ref[h] = yl[:, h * H:(h + 1) * H]
        xr_ref[h] = yr[:, h * H:(h + 1) * H]


def _stage_a1(x, types2d, Wp, bp, Wl1, bl1, Wr1, br1):
    grid = (N // _NBLK,)
    return pl.pallas_call(
        _stage_a1_body,
        grid=grid,
        in_specs=[
            pl.BlockSpec((_NBLK, NODE_DIM), lambda i: (i, 0)),
            pl.BlockSpec((_NBLK, 1), lambda i: (i, 0)),
            pl.BlockSpec((NR, NODE_DIM, H), lambda i: (0, 0, 0)),
            pl.BlockSpec((NR, H), lambda i: (0, 0)),
            pl.BlockSpec((H, H * HEADS), lambda i: (0, 0)),
            pl.BlockSpec((1, H * HEADS), lambda i: (0, 0)),
            pl.BlockSpec((H, H * HEADS), lambda i: (0, 0)),
            pl.BlockSpec((1, H * HEADS), lambda i: (0, 0)),
        ],
        out_specs=[
            pl.BlockSpec((HEADS, _NBLK, H), lambda i: (0, i, 0)),
            pl.BlockSpec((HEADS, _NBLK, H), lambda i: (0, i, 0)),
        ],
        out_shape=[
            jax.ShapeDtypeStruct((HEADS, N, H), jnp.float32),
            jax.ShapeDtypeStruct((HEADS, N, H), jnp.float32),
        ],
    )(x, types2d, Wp, bp, Wl1, bl1, Wr1, br1)




def _stage_a2_body(ea_ref, we1_ref, we2_ref, e1_ref, e2_ref):
    eb = ea_ref[...]
    y1 = jnp.dot(eb, we1_ref[...], preferred_element_type=jnp.float32)
    for h in range(HEADS):
        e1_ref[h] = y1[:, h * H:(h + 1) * H]
    e2_ref[...] = jnp.dot(eb, we2_ref[...], preferred_element_type=jnp.float32)


def _stage_a2(ea, We1, We2):
    grid = (E // _EBLK,)
    return pl.pallas_call(
        _stage_a2_body,
        grid=grid,
        in_specs=[
            pl.BlockSpec((_EBLK, EDGE_DIM), lambda i: (i, 0)),
            pl.BlockSpec((EDGE_DIM, H * HEADS), lambda i: (0, 0)),
            pl.BlockSpec((EDGE_DIM, H), lambda i: (0, 0)),
        ],
        out_specs=[
            pl.BlockSpec((HEADS, _EBLK, H), lambda i: (0, i, 0)),
            pl.BlockSpec((_EBLK, H), lambda i: (i, 0)),
        ],
        out_shape=[
            jax.ShapeDtypeStruct((HEADS, E, H), jnp.float32),
            jax.ShapeDtypeStruct((E, H), jnp.float32),
        ],
    )(ea, We1, We2)



_K = 64
_NHALF = N // 2
_RPT = _NHALF // 16
_DENW = 4


def _sc_edge_body(nheads, nedges, xl_hbm, xr_hbm, e_hbm, src_hbm, dst_hbm,
                  att_hbm, z64_hbm, z8_hbm, acc_out, den_out,
                  acc_s, den_s, attb, srcb, dstb, gsrc, gdst, ldst,
                  xlb, xrb, ebuf, stage, dstage, scr, sem1, sem2):
    cid = lax.axis_index("c")
    sid = lax.axis_index("s")
    ept = nedges // 16
    nch = ept // _K
    tile_base = sid * ept
    iota16 = lax.iota(jnp.int32, 16)
    den_mask = iota16 < _DENW

    pltpu.sync_copy(att_hbm, attb)

    for h in range(nheads):
        pltpu.sync_copy(z64_hbm, acc_s.at[pl.ds(sid * _RPT, _RPT)])
        pltpu.sync_copy(z8_hbm, den_s.at[pl.ds(sid * _RPT, _RPT)])

        @pl.when(sid == 0)
        def _():
            pltpu.sync_copy(z64_hbm.at[pl.ds(0, 8)],
                            acc_s.at[pl.ds(_NHALF, 8)])
            pltpu.sync_copy(z8_hbm.at[pl.ds(0, 8)],
                            den_s.at[pl.ds(_NHALF, 8)])

        plsc.subcore_barrier()

        att_v = [attb[h, pl.ds(j * 16, 16)] for j in range(H // 16)]
        row_off = jnp.int32(h * (xl_hbm.shape[0] // nheads))

        def chunk_body(c, carry):
            estart = pl.multiple_of(tile_base + c * _K, _K)
            pltpu.sync_copy(src_hbm.at[pl.ds(estart, _K)], srcb)
            pltpu.sync_copy(dst_hbm.at[pl.ds(estart, _K)], dstb)
            for j in range(_K // 16):
                sl = pl.ds(j * 16, 16)
                sv = srcb[sl]
                dv = dstb[sl]
                gsrc[sl] = sv + row_off
                gdst[sl] = dv + row_off
                dl = dv - cid * _NHALF
                ok = (dl >= 0) & (dl < _NHALF)
                ldst[sl] = jnp.where(ok, dl, _NHALF)
            cp1 = pltpu.async_copy(xl_hbm.at[gsrc], xlb, sem1)
            cp2 = pltpu.async_copy(xr_hbm.at[gdst], xrb, sem2)
            pltpu.sync_copy(
                e_hbm.at[pl.ds(pl.multiple_of(estart + h * nedges, _K), _K)],
                ebuf)
            cp1.wait()
            cp2.wait()

            def edge_body(e, carry2):
                tsum = jnp.zeros((16,), jnp.float32)
                xlv = []
                for j in range(H // 16):
                    sl = pl.ds(j * 16, 16)
                    xv = xlb[e, sl]
                    xlv.append(xv)
                    u = xv + xrb[e, sl] + ebuf[e, sl]
                    m = jnp.where(u >= 0, u, 0.2 * u)
                    tsum = tsum + m * att_v[j]
                for sh in (1, 2, 4, 8):
                    scr[...] = tsum
                    perm = jnp.bitwise_xor(iota16, sh)
                    tsum = tsum + plsc.load_gather(scr, [perm])
                exv = jnp.exp(tsum)
                for j in range(H // 16):
                    stage[e, pl.ds(j * 16, 16)] = xlv[j] * exv
                rowi = jnp.full((16,), e, jnp.int32)
                plsc.store_scatter(dstage, [rowi, iota16], exv, mask=den_mask)
                return carry2

            lax.fori_loop(0, _K, edge_body, 0, unroll=2)
            pltpu.sync_copy(stage, acc_s.at[ldst], add=True)
            pltpu.sync_copy(dstage, den_s.at[ldst], add=True)
            return carry

        lax.fori_loop(0, nch, chunk_body, 0)

        plsc.subcore_barrier()

        out_base = h * (xl_hbm.shape[0] // nheads) + cid * _NHALF + sid * _RPT
        pltpu.sync_copy(acc_s.at[pl.ds(sid * _RPT, _RPT)],
                        acc_out.at[pl.ds(pl.multiple_of(out_base, 8), _RPT)])
        pltpu.sync_copy(den_s.at[pl.ds(sid * _RPT, _RPT)],
                        den_out.at[pl.ds(pl.multiple_of(out_base, 8), _RPT)])
        plsc.subcore_barrier()


def _sc_edge(nheads, xl2d, xr2d, e2d, src, dst, att):
    mesh = plsc.VectorSubcoreMesh(core_axis_name="c", subcore_axis_name="s")
    z64 = jnp.zeros((_RPT, H), jnp.float32)
    z8 = jnp.zeros((_RPT, _DENW), jnp.float32)
    fn = pl.kernel(
        functools.partial(_sc_edge_body, nheads, E),
        out_type=[
            jax.ShapeDtypeStruct((nheads * N, H), jnp.float32),
            jax.ShapeDtypeStruct((nheads * N, _DENW), jnp.float32),
        ],
        mesh=mesh,
        compiler_params=pltpu.CompilerParams(
            needs_layout_passes=False, use_tc_tiling_on_sc=False),
        scratch_types=[
            pltpu.VMEM_SHARED((_NHALF + 8, H), jnp.float32),
            pltpu.VMEM_SHARED((_NHALF + 8, _DENW), jnp.float32),
            pltpu.VMEM((nheads, H), jnp.float32),
            pltpu.VMEM((_K,), jnp.int32),
            pltpu.VMEM((_K,), jnp.int32),
            pltpu.VMEM((_K,), jnp.int32),
            pltpu.VMEM((_K,), jnp.int32),
            pltpu.VMEM((_K,), jnp.int32),
            pltpu.VMEM((_K, H), jnp.float32),
            pltpu.VMEM((_K, H), jnp.float32),
            pltpu.VMEM((_K, H), jnp.float32),
            pltpu.VMEM((_K, H), jnp.float32),
            pltpu.VMEM((_K, _DENW), jnp.float32),
            pltpu.VMEM((16,), jnp.float32),
            pltpu.SemaphoreType.DMA,
            pltpu.SemaphoreType.DMA,
        ],
    )
    return fn(xl2d, xr2d, e2d, src, dst, att, z64, z8)




def _stage_c_body(acc_ref, den_ref, b1_ref, g1_ref, be1_ref, wl2_ref, bl2_ref,
                  wr2_ref, br2_ref, xl2_ref, xr2_ref):
    parts = []
    for h in range(HEADS):
        d = den_ref[h][:, 0:1]
        parts.append(acc_ref[h] / (d + SEG_EPS))
    o = jnp.concatenate(parts, axis=1) + b1_ref[...]
    mu = o.mean(-1, keepdims=True)
    v = ((o - mu) ** 2).mean(-1, keepdims=True)
    y = (o - mu) / jnp.sqrt(v + LN_EPS) * g1_ref[...] + be1_ref[...]
    h1 = jnp.where(y > 0, y, jnp.exp(y) - 1.0)
    xl2_ref[...] = jnp.dot(h1, wl2_ref[...],
                           preferred_element_type=jnp.float32) + bl2_ref[...]
    xr2_ref[...] = jnp.dot(h1, wr2_ref[...],
                           preferred_element_type=jnp.float32) + br2_ref[...]


def _stage_c(acc1, den1, bias1, g1, be1, Wl2, bl2, Wr2, br2):
    grid = (N // _NBLK,)
    return pl.pallas_call(
        _stage_c_body,
        grid=grid,
        in_specs=[
            pl.BlockSpec((HEADS, _NBLK, H), lambda i: (0, i, 0)),
            pl.BlockSpec((HEADS, _NBLK, _DENW), lambda i: (0, i, 0)),
            pl.BlockSpec((1, H * HEADS), lambda i: (0, 0)),
            pl.BlockSpec((1, H * HEADS), lambda i: (0, 0)),
            pl.BlockSpec((1, H * HEADS), lambda i: (0, 0)),
            pl.BlockSpec((H * HEADS, H), lambda i: (0, 0)),
            pl.BlockSpec((1, H), lambda i: (0, 0)),
            pl.BlockSpec((H * HEADS, H), lambda i: (0, 0)),
            pl.BlockSpec((1, H), lambda i: (0, 0)),
        ],
        out_specs=[
            pl.BlockSpec((_NBLK, H), lambda i: (i, 0)),
            pl.BlockSpec((_NBLK, H), lambda i: (i, 0)),
        ],
        out_shape=[
            jax.ShapeDtypeStruct((N, H), jnp.float32),
            jax.ShapeDtypeStruct((N, H), jnp.float32),
        ],
    )(acc1, den1, bias1, g1, be1, Wl2, bl2, Wr2, br2)



_GBLK = 128
_NROWS = _GBLK * NPG
_LOG2PI = 1.8378770664093453


def _stage_e_body(acc_ref, den_ref, b2_ref, g2_ref, be2_ref, act_ref, ls_ref,
                  a1w_ref, a1b_ref, a2w_ref, a2b_ref, c1w_ref, c1b_ref,
                  c2w_ref, c2b_ref, lp_ref, ent_ref, val_ref):
    d = den_ref[...][:, 0:1]
    o = acc_ref[...] / (d + SEG_EPS) + b2_ref[...]
    mu = o.mean(-1, keepdims=True)
    v = ((o - mu) ** 2).mean(-1, keepdims=True)
    y = (o - mu) / jnp.sqrt(v + LN_EPS) * g2_ref[...] + be2_ref[...]
    hf = jnp.where(y > 0, y, jnp.exp(y) - 1.0)
    hr = hf.reshape(_GBLK, NPG, H)
    pooled = hr.mean(axis=1)
    jh = hr[:, 1:, :].reshape(_GBLK * NJ, H)
    t = jnp.tanh(jnp.dot(jh, a1w_ref[...],
                         preferred_element_type=jnp.float32) + a1b_ref[...])
    mean = (t * a2w_ref[...]).sum(-1).reshape(_GBLK, NJ) + a2b_ref[0, 0]
    std = jnp.clip(jnp.exp(ls_ref[...]), 0.15, 0.8)
    av = act_ref[...]
    lp = (-((av - mean) ** 2) / (2.0 * std ** 2) - jnp.log(std)
          - 0.5 * _LOG2PI)
    lp_ref[...] = lp.sum(-1, keepdims=True)
    ent = (0.5 + 0.5 * _LOG2PI + jnp.log(std)).sum()
    ent_ref[...] = jnp.broadcast_to(ent, (_GBLK, 1))
    tv = jnp.tanh(jnp.dot(pooled, c1w_ref[...],
                          preferred_element_type=jnp.float32) + c1b_ref[...])
    val_ref[...] = (tv * c2w_ref[...]).sum(-1, keepdims=True) + c2b_ref[0, 0]


def _stage_e(acc2, den2, bias2, g2, be2, action, log_std, A1, a1, A2t, a2,
             C1, c1, C2t, c2):
    grid = (B // _GBLK,)
    return pl.pallas_call(
        _stage_e_body,
        grid=grid,
        in_specs=[
            pl.BlockSpec((_NROWS, H), lambda i: (i, 0)),
            pl.BlockSpec((_NROWS, _DENW), lambda i: (i, 0)),
            pl.BlockSpec((1, H), lambda i: (0, 0)),
            pl.BlockSpec((1, H), lambda i: (0, 0)),
            pl.BlockSpec((1, H), lambda i: (0, 0)),
            pl.BlockSpec((_GBLK, NJ), lambda i: (i, 0)),
            pl.BlockSpec((1, NJ), lambda i: (0, 0)),
            pl.BlockSpec((H, 64), lambda i: (0, 0)),
            pl.BlockSpec((1, 64), lambda i: (0, 0)),
            pl.BlockSpec((1, 64), lambda i: (0, 0)),
            pl.BlockSpec((1, 1), lambda i: (0, 0)),
            pl.BlockSpec((H, 64), lambda i: (0, 0)),
            pl.BlockSpec((1, 64), lambda i: (0, 0)),
            pl.BlockSpec((1, 64), lambda i: (0, 0)),
            pl.BlockSpec((1, 1), lambda i: (0, 0)),
        ],
        out_specs=[
            pl.BlockSpec((_GBLK, 1), lambda i: (i, 0)),
            pl.BlockSpec((_GBLK, 1), lambda i: (i, 0)),
            pl.BlockSpec((_GBLK, 1), lambda i: (i, 0)),
        ],
        out_shape=[
            jax.ShapeDtypeStruct((B, 1), jnp.float32),
            jax.ShapeDtypeStruct((B, 1), jnp.float32),
            jax.ShapeDtypeStruct((B, 1), jnp.float32),
        ],
    )(acc2, den2, bias2, g2, be2, action, log_std, A1, a1, A2t, a2,
      C1, c1, C2t, c2)




def kernel(x, edge_index, edge_attr, node_types, batch, action, Wp, bp, Wl1,
           bl1, Wr1, br1, We1, att1, bias1, g1, be1, Wl2, bl2, Wr2, br2, We2,
           att2, bias2, g2, be2, A1, a1, A2, a2, C1, c1, C2, c2, log_std):
    src = edge_index[0]
    dst = edge_index[1]
    types2d = node_types.reshape(N, 1).astype(jnp.int32)

    xl1, xr1 = _stage_a1(x, types2d, Wp, bp, Wl1, bl1.reshape(1, -1), Wr1,
                         br1.reshape(1, -1))
    e1, e2 = _stage_a2(edge_attr, We1, We2)

    acc1, den1 = _sc_edge(HEADS, xl1.reshape(HEADS * N, H),
                          xr1.reshape(HEADS * N, H),
                          e1.reshape(HEADS * E, H), src, dst, att1)

    xl2, xr2 = _stage_c(acc1.reshape(HEADS, N, H),
                        den1.reshape(HEADS, N, _DENW), bias1.reshape(1, -1),
                        g1.reshape(1, -1), be1.reshape(1, -1), Wl2,
                        bl2.reshape(1, -1), Wr2, br2.reshape(1, -1))

    acc2, den2 = _sc_edge(1, xl2, xr2, e2, src, dst, att2)

    lp, ent, val = _stage_e(acc2, den2, bias2.reshape(1, -1),
                            g2.reshape(1, -1), be2.reshape(1, -1), action,
                            log_std.reshape(1, -1), A1, a1.reshape(1, -1),
                            A2.reshape(1, -1), a2.reshape(1, 1), C1,
                            c1.reshape(1, -1), C2.reshape(1, -1),
                            c2.reshape(1, 1))

    return (action, lp.reshape(B), ent.reshape(B), val)

# --- scband reference (transcript-rebuilt; emitter-appended) ---
"""Pipeline reference for scband-hetero-gnnactor-critic-20890720928003 (READ-ONLY COPY).

The authoritative reference and input builder live on the scoring server;
editing this copy changes nothing except your own understanding.
"""

import jax, jax.numpy as jnp
import numpy as np

B = 4096; NPG = 13; N = B * NPG; E = B * 24
NODE_DIM = 20; EDGE_DIM = 4; H = 64; HEADS = 4; NJ = 12; NR = 5


def _ln(h, g, b):
    mu = h.mean(-1, keepdims=True)
    v = ((h - mu) ** 2).mean(-1, keepdims=True)
    return (h - mu) / jnp.sqrt(v + 1e-5) * g + b


def _gatv2(x, src, dst, ea, Wl, bl, Wr, br, We, att, bias, heads, out, concat):
    n = x.shape[0]
    xl = (x @ Wl + bl).reshape(n, heads, out)
    xr = (x @ Wr + br).reshape(n, heads, out)
    e = (ea @ We).reshape(-1, heads, out)
    m = jax.nn.leaky_relu(xl[src] + xr[dst] + e, 0.2)
    alpha = (m * att[None]).sum(-1)
    amax = jax.ops.segment_max(alpha, dst, num_segments=n)
    ex = jnp.exp(alpha - amax[dst])
    den = jax.ops.segment_sum(ex, dst, num_segments=n)
    a = ex / (den[dst] + 1e-16)
    o = jax.ops.segment_sum(xl[src] * a[..., None], dst, num_segments=n)
    o = o.reshape(n, heads * out) if concat else o.mean(1)
    return o + bias


def setup_inputs(seed: int = 0):
    key = jax.random.key(seed)
    ks = jax.random.split(key, 20)
    def rn(i, shape, s=0.1):
        return jax.random.normal(ks[i], shape, jnp.float32) * s
    return {
        'x': jax.random.normal(ks[0], (N, NODE_DIM), jnp.float32),
        'edge_index': jax.random.randint(ks[1], (2, E), 0, N),
        'edge_attr': jax.random.normal(ks[2], (E, EDGE_DIM), jnp.float32),
        'node_types': jax.random.randint(ks[3], (N,), 0, NR),
        'batch': jnp.repeat(jnp.arange(B), NPG),
        'action': jax.random.normal(ks[4], (B, NJ), jnp.float32),
        'Wp': rn(5, (NR, NODE_DIM, H)), 'bp': jnp.zeros((NR, H), jnp.float32),
        'Wl1': rn(6, (H, H * HEADS)), 'bl1': jnp.zeros((H * HEADS,), jnp.float32),
        'Wr1': rn(7, (H, H * HEADS)), 'br1': jnp.zeros((H * HEADS,), jnp.float32),
        'We1': rn(8, (EDGE_DIM, H * HEADS)), 'att1': rn(9, (HEADS, H)),
        'bias1': jnp.zeros((H * HEADS,), jnp.float32),
        'g1': jnp.ones((H * HEADS,), jnp.float32), 'be1': jnp.zeros((H * HEADS,), jnp.float32),
        'Wl2': rn(10, (H * HEADS, H)), 'bl2': jnp.zeros((H,), jnp.float32),
        'Wr2': rn(11, (H * HEADS, H)), 'br2': jnp.zeros((H,), jnp.float32),
        'We2': rn(12, (EDGE_DIM, H)), 'att2': rn(13, (1, H)),
        'bias2': jnp.zeros((H,), jnp.float32),
        'g2': jnp.ones((H,), jnp.float32), 'be2': jnp.zeros((H,), jnp.float32),
        'A1': rn(14, (H, 64)), 'a1': jnp.zeros((64,), jnp.float32),
        'A2': rn(15, (64, 1), 0.01), 'a2': jnp.zeros((1,), jnp.float32),
        'C1': rn(16, (H, 64)), 'c1': jnp.zeros((64,), jnp.float32),
        'C2': rn(17, (64, 1)), 'c2': jnp.zeros((1,), jnp.float32),
        'log_std': jnp.full((NJ,), -0.7, jnp.float32),
    }


def reference(x, edge_index, edge_attr, node_types, batch, action, Wp, bp, Wl1, bl1, Wr1, br1, We1, att1, bias1, g1, be1, Wl2, bl2, Wr2, br2, We2, att2, bias2, g2, be2, A1, a1, A2, a2, C1, c1, C2, c2, log_std):
    src, dst = edge_index[0], edge_index[1]
    # per-role linear projection (gather role weights per node)
    h = jax.nn.elu(jnp.einsum('nd,ndh->nh', x, Wp[node_types]) + bp[node_types])
    h = jax.nn.elu(_ln(_gatv2(h, src, dst, edge_attr, Wl1, bl1, Wr1, br1, We1, att1, bias1, HEADS, H, True), g1, be1))
    h = jax.nn.elu(_ln(_gatv2(h, src, dst, edge_attr, Wl2, bl2, Wr2, br2, We2, att2, bias2, 1, H, False), g2, be2))
    # joint embeddings: drop body node (first node of each graph, at ptr[:-1])
    joint_h = h.reshape(B, NPG, H)[:, 1:, :].reshape(B * NJ, H)
    mean = (jnp.tanh(joint_h @ A1 + a1) @ A2 + a2).reshape(B, NJ)
    std = jnp.broadcast_to(jnp.clip(jnp.exp(log_std), 0.15, 0.8)[None, :], mean.shape)
    log_prob = (-((action - mean) ** 2) / (2.0 * std ** 2) - jnp.log(std) - 0.5 * jnp.log(2.0 * jnp.pi)).sum(-1)
    entropy = (0.5 + 0.5 * jnp.log(2.0 * jnp.pi) + jnp.log(std)).sum(-1)
    cnt = jax.ops.segment_sum(jnp.ones((N,), jnp.float32), batch, num_segments=B)
    pooled = jax.ops.segment_sum(h, batch, num_segments=B) / cnt[:, None]
    value = jnp.tanh(pooled @ C1 + c1) @ C2 + c2
    return (action, log_prob, entropy, value)

if __name__ == "__main__":
    import jax
    _d = setup_inputs()
    print(jax.jit(kernel)(*tuple(_d.values())))

</pallas_src>

<mosaic_0001>
#map = affine_map<(d0, d1) -> (0, 0)>
#map1 = affine_map<(d0, d1) -> (0)>
module attributes {stable_mosaic.version = 14 : i64} {
  func.func @_sc_edge_body(%arg0: i32, %arg1: i32, %arg2: memref<212992x64xf32, #tpu.memory_space<hbm>>, %arg3: memref<212992x64xf32, #tpu.memory_space<hbm>>, %arg4: memref<393216x64xf32, #tpu.memory_space<hbm>>, %arg5: memref<98304xi32, #tpu.memory_space<hbm>>, %arg6: memref<98304xi32, #tpu.memory_space<hbm>>, %arg7: memref<4x64xf32, #tpu.memory_space<hbm>>, %arg8: memref<1664x64xf32, #tpu.memory_space<hbm>>, %arg9: memref<1664x4xf32, #tpu.memory_space<hbm>>, %arg10: memref<212992x64xf32, #tpu.memory_space<hbm>>, %arg11: memref<212992x4xf32, #tpu.memory_space<hbm>>, %arg12: memref<26632x64xf32, #tpu.memory_space<vmem_shared>>, %arg13: memref<26632x4xf32, #tpu.memory_space<vmem_shared>>, %arg14: memref<4x64xf32, #tpu.memory_space<vmem>>, %arg15: memref<64xi32, #tpu.memory_space<vmem>>, %arg16: memref<64xi32, #tpu.memory_space<vmem>>, %arg17: memref<64xi32, #tpu.memory_space<vmem>>, %arg18: memref<64xi32, #tpu.memory_space<vmem>>, %arg19: memref<64xi32, #tpu.memory_space<vmem>>, %arg20: memref<64x64xf32, #tpu.memory_space<vmem>>, %arg21: memref<64x64xf32, #tpu.memory_space<vmem>>, %arg22: memref<64x64xf32, #tpu.memory_space<vmem>>, %arg23: memref<64x64xf32, #tpu.memory_space<vmem>>, %arg24: memref<64x4xf32, #tpu.memory_space<vmem>>, %arg25: memref<16xf32, #tpu.memory_space<vmem>>, %arg26: memref<!tpu.dma_semaphore, #tpu.memory_space<semaphore_mem>>, %arg27: memref<!tpu.dma_semaphore, #tpu.memory_space<semaphore_mem>>) attributes {dimension_semantics = [#tpu.dimension_semantics<core_parallel>, #tpu.dimension_semantics<subcore_parallel>], iteration_bounds = array<i64: 2, 16>, scalar_prefetch = 0 : i64, scratch_operands = 16 : i64, tpu.core_type = #tpu.core_type<sc_vector_subcore>, window_params = [{transform_indices = #map}, {transform_indices = #map}, {transform_indices = #map}, {transform_indices = #map1}, {transform_indices = #map1}, {transform_indices = #map}, {transform_indices = #map}, {transform_indices = #map}, {transform_indices = #map}, {transform_indices = #map}]} {
    %mul3A = arith.constant 6144 : i32
    %mul3A_0 = arith.muli %arg1, %mul3A : i32
    %iota3A = tpu.iota {dimensions = array<i32: 0>} : vector<16xi32>
    %lt3A = arith.constant 4 : i32
    %lt3A_1 = vector.broadcast %lt3A : i32 to vector<16xi32>
    %lt3A_2 = arith.cmpi slt, %iota3A, %lt3A_1 : vector<16xi32>
    "tpu.region"() ({
      %run_scoped3A = tpu.sem_alloc : memref<!tpu.dma_semaphore, #tpu.memory_space<semaphore_mem>>
      tpu.enqueue_dma source(%arg7 : memref<4x64xf32, #tpu.memory_space<hbm>>) target(%arg14 : memref<4x64xf32, #tpu.memory_space<vmem>>) target_semaphore(%run_scoped3A : memref<!tpu.dma_semaphore, #tpu.memory_space<semaphore_mem>>)
      tpu.wait_dma2 semaphore(%run_scoped3A : memref<!tpu.dma_semaphore, #tpu.memory_space<semaphore_mem>>) src(%arg7 : memref<4x64xf32, #tpu.memory_space<hbm>>) dst(%arg14 : memref<4x64xf32, #tpu.memory_space<vmem>>)
      tpu.yield
    }) : () -> ()
    %mul3A_3 = arith.constant 1664 : i32
    %mul3A_4 = arith.muli %arg1, %mul3A_3 : i32
    "tpu.region"() ({
      %run_scoped3A = tpu.sem_alloc : memref<!tpu.dma_semaphore, #tpu.memory_space<semaphore_mem>>
      %dma_start3A = arith.constant 0 : i32
      %dma_start3A_187 = tpu.memref_slice %arg12[%mul3A_4, %dma_start3A] : memref<26632x64xf32, #tpu.memory_space<vmem_shared>> -> memref<1664x64xf32, #tpu.memory_space<vmem_shared>>
      tpu.enqueue_dma source(%arg8 : memref<1664x64xf32, #tpu.memory_space<hbm>>) target(%dma_start3A_187 : memref<1664x64xf32, #tpu.memory_space<vmem_shared>>) target_semaphore(%run_scoped3A : memref<!tpu.dma_semaphore, #tpu.memory_space<semaphore_mem>>)
      %dma_wait3A = arith.constant 0 : i32
      %dma_wait3A_188 = tpu.memref_slice %arg12[%mul3A_4, %dma_wait3A] : memref<26632x64xf32, #tpu.memory_space<vmem_shared>> -> memref<1664x64xf32, #tpu.memory_space<vmem_shared>>
      tpu.wait_dma2 semaphore(%run_scoped3A : memref<!tpu.dma_semaphore, #tpu.memory_space<semaphore_mem>>) src(%arg8 : memref<1664x64xf32, #tpu.memory_space<hbm>>) dst(%dma_wait3A_188 : memref<1664x64xf32, #tpu.memory_space<vmem_shared>>)
      tpu.yield
    }) : () -> ()
    %mul3A_5 = arith.constant 1664 : i32
    %mul3A_6 = arith.muli %arg1, %mul3A_5 : i32
    "tpu.region"() ({
      %run_scoped3A = tpu.sem_alloc : memref<!tpu.dma_semaphore, #tpu.memory_space<semaphore_mem>>
      %dma_start3A = arith.constant 0 : i32
      %dma_start3A_187 = tpu.memref_slice %arg13[%mul3A_6, %dma_start3A] : memref<26632x4xf32, #tpu.memory_space<vmem_shared>> -> memref<1664x4xf32, #tpu.memory_space<vmem_shared>>
      tpu.enqueue_dma source(%arg9 : memref<1664x4xf32, #tpu.memory_space<hbm>>) target(%dma_start3A_187 : memref<1664x4xf32, #tpu.memory_space<vmem_shared>>) target_semaphore(%run_scoped3A : memref<!tpu.dma_semaphore, #tpu.memory_space<semaphore_mem>>)
      %dma_wait3A = arith.constant 0 : i32
      %dma_wait3A_188 = tpu.memref_slice %arg13[%mul3A_6, %dma_wait3A] : memref<26632x4xf32, #tpu.memory_space<vmem_shared>> -> memref<1664x4xf32, #tpu.memory_space<vmem_shared>>
      tpu.wait_dma2 semaphore(%run_scoped3A : memref<!tpu.dma_semaphore, #tpu.memory_space<semaphore_mem>>) src(%arg9 : memref<1664x4xf32, #tpu.memory_space<hbm>>) dst(%dma_wait3A_188 : memref<1664x4xf32, #tpu.memory_space<vmem_shared>>)
      tpu.yield
    }) : () -> ()
    %eq3A = arith.constant 0 : i32
    %eq3A_7 = arith.cmpi eq, %arg1, %eq3A : i32
    %convert_element_type3A = arith.extui %eq3A_7 : i1 to i32
    %cond3A = arith.constant 0 : i32
    %cond3A_8 = arith.cmpi ne, %convert_element_type3A, %cond3A : i32
    scf.if %cond3A_8 {
      "tpu.region"() ({
        %run_scoped3A = tpu.sem_alloc : memref<!tpu.dma_semaphore, #tpu.memory_space<semaphore_mem>>
        %dma_start3A = arith.constant 26624 : i32
        %dma_start3A_187 = arith.constant 0 : i32
        %dma_start3A_188 = tpu.memref_slice %arg12[%dma_start3A, %dma_start3A_187] : memref<26632x64xf32, #tpu.memory_space<vmem_shared>> -> memref<8x64xf32, #tpu.memory_space<vmem_shared>>
        %dma_start3A_189 = arith.constant 0 : i32
        %dma_start3A_190 = arith.constant 0 : i32
        %dma_start3A_191 = tpu.memref_slice %arg8[%dma_start3A_189, %dma_start3A_190] : memref<1664x64xf32, #tpu.memory_space<hbm>> -> memref<8x64xf32, #tpu.memory_space<hbm>>
        tpu.enqueue_dma source(%dma_start3A_191 : memref<8x64xf32, #tpu.memory_space<hbm>>) target(%dma_start3A_188 : memref<8x64xf32, #tpu.memory_space<vmem_shared>>) target_semaphore(%run_scoped3A : memref<!tpu.dma_semaphore, #tpu.memory_space<semaphore_mem>>)
        %dma_wait3A = arith.constant 26624 : i32
        %dma_wait3A_192 = arith.constant 0 : i32
        %dma_wait3A_193 = tpu.memref_slice %arg12[%dma_wait3A, %dma_wait3A_192] : memref<26632x64xf32, #tpu.memory_space<vmem_shared>> -> memref<8x64xf32, #tpu.memory_space<vmem_shared>>
        %dma_wait3A_194 = arith.constant 0 : i32
        %dma_wait3A_195 = arith.constant 0 : i32
        %dma_wait3A_196 = tpu.memref_slice %arg8[%dma_wait3A_194, %dma_wait3A_195] : memref<1664x64xf32, #tpu.memory_space<hbm>> -> memref<8x64xf32, #tpu.memory_space<hbm>>
        tpu.wait_dma2 semaphore(%run_scoped3A : memref<!tpu.dma_semaphore, #tpu.memory_space<semaphore_mem>>) src(%dma_wait3A_196 : memref<8x64xf32, #tpu.memory_space<hbm>>) dst(%dma_wait3A_193 : memref<8x64xf32, #tpu.memory_space<vmem_shared>>)
        tpu.yield
      }) : () -> ()
      "tpu.region"() ({
        %run_scoped3A = tpu.sem_alloc : memref<!tpu.dma_semaphore, #tpu.memory_space<semaphore_mem>>
        %dma_start3A = arith.constant 26624 : i32
        %dma_start3A_187 = arith.constant 0 : i32
        %dma_start3A_188 = tpu.memref_slice %arg13[%dma_start3A, %dma_start3A_187] : memref<26632x4xf32, #tpu.memory_space<vmem_shared>> -> memref<8x4xf32, #tpu.memory_space<vmem_shared>>
        %dma_start3A_189 = arith.constant 0 : i32
        %dma_start3A_190 = arith.constant 0 : i32
        %dma_start3A_191 = tpu.memref_slice %arg9[%dma_start3A_189, %dma_start3A_190] : memref<1664x4xf32, #tpu.memory_space<hbm>> -> memref<8x4xf32, #tpu.memory_space<hbm>>
        tpu.enqueue_dma source(%dma_start3A_191 : memref<8x4xf32, #tpu.memory_space<hbm>>) target(%dma_start3A_188 : memref<8x4xf32, #tpu.memory_space<vmem_shared>>) target_semaphore(%run_scoped3A : memref<!tpu.dma_semaphore, #tpu.memory_space<semaphore_mem>>)
        %dma_wait3A = arith.constant 26624 : i32
        %dma_wait3A_192 = arith.constant 0 : i32
        %dma_wait3A_193 = tpu.memref_slice %arg13[%dma_wait3A, %dma_wait3A_192] : memref<26632x4xf32, #tpu.memory_space<vmem_shared>> -> memref<8x4xf32, #tpu.memory_space<vmem_shared>>
        %dma_wait3A_194 = arith.constant 0 : i32
        %dma_wait3A_195 = arith.constant 0 : i32
        %dma_wait3A_196 = tpu.memref_slice %arg9[%dma_wait3A_194, %dma_wait3A_195] : memref<1664x4xf32, #tpu.memory_space<hbm>> -> memref<8x4xf32, #tpu.memory_space<hbm>>
        tpu.wait_dma2 semaphore(%run_scoped3A : memref<!tpu.dma_semaphore, #tpu.memory_space<semaphore_mem>>) src(%dma_wait3A_196 : memref<8x4xf32, #tpu.memory_space<hbm>>) dst(%dma_wait3A_193 : memref<8x4xf32, #tpu.memory_space<vmem_shared>>)
        tpu.yield
      }) : () -> ()
    } else {
    }
    %barrier3A = arith.constant 0 : index
    tpu.barrier barrier_id(%barrier3A)
    %get3A = arith.constant 0 : i32
    %get3A_9 = arith.index_cast %get3A : i32 to index
    %get3A_10 = arith.constant 0 : index
    %get3A_11 = tpu.vector_load %arg14[%get3A_9, %get3A_10] {strides = array<i32>} : memref<4x64xf32, #tpu.memory_space<vmem>>, vector<16xf32>,
    %get3A_12 = arith.constant 0 : i32
    %get3A_13 = arith.index_cast %get3A_12 : i32 to index
    %get3A_14 = arith.constant 16 : index
    %get3A_15 = tpu.vector_load %arg14[%get3A_13, %get3A_14] {strides = array<i32>} : memref<4x64xf32, #tpu.memory_space<vmem>>, vector<16xf32>,
    %get3A_16 = arith.constant 0 : i32
    %get3A_17 = arith.index_cast %get3A_16 : i32 to index
    %get3A_18 = arith.constant 32 : index
    %get3A_19 = tpu.vector_load %arg14[%get3A_17, %get3A_18] {strides = array<i32>} : memref<4x64xf32, #tpu.memory_space<vmem>>, vector<16xf32>,
    %get3A_20 = arith.constant 0 : i32
    %get3A_21 = arith.index_cast %get3A_20 : i32 to index
    %get3A_22 = arith.constant 48 : index
    %get3A_23 = tpu.vector_load %arg14[%get3A_21, %get3A_22] {strides = array<i32>} : memref<4x64xf32, #tpu.memory_space<vmem>>, vector<16xf32>,
    %scan3A = arith.constant 0 : i32
    %scan3A_24 = arith.constant 0 : i32
    %scan3A_25 = arith.constant 0 : i32
    %scan3A_26 = arith.constant 96 : i32
    %scan3A_27 = arith.addi %scan3A_25, %scan3A_26 : i32
    %scan3A_28 = arith.constant 1 : i32
    scf.for %scan3A_187 = %scan3A_25 to %scan3A_27 step %scan3A_28  : i32 {
      %mul3A_188 = arith.constant 64 : i32
      %mul3A_189 = arith.muli %scan3A_187, %mul3A_188 : i32
      %add3A_190 = arith.addi %mul3A_0, %mul3A_189 : i32
      %multiple_of3A_191 = tpu.assume_multiple %add3A_190, 64 : i32
      "tpu.region"() ({
        %run_scoped3A = tpu.sem_alloc : memref<!tpu.dma_semaphore, #tpu.memory_space<semaphore_mem>>
        %dma_start3A_316 = tpu.memref_slice %arg5[%multiple_of3A_191] : memref<98304xi32, #tpu.memory_space<hbm>> -> memref<64xi32, #tpu.memory_space<hbm>>
        %dma_start3A_317 = tpu.memref_slice %arg5[%multiple_of3A_191] : memref<98304xi32, #tpu.memory_space<hbm>> -> memref<64xi32, #tpu.memory_space<hbm>>
        tpu.enqueue_dma source(%dma_start3A_317 : memref<64xi32, #tpu.memory_space<hbm>>) target(%arg15 : memref<64xi32, #tpu.memory_space<vmem>>) target_semaphore(%run_scoped3A : memref<!tpu.dma_semaphore, #tpu.memory_space<semaphore_mem>>)
        %dma_wait3A_318 = tpu.memref_slice %arg5[%multiple_of3A_191] : memref<98304xi32, #tpu.memory_space<hbm>> -> memref<64xi32, #tpu.memory_space<hbm>>
        %dma_wait3A_319 = tpu.memref_slice %arg5[%multiple_of3A_191] : memref<98304xi32, #tpu.memory_space<hbm>> -> memref<64xi32, #tpu.memory_space<hbm>>
        tpu.wait_dma2 semaphore(%run_scoped3A : memref<!tpu.dma_semaphore, #tpu.memory_space<semaphore_mem>>) src(%dma_wait3A_319 : memref<64xi32, #tpu.memory_space<hbm>>) dst(%arg15 : memref<64xi32, #tpu.memory_space<vmem>>)
        tpu.yield
      }) : () -> ()
      "tpu.region"() ({
        %run_scoped3A = tpu.sem_alloc : memref<!tpu.dma_semaphore, #tpu.memory_space<semaphore_mem>>
        %dma_start3A_316 = tpu.memref_slice %arg6[%multiple_of3A_191] : memref<98304xi32, #tpu.memory_space<hbm>> -> memref<64xi32, #tpu.memory_space<hbm>>
        %dma_start3A_317 = tpu.memref_slice %arg6[%multiple_of3A_191] : memref<98304xi32, #tpu.memory_space<hbm>> -> memref<64xi32, #tpu.memory_space<hbm>>
        tpu.enqueue_dma source(%dma_start3A_317 : memref<64xi32, #tpu.memory_space<hbm>>) target(%arg16 : memref<64xi32, #tpu.memory_space<vmem>>) target_semaphore(%run_scoped3A : memref<!tpu.dma_semaphore, #tpu.memory_space<semaphore_mem>>)
        %dma_wait3A_318 = tpu.memref_slice %arg6[%multiple_of3A_191] : memref<98304xi32, #tpu.memory_space<hbm>> -> memref<64xi32, #tpu.memory_space<hbm>>
        %dma_wait3A_319 = tpu.memref_slice %arg6[%multiple_of3A_191] : memref<98304xi32, #tpu.memory_space<hbm>> -> memref<64xi32, #tpu.memory_space<hbm>>
        tpu.wait_dma2 semaphore(%run_scoped3A : memref<!tpu.dma_semaphore, #tpu.memory_space<semaphore_mem>>) src(%dma_wait3A_319 : memref<64xi32, #tpu.memory_space<hbm>>) dst(%arg16 : memref<64xi32, #tpu.memory_space<vmem>>)
        tpu.yield
      }) : () -> ()
      %get3A_192 = arith.constant 0 : index
      %get3A_193 = tpu.vector_load %arg15[%get3A_192] {strides = array<i32>} : memref<64xi32, #tpu.memory_space<vmem>>, vector<16xi32>,
      %get3A_194 = arith.constant 0 : index
      %get3A_195 = tpu.vector_load %arg16[%get3A_194] {strides = array<i32>} : memref<64xi32, #tpu.memory_space<vmem>>, vector<16xi32>,
      %add3A_196 = vector.broadcast %scan3A_24 : i32 to vector<16xi32>
      %add3A_197 = arith.addi %get3A_193, %add3A_196 : vector<16xi32>
      %swap3A = arith.constant 0 : index
      %swap3A_198 = tpu.vector_load %arg17[%swap3A] {strides = array<i32>} : memref<64xi32, #tpu.memory_space<vmem>>, vector<16xi32>,
      tpu.vector_store %arg17[%swap3A], %add3A_197 {strides = array<i32>} : memref<64xi32, #tpu.memory_space<vmem>>, vector<16xi32>,
      %add3A_199 = vector.broadcast %scan3A_24 : i32 to vector<16xi32>
      %add3A_200 = arith.addi %get3A_195, %add3A_199 : vector<16xi32>
      %swap3A_201 = arith.constant 0 : index
      %swap3A_202 = tpu.vector_load %arg18[%swap3A_201] {strides = array<i32>} : memref<64xi32, #tpu.memory_space<vmem>>, vector<16xi32>,
      tpu.vector_store %arg18[%swap3A_201], %add3A_200 {strides = array<i32>} : memref<64xi32, #tpu.memory_space<vmem>>, vector<16xi32>,
      %mul3A_203 = arith.constant 26624 : i32
      %mul3A_204 = arith.muli %arg0, %mul3A_203 : i32
      %sub3A = vector.broadcast %mul3A_204 : i32 to vector<16xi32>
      %sub3A_205 = arith.subi %get3A_195, %sub3A : vector<16xi32>
      %ge3A = arith.constant 0 : i32
      %ge3A_206 = vector.broadcast %ge3A : i32 to vector<16xi32>
      %ge3A_207 = arith.cmpi sge, %sub3A_205, %ge3A_206 : vector<16xi32>
      %lt3A_208 = arith.constant 26624 : i32
      %lt3A_209 = vector.broadcast %lt3A_208 : i32 to vector<16xi32>
      %lt3A_210 = arith.cmpi slt, %sub3A_205, %lt3A_209 : vector<16xi32>
      %and3A = arith.andi %ge3A_207, %lt3A_210 : vector<16xi1>
      %jit3A = arith.constant 26624 : i32
      %broadcast_in_dim3A = vector.broadcast %jit3A : i32 to vector<16xi32>
      %select_n3A = arith.select %and3A, %sub3A_205, %broadcast_in_dim3A : vector<16xi1>, vector<16xi32>
      %swap3A_211 = arith.constant 0 : index
      %swap3A_212 = tpu.vector_load %arg19[%swap3A_211] {strides = array<i32>} : memref<64xi32, #tpu.memory_space<vmem>>, vector<16xi32>,
      tpu.vector_store %arg19[%swap3A_211], %select_n3A {strides = array<i32>} : memref<64xi32, #tpu.memory_space<vmem>>, vector<16xi32>,
      %get3A_213 = arith.constant 16 : index
      %get3A_214 = tpu.vector_load %arg15[%get3A_213] {strides = array<i32>} : memref<64xi32, #tpu.memory_space<vmem>>, vector<16xi32>,
      %get3A_215 = arith.constant 16 : index
      %get3A_216 = tpu.vector_load %arg16[%get3A_215] {strides = array<i32>} : memref<64xi32, #tpu.memory_space<vmem>>, vector<16xi32>,
      %add3A_217 = vector.broadcast %scan3A_24 : i32 to vector<16xi32>
      %add3A_218 = arith.addi %get3A_214, %add3A_217 : vector<16xi32>
      %swap3A_219 = arith.constant 16 : index
      %swap3A_220 = tpu.vector_load %arg17[%swap3A_219] {strides = array<i32>} : memref<64xi32, #tpu.memory_space<vmem>>, vector<16xi32>,
      tpu.vector_store %arg17[%swap3A_219], %add3A_218 {strides = array<i32>} : memref<64xi32, #tpu.memory_space<vmem>>, vector<16xi32>,
      %add3A_221 = vector.broadcast %scan3A_24 : i32 to vector<16xi32>
      %add3A_222 = arith.addi %get3A_216, %add3A_221 : vector<16xi32>
      %swap3A_223 = arith.constant 16 : index
      %swap3A_224 = tpu.vector_load %arg18[%swap3A_223] {strides = array<i32>} : memref<64xi32, #tpu.memory_space<vmem>>, vector<16xi32>,
      tpu.vector_store %arg18[%swap3A_223], %add3A_222 {strides = array<i32>} : memref<64xi32, #tpu.memory_space<vmem>>, vector<16xi32>,
      %mul3A_225 = arith.constant 26624 : i32
      %mul3A_226 = arith.muli %arg0, %mul3A_225 : i32
      %sub3A_227 = vector.broadcast %mul3A_226 : i32 to vector<16xi32>
      %sub3A_228 = arith.subi %get3A_216, %sub3A_227 : vector<16xi32>
      %ge3A_229 = arith.constant 0 : i32
      %ge3A_230 = vector.broadcast %ge3A_229 : i32 to vector<16xi32>
      %ge3A_231 = arith.cmpi sge, %sub3A_228, %ge3A_230 : vector<16xi32>
      %lt3A_232 = arith.constant 26624 : i32
      %lt3A_233 = vector.broadcast %lt3A_232 : i32 to vector<16xi32>
      %lt3A_234 = arith.cmpi slt, %sub3A_228, %lt3A_233 : vector<16xi32>
      %and3A_235 = arith.andi %ge3A_231, %lt3A_234 : vector<16xi1>
      %jit3A_236 = arith.constant 26624 : i32
      %broadcast_in_dim3A_237 = vector.broadcast %jit3A_236 : i32 to vector<16xi32>
      %select_n3A_238 = arith.select %and3A_235, %sub3A_228, %broadcast_in_dim3A_237 : vector<16xi1>, vector<16xi32>
      %swap3A_239 = arith.constant 16 : index
      %swap3A_240 = tpu.vector_load %arg19[%swap3A_239] {strides = array<i32>} : memref<64xi32, #tpu.memory_space<vmem>>, vector<16xi32>,
      tpu.vector_store %arg19[%swap3A_239], %select_n3A_238 {strides = array<i32>} : memref<64xi32, #tpu.memory_space<vmem>>, vector<16xi32>,
      %get3A_241 = arith.constant 32 : index
      %get3A_242 = tpu.vector_load %arg15[%get3A_241] {strides = array<i32>} : memref<64xi32, #tpu.memory_space<vmem>>, vector<16xi32>,
      %get3A_243 = arith.constant 32 : index
      %get3A_244 = tpu.vector_load %arg16[%get3A_243] {strides = array<i32>} : memref<64xi32, #tpu.memory_space<vmem>>, vector<16xi32>,
      %add3A_245 = vector.broadcast %scan3A_24 : i32 to vector<16xi32>
      %add3A_246 = arith.addi %get3A_242, %add3A_245 : vector<16xi32>
      %swap3A_247 = arith.constant 32 : index
      %swap3A_248 = tpu.vector_load %arg17[%swap3A_247] {strides = array<i32>} : memref<64xi32, #tpu.memory_space<vmem>>, vector<16xi32>,
      tpu.vector_store %arg17[%swap3A_247], %add3A_246 {strides = array<i32>} : memref<64xi32, #tpu.memory_space<vmem>>, vector<16xi32>,
      %add3A_249 = vector.broadcast %scan3A_24 : i32 to vector<16xi32>
      %add3A_250 = arith.addi %get3A_244, %add3A_249 : vector<16xi32>
      %swap3A_251 = arith.constant 32 : index
      %swap3A_252 = tpu.vector_load %arg18[%swap3A_251] {strides = array<i32>} : memref<64xi32, #tpu.memory_space<vmem>>, vector<16xi32>,
      tpu.vector_store %arg18[%swap3A_251], %add3A_250 {strides = array<i32>} : memref<64xi32, #tpu.memory_space<vmem>>, vector<16xi32>,
      %mul3A_253 = arith.constant 26624 : i32
      %mul3A_254 = arith.muli %arg0, %mul3A_253 : i32
      %sub3A_255 = vector.broadcast %mul3A_254 : i32 to vector<16xi32>
      %sub3A_256 = arith.subi %get3A_244, %sub3A_255 : vector<16xi32>
      %ge3A_257 = arith.constant 0 : i32
      %ge3A_258 = vector.broadcast %ge3A_257 : i32 to vector<16xi32>
      %ge3A_259 = arith.cmpi sge, %sub3A_256, %ge3A_258 : vector<16xi32>
      %lt3A_260 = arith.constant 26624 : i32
      %lt3A_261 = vector.broadcast %lt3A_260 : i32 to vector<16xi32>
      %lt3A_262 = arith.cmpi slt, %sub3A_256, %lt3A_261 : vector<16xi32>
      %and3A_263 = arith.andi %ge3A_259, %lt3A_262 : vector<16xi1>
      %jit3A_264 = arith.constant 26624 : i32
      %broadcast_in_dim3A_265 = vector.broadcast %jit3A_264 : i32 to vector<16xi32>
      %select_n3A_266 = arith.select %and3A_263, %sub3A_256, %broadcast_in_dim3A_265 : vector<16xi1>, vector<16xi32>
      %swap3A_267 = arith.constant 32 : index
      %swap3A_268 = tpu.vector_load %arg19[%swap3A_267] {strides = array<i32>} : memref<64xi32, #tpu.memory_space<vmem>>, vector<16xi32>,
      tpu.vector_store %arg19[%swap3A_267], %select_n3A_266 {strides = array<i32>} : memref<64xi32, #tpu.memory_space<vmem>>, vector<16xi32>,
      %get3A_269 = arith.constant 48 : index
      %get3A_270 = tpu.vector_load %arg15[%get3A_269] {strides = array<i32>} : memref<64xi32, #tpu.memory_space<vmem>>, vector<16xi32>,
      %get3A_271 = arith.constant 48 : index
      %get3A_272 = tpu.vector_load %arg16[%get3A_271] {strides = array<i32>} : memref<64xi32, #tpu.memory_space<vmem>>, vector<16xi32>,
      %add3A_273 = vector.broadcast %scan3A_24 : i32 to vector<16xi32>
      %add3A_274 = arith.addi %get3A_270, %add3A_273 : vector<16xi32>
      %swap3A_275 = arith.constant 48 : index
      %swap3A_276 = tpu.vector_load %arg17[%swap3A_275] {strides = array<i32>} : memref<64xi32, #tpu.memory_space<vmem>>, vector<16xi32>,
      tpu.vector_store %arg17[%swap3A_275], %add3A_274 {strides = array<i32>} : memref<64xi32, #tpu.memory_space<vmem>>, vector<16xi32>,
      %add3A_277 = vector.broadcast %scan3A_24 : i32 to vector<16xi32>
      %add3A_278 = arith.addi %get3A_272, %add3A_277 : vector<16xi32>
      %swap3A_279 = arith.constant 48 : index
      %swap3A_280 = tpu.vector_load %arg18[%swap3A_279] {strides = array<i32>} : memref<64xi32, #tpu.memory_space<vmem>>, vector<16xi32>,
      tpu.vector_store %arg18[%swap3A_279], %add3A_278 {strides = array<i32>} : memref<64xi32, #tpu.memory_space<vmem>>, vector<16xi32>,
      %mul3A_281 = arith.constant 26624 : i32
      %mul3A_282 = arith.muli %arg0, %mul3A_281 : i32
      %sub3A_283 = vector.broadcast %mul3A_282 : i32 to vector<16xi32>
      %sub3A_284 = arith.subi %get3A_272, %sub3A_283 : vector<16xi32>
      %ge3A_285 = arith.constant 0 : i32
      %ge3A_286 = vector.broadcast %ge3A_285 : i32 to vector<16xi32>
      %ge3A_287 = arith.cmpi sge, %sub3A_284, %ge3A_286 : vector<16xi32>
      %lt3A_288 = arith.constant 26624 : i32
      %lt3A_289 = vector.broadcast %lt3A_288 : i32 to vector<16xi32>
      %lt3A_290 = arith.cmpi slt, %sub3A_284, %lt3A_289 : vector<16xi32>
      %and3A_291 = arith.andi %ge3A_287, %lt3A_290 : vector<16xi1>
      %jit3A_292 = arith.constant 26624 : i32
      %broadcast_in_dim3A_293 = vector.broadcast %jit3A_292 : i32 to vector<16xi32>
      %select_n3A_294 = arith.select %and3A_291, %sub3A_284, %broadcast_in_dim3A_293 : vector<16xi1>, vector<16xi32>
      %swap3A_295 = arith.constant 48 : index
      %swap3A_296 = tpu.vector_load %arg19[%swap3A_295] {strides = array<i32>} : memref<64xi32, #tpu.memory_space<vmem>>, vector<16xi32>,
      tpu.vector_store %arg19[%swap3A_295], %select_n3A_294 {strides = array<i32>} : memref<64xi32, #tpu.memory_space<vmem>>, vector<16xi32>,
      %dma_start3A = arith.constant 0 : i32
      %dma_start3A_297 = arith.constant 0 : i32
      %dma_start3A_298 = tpu.memref_slice %arg2[%dma_start3A, %dma_start3A_297] : memref<212992x64xf32, #tpu.memory_space<hbm>> -> memref<212992x64xf32, #tpu.memory_space<hbm>>
      tpu.enqueue_indirect_dma source(%dma_start3A_298 : memref<212992x64xf32, #tpu.memory_space<hbm>>) target(%arg20 : memref<64x64xf32, #tpu.memory_space<vmem>>) offsets(%arg17 : memref<64xi32, #tpu.memory_space<vmem>>) semaphore(%arg26 : memref<!tpu.dma_semaphore, #tpu.memory_space<semaphore_mem>>)
      %dma_start3A_299 = arith.constant 0 : i32
      %dma_start3A_300 = arith.constant 0 : i32
      %dma_start3A_301 = tpu.memref_slice %arg3[%dma_start3A_299, %dma_start3A_300] : memref<212992x64xf32, #tpu.memory_space<hbm>> -> memref<212992x64xf32, #tpu.memory_space<hbm>>
      tpu.enqueue_indirect_dma source(%dma_start3A_301 : memref<212992x64xf32, #tpu.memory_space<hbm>>) target(%arg21 : memref<64x64xf32, #tpu.memory_space<vmem>>) offsets(%arg18 : memref<64xi32, #tpu.memory_space<vmem>>) semaphore(%arg27 : memref<!tpu.dma_semaphore, #tpu.memory_space<semaphore_mem>>)
      %add3A_302 = arith.constant 0 : i32
      %add3A_303 = arith.addi %multiple_of3A_191, %add3A_302 : i32
      %multiple_of3A_304 = tpu.assume_multiple %add3A_303, 64 : i32
      "tpu.region"() ({
        %run_scoped3A = tpu.sem_alloc : memref<!tpu.dma_semaphore, #tpu.memory_space<semaphore_mem>>
        %dma_start3A_316 = arith.constant 0 : i32
        %dma_start3A_317 = tpu.memref_slice %arg4[%multiple_of3A_304, %dma_start3A_316] : memref<393216x64xf32, #tpu.memory_space<hbm>> -> memref<64x64xf32, #tpu.memory_space<hbm>>
        %dma_start3A_318 = arith.constant 0 : i32
        %dma_start3A_319 = tpu.memref_slice %arg4[%multiple_of3A_304, %dma_start3A_318] : memref<393216x64xf32, #tpu.memory_space<hbm>> -> memref<64x64xf32, #tpu.memory_space<hbm>>
        tpu.enqueue_dma source(%dma_start3A_319 : memref<64x64xf32, #tpu.memory_space<hbm>>) target(%arg22 : memref<64x64xf32, #tpu.memory_space<vmem>>) target_semaphore(%run_scoped3A : memref<!tpu.dma_semaphore, #tpu.memory_space<semaphore_mem>>)
        %dma_wait3A_320 = arith.constant 0 : i32
        %dma_wait3A_321 = tpu.memref_slice %arg4[%multiple_of3A_304, %dma_wait3A_320] : memref<393216x64xf32, #tpu.memory_space<hbm>> -> memref<64x64xf32, #tpu.memory_space<hbm>>
        %dma_wait3A_322 = arith.constant 0 : i32
        %dma_wait3A_323 = tpu.memref_slice %arg4[%multiple_of3A_304, %dma_wait3A_322] : memref<393216x64xf32, #tpu.memory_space<hbm>> -> memref<64x64xf32, #tpu.memory_space<hbm>>
        tpu.wait_dma2 semaphore(%run_scoped3A : memref<!tpu.dma_semaphore, #tpu.memory_space<semaphore_mem>>) src(%dma_wait3A_323 : memref<64x64xf32, #tpu.memory_space<hbm>>) dst(%arg22 : memref<64x64xf32, #tpu.memory_space<vmem>>)
        tpu.yield
      }) : () -> ()
      %dma_wait3A = arith.constant 0 : i32
      %dma_wait3A_305 = arith.constant 0 : i32
      %dma_wait3A_306 = tpu.memref_slice %arg2[%dma_wait3A, %dma_wait3A_305] : memref<212992x64xf32, #tpu.memory_space<hbm>> -> memref<212992x64xf32, #tpu.memory_space<hbm>>
      tpu.wait_indirect_dma semaphore(%arg26 : memref<!tpu.dma_semaphore, #tpu.memory_space<semaphore_mem>>) src(%dma_wait3A_306 : memref<212992x64xf32, #tpu.memory_space<hbm>>) dst(%arg20 : memref<64x64xf32, #tpu.memory_space<vmem>>)
      %dma_wait3A_307 = arith.constant 0 : i32
      %dma_wait3A_308 = arith.constant 0 : i32
      %dma_wait3A_309 = tpu.memref_slice %arg3[%dma_wait3A_307, %dma_wait3A_308] : memref<212992x64xf32, #tpu.memory_space<hbm>> -> memref<212992x64xf32, #tpu.memory_space<hbm>>
      tpu.wait_indirect_dma semaphore(%arg27 : memref<!tpu.dma_semaphore, #tpu.memory_space<semaphore_mem>>) src(%dma_wait3A_309 : memref<212992x64xf32, #tpu.memory_space<hbm>>) dst(%arg21 : memref<64x64xf32, #tpu.memory_space<vmem>>)
      %scan3A_310 = arith.constant 0 : i32
      %scan3A_311 = arith.constant 0 : i32
      %scan3A_312 = arith.constant 64 : i32
      %scan3A_313 = arith.addi %scan3A_311, %scan3A_312 : i32
      %scan3A_314 = arith.constant 2 : i32
      scf.for %scan3A_316 = %scan3A_311 to %scan3A_313 step %scan3A_314  : i32 {
        %broadcast_in_dim3A_317 = arith.constant 0.000000e+00 : f32
        %broadcast_in_dim3A_318 = vector.broadcast %broadcast_in_dim3A_317 : f32 to vector<16xf32>
        %get3A_319 = arith.index_cast %scan3A_316 : i32 to index
        %get3A_320 = arith.constant 0 : index
        %get3A_321 = tpu.vector_load %arg20[%get3A_319, %get3A_320] {strides = array<i32>} : memref<64x64xf32, #tpu.memory_space<vmem>>, vector<16xf32>,
        %get3A_322 = arith.index_cast %scan3A_316 : i32 to index
        %get3A_323 = arith.constant 0 : index
        %get3A_324 = tpu.vector_load %arg21[%get3A_322, %get3A_323] {strides = array<i32>} : memref<64x64xf32, #tpu.memory_space<vmem>>, vector<16xf32>,
        %add3A_325 = arith.addf %get3A_321, %get3A_324 : vector<16xf32>
        %get3A_326 = arith.index_cast %scan3A_316 : i32 to index
        %get3A_327 = arith.constant 0 : index
        %get3A_328 = tpu.vector_load %arg22[%get3A_326, %get3A_327] {strides = array<i32>} : memref<64x64xf32, #tpu.memory_space<vmem>>, vector<16xf32>,
        %add3A_329 = arith.addf %add3A_325, %get3A_328 : vector<16xf32>
        %ge3A_330 = arith.constant 0.000000e+00 : f32
        %ge3A_331 = vector.broadcast %ge3A_330 : f32 to vector<16xf32>
        %ge3A_332 = arith.cmpf oge, %add3A_329, %ge3A_331 : vector<16xf32>
        %mul3A_333 = arith.constant 2.000000e-01 : f32
        %mul3A_334 = vector.broadcast %mul3A_333 : f32 to vector<16xf32>
        %mul3A_335 = arith.mulf %mul3A_334, %add3A_329 : vector<16xf32>
        %select_n3A_336 = arith.select %ge3A_332, %add3A_329, %mul3A_335 : vector<16xi1>, vector<16xf32>
        %mul3A_337 = arith.mulf %select_n3A_336, %get3A_11 : vector<16xf32>
        %add3A_338 = arith.addf %broadcast_in_dim3A_318, %mul3A_337 : vector<16xf32>
        %get3A_339 = arith.index_cast %scan3A_316 : i32 to index
        %get3A_340 = arith.constant 16 : index
        %get3A_341 = tpu.vector_load %arg20[%get3A_339, %get3A_340] {strides = array<i32>} : memref<64x64xf32, #tpu.memory_space<vmem>>, vector<16xf32>,
        %get3A_342 = arith.index_cast %scan3A_316 : i32 to index
        %get3A_343 = arith.constant 16 : index
        %get3A_344 = tpu.vector_load %arg21[%get3A_342, %get3A_343] {strides = array<i32>} : memref<64x64xf32, #tpu.memory_space<vmem>>, vector<16xf32>,
        %add3A_345 = arith.addf %get3A_341, %get3A_344 : vector<16xf32>
        %get3A_346 = arith.index_cast %scan3A_316 : i32 to index
        %get3A_347 = arith.constant 16 : index
        %get3A_348 = tpu.vector_load %arg22[%get3A_346, %get3A_347] {strides = array<i32>} : memref<64x64xf32, #tpu.memory_space<vmem>>, vector<16xf32>,
        %add3A_349 = arith.addf %add3A_345, %get3A_348 : vector<16xf32>
        %ge3A_350 = arith.constant 0.000000e+00 : f32
        %ge3A_351 = vector.broadcast %ge3A_350 : f32 to vector<16xf32>
        %ge3A_352 = arith.cmpf oge, %add3A_349, %ge3A_351 : vector<16xf32>
        %mul3A_353 = arith.constant 2.000000e-01 : f32
        %mul3A_354 = vector.broadcast %mul3A_353 : f32 to vector<16xf32>
        %mul3A_355 = arith.mulf %mul3A_354, %add3A_349 : vector<16xf32>
        %select_n3A_356 = arith.select %ge3A_352, %add3A_349, %mul3A_355 : vector<16xi1>, vector<16xf32>
        %mul3A_357 = arith.mulf %select_n3A_356, %get3A_15 : vector<16xf32>
        %add3A_358 = arith.addf %add3A_338, %mul3A_357 : vector<16xf32>
        %get3A_359 = arith.index_cast %scan3A_316 : i32 to index
        %get3A_360 = arith.constant 32 : index
        %get3A_361 = tpu.vector_load %arg20[%get3A_359, %get3A_360] {strides = array<i32>} : memref<64x64xf32, #tpu.memory_space<vmem>>, vector<16xf32>,
        %get3A_362 = arith.index_cast %scan3A_316 : i32 to index
        %get3A_363 = arith.constant 32 : index
        %get3A_364 = tpu.vector_load %arg21[%get3A_362, %get3A_363] {strides = array<i32>} : memref<64x64xf32, #tpu.memory_space<vmem>>, vector<16xf32>,
        %add3A_365 = arith.addf %get3A_361, %get3A_364 : vector<16xf32>
        %get3A_366 = arith.index_cast %scan3A_316 : i32 to index
        %get3A_367 = arith.constant 32 : index
        %get3A_368 = tpu.vector_load %arg22[%get3A_366, %get3A_367] {strides = array<i32>} : memref<64x64xf32, #tpu.memory_space<vmem>>, vector<16xf32>,
        %add3A_369 = arith.addf %add3A_365, %get3A_368 : vector<16xf32>
        %ge3A_370 = arith.constant 0.000000e+00 : f32
        %ge3A_371 = vector.broadcast %ge3A_370 : f32 to vector<16xf32>
        %ge3A_372 = arith.cmpf oge, %add3A_369, %ge3A_371 : vector<16xf32>
        %mul3A_373 = arith.constant 2.000000e-01 : f32
        %mul3A_374 = vector.broadcast %mul3A_373 : f32 to vector<16xf32>
        %mul3A_375 = arith.mulf %mul3A_374, %add3A_369 : vector<16xf32>
        %select_n3A_376 = arith.select %ge3A_372, %add3A_369, %mul3A_375 : vector<16xi1>, vector<16xf32>
        %mul3A_377 = arith.mulf %select_n3A_376, %get3A_19 : vector<16xf32>
        %add3A_378 = arith.addf %add3A_358, %mul3A_377 : vector<16xf32>
        %get3A_379 = arith.index_cast %scan3A_316 : i32 to index
        %get3A_380 = arith.constant 48 : index
        %get3A_381 = tpu.vector_load %arg20[%get3A_379, %get3A_380] {strides = array<i32>} : memref<64x64xf32, #tpu.memory_space<vmem>>, vector<16xf32>,
        %get3A_382 = arith.index_cast %scan3A_316 : i32 to index
        %get3A_383 = arith.constant 48 : index
        %get3A_384 = tpu.vector_load %arg21[%get3A_382, %get3A_383] {strides = array<i32>} : memref<64x64xf32, #tpu.memory_space<vmem>>, vector<16xf32>,
        %add3A_385 = arith.addf %get3A_381, %get3A_384 : vector<16xf32>
        %get3A_386 = arith.index_cast %scan3A_316 : i32 to index
        %get3A_387 = arith.constant 48 : index
        %get3A_388 = tpu.vector_load %arg22[%get3A_386, %get3A_387] {strides = array<i32>} : memref<64x64xf32, #tpu.memory_space<vmem>>, vector<16xf32>,
        %add3A_389 = arith.addf %add3A_385, %get3A_388 : vector<16xf32>
        %ge3A_390 = arith.constant 0.000000e+00 : f32
        %ge3A_391 = vector.broadcast %ge3A_390 : f32 to vector<16xf32>
        %ge3A_392 = arith.cmpf oge, %add3A_389, %ge3A_391 : vector<16xf32>
        %mul3A_393 = arith.constant 2.000000e-01 : f32
        %mul3A_394 = vector.broadcast %mul3A_393 : f32 to vector<16xf32>
        %mul3A_395 = arith.mulf %mul3A_394, %add3A_389 : vector<16xf32>
        %select_n3A_396 = arith.select %ge3A_392, %add3A_389, %mul3A_395 : vector<16xi1>, vector<16xf32>
        %mul3A_397 = arith.mulf %select_n3A_396, %get3A_23 : vector<16xf32>
        %add3A_398 = arith.addf %add3A_378, %mul3A_397 : vector<16xf32>
        %swap3A_399 = arith.constant 0 : index
        %swap3A_400 = tpu.vector_load %arg25[%swap3A_399] {strides = array<i32>} : memref<16xf32, #tpu.memory_space<vmem>>, vector<16xf32>,
        tpu.vector_store %arg25[%swap3A_399], %add3A_398 {strides = array<i32>} : memref<16xf32, #tpu.memory_space<vmem>>, vector<16xf32>,
        %xor3A = arith.constant 1 : i32
        %xor3A_401 = vector.broadcast %xor3A : i32 to vector<16xi32>
        %xor3A_402 = arith.xori %iota3A, %xor3A_401 : vector<16xi32>
        %gather3A = tpu.vector_load_idx %arg25[%xor3A_402] : memref<16xf32, #tpu.memory_space<vmem>>[vector<16xi32>], vector<16xf32>,
        %add3A_403 = arith.addf %add3A_398, %gather3A : vector<16xf32>
        %swap3A_404 = arith.constant 0 : index
        %swap3A_405 = tpu.vector_load %arg25[%swap3A_404] {strides = array<i32>} : memref<16xf32, #tpu.memory_space<vmem>>, vector<16xf32>,
        tpu.vector_store %arg25[%swap3A_404], %add3A_403 {strides = array<i32>} : memref<16xf32, #tpu.memory_space<vmem>>, vector<16xf32>,
        %xor3A_406 = arith.constant 2 : i32
        %xor3A_407 = vector.broadcast %xor3A_406 : i32 to vector<16xi32>
        %xor3A_408 = arith.xori %iota3A, %xor3A_407 : vector<16xi32>
        %gather3A_409 = tpu.vector_load_idx %arg25[%xor3A_408] : memref<16xf32, #tpu.memory_space<vmem>>[vector<16xi32>], vector<16xf32>,
        %add3A_410 = arith.addf %add3A_403, %gather3A_409 : vector<16xf32>
        %swap3A_411 = arith.constant 0 : index
        %swap3A_412 = tpu.vector_load %arg25[%swap3A_411] {strides = array<i32>} : memref<16xf32, #tpu.memory_space<vmem>>, vector<16xf32>,
        tpu.vector_store %arg25[%swap3A_411], %add3A_410 {strides = array<i32>} : memref<16xf32, #tpu.memory_space<vmem>>, vector<16xf32>,
        %xor3A_413 = arith.constant 4 : i32
        %xor3A_414 = vector.broadcast %xor3A_413 : i32 to vector<16xi32>
        %xor3A_415 = arith.xori %iota3A, %xor3A_414 : vector<16xi32>
        %gather3A_416 = tpu.vector_load_idx %arg25[%xor3A_415] : memref<16xf32, #tpu.memory_space<vmem>>[vector<16xi32>], vector<16xf32>,
        %add3A_417 = arith.addf %add3A_410, %gather3A_416 : vector<16xf32>
        %swap3A_418 = arith.constant 0 : index
        %swap3A_419 = tpu.vector_load %arg25[%swap3A_418] {strides = array<i32>} : memref<16xf32, #tpu.memory_space<vmem>>, vector<16xf32>,
        tpu.vector_store %arg25[%swap3A_418], %add3A_417 {strides = array<i32>} : memref<16xf32, #tpu.memory_space<vmem>>, vector<16xf32>,
        %xor3A_420 = arith.constant 8 : i32
        %xor3A_421 = vector.broadcast %xor3A_420 : i32 to vector<16xi32>
        %xor3A_422 = arith.xori %iota3A, %xor3A_421 : vector<16xi32>
        %gather3A_423 = tpu.vector_load_idx %arg25[%xor3A_422] : memref<16xf32, #tpu.memory_space<vmem>>[vector<16xi32>], vector<16xf32>,
        %add3A_424 = arith.addf %add3A_417, %gather3A_423 : vector<16xf32>
        %exp3A = math.exp %add3A_424 : vector<16xf32>
        %mul3A_425 = arith.mulf %get3A_321, %exp3A : vector<16xf32>
        %swap3A_426 = arith.index_cast %scan3A_316 : i32 to index
        %swap3A_427 = arith.constant 0 : index
        %swap3A_428 = tpu.vector_load %arg23[%swap3A_426, %swap3A_427] {strides = array<i32>} : memref<64x64xf32, #tpu.memory_space<vmem>>, vector<16xf32>,
        tpu.vector_store %arg23[%swap3A_426, %swap3A_427], %mul3A_425 {strides = array<i32>} : memref<64x64xf32, #tpu.memory_space<vmem>>, vector<16xf32>,
        %mul3A_429 = arith.mulf %get3A_341, %exp3A : vector<16xf32>
        %swap3A_430 = arith.index_cast %scan3A_316 : i32 to index
        %swap3A_431 = arith.constant 16 : index
        %swap3A_432 = tpu.vector_load %arg23[%swap3A_430, %swap3A_431] {strides = array<i32>} : memref<64x64xf32, #tpu.memory_space<vmem>>, vector<16xf32>,
        tpu.vector_store %arg23[%swap3A_430, %swap3A_431], %mul3A_429 {strides = array<i32>} : memref<64x64xf32, #tpu.memory_space<vmem>>, vector<16xf32>,
        %mul3A_433 = arith.mulf %get3A_361, %exp3A : vector<16xf32>
        %swap3A_434 = arith.index_cast %scan3A_316 : i32 to index
        %swap3A_435 = arith.constant 32 : index
        %swap3A_436 = tpu.vector_load %arg23[%swap3A_434, %swap3A_435] {strides = array<i32>} : memref<64x64xf32, #tpu.memory_space<vmem>>, vector<16xf32>,
        tpu.vector_store %arg23[%swap3A_434, %swap3A_435], %mul3A_433 {strides = array<i32>} : memref<64x64xf32, #tpu.memory_space<vmem>>, vector<16xf32>,
        %mul3A_437 = arith.mulf %get3A_381, %exp3A : vector<16xf32>
        %swap3A_438 = arith.index_cast %scan3A_316 : i32 to index
        %swap3A_439 = arith.constant 48 : index
        %swap3A_440 = tpu.vector_load %arg23[%swap3A_438, %swap3A_439] {strides = array<i32>} : memref<64x64xf32, #tpu.memory_space<vmem>>, vector<16xf32>,
        tpu.vector_store %arg23[%swap3A_438, %swap3A_439], %mul3A_437 {strides = array<i32>} : memref<64x64xf32, #tpu.memory_space<vmem>>, vector<16xf32>,
        %broadcast_in_dim3A_441 = vector.broadcast %scan3A_316 : i32 to vector<16xi32>
        tpu.vector_store_idx %arg24[%broadcast_in_dim3A_441, %iota3A], %exp3A masked %lt3A_2 : memref<64x4xf32, #tpu.memory_space<vmem>>[vector<16xi32>, vector<16xi32>], vector<16xf32>, vector<16xi1>
        %scan3A_442 = arith.constant 1 : i32
        %scan3A_443 = arith.addi %scan3A_316, %scan3A_442 : i32
        %broadcast_in_dim3A_444 = arith.constant 0.000000e+00 : f32
        %broadcast_in_dim3A_445 = vector.broadcast %broadcast_in_dim3A_444 : f32 to vector<16xf32>
        %get3A_446 = arith.index_cast %scan3A_443 : i32 to index
        %get3A_447 = arith.constant 0 : index
        %get3A_448 = tpu.vector_load %arg20[%get3A_446, %get3A_447] {strides = array<i32>} : memref<64x64xf32, #tpu.memory_space<vmem>>, vector<16xf32>,
        %get3A_449 = arith.index_cast %scan3A_443 : i32 to index
        %get3A_450 = arith.constant 0 : index
        %get3A_451 = tpu.vector_load %arg21[%get3A_449, %get3A_450] {strides = array<i32>} : memref<64x64xf32, #tpu.memory_space<vmem>>, vector<16xf32>,
        %add3A_452 = arith.addf %get3A_448, %get3A_451 : vector<16xf32>
        %get3A_453 = arith.index_cast %scan3A_443 : i32 to index
        %get3A_454 = arith.constant 0 : index
        %get3A_455 = tpu.vector_load %arg22[%get3A_453, %get3A_454] {strides = array<i32>} : memref<64x64xf32, #tpu.memory_space<vmem>>, vector<16xf32>,
        %add3A_456 = arith.addf %add3A_452, %get3A_455 : vector<16xf32>
        %ge3A_457 = arith.constant 0.000000e+00 : f32
        %ge3A_458 = vector.broadcast %ge3A_457 : f32 to vector<16xf32>
        %ge3A_459 = arith.cmpf oge, %add3A_456, %ge3A_458 : vector<16xf32>
        %mul3A_460 = arith.constant 2.000000e-01 : f32
        %mul3A_461 = vector.broadcast %mul3A_460 : f32 to vector<16xf32>
        %mul3A_462 = arith.mulf %mul3A_461, %add3A_456 : vector<16xf32>
        %select_n3A_463 = arith.select %ge3A_459, %add3A_456, %mul3A_462 : vector<16xi1>, vector<16xf32>
        %mul3A_464 = arith.mulf %select_n3A_463, %get3A_11 : vector<16xf32>
        %add3A_465 = arith.addf %broadcast_in_dim3A_445, %mul3A_464 : vector<16xf32>
        %get3A_466 = arith.index_cast %scan3A_443 : i32 to index
        %get3A_467 = arith.constant 16 : index
        %get3A_468 = tpu.vector_load %arg20[%get3A_466, %get3A_467] {strides = array<i32>} : memref<64x64xf32, #tpu.memory_space<vmem>>, vector<16xf32>,
        %get3A_469 = arith.index_cast %scan3A_443 : i32 to index
        %get3A_470 = arith.constant 16 : index
        %get3A_471 = tpu.vector_load %arg21[%get3A_469, %get3A_470] {strides = array<i32>} : memref<64x64xf32, #tpu.memory_space<vmem>>, vector<16xf32>,
        %add3A_472 = arith.addf %get3A_468, %get3A_471 : vector<16xf32>
        %get3A_473 = arith.index_cast %scan3A_443 : i32 to index
        %get3A_474 = arith.constant 16 : index
        %get3A_475 = tpu.vector_load %arg22[%get3A_473, %get3A_474] {strides = array<i32>} : memref<64x64xf32, #tpu.memory_space<vmem>>, vector<16xf32>,
        %add3A_476 = arith.addf %add3A_472, %get3A_475 : vector<16xf32>
        %ge3A_477 = arith.constant 0.000000e+00 : f32
        %ge3A_478 = vector.broadcast %ge3A_477 : f32 to vector<16xf32>
        %ge3A_479 = arith.cmpf oge, %add3A_476, %ge3A_478 : vector<16xf32>
        %mul3A_480 = arith.constant 2.000000e-01 : f32
        %mul3A_481 = vector.broadcast %mul3A_480 : f32 to vector<16xf32>
        %mul3A_482 = arith.mulf %mul3A_481, %add3A_476 : vector<16xf32>
        %select_n3A_483 = arith.select %ge3A_479, %add3A_476, %mul3A_482 : vector<16xi1>, vector<16xf32>
        %mul3A_484 = arith.mulf %select_n3A_483, %get3A_15 : vector<16xf32>
        %add3A_485 = arith.addf %add3A_465, %mul3A_484 : vector<16xf32>
        %get3A_486 = arith.index_cast %scan3A_443 : i32 to index
        %get3A_487 = arith.constant 32 : index
        %get3A_488 = tpu.vector_load %arg20[%get3A_486, %get3A_487] {strides = array<i32>} : memref<64x64xf32, #tpu.memory_space<vmem>>, vector<16xf32>,
        %get3A_489 = arith.index_cast %scan3A_443 : i32 to index
        %get3A_490 = arith.constant 32 : index
        %get3A_491 = tpu.vector_load %arg21[%get3A_489, %get3A_490] {strides = array<i32>} : memref<64x64xf32, #tpu.memory_space<vmem>>, vector<16xf32>,
        %add3A_492 = arith.addf %get3A_488, %get3A_491 : vector<16xf32>
        %get3A_493 = arith.index_cast %scan3A_443 : i32 to index
        %get3A_494 = arith.constant 32 : index
        %get3A_495 = tpu.vector_load %arg22[%get3A_493, %get3A_494] {strides = array<i32>} : memref<64x64xf32, #tpu.memory_space<vmem>>, vector<16xf32>,
        %add3A_496 = arith.addf %add3A_492, %get3A_495 : vector<16xf32>
        %ge3A_497 = arith.constant 0.000000e+00 : f32
        %ge3A_498 = vector.broadcast %ge3A_497 : f32 to vector<16xf32>
        %ge3A_499 = arith.cmpf oge, %add3A_496, %ge3A_498 : vector<16xf32>
        %mul3A_500 = arith.constant 2.000000e-01 : f32
        %mul3A_501 = vector.broadcast %mul3A_500 : f32 to vector<16xf32>
        %mul3A_502 = arith.mulf %mul3A_501, %add3A_496 : vector<16xf32>
        %select_n3A_503 = arith.select %ge3A_499, %add3A_496, %mul3A_502 : vector<16xi1>, vector<16xf32>
        %mul3A_504 = arith.mulf %select_n3A_503, %get3A_19 : vector<16xf32>
        %add3A_505 = arith.addf %add3A_485, %mul3A_504 : vector<16xf32>
        %get3A_506 = arith.index_cast %scan3A_443 : i32 to index
        %get3A_507 = arith.constant 48 : index
        %get3A_508 = tpu.vector_load %arg20[%get3A_506, %get3A_507] {strides = array<i32>} : memref<64x64xf32, #tpu.memory_space<vmem>>, vector<16xf32>,
        %get3A_509 = arith.index_cast %scan3A_443 : i32 to index
        %get3A_510 = arith.constant 48 : index
        %get3A_511 = tpu.vector_load %arg21[%get3A_509, %get3A_510] {strides = array<i32>} : memref<64x64xf32, #tpu.memory_space<vmem>>, vector<16xf32>,
        %add3A_512 = arith.addf %get3A_508, %get3A_511 : vector<16xf32>
        %get3A_513 = arith.index_cast %scan3A_443 : i32 to index
        %get3A_514 = arith.constant 48 : index
        %get3A_515 = tpu.vector_load %arg22[%get3A_513, %get3A_514] {strides = array<i32>} : memref<64x64xf32, #tpu.memory_space<vmem>>, vector<16xf32>,
        %add3A_516 = arith.addf %add3A_512, %get3A_515 : vector<16xf32>
        %ge3A_517 = arith.constant 0.000000e+00 : f32
        %ge3A_518 = vector.broadcast %ge3A_517 : f32 to vector<16xf32>
        %ge3A_519 = arith.cmpf oge, %add3A_516, %ge3A_518 : vector<16xf32>
        %mul3A_520 = arith.constant 2.000000e-01 : f32
        %mul3A_521 = vector.broadcast %mul3A_520 : f32 to vector<16xf32>
        %mul3A_522 = arith.mulf %mul3A_521, %add3A_516 : vector<16xf32>
        %select_n3A_523 = arith.select %ge3A_519, %add3A_516, %mul3A_522 : vector<16xi1>, vector<16xf32>
        %mul3A_524 = arith.mulf %select_n3A_523, %get3A_23 : vector<16xf32>
        %add3A_525 = arith.addf %add3A_505, %mul3A_524 : vector<16xf32>
        %swap3A_526 = arith.constant 0 : index
        %swap3A_527 = tpu.vector_load %arg25[%swap3A_526] {strides = array<i32>} : memref<16xf32, #tpu.memory_space<vmem>>, vector<16xf32>,
        tpu.vector_store %arg25[%swap3A_526], %add3A_525 {strides = array<i32>} : memref<16xf32, #tpu.memory_space<vmem>>, vector<16xf32>,
        %xor3A_528 = arith.constant 1 : i32
        %xor3A_529 = vector.broadcast %xor3A_528 : i32 to vector<16xi32>
        %xor3A_530 = arith.xori %iota3A, %xor3A_529 : vector<16xi32>
        %gather3A_531 = tpu.vector_load_idx %arg25[%xor3A_530] : memref<16xf32, #tpu.memory_space<vmem>>[vector<16xi32>], vector<16xf32>,
        %add3A_532 = arith.addf %add3A_525, %gather3A_531 : vector<16xf32>
        %swap3A_533 = arith.constant 0 : index
        %swap3A_534 = tpu.vector_load %arg25[%swap3A_533] {strides = array<i32>} : memref<16xf32, #tpu.memory_space<vmem>>, vector<16xf32>,
        tpu.vector_store %arg25[%swap3A_533], %add3A_532 {strides = array<i32>} : memref<16xf32, #tpu.memory_space<vmem>>, vector<16xf32>,
        %xor3A_535 = arith.constant 2 : i32
        %xor3A_536 = vector.broadcast %xor3A_535 : i32 to vector<16xi32>
        %xor3A_537 = arith.xori %iota3A, %xor3A_536 : vector<16xi32>
        %gather3A_538 = tpu.vector_load_idx %arg25[%xor3A_537] : memref<16xf32, #tpu.memory_space<vmem>>[vector<16xi32>], vector<16xf32>,
        %add3A_539 = arith.addf %add3A_532, %gather3A_538 : vector<16xf32>
        %swap3A_540 = arith.constant 0 : index
        %swap3A_541 = tpu.vector_load %arg25[%swap3A_540] {strides = array<i32>} : memref<16xf32, #tpu.memory_space<vmem>>, vector<16xf32>,
        tpu.vector_store %arg25[%swap3A_540], %add3A_539 {strides = array<i32>} : memref<16xf32, #tpu.memory_space<vmem>>, vector<16xf32>,
        %xor3A_542 = arith.constant 4 : i32
        %xor3A_543 = vector.broadcast %xor3A_542 : i32 to vector<16xi32>
        %xor3A_544 = arith.xori %iota3A, %xor3A_543 : vector<16xi32>
        %gather3A_545 = tpu.vector_load_idx %arg25[%xor3A_544] : memref<16xf32, #tpu.memory_space<vmem>>[vector<16xi32>], vector<16xf32>,
        %add3A_546 = arith.addf %add3A_539, %gather3A_545 : vector<16xf32>
        %swap3A_547 = arith.constant 0 : index
        %swap3A_548 = tpu.vector_load %arg25[%swap3A_547] {strides = array<i32>} : memref<16xf32, #tpu.memory_space<vmem>>, vector<16xf32>,
        tpu.vector_store %arg25[%swap3A_547], %add3A_546 {strides = array<i32>} : memref<16xf32, #tpu.memory_space<vmem>>, vector<16xf32>,
        %xor3A_549 = arith.constant 8 : i32
        %xor3A_550 = vector.broadcast %xor3A_549 : i32 to vector<16xi32>
        %xor3A_551 = arith.xori %iota3A, %xor3A_550 : vector<16xi32>
        %gather3A_552 = tpu.vector_load_idx %arg25[%xor3A_551] : memref<16xf32, #tpu.memory_space<vmem>>[vector<16xi32>], vector<16xf32>,
        %add3A_553 = arith.addf %add3A_546, %gather3A_552 : vector<16xf32>
        %exp3A_554 = math.exp %add3A_553 : vector<16xf32>
        %mul3A_555 = arith.mulf %get3A_448, %exp3A_554 : vector<16xf32>
        %swap3A_556 = arith.index_cast %scan3A_443 : i32 to index
        %swap3A_557 = arith.constant 0 : index
        %swap3A_558 = tpu.vector_load %arg23[%swap3A_556, %swap3A_557] {strides = array<i32>} : memref<64x64xf32, #tpu.memory_space<vmem>>, vector<16xf32>,
        tpu.vector_store %arg23[%swap3A_556, %swap3A_557], %mul3A_555 {strides = array<i32>} : memref<64x64xf32, #tpu.memory_space<vmem>>, vector<16xf32>,
        %mul3A_559 = arith.mulf %get3A_468, %exp3A_554 : vector<16xf32>
        %swap3A_560 = arith.index_cast %scan3A_443 : i32 to index
        %swap3A_561 = arith.constant 16 : index
        %swap3A_562 = tpu.vector_load %arg23[%swap3A_560, %swap3A_561] {strides = array<i32>} : memref<64x64xf32, #tpu.memory_space<vmem>>, vector<16xf32>,
        tpu.vector_store %arg23[%swap3A_560, %swap3A_561], %mul3A_559 {strides = array<i32>} : memref<64x64xf32, #tpu.memory_space<vmem>>, vector<16xf32>,
        %mul3A_563 = arith.mulf %get3A_488, %exp3A_554 : vector<16xf32>
        %swap3A_564 = arith.index_cast %scan3A_443 : i32 to index
        %swap3A_565 = arith.constant 32 : index
        %swap3A_566 = tpu.vector_load %arg23[%swap3A_564, %swap3A_565] {strides = array<i32>} : memref<64x64xf32, #tpu.memory_space<vmem>>, vector<16xf32>,
        tpu.vector_store %arg23[%swap3A_564, %swap3A_565], %mul3A_563 {strides = array<i32>} : memref<64x64xf32, #tpu.memory_space<vmem>>, vector<16xf32>,
        %mul3A_567 = arith.mulf %get3A_508, %exp3A_554 : vector<16xf32>
        %swap3A_568 = arith.index_cast %scan3A_443 : i32 to index
        %swap3A_569 = arith.constant 48 : index
        %swap3A_570 = tpu.vector_load %arg23[%swap3A_568, %swap3A_569] {strides = array<i32>} : memref<64x64xf32, #tpu.memory_space<vmem>>, vector<16xf32>,
        tpu.vector_store %arg23[%swap3A_568, %swap3A_569], %mul3A_567 {strides = array<i32>} : memref<64x64xf32, #tpu.memory_space<vmem>>, vector<16xf32>,
        %broadcast_in_dim3A_571 = vector.broadcast %scan3A_443 : i32 to vector<16xi32>
        tpu.vector_store_idx %arg24[%broadcast_in_dim3A_571, %iota3A], %exp3A_554 masked %lt3A_2 : memref<64x4xf32, #tpu.memory_space<vmem>>[vector<16xi32>, vector<16xi32>], vector<16xf32>, vector<16xi1>
      }
      %scan3A_315 = arith.constant 64 : i32
      "tpu.region"() ({
        %run_scoped3A = tpu.sem_alloc : memref<!tpu.dma_semaphore, #tpu.memory_space<semaphore_mem>>
        %dma_start3A_316 = arith.constant 0 : i32
        %dma_start3A_317 = arith.constant 0 : i32
        %dma_start3A_318 = tpu.memref_slice %arg12[%dma_start3A_316, %dma_start3A_317] : memref<26632x64xf32, #tpu.memory_space<vmem_shared>> -> memref<26632x64xf32, #tpu.memory_space<vmem_shared>>
        tpu.enqueue_indirect_dma source(%arg23 : memref<64x64xf32, #tpu.memory_space<vmem>>) target(%dma_start3A_318 : memref<26632x64xf32, #tpu.memory_space<vmem_shared>>) offsets(%arg19 : memref<64xi32, #tpu.memory_space<vmem>>) semaphore(%run_scoped3A : memref<!tpu.dma_semaphore, #tpu.memory_space<semaphore_mem>>) {add = true}
        %dma_wait3A_319 = arith.constant 0 : i32
        %dma_wait3A_320 = arith.constant 0 : i32
        %dma_wait3A_321 = tpu.memref_slice %arg12[%dma_wait3A_319, %dma_wait3A_320] : memref<26632x64xf32, #tpu.memory_space<vmem_shared>> -> memref<26632x64xf32, #tpu.memory_space<vmem_shared>>
        tpu.wait_indirect_dma semaphore(%run_scoped3A : memref<!tpu.dma_semaphore, #tpu.memory_space<semaphore_mem>>) src(%arg23 : memref<64x64xf32, #tpu.memory_space<vmem>>) dst(%dma_wait3A_321 : memref<26632x64xf32, #tpu.memory_space<vmem_shared>>)
        tpu.yield
      }) : () -> ()
      "tpu.region"() ({
        %run_scoped3A = tpu.sem_alloc : memref<!tpu.dma_semaphore, #tpu.memory_space<semaphore_mem>>
        %dma_start3A_316 = arith.constant 0 : i32
        %dma_start3A_317 = arith.constant 0 : i32
        %dma_start3A_318 = tpu.memref_slice %arg13[%dma_start3A_316, %dma_start3A_317] : memref<26632x4xf32, #tpu.memory_space<vmem_shared>> -> memref<26632x4xf32, #tpu.memory_space<vmem_shared>>
        tpu.enqueue_indirect_dma source(%arg24 : memref<64x4xf32, #tpu.memory_space<vmem>>) target(%dma_start3A_318 : memref<26632x4xf32, #tpu.memory_space<vmem_shared>>) offsets(%arg19 : memref<64xi32, #tpu.memory_space<vmem>>) semaphore(%run_scoped3A : memref<!tpu.dma_semaphore, #tpu.memory_space<semaphore_mem>>) {add = true}
        %dma_wait3A_319 = arith.constant 0 : i32
        %dma_wait3A_320 = arith.constant 0 : i32
        %dma_wait3A_321 = tpu.memref_slice %arg13[%dma_wait3A_319, %dma_wait3A_320] : memref<26632x4xf32, #tpu.memory_space<vmem_shared>> -> memref<26632x4xf32, #tpu.memory_space<vmem_shared>>
        tpu.wait_indirect_dma semaphore(%run_scoped3A : memref<!tpu.dma_semaphore, #tpu.memory_space<semaphore_mem>>) src(%arg24 : memref<64x4xf32, #tpu.memory_space<vmem>>) dst(%dma_wait3A_321 : memref<26632x4xf32, #tpu.memory_space<vmem_shared>>)
        tpu.yield
      }) : () -> ()
    }
    %scan3A_29 = arith.constant 96 : i32
    %barrier3A_30 = arith.constant 0 : index
    tpu.barrier barrier_id(%barrier3A_30)
    %mul3A_31 = arith.constant 26624 : i32
    %mul3A_32 = arith.muli %arg0, %mul3A_31 : i32
    %add3A = arith.constant 0 : i32
    %add3A_33 = arith.addi %add3A, %mul3A_32 : i32
    %mul3A_34 = arith.constant 1664 : i32
    %mul3A_35 = arith.muli %arg1, %mul3A_34 : i32
    %add3A_36 = arith.addi %add3A_33, %mul3A_35 : i32
    %mul3A_37 = arith.constant 1664 : i32
    %mul3A_38 = arith.muli %arg1, %mul3A_37 : i32
    %multiple_of3A = tpu.assume_multiple %add3A_36, 8 : i32
    "tpu.region"() ({
      %run_scoped3A = tpu.sem_alloc : memref<!tpu.dma_semaphore, #tpu.memory_space<semaphore_mem>>
      %dma_start3A = arith.constant 0 : i32
      %dma_start3A_187 = tpu.memref_slice %arg10[%multiple_of3A, %dma_start3A] : memref<212992x64xf32, #tpu.memory_space<hbm>> -> memref<1664x64xf32, #tpu.memory_space<hbm>>
      %dma_start3A_188 = arith.constant 0 : i32
      %dma_start3A_189 = tpu.memref_slice %arg12[%mul3A_38, %dma_start3A_188] : memref<26632x64xf32, #tpu.memory_space<vmem_shared>> -> memref<1664x64xf32, #tpu.memory_space<vmem_shared>>
      tpu.enqueue_dma source(%dma_start3A_189 : memref<1664x64xf32, #tpu.memory_space<vmem_shared>>) target(%dma_start3A_187 : memref<1664x64xf32, #tpu.memory_space<hbm>>) target_semaphore(%run_scoped3A : memref<!tpu.dma_semaphore, #tpu.memory_space<semaphore_mem>>)
      %dma_wait3A = arith.constant 0 : i32
      %dma_wait3A_190 = tpu.memref_slice %arg10[%multiple_of3A, %dma_wait3A] : memref<212992x64xf32, #tpu.memory_space<hbm>> -> memref<1664x64xf32, #tpu.memory_space<hbm>>
      %dma_wait3A_191 = arith.constant 0 : i32
      %dma_wait3A_192 = tpu.memref_slice %arg12[%mul3A_38, %dma_wait3A_191] : memref<26632x64xf32, #tpu.memory_space<vmem_shared>> -> memref<1664x64xf32, #tpu.memory_space<vmem_shared>>
      tpu.wait_dma2 semaphore(%run_scoped3A : memref<!tpu.dma_semaphore, #tpu.memory_space<semaphore_mem>>) src(%dma_wait3A_192 : memref<1664x64xf32, #tpu.memory_space<vmem_shared>>) dst(%dma_wait3A_190 : memref<1664x64xf32, #tpu.memory_space<hbm>>)
      tpu.yield
    }) : () -> ()
    %mul3A_39 = arith.constant 1664 : i32
    %mul3A_40 = arith.muli %arg1, %mul3A_39 : i32
    %multiple_of3A_41 = tpu.assume_multiple %add3A_36, 8 : i32
    "tpu.region"() ({
      %run_scoped3A = tpu.sem_alloc : memref<!tpu.dma_semaphore, #tpu.memory_space<semaphore_mem>>
      %dma_start3A = arith.constant 0 : i32
      %dma_start3A_187 = tpu.memref_slice %arg11[%multiple_of3A_41, %dma_start3A] : memref<212992x4xf32, #tpu.memory_space<hbm>> -> memref<1664x4xf32, #tpu.memory_space<hbm>>
      %dma_start3A_188 = arith.constant 0 : i32
      %dma_start3A_189 = tpu.memref_slice %arg13[%mul3A_40, %dma_start3A_188] : memref<26632x4xf32, #tpu.memory_space<vmem_shared>> -> memref<1664x4xf32, #tpu.memory_space<vmem_shared>>
      tpu.enqueue_dma source(%dma_start3A_189 : memref<1664x4xf32, #tpu.memory_space<vmem_shared>>) target(%dma_start3A_187 : memref<1664x4xf32, #tpu.memory_space<hbm>>) target_semaphore(%run_scoped3A : memref<!tpu.dma_semaphore, #tpu.memory_space<semaphore_mem>>)
      %dma_wait3A = arith.constant 0 : i32
      %dma_wait3A_190 = tpu.memref_slice %arg11[%multiple_of3A_41, %dma_wait3A] : memref<212992x4xf32, #tpu.memory_space<hbm>> -> memref<1664x4xf32, #tpu.memory_space<hbm>>
      %dma_wait3A_191 = arith.constant 0 : i32
      %dma_wait3A_192 = tpu.memref_slice %arg13[%mul3A_40, %dma_wait3A_191] : memref<26632x4xf32, #tpu.memory_space<vmem_shared>> -> memref<1664x4xf32, #tpu.memory_space<vmem_shared>>
      tpu.wait_dma2 semaphore(%run_scoped3A : memref<!tpu.dma_semaphore, #tpu.memory_space<semaphore_mem>>) src(%dma_wait3A_192 : memref<1664x4xf32, #tpu.memory_space<vmem_shared>>) dst(%dma_wait3A_190 : memref<1664x4xf32, #tpu.memory_space<hbm>>)
      tpu.yield
    }) : () -> ()
    %barrier3A_42 = arith.constant 0 : index
    tpu.barrier barrier_id(%barrier3A_42)
    %mul3A_43 = arith.constant 1664 : i32
    %mul3A_44 = arith.muli %arg1, %mul3A_43 : i32
    "tpu.region"() ({
      %run_scoped3A = tpu.sem_alloc : memref<!tpu.dma_semaphore, #tpu.memory_space<semaphore_mem>>
      %dma_start3A = arith.constant 0 : i32
      %dma_start3A_187 = tpu.memref_slice %arg12[%mul3A_44, %dma_start3A] : memref<26632x64xf32, #tpu.memory_space<vmem_shared>> -> memref<1664x64xf32, #tpu.memory_space<vmem_shared>>
      tpu.enqueue_dma source(%arg8 : memref<1664x64xf32, #tpu.memory_space<hbm>>) target(%dma_start3A_187 : memref<1664x64xf32, #tpu.memory_space<vmem_shared>>) target_semaphore(%run_scoped3A : memref<!tpu.dma_semaphore, #tpu.memory_space<semaphore_mem>>)
      %dma_wait3A = arith.constant 0 : i32
      %dma_wait3A_188 = tpu.memref_slice %arg12[%mul3A_44, %dma_wait3A] : memref<26632x64xf32, #tpu.memory_space<vmem_shared>> -> memref<1664x64xf32, #tpu.memory_space<vmem_shared>>
      tpu.wait_dma2 semaphore(%run_scoped3A : memref<!tpu.dma_semaphore, #tpu.memory_space<semaphore_mem>>) src(%arg8 : memref<1664x64xf32, #tpu.memory_space<hbm>>) dst(%dma_wait3A_188 : memref<1664x64xf32, #tpu.memory_space<vmem_shared>>)
      tpu.yield
    }) : () -> ()
    %mul3A_45 = arith.constant 1664 : i32
    %mul3A_46 = arith.muli %arg1, %mul3A_45 : i32
    "tpu.region"() ({
      %run_scoped3A = tpu.sem_alloc : memref<!tpu.dma_semaphore, #tpu.memory_space<semaphore_mem>>
      %dma_start3A = arith.constant 0 : i32
      %dma_start3A_187 = tpu.memref_slice %arg13[%mul3A_46, %dma_start3A] : memref<26632x4xf32, #tpu.memory_space<vmem_shared>> -> memref<1664x4xf32, #tpu.memory_space<vmem_shared>>
      tpu.enqueue_dma source(%arg9 : memref<1664x4xf32, #tpu.memory_space<hbm>>) target(%dma_start3A_187 : memref<1664x4xf32, #tpu.memory_space<vmem_shared>>) target_semaphore(%run_scoped3A : memref<!tpu.dma_semaphore, #tpu.memory_space<semaphore_mem>>)
      %dma_wait3A = arith.constant 0 : i32
      %dma_wait3A_188 = tpu.memref_slice %arg13[%mul3A_46, %dma_wait3A] : memref<26632x4xf32, #tpu.memory_space<vmem_shared>> -> memref<1664x4xf32, #tpu.memory_space<vmem_shared>>
      tpu.wait_dma2 semaphore(%run_scoped3A : memref<!tpu.dma_semaphore, #tpu.memory_space<semaphore_mem>>) src(%arg9 : memref<1664x4xf32, #tpu.memory_space<hbm>>) dst(%dma_wait3A_188 : memref<1664x4xf32, #tpu.memory_space<vmem_shared>>)
      tpu.yield
    }) : () -> ()
    %eq3A_47 = arith.constant 0 : i32
    %eq3A_48 = arith.cmpi eq, %arg1, %eq3A_47 : i32
    %convert_element_type3A_49 = arith.extui %eq3A_48 : i1 to i32
    %cond3A_50 = arith.constant 0 : i32
    %cond3A_51 = arith.cmpi ne, %convert_element_type3A_49, %cond3A_50 : i32
    scf.if %cond3A_51 {
      "tpu.region"() ({
        %run_scoped3A = tpu.sem_alloc : memref<!tpu.dma_semaphore, #tpu.memory_space<semaphore_mem>>
        %dma_start3A = arith.constant 26624 : i32
        %dma_start3A_187 = arith.constant 0 : i32
        %dma_start3A_188 = tpu.memref_slice %arg12[%dma_start3A, %dma_start3A_187] : memref<26632x64xf32, #tpu.memory_space<vmem_shared>> -> memref<8x64xf32, #tpu.memory_space<vmem_shared>>
        %dma_start3A_189 = arith.constant 0 : i32
        %dma_start3A_190 = arith.constant 0 : i32
        %dma_start3A_191 = tpu.memref_slice %arg8[%dma_start3A_189, %dma_start3A_190] : memref<1664x64xf32, #tpu.memory_space<hbm>> -> memref<8x64xf32, #tpu.memory_space<hbm>>
        tpu.enqueue_dma source(%dma_start3A_191 : memref<8x64xf32, #tpu.memory_space<hbm>>) target(%dma_start3A_188 : memref<8x64xf32, #tpu.memory_space<vmem_shared>>) target_semaphore(%run_scoped3A : memref<!tpu.dma_semaphore, #tpu.memory_space<semaphore_mem>>)
        %dma_wait3A = arith.constant 26624 : i32
        %dma_wait3A_192 = arith.constant 0 : i32
        %dma_wait3A_193 = tpu.memref_slice %arg12[%dma_wait3A, %dma_wait3A_192] : memref<26632x64xf32, #tpu.memory_space<vmem_shared>> -> memref<8x64xf32, #tpu.memory_space<vmem_shared>>
        %dma_wait3A_194 = arith.constant 0 : i32
        %dma_wait3A_195 = arith.constant 0 : i32
        %dma_wait3A_196 = tpu.memref_slice %arg8[%dma_wait3A_194, %dma_wait3A_195] : memref<1664x64xf32, #tpu.memory_space<hbm>> -> memref<8x64xf32, #tpu.memory_space<hbm>>
        tpu.wait_dma2 semaphore(%run_scoped3A : memref<!tpu.dma_semaphore, #tpu.memory_space<semaphore_mem>>) src(%dma_wait3A_196 : memref<8x64xf32, #tpu.memory_space<hbm>>) dst(%dma_wait3A_193 : memref<8x64xf32, #tpu.memory_space<vmem_shared>>)
        tpu.yield
      }) : () -> ()
      "tpu.region"() ({
        %run_scoped3A = tpu.sem_alloc : memref<!tpu.dma_semaphore, #tpu.memory_space<semaphore_mem>>
        %dma_start3A = arith.constant 26624 : i32
        %dma_start3A_187 = arith.constant 0 : i32
        %dma_start3A_188 = tpu.memref_slice %arg13[%dma_start3A, %dma_start3A_187] : memref<26632x4xf32, #tpu.memory_space<vmem_shared>> -> memref<8x4xf32, #tpu.memory_space<vmem_shared>>
        %dma_start3A_189 = arith.constant 0 : i32
        %dma_start3A_190 = arith.constant 0 : i32
        %dma_start3A_191 = tpu.memref_slice %arg9[%dma_start3A_189, %dma_start3A_190] : memref<1664x4xf32, #tpu.memory_space<hbm>> -> memref<8x4xf32, #tpu.memory_space<hbm>>
        tpu.enqueue_dma source(%dma_start3A_191 : memref<8x4xf32, #tpu.memory_space<hbm>>) target(%dma_start3A_188 : memref<8x4xf32, #tpu.memory_space<vmem_shared>>) target_semaphore(%run_scoped3A : memref<!tpu.dma_semaphore, #tpu.memory_space<semaphore_mem>>)
        %dma_wait3A = arith.constant 26624 : i32
        %dma_wait3A_192 = arith.constant 0 : i32
        %dma_wait3A_193 = tpu.memref_slice %arg13[%dma_wait3A, %dma_wait3A_192] : memref<26632x4xf32, #tpu.memory_space<vmem_shared>> -> memref<8x4xf32, #tpu.memory_space<vmem_shared>>
        %dma_wait3A_194 = arith.constant 0 : i32
        %dma_wait3A_195 = arith.constant 0 : i32
        %dma_wait3A_196 = tpu.memref_slice %arg9[%dma_wait3A_194, %dma_wait3A_195] : memref<1664x4xf32, #tpu.memory_space<hbm>> -> memref<8x4xf32, #tpu.memory_space<hbm>>
        tpu.wait_dma2 semaphore(%run_scoped3A : memref<!tpu.dma_semaphore, #tpu.memory_space<semaphore_mem>>) src(%dma_wait3A_196 : memref<8x4xf32, #tpu.memory_space<hbm>>) dst(%dma_wait3A_193 : memref<8x4xf32, #tpu.memory_space<vmem_shared>>)
        tpu.yield
      }) : () -> ()
    } else {
    }
    %barrier3A_52 = arith.constant 0 : index
    tpu.barrier barrier_id(%barrier3A_52)
    %get3A_53 = arith.constant 1 : i32
    %get3A_54 = arith.index_cast %get3A_53 : i32 to index
    %get3A_55 = arith.constant 0 : index
    %get3A_56 = tpu.vector_load %arg14[%get3A_54, %get3A_55] {strides = array<i32>} : memref<4x64xf32, #tpu.memory_space<vmem>>, vector<16xf32>,
    %get3A_57 = arith.constant 1 : i32
    %get3A_58 = arith.index_cast %get3A_57 : i32 to index
    %get3A_59 = arith.constant 16 : index
    %get3A_60 = tpu.vector_load %arg14[%get3A_58, %get3A_59] {strides = array<i32>} : memref<4x64xf32, #tpu.memory_space<vmem>>, vector<16xf32>,
    %get3A_61 = arith.constant 1 : i32
    %get3A_62 = arith.index_cast %get3A_61 : i32 to index
    %get3A_63 = arith.constant 32 : index
    %get3A_64 = tpu.vector_load %arg14[%get3A_62, %get3A_63] {strides = array<i32>} : memref<4x64xf32, #tpu.memory_space<vmem>>, vector<16xf32>,
    %get3A_65 = arith.constant 1 : i32
    %get3A_66 = arith.index_cast %get3A_65 : i32 to index
    %get3A_67 = arith.constant 48 : index
    %get3A_68 = tpu.vector_load %arg14[%get3A_66, %get3A_67] {strides = array<i32>} : memref<4x64xf32, #tpu.memory_space<vmem>>, vector<16xf32>,
    %scan3A_69 = arith.constant 0 : i32
    %scan3A_70 = arith.constant 53248 : i32
    %scan3A_71 = arith.constant 0 : i32
    %scan3A_72 = arith.constant 96 : i32
    %scan3A_73 = arith.addi %scan3A_71, %scan3A_72 : i32
    %scan3A_74 = arith.constant 1 : i32
    scf.for %scan3A_187 = %scan3A_71 to %scan3A_73 step %scan3A_74  : i32 {
      %mul3A_188 = arith.constant 64 : i32
      %mul3A_189 = arith.muli %scan3A_187, %mul3A_188 : i32
      %add3A_190 = arith.addi %mul3A_0, %mul3A_189 : i32
      %multiple_of3A_191 = tpu.assume_multiple %add3A_190, 64 : i32
      "tpu.region"() ({
        %run_scoped3A = tpu.sem_alloc : memref<!tpu.dma_semaphore, #tpu.memory_space<semaphore_mem>>
        %dma_start3A_316 = tpu.memref_slice %arg5[%multiple_of3A_191] : memref<98304xi32, #tpu.memory_space<hbm>> -> memref<64xi32, #tpu.memory_space<hbm>>
        %dma_start3A_317 = tpu.memref_slice %arg5[%multiple_of3A_191] : memref<98304xi32, #tpu.memory_space<hbm>> -> memref<64xi32, #tpu.memory_space<hbm>>
        tpu.enqueue_dma source(%dma_start3A_317 : memref<64xi32, #tpu.memory_space<hbm>>) target(%arg15 : memref<64xi32, #tpu.memory_space<vmem>>) target_semaphore(%run_scoped3A : memref<!tpu.dma_semaphore, #tpu.memory_space<semaphore_mem>>)
        %dma_wait3A_318 = tpu.memref_slice %arg5[%multiple_of3A_191] : memref<98304xi32, #tpu.memory_space<hbm>> -> memref<64xi32, #tpu.memory_space<hbm>>
        %dma_wait3A_319 = tpu.memref_slice %arg5[%multiple_of3A_191] : memref<98304xi32, #tpu.memory_space<hbm>> -> memref<64xi32, #tpu.memory_space<hbm>>
        tpu.wait_dma2 semaphore(%run_scoped3A : memref<!tpu.dma_semaphore, #tpu.memory_space<semaphore_mem>>) src(%dma_wait3A_319 : memref<64xi32, #tpu.memory_space<hbm>>) dst(%arg15 : memref<64xi32, #tpu.memory_space<vmem>>)
        tpu.yield
      }) : () -> ()
      "tpu.region"() ({
        %run_scoped3A = tpu.sem_alloc : memref<!tpu.dma_semaphore, #tpu.memory_space<semaphore_mem>>
        %dma_start3A_316 = tpu.memref_slice %arg6[%multiple_of3A_191] : memref<98304xi32, #tpu.memory_space<hbm>> -> memref<64xi32, #tpu.memory_space<hbm>>
        %dma_start3A_317 = tpu.memref_slice %arg6[%multiple_of3A_191] : memref<98304xi32, #tpu.memory_space<hbm>> -> memref<64xi32, #tpu.memory_space<hbm>>
        tpu.enqueue_dma source(%dma_start3A_317 : memref<64xi32, #tpu.memory_space<hbm>>) target(%arg16 : memref<64xi32, #tpu.memory_space<vmem>>) target_semaphore(%run_scoped3A : memref<!tpu.dma_semaphore, #tpu.memory_space<semaphore_mem>>)
        %dma_wait3A_318 = tpu.memref_slice %arg6[%multiple_of3A_191] : memref<98304xi32, #tpu.memory_space<hbm>> -> memref<64xi32, #tpu.memory_space<hbm>>
        %dma_wait3A_319 = tpu.memref_slice %arg6[%multiple_of3A_191] : memref<98304xi32, #tpu.memory_space<hbm>> -> memref<64xi32, #tpu.memory_space<hbm>>
        tpu.wait_dma2 semaphore(%run_scoped3A : memref<!tpu.dma_semaphore, #tpu.memory_space<semaphore_mem>>) src(%dma_wait3A_319 : memref<64xi32, #tpu.memory_space<hbm>>) dst(%arg16 : memref<64xi32, #tpu.memory_space<vmem>>)
        tpu.yield
      }) : () -> ()
      %get3A_192 = arith.constant 0 : index
      %get3A_193 = tpu.vector_load %arg15[%get3A_192] {strides = array<i32>} : memref<64xi32, #tpu.memory_space<vmem>>, vector<16xi32>,
      %get3A_194 = arith.constant 0 : index
      %get3A_195 = tpu.vector_load %arg16[%get3A_194] {strides = array<i32>} : memref<64xi32, #tpu.memory_space<vmem>>, vector<16xi32>,
      %add3A_196 = vector.broadcast %scan3A_70 : i32 to vector<16xi32>
      %add3A_197 = arith.addi %get3A_193, %add3A_196 : vector<16xi32>
      %swap3A = arith.constant 0 : index
      %swap3A_198 = tpu.vector_load %arg17[%swap3A] {strides = array<i32>} : memref<64xi32, #tpu.memory_space<vmem>>, vector<16xi32>,
      tpu.vector_store %arg17[%swap3A], %add3A_197 {strides = array<i32>} : memref<64xi32, #tpu.memory_space<vmem>>, vector<16xi32>,
      %add3A_199 = vector.broadcast %scan3A_70 : i32 to vector<16xi32>
      %add3A_200 = arith.addi %get3A_195, %add3A_199 : vector<16xi32>
      %swap3A_201 = arith.constant 0 : index
      %swap3A_202 = tpu.vector_load %arg18[%swap3A_201] {strides = array<i32>} : memref<64xi32, #tpu.memory_space<vmem>>, vector<16xi32>,
      tpu.vector_store %arg18[%swap3A_201], %add3A_200 {strides = array<i32>} : memref<64xi32, #tpu.memory_space<vmem>>, vector<16xi32>,
      %mul3A_203 = arith.constant 26624 : i32
      %mul3A_204 = arith.muli %arg0, %mul3A_203 : i32
      %sub3A = vector.broadcast %mul3A_204 : i32 to vector<16xi32>
      %sub3A_205 = arith.subi %get3A_195, %sub3A : vector<16xi32>
      %ge3A = arith.constant 0 : i32
      %ge3A_206 = vector.broadcast %ge3A : i32 to vector<16xi32>
      %ge3A_207 = arith.cmpi sge, %sub3A_205, %ge3A_206 : vector<16xi32>
      %lt3A_208 = arith.constant 26624 : i32
      %lt3A_209 = vector.broadcast %lt3A_208 : i32 to vector<16xi32>
      %lt3A_210 = arith.cmpi slt, %sub3A_205, %lt3A_209 : vector<16xi32>
      %and3A = arith.andi %ge3A_207, %lt3A_210 : vector<16xi1>
      %jit3A = arith.constant 26624 : i32
      %broadcast_in_dim3A = vector.broadcast %jit3A : i32 to vector<16xi32>
      %select_n3A = arith.select %and3A, %sub3A_205, %broadcast_in_dim3A : vector<16xi1>, vector<16xi32>
      %swap3A_211 = arith.constant 0 : index
      %swap3A_212 = tpu.vector_load %arg19[%swap3A_211] {strides = array<i32>} : memref<64xi32, #tpu.memory_space<vmem>>, vector<16xi32>,
      tpu.vector_store %arg19[%swap3A_211], %select_n3A {strides = array<i32>} : memref<64xi32, #tpu.memory_space<vmem>>, vector<16xi32>,
      %get3A_213 = arith.constant 16 : index
      %get3A_214 = tpu.vector_load %arg15[%get3A_213] {strides = array<i32>} : memref<64xi32, #tpu.memory_space<vmem>>, vector<16xi32>,
      %get3A_215 = arith.constant 16 : index
      %get3A_216 = tpu.vector_load %arg16[%get3A_215] {strides = array<i32>} : memref<64xi32, #tpu.memory_space<vmem>>, vector<16xi32>,
      %add3A_217 = vector.broadcast %scan3A_70 : i32 to vector<16xi32>
      %add3A_218 = arith.addi %get3A_214, %add3A_217 : vector<16xi32>
      %swap3A_219 = arith.constant 16 : index
      %swap3A_220 = tpu.vector_load %arg17[%swap3A_219] {strides = array<i32>} : memref<64xi32, #tpu.memory_space<vmem>>, vector<16xi32>,
      tpu.vector_store %arg17[%swap3A_219], %add3A_218 {strides = array<i32>} : memref<64xi32, #tpu.memory_space<vmem>>, vector<16xi32>,
      %add3A_221 = vector.broadcast %scan3A_70 : i32 to vector<16xi32>
      %add3A_222 = arith.addi %get3A_216, %add3A_221 : vector<16xi32>
      %swap3A_223 = arith.constant 16 : index
      %swap3A_224 = tpu.vector_load %arg18[%swap3A_223] {strides = array<i32>} : memref<64xi32, #tpu.memory_space<vmem>>, vector<16xi32>,
      tpu.vector_store %arg18[%swap3A_223], %add3A_222 {strides = array<i32>} : memref<64xi32, #tpu.memory_space<vmem>>, vector<16xi32>,
      %mul3A_225 = arith.constant 26624 : i32
      %mul3A_226 = arith.muli %arg0, %mul3A_225 : i32
      %sub3A_227 = vector.broadcast %mul3A_226 : i32 to vector<16xi32>
      %sub3A_228 = arith.subi %get3A_216, %sub3A_227 : vector<16xi32>
      %ge3A_229 = arith.constant 0 : i32
      %ge3A_230 = vector.broadcast %ge3A_229 : i32 to vector<16xi32>
      %ge3A_231 = arith.cmpi sge, %sub3A_228, %ge3A_230 : vector<16xi32>
      %lt3A_232 = arith.constant 26624 : i32
      %lt3A_233 = vector.broadcast %lt3A_232 : i32 to vector<16xi32>
      %lt3A_234 = arith.cmpi slt, %sub3A_228, %lt3A_233 : vector<16xi32>
      %and3A_235 = arith.andi %ge3A_231, %lt3A_234 : vector<16xi1>
      %jit3A_236 = arith.constant 26624 : i32
      %broadcast_in_dim3A_237 = vector.broadcast %jit3A_236 : i32 to vector<16xi32>
      %select_n3A_238 = arith.select %and3A_235, %sub3A_228, %broadcast_in_dim3A_237 : vector<16xi1>, vector<16xi32>
      %swap3A_239 = arith.constant 16 : index
      %swap3A_240 = tpu.vector_load %arg19[%swap3A_239] {strides = array<i32>} : memref<64xi32, #tpu.memory_space<vmem>>, vector<16xi32>,
      tpu.vector_store %arg19[%swap3A_239], %select_n3A_238 {strides = array<i32>} : memref<64xi32, #tpu.memory_space<vmem>>, vector<16xi32>,
      %get3A_241 = arith.constant 32 : index
      %get3A_242 = tpu.vector_load %arg15[%get3A_241] {strides = array<i32>} : memref<64xi32, #tpu.memory_space<vmem>>, vector<16xi32>,
      %get3A_243 = arith.constant 32 : index
      %get3A_244 = tpu.vector_load %arg16[%get3A_243] {strides = array<i32>} : memref<64xi32, #tpu.memory_space<vmem>>, vector<16xi32>,
      %add3A_245 = vector.broadcast %scan3A_70 : i32 to vector<16xi32>
      %add3A_246 = arith.addi %get3A_242, %add3A_245 : vector<16xi32>
      %swap3A_247 = arith.constant 32 : index
      %swap3A_248 = tpu.vector_load %arg17[%swap3A_247] {strides = array<i32>} : memref<64xi32, #tpu.memory_space<vmem>>, vector<16xi32>,
      tpu.vector_store %arg17[%swap3A_247], %add3A_246 {strides = array<i32>} : memref<64xi32, #tpu.memory_space<vmem>>, vector<16xi32>,
      %add3A_249 = vector.broadcast %scan3A_70 : i32 to vector<16xi32>
      %add3A_250 = arith.addi %get3A_244, %add3A_249 : vector<16xi32>
      %swap3A_251 = arith.constant 32 : index
      %swap3A_252 = tpu.vector_load %arg18[%swap3A_251] {strides = array<i32>} : memref<64xi32, #tpu.memory_space<vmem>>, vector<16xi32>,
      tpu.vector_store %arg18[%swap3A_251], %add3A_250 {strides = array<i32>} : memref<64xi32, #tpu.memory_space<vmem>>, vector<16xi32>,
      %mul3A_253 = arith.constant 26624 : i32
      %mul3A_254 = arith.muli %arg0, %mul3A_253 : i32
      %sub3A_255 = vector.broadcast %mul3A_254 : i32 to vector<16xi32>
      %sub3A_256 = arith.subi %get3A_244, %sub3A_255 : vector<16xi32>
      %ge3A_257 = arith.constant 0 : i32
      %ge3A_258 = vector.broadcast %ge3A_257 : i32 to vector<16xi32>
      %ge3A_259 = arith.cmpi sge, %sub3A_256, %ge3A_258 : vector<16xi32>
      %lt3A_260 = arith.constant 26624 : i32
      %lt3A_261 = vector.broadcast %lt3A_260 : i32 to vector<16xi32>
      %lt3A_262 = arith.cmpi slt, %sub3A_256, %lt3A_261 : vector<16xi32>
      %and3A_263 = arith.andi %ge3A_259, %lt3A_262 : vector<16xi1>
      %jit3A_264 = arith.constant 26624 : i32
      %broadcast_in_dim3A_265 = vector.broadcast %jit3A_264 : i32 to vector<16xi32>
      %select_n3A_266 = arith.select %and3A_263, %sub3A_256, %broadcast_in_dim3A_265 : vector<16xi1>, vector<16xi32>
      %swap3A_267 = arith.constant 32 : index
      %swap3A_268 = tpu.vector_load %arg19[%swap3A_267] {strides = array<i32>} : memref<64xi32, #tpu.memory_space<vmem>>, vector<16xi32>,
      tpu.vector_store %arg19[%swap3A_267], %select_n3A_266 {strides = array<i32>} : memref<64xi32, #tpu.memory_space<vmem>>, vector<16xi32>,
      %get3A_269 = arith.constant 48 : index
      %get3A_270 = tpu.vector_load %arg15[%get3A_269] {strides = array<i32>} : memref<64xi32, #tpu.memory_space<vmem>>, vector<16xi32>,
      %get3A_271 = arith.constant 48 : index
      %get3A_272 = tpu.vector_load %arg16[%get3A_271] {strides = array<i32>} : memref<64xi32, #tpu.memory_space<vmem>>, vector<16xi32>,
      %add3A_273 = vector.broadcast %scan3A_70 : i32 to vector<16xi32>
      %add3A_274 = arith.addi %get3A_270, %add3A_273 : vector<16xi32>
      %swap3A_275 = arith.constant 48 : index
      %swap3A_276 = tpu.vector_load %arg17[%swap3A_275] {strides = array<i32>} : memref<64xi32, #tpu.memory_space<vmem>>, vector<16xi32>,
      tpu.vector_store %arg17[%swap3A_275], %add3A_274 {strides = array<i32>} : memref<64xi32, #tpu.memory_space<vmem>>, vector<16xi32>,
      %add3A_277 = vector.broadcast %scan3A_70 : i32 to vector<16xi32>
      %add3A_278 = arith.addi %get3A_272, %add3A_277 : vector<16xi32>
      %swap3A_279 = arith.constant 48 : index
      %swap3A_280 = tpu.vector_load %arg18[%swap3A_279] {strides = array<i32>} : memref<64xi32, #tpu.memory_space<vmem>>, vector<16xi32>,
      tpu.vector_store %arg18[%swap3A_279], %add3A_278 {strides = array<i32>} : memref<64xi32, #tpu.memory_space<vmem>>, vector<16xi32>,
      %mul3A_281 = arith.constant 26624 : i32
      %mul3A_282 = arith.muli %arg0, %mul3A_281 : i32
      %sub3A_283 = vector.broadcast %mul3A_282 : i32 to vector<16xi32>
      %sub3A_284 = arith.subi %get3A_272, %sub3A_283 : vector<16xi32>
      %ge3A_285 = arith.constant 0 : i32
      %ge3A_286 = vector.broadcast %ge3A_285 : i32 to vector<16xi32>
      %ge3A_287 = arith.cmpi sge, %sub3A_284, %ge3A_286 : vector<16xi32>
      %lt3A_288 = arith.constant 26624 : i32
      %lt3A_289 = vector.broadcast %lt3A_288 : i32 to vector<16xi32>
      %lt3A_290 = arith.cmpi slt, %sub3A_284, %lt3A_289 : vector<16xi32>
      %and3A_291 = arith.andi %ge3A_287, %lt3A_290 : vector<16xi1>
      %jit3A_292 = arith.constant 26624 : i32
      %broadcast_in_dim3A_293 = vector.broadcast %jit3A_292 : i32 to vector<16xi32>
      %select_n3A_294 = arith.select %and3A_291, %sub3A_284, %broadcast_in_dim3A_293 : vector<16xi1>, vector<16xi32>
      %swap3A_295 = arith.constant 48 : index
      %swap3A_296 = tpu.vector_load %arg19[%swap3A_295] {strides = array<i32>} : memref<64xi32, #tpu.memory_space<vmem>>, vector<16xi32>,
      tpu.vector_store %arg19[%swap3A_295], %select_n3A_294 {strides = array<i32>} : memref<64xi32, #tpu.memory_space<vmem>>, vector<16xi32>,
      %dma_start3A = arith.constant 0 : i32
      %dma_start3A_297 = arith.constant 0 : i32
      %dma_start3A_298 = tpu.memref_slice %arg2[%dma_start3A, %dma_start3A_297] : memref<212992x64xf32, #tpu.memory_space<hbm>> -> memref<212992x64xf32, #tpu.memory_space<hbm>>
      tpu.enqueue_indirect_dma source(%dma_start3A_298 : memref<212992x64xf32, #tpu.memory_space<hbm>>) target(%arg20 : memref<64x64xf32, #tpu.memory_space<vmem>>) offsets(%arg17 : memref<64xi32, #tpu.memory_space<vmem>>) semaphore(%arg26 : memref<!tpu.dma_semaphore, #tpu.memory_space<semaphore_mem>>)
      %dma_start3A_299 = arith.constant 0 : i32
      %dma_start3A_300 = arith.constant 0 : i32
      %dma_start3A_301 = tpu.memref_slice %arg3[%dma_start3A_299, %dma_start3A_300] : memref<212992x64xf32, #tpu.memory_space<hbm>> -> memref<212992x64xf32, #tpu.memory_space<hbm>>
      tpu.enqueue_indirect_dma source(%dma_start3A_301 : memref<212992x64xf32, #tpu.memory_space<hbm>>) target(%arg21 : memref<64x64xf32, #tpu.memory_space<vmem>>) offsets(%arg18 : memref<64xi32, #tpu.memory_space<vmem>>) semaphore(%arg27 : memref<!tpu.dma_semaphore, #tpu.memory_space<semaphore_mem>>)
      %add3A_302 = arith.constant 98304 : i32
      %add3A_303 = arith.addi %multiple_of3A_191, %add3A_302 : i32
      %multiple_of3A_304 = tpu.assume_multiple %add3A_303, 64 : i32
      "tpu.region"() ({
        %run_scoped3A = tpu.sem_alloc : memref<!tpu.dma_semaphore, #tpu.memory_space<semaphore_mem>>
        %dma_start3A_316 = arith.constant 0 : i32
        %dma_start3A_317 = tpu.memref_slice %arg4[%multiple_of3A_304, %dma_start3A_316] : memref<393216x64xf32, #tpu.memory_space<hbm>> -> memref<64x64xf32, #tpu.memory_space<hbm>>
        %dma_start3A_318 = arith.constant 0 : i32
        %dma_start3A_319 = tpu.memref_slice %arg4[%multiple_of3A_304, %dma_start3A_318] : memref<393216x64xf32, #tpu.memory_space<hbm>> -> memref<64x64xf32, #tpu.memory_space<hbm>>
        tpu.enqueue_dma source(%dma_start3A_319 : memref<64x64xf32, #tpu.memory_space<hbm>>) target(%arg22 : memref<64x64xf32, #tpu.memory_space<vmem>>) target_semaphore(%run_scoped3A : memref<!tpu.dma_semaphore, #tpu.memory_space<semaphore_mem>>)
        %dma_wait3A_320 = arith.constant 0 : i32
        %dma_wait3A_321 = tpu.memref_slice %arg4[%multiple_of3A_304, %dma_wait3A_320] : memref<393216x64xf32, #tpu.memory_space<hbm>> -> memref<64x64xf32, #tpu.memory_space<hbm>>
        %dma_wait3A_322 = arith.constant 0 : i32
        %dma_wait3A_323 = tpu.memref_slice %arg4[%multiple_of3A_304, %dma_wait3A_322] : memref<393216x64xf32, #tpu.memory_space<hbm>> -> memref<64x64xf32, #tpu.memory_space<hbm>>
        tpu.wait_dma2 semaphore(%run_scoped3A : memref<!tpu.dma_semaphore, #tpu.memory_space<semaphore_mem>>) src(%dma_wait3A_323 : memref<64x64xf32, #tpu.memory_space<hbm>>) dst(%arg22 : memref<64x64xf32, #tpu.memory_space<vmem>>)
        tpu.yield
      }) : () -> ()
      %dma_wait3A = arith.constant 0 : i32
      %dma_wait3A_305 = arith.constant 0 : i32
      %dma_wait3A_306 = tpu.memref_slice %arg2[%dma_wait3A, %dma_wait3A_305] : memref<212992x64xf32, #tpu.memory_space<hbm>> -> memref<212992x64xf32, #tpu.memory_space<hbm>>
      tpu.wait_indirect_dma semaphore(%arg26 : memref<!tpu.dma_semaphore, #tpu.memory_space<semaphore_mem>>) src(%dma_wait3A_306 : memref<212992x64xf32, #tpu.memory_space<hbm>>) dst(%arg20 : memref<64x64xf32, #tpu.memory_space<vmem>>)
      %dma_wait3A_307 = arith.constant 0 : i32
      %dma_wait3A_308 = arith.constant 0 : i32
      %dma_wait3A_309 = tpu.memref_slice %arg3[%dma_wait3A_307, %dma_wait3A_308] : memref<212992x64xf32, #tpu.memory_space<hbm>> -> memref<212992x64xf32, #tpu.memory_space<hbm>>
      tpu.wait_indirect_dma semaphore(%arg27 : memref<!tpu.dma_semaphore, #tpu.memory_space<semaphore_mem>>) src(%dma_wait3A_309 : memref<212992x64xf32, #tpu.memory_space<hbm>>) dst(%arg21 : memref<64x64xf32, #tpu.memory_space<vmem>>)
      %scan3A_310 = arith.constant 0 : i32
      %scan3A_311 = arith.constant 0 : i32
      %scan3A_312 = arith.constant 64 : i32
      %scan3A_313 = arith.addi %scan3A_311, %scan3A_312 : i32
      %scan3A_314 = arith.constant 2 : i32
      scf.for %scan3A_316 = %scan3A_311 to %scan3A_313 step %scan3A_314  : i32 {
        %broadcast_in_dim3A_317 = arith.constant 0.000000e+00 : f32
        %broadcast_in_dim3A_318 = vector.broadcast %broadcast_in_dim3A_317 : f32 to vector<16xf32>
        %get3A_319 = arith.index_cast %scan3A_316 : i32 to index
        %get3A_320 = arith.constant 0 : index
        %get3A_321 = tpu.vector_load %arg20[%get3A_319, %get3A_320] {strides = array<i32>} : memref<64x64xf32, #tpu.memory_space<vmem>>, vector<16xf32>,
        %get3A_322 = arith.index_cast %scan3A_316 : i32 to index
        %get3A_323 = arith.constant 0 : index
        %get3A_324 = tpu.vector_load %arg21[%get3A_322, %get3A_323] {strides = array<i32>} : memref<64x64xf32, #tpu.memory_space<vmem>>, vector<16xf32>,
        %add3A_325 = arith.addf %get3A_321, %get3A_324 : vector<16xf32>
        %get3A_326 = arith.index_cast %scan3A_316 : i32 to index
        %get3A_327 = arith.constant 0 : index
        %get3A_328 = tpu.vector_load %arg22[%get3A_326, %get3A_327] {strides = array<i32>} : memref<64x64xf32, #tpu.memory_space<vmem>>, vector<16xf32>,
        %add3A_329 = arith.addf %add3A_325, %get3A_328 : vector<16xf32>
        %ge3A_330 = arith.constant 0.000000e+00 : f32
        %ge3A_331 = vector.broadcast %ge3A_330 : f32 to vector<16xf32>
        %ge3A_332 = arith.cmpf oge, %add3A_329, %ge3A_331 : vector<16xf32>
        %mul3A_333 = arith.constant 2.000000e-01 : f32
        %mul3A_334 = vector.broadcast %mul3A_333 : f32 to vector<16xf32>
        %mul3A_335 = arith.mulf %mul3A_334, %add3A_329 : vector<16xf32>
        %select_n3A_336 = arith.select %ge3A_332, %add3A_329, %mul3A_335 : vector<16xi1>, vector<16xf32>
        %mul3A_337 = arith.mulf %select_n3A_336, %get3A_56 : vector<16xf32>
        %add3A_338 = arith.addf %broadcast_in_dim3A_318, %mul3A_337 : vector<16xf32>
        %get3A_339 = arith.index_cast %scan3A_316 : i32 to index
        %get3A_340 = arith.constant 16 : index
        %get3A_341 = tpu.vector_load %arg20[%get3A_339, %get3A_340] {strides = array<i32>} : memref<64x64xf32, #tpu.memory_space<vmem>>, vector<16xf32>,
        %get3A_342 = arith.index_cast %scan3A_316 : i32 to index
        %get3A_343 = arith.constant 16 : index
        %get3A_344 = tpu.vector_load %arg21[%get3A_342, %get3A_343] {strides = array<i32>} : memref<64x64xf32, #tpu.memory_space<vmem>>, vector<16xf32>,
        %add3A_345 = arith.addf %get3A_341, %get3A_344 : vector<16xf32>
        %get3A_346 = arith.index_cast %scan3A_316 : i32 to index
        %get3A_347 = arith.constant 16 : index
        %get3A_348 = tpu.vector_load %arg22[%get3A_346, %get3A_347] {strides = array<i32>} : memref<64x64xf32, #tpu.memory_space<vmem>>, vector<16xf32>,
        %add3A_349 = arith.addf %add3A_345, %get3A_348 : vector<16xf32>
        %ge3A_350 = arith.constant 0.000000e+00 : f32
        %ge3A_351 = vector.broadcast %ge3A_350 : f32 to vector<16xf32>
        %ge3A_352 = arith.cmpf oge, %add3A_349, %ge3A_351 : vector<16xf32>
        %mul3A_353 = arith.constant 2.000000e-01 : f32
        %mul3A_354 = vector.broadcast %mul3A_353 : f32 to vector<16xf32>
        %mul3A_355 = arith.mulf %mul3A_354, %add3A_349 : vector<16xf32>
        %select_n3A_356 = arith.select %ge3A_352, %add3A_349, %mul3A_355 : vector<16xi1>, vector<16xf32>
        %mul3A_357 = arith.mulf %select_n3A_356, %get3A_60 : vector<16xf32>
        %add3A_358 = arith.addf %add3A_338, %mul3A_357 : vector<16xf32>
        %get3A_359 = arith.index_cast %scan3A_316 : i32 to index
        %get3A_360 = arith.constant 32 : index
        %get3A_361 = tpu.vector_load %arg20[%get3A_359, %get3A_360] {strides = array<i32>} : memref<64x64xf32, #tpu.memory_space<vmem>>, vector<16xf32>,
        %get3A_362 = arith.index_cast %scan3A_316 : i32 to index
        %get3A_363 = arith.constant 32 : index
        %get3A_364 = tpu.vector_load %arg21[%get3A_362, %get3A_363] {strides = array<i32>} : memref<64x64xf32, #tpu.memory_space<vmem>>, vector<16xf32>,
        %add3A_365 = arith.addf %get3A_361, %get3A_364 : vector<16xf32>
        %get3A_366 = arith.index_cast %scan3A_316 : i32 to index
        %get3A_367 = arith.constant 32 : index
        %get3A_368 = tpu.vector_load %arg22[%get3A_366, %get3A_367] {strides = array<i32>} : memref<64x64xf32, #tpu.memory_space<vmem>>, vector<16xf32>,
        %add3A_369 = arith.addf %add3A_365, %get3A_368 : vector<16xf32>
        %ge3A_370 = arith.constant 0.000000e+00 : f32
        %ge3A_371 = vector.broadcast %ge3A_370 : f32 to vector<16xf32>
        %ge3A_372 = arith.cmpf oge, %add3A_369, %ge3A_371 : vector<16xf32>
        %mul3A_373 = arith.constant 2.000000e-01 : f32
        %mul3A_374 = vector.broadcast %mul3A_373 : f32 to vector<16xf32>
        %mul3A_375 = arith.mulf %mul3A_374, %add3A_369 : vector<16xf32>
        %select_n3A_376 = arith.select %ge3A_372, %add3A_369, %mul3A_375 : vector<16xi1>, vector<16xf32>
        %mul3A_377 = arith.mulf %select_n3A_376, %get3A_64 : vector<16xf32>
        %add3A_378 = arith.addf %add3A_358, %mul3A_377 : vector<16xf32>
        %get3A_379 = arith.index_cast %scan3A_316 : i32 to index
        %get3A_380 = arith.constant 48 : index
        %get3A_381 = tpu.vector_load %arg20[%get3A_379, %get3A_380] {strides = array<i32>} : memref<64x64xf32, #tpu.memory_space<vmem>>, vector<16xf32>,
        %get3A_382 = arith.index_cast %scan3A_316 : i32 to index
        %get3A_383 = arith.constant 48 : index
        %get3A_384 = tpu.vector_load %arg21[%get3A_382, %get3A_383] {strides = array<i32>} : memref<64x64xf32, #tpu.memory_space<vmem>>, vector<16xf32>,
        %add3A_385 = arith.addf %get3A_381, %get3A_384 : vector<16xf32>
        %get3A_386 = arith.index_cast %scan3A_316 : i32 to index
        %get3A_387 = arith.constant 48 : index
        %get3A_388 = tpu.vector_load %arg22[%get3A_386, %get3A_387] {strides = array<i32>} : memref<64x64xf32, #tpu.memory_space<vmem>>, vector<16xf32>,
        %add3A_389 = arith.addf %add3A_385, %get3A_388 : vector<16xf32>
        %ge3A_390 = arith.constant 0.000000e+00 : f32
        %ge3A_391 = vector.broadcast %ge3A_390 : f32 to vector<16xf32>
        %ge3A_392 = arith.cmpf oge, %add3A_389, %ge3A_391 : vector<16xf32>
        %mul3A_393 = arith.constant 2.000000e-01 : f32
        %mul3A_394 = vector.broadcast %mul3A_393 : f32 to vector<16xf32>
        %mul3A_395 = arith.mulf %mul3A_394, %add3A_389 : vector<16xf32>
        %select_n3A_396 = arith.select %ge3A_392, %add3A_389, %mul3A_395 : vector<16xi1>, vector<16xf32>
        %mul3A_397 = arith.mulf %select_n3A_396, %get3A_68 : vector<16xf32>
        %add3A_398 = arith.addf %add3A_378, %mul3A_397 : vector<16xf32>
        %swap3A_399 = arith.constant 0 : index
        %swap3A_400 = tpu.vector_load %arg25[%swap3A_399] {strides = array<i32>} : memref<16xf32, #tpu.memory_space<vmem>>, vector<16xf32>,
        tpu.vector_store %arg25[%swap3A_399], %add3A_398 {strides = array<i32>} : memref<16xf32, #tpu.memory_space<vmem>>, vector<16xf32>,
        %xor3A = arith.constant 1 : i32
        %xor3A_401 = vector.broadcast %xor3A : i32 to vector<16xi32>
        %xor3A_402 = arith.xori %iota3A, %xor3A_401 : vector<16xi32>
        %gather3A = tpu.vector_load_idx %arg25[%xor3A_402] : memref<16xf32, #tpu.memory_space<vmem>>[vector<16xi32>], vector<16xf32>,
        %add3A_403 = arith.addf %add3A_398, %gather3A : vector<16xf32>
        %swap3A_404 = arith.constant 0 : index
        %swap3A_405 = tpu.vector_load %arg25[%swap3A_404] {strides = array<i32>} : memref<16xf32, #tpu.memory_space<vmem>>, vector<16xf32>,
        tpu.vector_store %arg25[%swap3A_404], %add3A_403 {strides = array<i32>} : memref<16xf32, #tpu.memory_space<vmem>>, vector<16xf32>,
        %xor3A_406 = arith.constant 2 : i32
        %xor3A_407 = vector.broadcast %xor3A_406 : i32 to vector<16xi32>
        %xor3A_408 = arith.xori %iota3A, %xor3A_407 : vector<16xi32>
        %gather3A_409 = tpu.vector_load_idx %arg25[%xor3A_408] : memref<16xf32, #tpu.memory_space<vmem>>[vector<16xi32>], vector<16xf32>,
        %add3A_410 = arith.addf %add3A_403, %gather3A_409 : vector<16xf32>
        %swap3A_411 = arith.constant 0 : index
        %swap3A_412 = tpu.vector_load %arg25[%swap3A_411] {strides = array<i32>} : memref<16xf32, #tpu.memory_space<vmem>>, vector<16xf32>,
        tpu.vector_store %arg25[%swap3A_411], %add3A_410 {strides = array<i32>} : memref<16xf32, #tpu.memory_space<vmem>>, vector<16xf32>,
        %xor3A_413 = arith.constant 4 : i32
        %xor3A_414 = vector.broadcast %xor3A_413 : i32 to vector<16xi32>
        %xor3A_415 = arith.xori %iota3A, %xor3A_414 : vector<16xi32>
        %gather3A_416 = tpu.vector_load_idx %arg25[%xor3A_415] : memref<16xf32, #tpu.memory_space<vmem>>[vector<16xi32>], vector<16xf32>,
        %add3A_417 = arith.addf %add3A_410, %gather3A_416 : vector<16xf32>
        %swap3A_418 = arith.constant 0 : index
        %swap3A_419 = tpu.vector_load %arg25[%swap3A_418] {strides = array<i32>} : memref<16xf32, #tpu.memory_space<vmem>>, vector<16xf32>,
        tpu.vector_store %arg25[%swap3A_418], %add3A_417 {strides = array<i32>} : memref<16xf32, #tpu.memory_space<vmem>>, vector<16xf32>,
        %xor3A_420 = arith.constant 8 : i32
        %xor3A_421 = vector.broadcast %xor3A_420 : i32 to vector<16xi32>
        %xor3A_422 = arith.xori %iota3A, %xor3A_421 : vector<16xi32>
        %gather3A_423 = tpu.vector_load_idx %arg25[%xor3A_422] : memref<16xf32, #tpu.memory_space<vmem>>[vector<16xi32>], vector<16xf32>,
        %add3A_424 = arith.addf %add3A_417, %gather3A_423 : vector<16xf32>
        %exp3A = math.exp %add3A_424 : vector<16xf32>
        %mul3A_425 = arith.mulf %get3A_321, %exp3A : vector<16xf32>
        %swap3A_426 = arith.index_cast %scan3A_316 : i32 to index
        %swap3A_427 = arith.constant 0 : index
        %swap3A_428 = tpu.vector_load %arg23[%swap3A_426, %swap3A_427] {strides = array<i32>} : memref<64x64xf32, #tpu.memory_space<vmem>>, vector<16xf32>,
        tpu.vector_store %arg23[%swap3A_426, %swap3A_427], %mul3A_425 {strides = array<i32>} : memref<64x64xf32, #tpu.memory_space<vmem>>, vector<16xf32>,
        %mul3A_429 = arith.mulf %get3A_341, %exp3A : vector<16xf32>
        %swap3A_430 = arith.index_cast %scan3A_316 : i32 to index
        %swap3A_431 = arith.constant 16 : index
        %swap3A_432 = tpu.vector_load %arg23[%swap3A_430, %swap3A_431] {strides = array<i32>} : memref<64x64xf32, #tpu.memory_space<vmem>>, vector<16xf32>,
        tpu.vector_store %arg23[%swap3A_430, %swap3A_431], %mul3A_429 {strides = array<i32>} : memref<64x64xf32, #tpu.memory_space<vmem>>, vector<16xf32>,
        %mul3A_433 = arith.mulf %get3A_361, %exp3A : vector<16xf32>
        %swap3A_434 = arith.index_cast %scan3A_316 : i32 to index
        %swap3A_435 = arith.constant 32 : index
        %swap3A_436 = tpu.vector_load %arg23[%swap3A_434, %swap3A_435] {strides = array<i32>} : memref<64x64xf32, #tpu.memory_space<vmem>>, vector<16xf32>,
        tpu.vector_store %arg23[%swap3A_434, %swap3A_435], %mul3A_433 {strides = array<i32>} : memref<64x64xf32, #tpu.memory_space<vmem>>, vector<16xf32>,
        %mul3A_437 = arith.mulf %get3A_381, %exp3A : vector<16xf32>
        %swap3A_438 = arith.index_cast %scan3A_316 : i32 to index
        %swap3A_439 = arith.constant 48 : index
        %swap3A_440 = tpu.vector_load %arg23[%swap3A_438, %swap3A_439] {strides = array<i32>} : memref<64x64xf32, #tpu.memory_space<vmem>>, vector<16xf32>,
        tpu.vector_store %arg23[%swap3A_438, %swap3A_439], %mul3A_437 {strides = array<i32>} : memref<64x64xf32, #tpu.memory_space<vmem>>, vector<16xf32>,
        %broadcast_in_dim3A_441 = vector.broadcast %scan3A_316 : i32 to vector<16xi32>
        tpu.vector_store_idx %arg24[%broadcast_in_dim3A_441, %iota3A], %exp3A masked %lt3A_2 : memref<64x4xf32, #tpu.memory_space<vmem>>[vector<16xi32>, vector<16xi32>], vector<16xf32>, vector<16xi1>
        %scan3A_442 = arith.constant 1 : i32
        %scan3A_443 = arith.addi %scan3A_316, %scan3A_442 : i32
        %broadcast_in_dim3A_444 = arith.constant 0.000000e+00 : f32
        %broadcast_in_dim3A_445 = vector.broadcast %broadcast_in_dim3A_444 : f32 to vector<16xf32>
        %get3A_446 = arith.index_cast %scan3A_443 : i32 to index
        %get3A_447 = arith.constant 0 : index
        %get3A_448 = tpu.vector_load %arg20[%get3A_446, %get3A_447] {strides = array<i32>} : memref<64x64xf32, #tpu.memory_space<vmem>>, vector<16xf32>,
        %get3A_449 = arith.index_cast %scan3A_443 : i32 to index
        %get3A_450 = arith.constant 0 : index
        %get3A_451 = tpu.vector_load %arg21[%get3A_449, %get3A_450] {strides = array<i32>} : memref<64x64xf32, #tpu.memory_space<vmem>>, vector<16xf32>,
        %add3A_452 = arith.addf %get3A_448, %get3A_451 : vector<16xf32>
        %get3A_453 = arith.index_cast %scan3A_443 : i32 to index
        %get3A_454 = arith.constant 0 : index
        %get3A_455 = tpu.vector_load %arg22[%get3A_453, %get3A_454] {strides = array<i32>} : memref<64x64xf32, #tpu.memory_space<vmem>>, vector<16xf32>,
        %add3A_456 = arith.addf %add3A_452, %get3A_455 : vector<16xf32>
        %ge3A_457 = arith.constant 0.000000e+00 : f32
        %ge3A_458 = vector.broadcast %ge3A_457 : f32 to vector<16xf32>
        %ge3A_459 = arith.cmpf oge, %add3A_456, %ge3A_458 : vector<16xf32>
        %mul3A_460 = arith.constant 2.000000e-01 : f32
        %mul3A_461 = vector.broadcast %mul3A_460 : f32 to vector<16xf32>
        %mul3A_462 = arith.mulf %mul3A_461, %add3A_456 : vector<16xf32>
        %select_n3A_463 = arith.select %ge3A_459, %add3A_456, %mul3A_462 : vector<16xi1>, vector<16xf32>
        %mul3A_464 = arith.mulf %select_n3A_463, %get3A_56 : vector<16xf32>
        %add3A_465 = arith.addf %broadcast_in_dim3A_445, %mul3A_464 : vector<16xf32>
        %get3A_466 = arith.index_cast %scan3A_443 : i32 to index
        %get3A_467 = arith.constant 16 : index
        %get3A_468 = tpu.vector_load %arg20[%get3A_466, %get3A_467] {strides = array<i32>} : memref<64x64xf32, #tpu.memory_space<vmem>>, vector<16xf32>,
        %get3A_469 = arith.index_cast %scan3A_443 : i32 to index
        %get3A_470 = arith.constant 16 : index
        %get3A_471 = tpu.vector_load %arg21[%get3A_469, %get3A_470] {strides = array<i32>} : memref<64x64xf32, #tpu.memory_space<vmem>>, vector<16xf32>,
        %add3A_472 = arith.addf %get3A_468, %get3A_471 : vector<16xf32>
        %get3A_473 = arith.index_cast %scan3A_443 : i32 to index
        %get3A_474 = arith.constant 16 : index
        %get3A_475 = tpu.vector_load %arg22[%get3A_473, %get3A_474] {strides = array<i32>} : memref<64x64xf32, #tpu.memory_space<vmem>>, vector<16xf32>,
        %add3A_476 = arith.addf %add3A_472, %get3A_475 : vector<16xf32>
        %ge3A_477 = arith.constant 0.000000e+00 : f32
        %ge3A_478 = vector.broadcast %ge3A_477 : f32 to vector<16xf32>
        %ge3A_479 = arith.cmpf oge, %add3A_476, %ge3A_478 : vector<16xf32>
        %mul3A_480 = arith.constant 2.000000e-01 : f32
        %mul3A_481 = vector.broadcast %mul3A_480 : f32 to vector<16xf32>
        %mul3A_482 = arith.mulf %mul3A_481, %add3A_476 : vector<16xf32>
        %select_n3A_483 = arith.select %ge3A_479, %add3A_476, %mul3A_482 : vector<16xi1>, vector<16xf32>
        %mul3A_484 = arith.mulf %select_n3A_483, %get3A_60 : vector<16xf32>
        %add3A_485 = arith.addf %add3A_465, %mul3A_484 : vector<16xf32>
        %get3A_486 = arith.index_cast %scan3A_443 : i32 to index
        %get3A_487 = arith.constant 32 : index
        %get3A_488 = tpu.vector_load %arg20[%get3A_486, %get3A_487] {strides = array<i32>} : memref<64x64xf32, #tpu.memory_space<vmem>>, vector<16xf32>,
        %get3A_489 = arith.index_cast %scan3A_443 : i32 to index
        %get3A_490 = arith.constant 32 : index
        %get3A_491 = tpu.vector_load %arg21[%get3A_489, %get3A_490] {strides = array<i32>} : memref<64x64xf32, #tpu.memory_space<vmem>>, vector<16xf32>,
        %add3A_492 = arith.addf %get3A_488, %get3A_491 : vector<16xf32>
        %get3A_493 = arith.index_cast %scan3A_443 : i32 to index
        %get3A_494 = arith.constant 32 : index
        %get3A_495 = tpu.vector_load %arg22[%get3A_493, %get3A_494] {strides = array<i32>} : memref<64x64xf32, #tpu.memory_space<vmem>>, vector<16xf32>,
        %add3A_496 = arith.addf %add3A_492, %get3A_495 : vector<16xf32>
        %ge3A_497 = arith.constant 0.000000e+00 : f32
        %ge3A_498 = vector.broadcast %ge3A_497 : f32 to vector<16xf32>
        %ge3A_499 = arith.cmpf oge, %add3A_496, %ge3A_498 : vector<16xf32>
        %mul3A_500 = arith.constant 2.000000e-01 : f32
        %mul3A_501 = vector.broadcast %mul3A_500 : f32 to vector<16xf32>
        %mul3A_502 = arith.mulf %mul3A_501, %add3A_496 : vector<16xf32>
        %select_n3A_503 = arith.select %ge3A_499, %add3A_496, %mul3A_502 : vector<16xi1>, vector<16xf32>
        %mul3A_504 = arith.mulf %select_n3A_503, %get3A_64 : vector<16xf32>
        %add3A_505 = arith.addf %add3A_485, %mul3A_504 : vector<16xf32>
        %get3A_506 = arith.index_cast %scan3A_443 : i32 to index
        %get3A_507 = arith.constant 48 : index
        %get3A_508 = tpu.vector_load %arg20[%get3A_506, %get3A_507] {strides = array<i32>} : memref<64x64xf32, #tpu.memory_space<vmem>>, vector<16xf32>,
        %get3A_509 = arith.index_cast %scan3A_443 : i32 to index
        %get3A_510 = arith.constant 48 : index
        %get3A_511 = tpu.vector_load %arg21[%get3A_509, %get3A_510] {strides = array<i32>} : memref<64x64xf32, #tpu.memory_space<vmem>>, vector<16xf32>,
        %add3A_512 = arith.addf %get3A_508, %get3A_511 : vector<16xf32>
        %get3A_513 = arith.index_cast %scan3A_443 : i32 to index
        %get3A_514 = arith.constant 48 : index
        %get3A_515 = tpu.vector_load %arg22[%get3A_513, %get3A_514] {strides = array<i32>} : memref<64x64xf32, #tpu.memory_space<vmem>>, vector<16xf32>,
        %add3A_516 = arith.addf %add3A_512, %get3A_515 : vector<16xf32>
        %ge3A_517 = arith.constant 0.000000e+00 : f32
        %ge3A_518 = vector.broadcast %ge3A_517 : f32 to vector<16xf32>
        %ge3A_519 = arith.cmpf oge, %add3A_516, %ge3A_518 : vector<16xf32>
        %mul3A_520 = arith.constant 2.000000e-01 : f32
        %mul3A_521 = vector.broadcast %mul3A_520 : f32 to vector<16xf32>
        %mul3A_522 = arith.mulf %mul3A_521, %add3A_516 : vector<16xf32>
        %select_n3A_523 = arith.select %ge3A_519, %add3A_516, %mul3A_522 : vector<16xi1>, vector<16xf32>
        %mul3A_524 = arith.mulf %select_n3A_523, %get3A_68 : vector<16xf32>
        %add3A_525 = arith.addf %add3A_505, %mul3A_524 : vector<16xf32>
        %swap3A_526 = arith.constant 0 : index
        %swap3A_527 = tpu.vector_load %arg25[%swap3A_526] {strides = array<i32>} : memref<16xf32, #tpu.memory_space<vmem>>, vector<16xf32>,
        tpu.vector_store %arg25[%swap3A_526], %add3A_525 {strides = array<i32>} : memref<16xf32, #tpu.memory_space<vmem>>, vector<16xf32>,
        %xor3A_528 = arith.constant 1 : i32
        %xor3A_529 = vector.broadcast %xor3A_528 : i32 to vector<16xi32>
        %xor3A_530 = arith.xori %iota3A, %xor3A_529 : vector<16xi32>
        %gather3A_531 = tpu.vector_load_idx %arg25[%xor3A_530] : memref<16xf32, #tpu.memory_space<vmem>>[vector<16xi32>], vector<16xf32>,
        %add3A_532 = arith.addf %add3A_525, %gather3A_531 : vector<16xf32>
        %swap3A_533 = arith.constant 0 : index
        %swap3A_534 = tpu.vector_load %arg25[%swap3A_533] {strides = array<i32>} : memref<16xf32, #tpu.memory_space<vmem>>, vector<16xf32>,
        tpu.vector_store %arg25[%swap3A_533], %add3A_532 {strides = array<i32>} : memref<16xf32, #tpu.memory_space<vmem>>, vector<16xf32>,
        %xor3A_535 = arith.constant 2 : i32
        %xor3A_536 = vector.broadcast %xor3A_535 : i32 to vector<16xi32>
        %xor3A_537 = arith.xori %iota3A, %xor3A_536 : vector<16xi32>
        %gather3A_538 = tpu.vector_load_idx %arg25[%xor3A_537] : memref<16xf32, #tpu.memory_space<vmem>>[vector<16xi32>], vector<16xf32>,
        %add3A_539 = arith.addf %add3A_532, %gather3A_538 : vector<16xf32>
        %swap3A_540 = arith.constant 0 : index
        %swap3A_541 = tpu.vector_load %arg25[%swap3A_540] {strides = array<i32>} : memref<16xf32, #tpu.memory_space<vmem>>, vector<16xf32>,
        tpu.vector_store %arg25[%swap3A_540], %add3A_539 {strides = array<i32>} : memref<16xf32, #tpu.memory_space<vmem>>, vector<16xf32>,
        %xor3A_542 = arith.constant 4 : i32
        %xor3A_543 = vector.broadcast %xor3A_542 : i32 to vector<16xi32>
        %xor3A_544 = arith.xori %iota3A, %xor3A_543 : vector<16xi32>
        %gather3A_545 = tpu.vector_load_idx %arg25[%xor3A_544] : memref<16xf32, #tpu.memory_space<vmem>>[vector<16xi32>], vector<16xf32>,
        %add3A_546 = arith.addf %add3A_539, %gather3A_545 : vector<16xf32>
        %swap3A_547 = arith.constant 0 : index
        %swap3A_548 = tpu.vector_load %arg25[%swap3A_547] {strides = array<i32>} : memref<16xf32, #tpu.memory_space<vmem>>, vector<16xf32>,
        tpu.vector_store %arg25[%swap3A_547], %add3A_546 {strides = array<i32>} : memref<16xf32, #tpu.memory_space<vmem>>, vector<16xf32>,
        %xor3A_549 = arith.constant 8 : i32
        %xor3A_550 = vector.broadcast %xor3A_549 : i32 to vector<16xi32>
        %xor3A_551 = arith.xori %iota3A, %xor3A_550 : vector<16xi32>
        %gather3A_552 = tpu.vector_load_idx %arg25[%xor3A_551] : memref<16xf32, #tpu.memory_space<vmem>>[vector<16xi32>], vector<16xf32>,
        %add3A_553 = arith.addf %add3A_546, %gather3A_552 : vector<16xf32>
        %exp3A_554 = math.exp %add3A_553 : vector<16xf32>
        %mul3A_555 = arith.mulf %get3A_448, %exp3A_554 : vector<16xf32>
        %swap3A_556 = arith.index_cast %scan3A_443 : i32 to index
        %swap3A_557 = arith.constant 0 : index
        %swap3A_558 = tpu.vector_load %arg23[%swap3A_556, %swap3A_557] {strides = array<i32>} : memref<64x64xf32, #tpu.memory_space<vmem>>, vector<16xf32>,
        tpu.vector_store %arg23[%swap3A_556, %swap3A_557], %mul3A_555 {strides = array<i32>} : memref<64x64xf32, #tpu.memory_space<vmem>>, vector<16xf32>,
        %mul3A_559 = arith.mulf %get3A_468, %exp3A_554 : vector<16xf32>
        %swap3A_560 = arith.index_cast %scan3A_443 : i32 to index
        %swap3A_561 = arith.constant 16 : index
        %swap3A_562 = tpu.vector_load %arg23[%swap3A_560, %swap3A_561] {strides = array<i32>} : memref<64x64xf32, #tpu.memory_space<vmem>>, vector<16xf32>,
        tpu.vector_store %arg23[%swap3A_560, %swap3A_561], %mul3A_559 {strides = array<i32>} : memref<64x64xf32, #tpu.memory_space<vmem>>, vector<16xf32>,
        %mul3A_563 = arith.mulf %get3A_488, %exp3A_554 : vector<16xf32>
        %swap3A_564 = arith.index_cast %scan3A_443 : i32 to index
        %swap3A_565 = arith.constant 32 : index
        %swap3A_566 = tpu.vector_load %arg23[%swap3A_564, %swap3A_565] {strides = array<i32>} : memref<64x64xf32, #tpu.memory_space<vmem>>, vector<16xf32>,
        tpu.vector_store %arg23[%swap3A_564, %swap3A_565], %mul3A_563 {strides = array<i32>} : memref<64x64xf32, #tpu.memory_space<vmem>>, vector<16xf32>,
        %mul3A_567 = arith.mulf %get3A_508, %exp3A_554 : vector<16xf32>
        %swap3A_568 = arith.index_cast %scan3A_443 : i32 to index
        %swap3A_569 = arith.constant 48 : index
        %swap3A_570 = tpu.vector_load %arg23[%swap3A_568, %swap3A_569] {strides = array<i32>} : memref<64x64xf32, #tpu.memory_space<vmem>>, vector<16xf32>,
        tpu.vector_store %arg23[%swap3A_568, %swap3A_569], %mul3A_567 {strides = array<i32>} : memref<64x64xf32, #tpu.memory_space<vmem>>, vector<16xf32>,
        %broadcast_in_dim3A_571 = vector.broadcast %scan3A_443 : i32 to vector<16xi32>
        tpu.vector_store_idx %arg24[%broadcast_in_dim3A_571, %iota3A], %exp3A_554 masked %lt3A_2 : memref<64x4xf32, #tpu.memory_space<vmem>>[vector<16xi32>, vector<16xi32>], vector<16xf32>, vector<16xi1>
      }
      %scan3A_315 = arith.constant 64 : i32
      "tpu.region"() ({
        %run_scoped3A = tpu.sem_alloc : memref<!tpu.dma_semaphore, #tpu.memory_space<semaphore_mem>>
        %dma_start3A_316 = arith.constant 0 : i32
        %dma_start3A_317 = arith.constant 0 : i32
        %dma_start3A_318 = tpu.memref_slice %arg12[%dma_start3A_316, %dma_start3A_317] : memref<26632x64xf32, #tpu.memory_space<vmem_shared>> -> memref<26632x64xf32, #tpu.memory_space<vmem_shared>>
        tpu.enqueue_indirect_dma source(%arg23 : memref<64x64xf32, #tpu.memory_space<vmem>>) target(%dma_start3A_318 : memref<26632x64xf32, #tpu.memory_space<vmem_shared>>) offsets(%arg19 : memref<64xi32, #tpu.memory_space<vmem>>) semaphore(%run_scoped3A : memref<!tpu.dma_semaphore, #tpu.memory_space<semaphore_mem>>) {add = true}
        %dma_wait3A_319 = arith.constant 0 : i32
        %dma_wait3A_320 = arith.constant 0 : i32
        %dma_wait3A_321 = tpu.memref_slice %arg12[%dma_wait3A_319, %dma_wait3A_320] : memref<26632x64xf32, #tpu.memory_space<vmem_shared>> -> memref<26632x64xf32, #tpu.memory_space<vmem_shared>>
        tpu.wait_indirect_dma semaphore(%run_scoped3A : memref<!tpu.dma_semaphore, #tpu.memory_space<semaphore_mem>>) src(%arg23 : memref<64x64xf32, #tpu.memory_space<vmem>>) dst(%dma_wait3A_321 : memref<26632x64xf32, #tpu.memory_space<vmem_shared>>)
        tpu.yield
      }) : () -> ()
      "tpu.region"() ({
        %run_scoped3A = tpu.sem_alloc : memref<!tpu.dma_semaphore, #tpu.memory_space<semaphore_mem>>
        %dma_start3A_316 = arith.constant 0 : i32
        %dma_start3A_317 = arith.constant 0 : i32
        %dma_start3A_318 = tpu.memref_slice %arg13[%dma_start3A_316, %dma_start3A_317] : memref<26632x4xf32, #tpu.memory_space<vmem_shared>> -> memref<26632x4xf32, #tpu.memory_space<vmem_shared>>
        tpu.enqueue_indirect_dma source(%arg24 : memref<64x4xf32, #tpu.memory_space<vmem>>) target(%dma_start3A_318 : memref<26632x4xf32, #tpu.memory_space<vmem_shared>>) offsets(%arg19 : memref<64xi32, #tpu.memory_space<vmem>>) semaphore(%run_scoped3A : memref<!tpu.dma_semaphore, #tpu.memory_space<semaphore_mem>>) {add = true}
        %dma_wait3A_319 = arith.constant 0 : i32
        %dma_wait3A_320 = arith.constant 0 : i32
        %dma_wait3A_321 = tpu.memref_slice %arg13[%dma_wait3A_319, %dma_wait3A_320] : memref<26632x4xf32, #tpu.memory_space<vmem_shared>> -> memref<26632x4xf32, #tpu.memory_space<vmem_shared>>
        tpu.wait_indirect_dma semaphore(%run_scoped3A : memref<!tpu.dma_semaphore, #tpu.memory_space<semaphore_mem>>) src(%arg24 : memref<64x4xf32, #tpu.memory_space<vmem>>) dst(%dma_wait3A_321 : memref<26632x4xf32, #tpu.memory_space<vmem_shared>>)
        tpu.yield
      }) : () -> ()
    }
    %scan3A_75 = arith.constant 96 : i32
    %barrier3A_76 = arith.constant 0 : index
    tpu.barrier barrier_id(%barrier3A_76)
    %mul3A_77 = arith.constant 26624 : i32
    %mul3A_78 = arith.muli %arg0, %mul3A_77 : i32
    %add3A_79 = arith.constant 53248 : i32
    %add3A_80 = arith.addi %add3A_79, %mul3A_78 : i32
    %mul3A_81 = arith.constant 1664 : i32
    %mul3A_82 = arith.muli %arg1, %mul3A_81 : i32
    %add3A_83 = arith.addi %add3A_80, %mul3A_82 : i32
    %mul3A_84 = arith.constant 1664 : i32
    %mul3A_85 = arith.muli %arg1, %mul3A_84 : i32
    %multiple_of3A_86 = tpu.assume_multiple %add3A_83, 8 : i32
    "tpu.region"() ({
      %run_scoped3A = tpu.sem_alloc : memref<!tpu.dma_semaphore, #tpu.memory_space<semaphore_mem>>
      %dma_start3A = arith.constant 0 : i32
      %dma_start3A_187 = tpu.memref_slice %arg10[%multiple_of3A_86, %dma_start3A] : memref<212992x64xf32, #tpu.memory_space<hbm>> -> memref<1664x64xf32, #tpu.memory_space<hbm>>
      %dma_start3A_188 = arith.constant 0 : i32
      %dma_start3A_189 = tpu.memref_slice %arg12[%mul3A_85, %dma_start3A_188] : memref<26632x64xf32, #tpu.memory_space<vmem_shared>> -> memref<1664x64xf32, #tpu.memory_space<vmem_shared>>
      tpu.enqueue_dma source(%dma_start3A_189 : memref<1664x64xf32, #tpu.memory_space<vmem_shared>>) target(%dma_start3A_187 : memref<1664x64xf32, #tpu.memory_space<hbm>>) target_semaphore(%run_scoped3A : memref<!tpu.dma_semaphore, #tpu.memory_space<semaphore_mem>>)
      %dma_wait3A = arith.constant 0 : i32
      %dma_wait3A_190 = tpu.memref_slice %arg10[%multiple_of3A_86, %dma_wait3A] : memref<212992x64xf32, #tpu.memory_space<hbm>> -> memref<1664x64xf32, #tpu.memory_space<hbm>>
      %dma_wait3A_191 = arith.constant 0 : i32
      %dma_wait3A_192 = tpu.memref_slice %arg12[%mul3A_85, %dma_wait3A_191] : memref<26632x64xf32, #tpu.memory_space<vmem_shared>> -> memref<1664x64xf32, #tpu.memory_space<vmem_shared>>
      tpu.wait_dma2 semaphore(%run_scoped3A : memref<!tpu.dma_semaphore, #tpu.memory_space<semaphore_mem>>) src(%dma_wait3A_192 : memref<1664x64xf32, #tpu.memory_space<vmem_shared>>) dst(%dma_wait3A_190 : memref<1664x64xf32, #tpu.memory_space<hbm>>)
      tpu.yield
    }) : () -> ()
    %mul3A_87 = arith.constant 1664 : i32
    %mul3A_88 = arith.muli %arg1, %mul3A_87 : i32
    %multiple_of3A_89 = tpu.assume_multiple %add3A_83, 8 : i32
    "tpu.region"() ({
      %run_scoped3A = tpu.sem_alloc : memref<!tpu.dma_semaphore, #tpu.memory_space<semaphore_mem>>
      %dma_start3A = arith.constant 0 : i32
      %dma_start3A_187 = tpu.memref_slice %arg11[%multiple_of3A_89, %dma_start3A] : memref<212992x4xf32, #tpu.memory_space<hbm>> -> memref<1664x4xf32, #tpu.memory_space<hbm>>
      %dma_start3A_188 = arith.constant 0 : i32
      %dma_start3A_189 = tpu.memref_slice %arg13[%mul3A_88, %dma_start3A_188] : memref<26632x4xf32, #tpu.memory_space<vmem_shared>> -> memref<1664x4xf32, #tpu.memory_space<vmem_shared>>
      tpu.enqueue_dma source(%dma_start3A_189 : memref<1664x4xf32, #tpu.memory_space<vmem_shared>>) target(%dma_start3A_187 : memref<1664x4xf32, #tpu.memory_space<hbm>>) target_semaphore(%run_scoped3A : memref<!tpu.dma_semaphore, #tpu.memory_space<semaphore_mem>>)
      %dma_wait3A = arith.constant 0 : i32
      %dma_wait3A_190 = tpu.memref_slice %arg11[%multiple_of3A_89, %dma_wait3A] : memref<212992x4xf32, #tpu.memory_space<hbm>> -> memref<1664x4xf32, #tpu.memory_space<hbm>>
      %dma_wait3A_191 = arith.constant 0 : i32
      %dma_wait3A_192 = tpu.memref_slice %arg13[%mul3A_88, %dma_wait3A_191] : memref<26632x4xf32, #tpu.memory_space<vmem_shared>> -> memref<1664x4xf32, #tpu.memory_space<vmem_shared>>
      tpu.wait_dma2 semaphore(%run_scoped3A : memref<!tpu.dma_semaphore, #tpu.memory_space<semaphore_mem>>) src(%dma_wait3A_192 : memref<1664x4xf32, #tpu.memory_space<vmem_shared>>) dst(%dma_wait3A_190 : memref<1664x4xf32, #tpu.memory_space<hbm>>)
      tpu.yield
    }) : () -> ()
    %barrier3A_90 = arith.constant 0 : index
    tpu.barrier barrier_id(%barrier3A_90)
    %mul3A_91 = arith.constant 1664 : i32
    %mul3A_92 = arith.muli %arg1, %mul3A_91 : i32
    "tpu.region"() ({
      %run_scoped3A = tpu.sem_alloc : memref<!tpu.dma_semaphore, #tpu.memory_space<semaphore_mem>>
      %dma_start3A = arith.constant 0 : i32
      %dma_start3A_187 = tpu.memref_slice %arg12[%mul3A_92, %dma_start3A] : memref<26632x64xf32, #tpu.memory_space<vmem_shared>> -> memref<1664x64xf32, #tpu.memory_space<vmem_shared>>
      tpu.enqueue_dma source(%arg8 : memref<1664x64xf32, #tpu.memory_space<hbm>>) target(%dma_start3A_187 : memref<1664x64xf32, #tpu.memory_space<vmem_shared>>) target_semaphore(%run_scoped3A : memref<!tpu.dma_semaphore, #tpu.memory_space<semaphore_mem>>)
      %dma_wait3A = arith.constant 0 : i32
      %dma_wait3A_188 = tpu.memref_slice %arg12[%mul3A_92, %dma_wait3A] : memref<26632x64xf32, #tpu.memory_space<vmem_shared>> -> memref<1664x64xf32, #tpu.memory_space<vmem_shared>>
      tpu.wait_dma2 semaphore(%run_scoped3A : memref<!tpu.dma_semaphore, #tpu.memory_space<semaphore_mem>>) src(%arg8 : memref<1664x64xf32, #tpu.memory_space<hbm>>) dst(%dma_wait3A_188 : memref<1664x64xf32, #tpu.memory_space<vmem_shared>>)
      tpu.yield
    }) : () -> ()
    %mul3A_93 = arith.constant 1664 : i32
    %mul3A_94 = arith.muli %arg1, %mul3A_93 : i32
    "tpu.region"() ({
      %run_scoped3A = tpu.sem_alloc : memref<!tpu.dma_semaphore, #tpu.memory_space<semaphore_mem>>
      %dma_start3A = arith.constant 0 : i32
      %dma_start3A_187 = tpu.memref_slice %arg13[%mul3A_94, %dma_start3A] : memref<26632x4xf32, #tpu.memory_space<vmem_shared>> -> memref<1664x4xf32, #tpu.memory_space<vmem_shared>>
      tpu.enqueue_dma source(%arg9 : memref<1664x4xf32, #tpu.memory_space<hbm>>) target(%dma_start3A_187 : memref<1664x4xf32, #tpu.memory_space<vmem_shared>>) target_semaphore(%run_scoped3A : memref<!tpu.dma_semaphore, #tpu.memory_space<semaphore_mem>>)
      %dma_wait3A = arith.constant 0 : i32
      %dma_wait3A_188 = tpu.memref_slice %arg13[%mul3A_94, %dma_wait3A] : memref<26632x4xf32, #tpu.memory_space<vmem_shared>> -> memref<1664x4xf32, #tpu.memory_space<vmem_shared>>
      tpu.wait_dma2 semaphore(%run_scoped3A : memref<!tpu.dma_semaphore, #tpu.memory_space<semaphore_mem>>) src(%arg9 : memref<1664x4xf32, #tpu.memory_space<hbm>>) dst(%dma_wait3A_188 : memref<1664x4xf32, #tpu.memory_space<vmem_shared>>)
      tpu.yield
    }) : () -> ()
    %eq3A_95 = arith.constant 0 : i32
    %eq3A_96 = arith.cmpi eq, %arg1, %eq3A_95 : i32
    %convert_element_type3A_97 = arith.extui %eq3A_96 : i1 to i32
    %cond3A_98 = arith.constant 0 : i32
    %cond3A_99 = arith.cmpi ne, %convert_element_type3A_97, %cond3A_98 : i32
    scf.if %cond3A_99 {
      "tpu.region"() ({
        %run_scoped3A = tpu.sem_alloc : memref<!tpu.dma_semaphore, #tpu.memory_space<semaphore_mem>>
        %dma_start3A = arith.constant 26624 : i32
        %dma_start3A_187 = arith.constant 0 : i32
        %dma_start3A_188 = tpu.memref_slice %arg12[%dma_start3A, %dma_start3A_187] : memref<26632x64xf32, #tpu.memory_space<vmem_shared>> -> memref<8x64xf32, #tpu.memory_space<vmem_shared>>
        %dma_start3A_189 = arith.constant 0 : i32
        %dma_start3A_190 = arith.constant 0 : i32
        %dma_start3A_191 = tpu.memref_slice %arg8[%dma_start3A_189, %dma_start3A_190] : memref<1664x64xf32, #tpu.memory_space<hbm>> -> memref<8x64xf32, #tpu.memory_space<hbm>>
        tpu.enqueue_dma source(%dma_start3A_191 : memref<8x64xf32, #tpu.memory_space<hbm>>) target(%dma_start3A_188 : memref<8x64xf32, #tpu.memory_space<vmem_shared>>) target_semaphore(%run_scoped3A : memref<!tpu.dma_semaphore, #tpu.memory_space<semaphore_mem>>)
        %dma_wait3A = arith.constant 26624 : i32
        %dma_wait3A_192 = arith.constant 0 : i32
        %dma_wait3A_193 = tpu.memref_slice %arg12[%dma_wait3A, %dma_wait3A_192] : memref<26632x64xf32, #tpu.memory_space<vmem_shared>> -> memref<8x64xf32, #tpu.memory_space<vmem_shared>>
        %dma_wait3A_194 = arith.constant 0 : i32
        %dma_wait3A_195 = arith.constant 0 : i32
        %dma_wait3A_196 = tpu.memref_slice %arg8[%dma_wait3A_194, %dma_wait3A_195] : memref<1664x64xf32, #tpu.memory_space<hbm>> -> memref<8x64xf32, #tpu.memory_space<hbm>>
        tpu.wait_dma2 semaphore(%run_scoped3A : memref<!tpu.dma_semaphore, #tpu.memory_space<semaphore_mem>>) src(%dma_wait3A_196 : memref<8x64xf32, #tpu.memory_space<hbm>>) dst(%dma_wait3A_193 : memref<8x64xf32, #tpu.memory_space<vmem_shared>>)
        tpu.yield
      }) : () -> ()
      "tpu.region"() ({
        %run_scoped3A = tpu.sem_alloc : memref<!tpu.dma_semaphore, #tpu.memory_space<semaphore_mem>>
        %dma_start3A = arith.constant 26624 : i32
        %dma_start3A_187 = arith.constant 0 : i32
        %dma_start3A_188 = tpu.memref_slice %arg13[%dma_start3A, %dma_start3A_187] : memref<26632x4xf32, #tpu.memory_space<vmem_shared>> -> memref<8x4xf32, #tpu.memory_space<vmem_shared>>
        %dma_start3A_189 = arith.constant 0 : i32
        %dma_start3A_190 = arith.constant 0 : i32
        %dma_start3A_191 = tpu.memref_slice %arg9[%dma_start3A_189, %dma_start3A_190] : memref<1664x4xf32, #tpu.memory_space<hbm>> -> memref<8x4xf32, #tpu.memory_space<hbm>>
        tpu.enqueue_dma source(%dma_start3A_191 : memref<8x4xf32, #tpu.memory_space<hbm>>) target(%dma_start3A_188 : memref<8x4xf32, #tpu.memory_space<vmem_shared>>) target_semaphore(%run_scoped3A : memref<!tpu.dma_semaphore, #tpu.memory_space<semaphore_mem>>)
        %dma_wait3A = arith.constant 26624 : i32
        %dma_wait3A_192 = arith.constant 0 : i32
        %dma_wait3A_193 = tpu.memref_slice %arg13[%dma_wait3A, %dma_wait3A_192] : memref<26632x4xf32, #tpu.memory_space<vmem_shared>> -> memref<8x4xf32, #tpu.memory_space<vmem_shared>>
        %dma_wait3A_194 = arith.constant 0 : i32
        %dma_wait3A_195 = arith.constant 0 : i32
        %dma_wait3A_196 = tpu.memref_slice %arg9[%dma_wait3A_194, %dma_wait3A_195] : memref<1664x4xf32, #tpu.memory_space<hbm>> -> memref<8x4xf32, #tpu.memory_space<hbm>>
        tpu.wait_dma2 semaphore(%run_scoped3A : memref<!tpu.dma_semaphore, #tpu.memory_space<semaphore_mem>>) src(%dma_wait3A_196 : memref<8x4xf32, #tpu.memory_space<hbm>>) dst(%dma_wait3A_193 : memref<8x4xf32, #tpu.memory_space<vmem_shared>>)
        tpu.yield
      }) : () -> ()
    } else {
    }
    %barrier3A_100 = arith.constant 0 : index
    tpu.barrier barrier_id(%barrier3A_100)
    %get3A_101 = arith.constant 2 : i32
    %get3A_102 = arith.index_cast %get3A_101 : i32 to index
    %get3A_103 = arith.constant 0 : index
    %get3A_104 = tpu.vector_load %arg14[%get3A_102, %get3A_103] {strides = array<i32>} : memref<4x64xf32, #tpu.memory_space<vmem>>, vector<16xf32>,
    %get3A_105 = arith.constant 2 : i32
    %get3A_106 = arith.index_cast %get3A_105 : i32 to index
    %get3A_107 = arith.constant 16 : index
    %get3A_108 = tpu.vector_load %arg14[%get3A_106, %get3A_107] {strides = array<i32>} : memref<4x64xf32, #tpu.memory_space<vmem>>, vector<16xf32>,
    %get3A_109 = arith.constant 2 : i32
    %get3A_110 = arith.index_cast %get3A_109 : i32 to index
    %get3A_111 = arith.constant 32 : index
    %get3A_112 = tpu.vector_load %arg14[%get3A_110, %get3A_111] {strides = array<i32>} : memref<4x64xf32, #tpu.memory_space<vmem>>, vector<16xf32>,
    %get3A_113 = arith.constant 2 : i32
    %get3A_114 = arith.index_cast %get3A_113 : i32 to index
    %get3A_115 = arith.constant 48 : index
    %get3A_116 = tpu.vector_load %arg14[%get3A_114, %get3A_115] {strides = array<i32>} : memref<4x64xf32, #tpu.memory_space<vmem>>, vector<16xf32>,
    %scan3A_117 = arith.constant 0 : i32
    %scan3A_118 = arith.constant 106496 : i32
    %scan3A_119 = arith.constant 0 : i32
    %scan3A_120 = arith.constant 96 : i32
    %scan3A_121 = arith.addi %scan3A_119, %scan3A_120 : i32
    %scan3A_122 = arith.constant 1 : i32
    scf.for %scan3A_187 = %scan3A_119 to %scan3A_121 step %scan3A_122  : i32 {
      %mul3A_188 = arith.constant 64 : i32
      %mul3A_189 = arith.muli %scan3A_187, %mul3A_188 : i32
      %add3A_190 = arith.addi %mul3A_0, %mul3A_189 : i32
      %multiple_of3A_191 = tpu.assume_multiple %add3A_190, 64 : i32
      "tpu.region"() ({
        %run_scoped3A = tpu.sem_alloc : memref<!tpu.dma_semaphore, #tpu.memory_space<semaphore_mem>>
        %dma_start3A_316 = tpu.memref_slice %arg5[%multiple_of3A_191] : memref<98304xi32, #tpu.memory_space<hbm>> -> memref<64xi32, #tpu.memory_space<hbm>>
        %dma_start3A_317 = tpu.memref_slice %arg5[%multiple_of3A_191] : memref<98304xi32, #tpu.memory_space<hbm>> -> memref<64xi32, #tpu.memory_space<hbm>>
        tpu.enqueue_dma source(%dma_start3A_317 : memref<64xi32, #tpu.memory_space<hbm>>) target(%arg15 : memref<64xi32, #tpu.memory_space<vmem>>) target_semaphore(%run_scoped3A : memref<!tpu.dma_semaphore, #tpu.memory_space<semaphore_mem>>)
        %dma_wait3A_318 = tpu.memref_slice %arg5[%multiple_of3A_191] : memref<98304xi32, #tpu.memory_space<hbm>> -> memref<64xi32, #tpu.memory_space<hbm>>
        %dma_wait3A_319 = tpu.memref_slice %arg5[%multiple_of3A_191] : memref<98304xi32, #tpu.memory_space<hbm>> -> memref<64xi32, #tpu.memory_space<hbm>>
        tpu.wait_dma2 semaphore(%run_scoped3A : memref<!tpu.dma_semaphore, #tpu.memory_space<semaphore_mem>>) src(%dma_wait3A_319 : memref<64xi32, #tpu.memory_space<hbm>>) dst(%arg15 : memref<64xi32, #tpu.memory_space<vmem>>)
        tpu.yield
      }) : () -> ()
      "tpu.region"() ({
        %run_scoped3A = tpu.sem_alloc : memref<!tpu.dma_semaphore, #tpu.memory_space<semaphore_mem>>
        %dma_start3A_316 = tpu.memref_slice %arg6[%multiple_of3A_191] : memref<98304xi32, #tpu.memory_space<hbm>> -> memref<64xi32, #tpu.memory_space<hbm>>
        %dma_start3A_317 = tpu.memref_slice %arg6[%multiple_of3A_191] : memref<98304xi32, #tpu.memory_space<hbm>> -> memref<64xi32, #tpu.memory_space<hbm>>
        tpu.enqueue_dma source(%dma_start3A_317 : memref<64xi32, #tpu.memory_space<hbm>>) target(%arg16 : memref<64xi32, #tpu.memory_space<vmem>>) target_semaphore(%run_scoped3A : memref<!tpu.dma_semaphore, #tpu.memory_space<semaphore_mem>>)
        %dma_wait3A_318 = tpu.memref_slice %arg6[%multiple_of3A_191] : memref<98304xi32, #tpu.memory_space<hbm>> -> memref<64xi32, #tpu.memory_space<hbm>>
        %dma_wait3A_319 = tpu.memref_slice %arg6[%multiple_of3A_191] : memref<98304xi32, #tpu.memory_space<hbm>> -> memref<64xi32, #tpu.memory_space<hbm>>
        tpu.wait_dma2 semaphore(%run_scoped3A : memref<!tpu.dma_semaphore, #tpu.memory_space<semaphore_mem>>) src(%dma_wait3A_319 : memref<64xi32, #tpu.memory_space<hbm>>) dst(%arg16 : memref<64xi32, #tpu.memory_space<vmem>>)
        tpu.yield
      }) : () -> ()
      %get3A_192 = arith.constant 0 : index
      %get3A_193 = tpu.vector_load %arg15[%get3A_192] {strides = array<i32>} : memref<64xi32, #tpu.memory_space<vmem>>, vector<16xi32>,
      %get3A_194 = arith.constant 0 : index
      %get3A_195 = tpu.vector_load %arg16[%get3A_194] {strides = array<i32>} : memref<64xi32, #tpu.memory_space<vmem>>, vector<16xi32>,
      %add3A_196 = vector.broadcast %scan3A_118 : i32 to vector<16xi32>
      %add3A_197 = arith.addi %get3A_193, %add3A_196 : vector<16xi32>
      %swap3A = arith.constant 0 : index
      %swap3A_198 = tpu.vector_load %arg17[%swap3A] {strides = array<i32>} : memref<64xi32, #tpu.memory_space<vmem>>, vector<16xi32>,
      tpu.vector_store %arg17[%swap3A], %add3A_197 {strides = array<i32>} : memref<64xi32, #tpu.memory_space<vmem>>, vector<16xi32>,
      %add3A_199 = vector.broadcast %scan3A_118 : i32 to vector<16xi32>
      %add3A_200 = arith.addi %get3A_195, %add3A_199 : vector<16xi32>
      %swap3A_201 = arith.constant 0 : index
      %swap3A_202 = tpu.vector_load %arg18[%swap3A_201] {strides = array<i32>} : memref<64xi32, #tpu.memory_space<vmem>>, vector<16xi32>,
      tpu.vector_store %arg18[%swap3A_201], %add3A_200 {strides = array<i32>} : memref<64xi32, #tpu.memory_space<vmem>>, vector<16xi32>,
      %mul3A_203 = arith.constant 26624 : i32
      %mul3A_204 = arith.muli %arg0, %mul3A_203 : i32
      %sub3A = vector.broadcast %mul3A_204 : i32 to vector<16xi32>
      %sub3A_205 = arith.subi %get3A_195, %sub3A : vector<16xi32>
      %ge3A = arith.constant 0 : i32
      %ge3A_206 = vector.broadcast %ge3A : i32 to vector<16xi32>
      %ge3A_207 = arith.cmpi sge, %sub3A_205, %ge3A_206 : vector<16xi32>
      %lt3A_208 = arith.constant 26624 : i32
      %lt3A_209 = vector.broadcast %lt3A_208 : i32 to vector<16xi32>
      %lt3A_210 = arith.cmpi slt, %sub3A_205, %lt3A_209 : vector<16xi32>
      %and3A = arith.andi %ge3A_207, %lt3A_210 : vector<16xi1>
      %jit3A = arith.constant 26624 : i32
      %broadcast_in_dim3A = vector.broadcast %jit3A : i32 to vector<16xi32>
      %select_n3A = arith.select %and3A, %sub3A_205, %broadcast_in_dim3A : vector<16xi1>, vector<16xi32>
      %swap3A_211 = arith.constant 0 : index
      %swap3A_212 = tpu.vector_load %arg19[%swap3A_211] {strides = array<i32>} : memref<64xi32, #tpu.memory_space<vmem>>, vector<16xi32>,
      tpu.vector_store %arg19[%swap3A_211], %select_n3A {strides = array<i32>} : memref<64xi32, #tpu.memory_space<vmem>>, vector<16xi32>,
      %get3A_213 = arith.constant 16 : index
      %get3A_214 = tpu.vector_load %arg15[%get3A_213] {strides = array<i32>} : memref<64xi32, #tpu.memory_space<vmem>>, vector<16xi32>,
      %get3A_215 = arith.constant 16 : index
      %get3A_216 = tpu.vector_load %arg16[%get3A_215] {strides = array<i32>} : memref<64xi32, #tpu.memory_space<vmem>>, vector<16xi32>,
      %add3A_217 = vector.broadcast %scan3A_118 : i32 to vector<16xi32>
      %add3A_218 = arith.addi %get3A_214, %add3A_217 : vector<16xi32>
      %swap3A_219 = arith.constant 16 : index
      %swap3A_220 = tpu.vector_load %arg17[%swap3A_219] {strides = array<i32>} : memref<64xi32, #tpu.memory_space<vmem>>, vector<16xi32>,
      tpu.vector_store %arg17[%swap3A_219], %add3A_218 {strides = array<i32>} : memref<64xi32, #tpu.memory_space<vmem>>, vector<16xi32>,
      %add3A_221 = vector.broadcast %scan3A_118 : i32 to vector<16xi32>
      %add3A_222 = arith.addi %get3A_216, %add3A_221 : vector<16xi32>
      %swap3A_223 = arith.constant 16 : index
      %swap3A_224 = tpu.vector_load %arg18[%swap3A_223] {strides = array<i32>} : memref<64xi32, #tpu.memory_space<vmem>>, vector<16xi32>,
      tpu.vector_store %arg18[%swap3A_223], %add3A_222 {strides = array<i32>} : memref<64xi32, #tpu.memory_space<vmem>>, vector<16xi32>,
      %mul3A_225 = arith.constant 26624 : i32
      %mul3A_226 = arith.muli %arg0, %mul3A_225 : i32
      %sub3A_227 = vector.broadcast %mul3A_226 : i32 to vector<16xi32>
      %sub3A_228 = arith.subi %get3A_216, %sub3A_227 : vector<16xi32>
      %ge3A_229 = arith.constant 0 : i32
      %ge3A_230 = vector.broadcast %ge3A_229 : i32 to vector<16xi32>
      %ge3A_231 = arith.cmpi sge, %sub3A_228, %ge3A_230 : vector<16xi32>
      %lt3A_232 = arith.constant 26624 : i32
      %lt3A_233 = vector.broadcast %lt3A_232 : i32 to vector<16xi32>
      %lt3A_234 = arith.cmpi slt, %sub3A_228, %lt3A_233 : vector<16xi32>
      %and3A_235 = arith.andi %ge3A_231, %lt3A_234 : vector<16xi1>
      %jit3A_236 = arith.constant 26624 : i32
      %broadcast_in_dim3A_237 = vector.broadcast %jit3A_236 : i32 to vector<16xi32>
      %select_n3A_238 = arith.select %and3A_235, %sub3A_228, %broadcast_in_dim3A_237 : vector<16xi1>, vector<16xi32>
      %swap3A_239 = arith.constant 16 : index
      %swap3A_240 = tpu.vector_load %arg19[%swap3A_239] {strides = array<i32>} : memref<64xi32, #tpu.memory_space<vmem>>, vector<16xi32>,
      tpu.vector_store %arg19[%swap3A_239], %select_n3A_238 {strides = array<i32>} : memref<64xi32, #tpu.memory_space<vmem>>, vector<16xi32>,
      %get3A_241 = arith.constant 32 : index
      %get3A_242 = tpu.vector_load %arg15[%get3A_241] {strides = array<i32>} : memref<64xi32, #tpu.memory_space<vmem>>, vector<16xi32>,
      %get3A_243 = arith.constant 32 : index
      %get3A_244 = tpu.vector_load %arg16[%get3A_243] {strides = array<i32>} : memref<64xi32, #tpu.memory_space<vmem>>, vector<16xi32>,
      %add3A_245 = vector.broadcast %scan3A_118 : i32 to vector<16xi32>
      %add3A_246 = arith.addi %get3A_242, %add3A_245 : vector<16xi32>
      %swap3A_247 = arith.constant 32 : index
      %swap3A_248 = tpu.vector_load %arg17[%swap3A_247] {strides = array<i32>} : memref<64xi32, #tpu.memory_space<vmem>>, vector<16xi32>,
      tpu.vector_store %arg17[%swap3A_247], %add3A_246 {strides = array<i32>} : memref<64xi32, #tpu.memory_space<vmem>>, vector<16xi32>,
      %add3A_249 = vector.broadcast %scan3A_118 : i32 to vector<16xi32>
      %add3A_250 = arith.addi %get3A_244, %add3A_249 : vector<16xi32>
      %swap3A_251 = arith.constant 32 : index
      %swap3A_252 = tpu.vector_load %arg18[%swap3A_251] {strides = array<i32>} : memref<64xi32, #tpu.memory_space<vmem>>, vector<16xi32>,
      tpu.vector_store %arg18[%swap3A_251], %add3A_250 {strides = array<i32>} : memref<64xi32, #tpu.memory_space<vmem>>, vector<16xi32>,
      %mul3A_253 = arith.constant 26624 : i32
      %mul3A_254 = arith.muli %arg0, %mul3A_253 : i32
      %sub3A_255 = vector.broadcast %mul3A_254 : i32 to vector<16xi32>
      %sub3A_256 = arith.subi %get3A_244, %sub3A_255 : vector<16xi32>
      %ge3A_257 = arith.constant 0 : i32
      %ge3A_258 = vector.broadcast %ge3A_257 : i32 to vector<16xi32>
      %ge3A_259 = arith.cmpi sge, %sub3A_256, %ge3A_258 : vector<16xi32>
      %lt3A_260 = arith.constant 26624 : i32
      %lt3A_261 = vector.broadcast %lt3A_260 : i32 to vector<16xi32>
      %lt3A_262 = arith.cmpi slt, %sub3A_256, %lt3A_261 : vector<16xi32>
      %and3A_263 = arith.andi %ge3A_259, %lt3A_262 : vector<16xi1>
      %jit3A_264 = arith.constant 26624 : i32
      %broadcast_in_dim3A_265 = vector.broadcast %jit3A_264 : i32 to vector<16xi32>
      %select_n3A_266 = arith.select %and3A_263, %sub3A_256, %broadcast_in_dim3A_265 : vector<16xi1>, vector<16xi32>
      %swap3A_267 = arith.constant 32 : index
      %swap3A_268 = tpu.vector_load %arg19[%swap3A_267] {strides = array<i32>} : memref<64xi32, #tpu.memory_space<vmem>>, vector<16xi32>,
      tpu.vector_store %arg19[%swap3A_267], %select_n3A_266 {strides = array<i32>} : memref<64xi32, #tpu.memory_space<vmem>>, vector<16xi32>,
      %get3A_269 = arith.constant 48 : index
      %get3A_270 = tpu.vector_load %arg15[%get3A_269] {strides = array<i32>} : memref<64xi32, #tpu.memory_space<vmem>>, vector<16xi32>,
      %get3A_271 = arith.constant 48 : index
      %get3A_272 = tpu.vector_load %arg16[%get3A_271] {strides = array<i32>} : memref<64xi32, #tpu.memory_space<vmem>>, vector<16xi32>,
      %add3A_273 = vector.broadcast %scan3A_118 : i32 to vector<16xi32>
      %add3A_274 = arith.addi %get3A_270, %add3A_273 : vector<16xi32>
      %swap3A_275 = arith.constant 48 : index
      %swap3A_276 = tpu.vector_load %arg17[%swap3A_275] {strides = array<i32>} : memref<64xi32, #tpu.memory_space<vmem>>, vector<16xi32>,
      tpu.vector_store %arg17[%swap3A_275], %add3A_274 {strides = array<i32>} : memref<64xi32, #tpu.memory_space<vmem>>, vector<16xi32>,
      %add3A_277 = vector.broadcast %scan3A_118 : i32 to vector<16xi32>
      %add3A_278 = arith.addi %get3A_272, %add3A_277 : vector<16xi32>
      %swap3A_279 = arith.constant 48 : index
      %swap3A_280 = tpu.vector_load %arg18[%swap3A_279] {strides = array<i32>} : memref<64xi32, #tpu.memory_space<vmem>>, vector<16xi32>,
      tpu.vector_store %arg18[%swap3A_279], %add3A_278 {strides = array<i32>} : memref<64xi32, #tpu.memory_space<vmem>>, vector<16xi32>,
      %mul3A_281 = arith.constant 26624 : i32
      %mul3A_282 = arith.muli %arg0, %mul3A_281 : i32
      %sub3A_283 = vector.broadcast %mul3A_282 : i32 to vector<16xi32>
      %sub3A_284 = arith.subi %get3A_272, %sub3A_283 : vector<16xi32>
      %ge3A_285 = arith.constant 0 : i32
      %ge3A_286 = vector.broadcast %ge3A_285 : i32 to vector<16xi32>
      %ge3A_287 = arith.cmpi sge, %sub3A_284, %ge3A_286 : vector<16xi32>
      %lt3A_288 = arith.constant 26624 : i32
      %lt3A_289 = vector.broadcast %lt3A_288 : i32 to vector<16xi32>
      %lt3A_290 = arith.cmpi slt, %sub3A_284, %lt3A_289 : vector<16xi32>
      %and3A_291 = arith.andi %ge3A_287, %lt3A_290 : vector<16xi1>
      %jit3A_292 = arith.constant 26624 : i32
      %broadcast_in_dim3A_293 = vector.broadcast %jit3A_292 : i32 to vector<16xi32>
      %select_n3A_294 = arith.select %and3A_291, %sub3A_284, %broadcast_in_dim3A_293 : vector<16xi1>, vector<16xi32>
      %swap3A_295 = arith.constant 48 : index
      %swap3A_296 = tpu.vector_load %arg19[%swap3A_295] {strides = array<i32>} : memref<64xi32, #tpu.memory_space<vmem>>, vector<16xi32>,
      tpu.vector_store %arg19[%swap3A_295], %select_n3A_294 {strides = array<i32>} : memref<64xi32, #tpu.memory_space<vmem>>, vector<16xi32>,
      %dma_start3A = arith.constant 0 : i32
      %dma_start3A_297 = arith.constant 0 : i32
      %dma_start3A_298 = tpu.memref_slice %arg2[%dma_start3A, %dma_start3A_297] : memref<212992x64xf32, #tpu.memory_space<hbm>> -> memref<212992x64xf32, #tpu.memory_space<hbm>>
      tpu.enqueue_indirect_dma source(%dma_start3A_298 : memref<212992x64xf32, #tpu.memory_space<hbm>>) target(%arg20 : memref<64x64xf32, #tpu.memory_space<vmem>>) offsets(%arg17 : memref<64xi32, #tpu.memory_space<vmem>>) semaphore(%arg26 : memref<!tpu.dma_semaphore, #tpu.memory_space<semaphore_mem>>)
      %dma_start3A_299 = arith.constant 0 : i32
      %dma_start3A_300 = arith.constant 0 : i32
      %dma_start3A_301 = tpu.memref_slice %arg3[%dma_start3A_299, %dma_start3A_300] : memref<212992x64xf32, #tpu.memory_space<hbm>> -> memref<212992x64xf32, #tpu.memory_space<hbm>>
      tpu.enqueue_indirect_dma source(%dma_start3A_301 : memref<212992x64xf32, #tpu.memory_space<hbm>>) target(%arg21 : memref<64x64xf32, #tpu.memory_space<vmem>>) offsets(%arg18 : memref<64xi32, #tpu.memory_space<vmem>>) semaphore(%arg27 : memref<!tpu.dma_semaphore, #tpu.memory_space<semaphore_mem>>)
      %add3A_302 = arith.constant 196608 : i32
      %add3A_303 = arith.addi %multiple_of3A_191, %add3A_302 : i32
      %multiple_of3A_304 = tpu.assume_multiple %add3A_303, 64 : i32
      "tpu.region"() ({
        %run_scoped3A = tpu.sem_alloc : memref<!tpu.dma_semaphore, #tpu.memory_space<semaphore_mem>>
        %dma_start3A_316 = arith.constant 0 : i32
        %dma_start3A_317 = tpu.memref_slice %arg4[%multiple_of3A_304, %dma_start3A_316] : memref<393216x64xf32, #tpu.memory_space<hbm>> -> memref<64x64xf32, #tpu.memory_space<hbm>>
        %dma_start3A_318 = arith.constant 0 : i32
        %dma_start3A_319 = tpu.memref_slice %arg4[%multiple_of3A_304, %dma_start3A_318] : memref<393216x64xf32, #tpu.memory_space<hbm>> -> memref<64x64xf32, #tpu.memory_space<hbm>>
        tpu.enqueue_dma source(%dma_start3A_319 : memref<64x64xf32, #tpu.memory_space<hbm>>) target(%arg22 : memref<64x64xf32, #tpu.memory_space<vmem>>) target_semaphore(%run_scoped3A : memref<!tpu.dma_semaphore, #tpu.memory_space<semaphore_mem>>)
        %dma_wait3A_320 = arith.constant 0 : i32
        %dma_wait3A_321 = tpu.memref_slice %arg4[%multiple_of3A_304, %dma_wait3A_320] : memref<393216x64xf32, #tpu.memory_space<hbm>> -> memref<64x64xf32, #tpu.memory_space<hbm>>
        %dma_wait3A_322 = arith.constant 0 : i32
        %dma_wait3A_323 = tpu.memref_slice %arg4[%multiple_of3A_304, %dma_wait3A_322] : memref<393216x64xf32, #tpu.memory_space<hbm>> -> memref<64x64xf32, #tpu.memory_space<hbm>>
        tpu.wait_dma2 semaphore(%run_scoped3A : memref<!tpu.dma_semaphore, #tpu.memory_space<semaphore_mem>>) src(%dma_wait3A_323 : memref<64x64xf32, #tpu.memory_space<hbm>>) dst(%arg22 : memref<64x64xf32, #tpu.memory_space<vmem>>)
        tpu.yield
      }) : () -> ()
      %dma_wait3A = arith.constant 0 : i32
      %dma_wait3A_305 = arith.constant 0 : i32
      %dma_wait3A_306 = tpu.memref_slice %arg2[%dma_wait3A, %dma_wait3A_305] : memref<212992x64xf32, #tpu.memory_space<hbm>> -> memref<212992x64xf32, #tpu.memory_space<hbm>>
      tpu.wait_indirect_dma semaphore(%arg26 : memref<!tpu.dma_semaphore, #tpu.memory_space<semaphore_mem>>) src(%dma_wait3A_306 : memref<212992x64xf32, #tpu.memory_space<hbm>>) dst(%arg20 : memref<64x64xf32, #tpu.memory_space<vmem>>)
      %dma_wait3A_307 = arith.constant 0 : i32
      %dma_wait3A_308 = arith.constant 0 : i32
      %dma_wait3A_309 = tpu.memref_slice %arg3[%dma_wait3A_307, %dma_wait3A_308] : memref<212992x64xf32, #tpu.memory_space<hbm>> -> memref<212992x64xf32, #tpu.memory_space<hbm>>
      tpu.wait_indirect_dma semaphore(%arg27 : memref<!tpu.dma_semaphore, #tpu.memory_space<semaphore_mem>>) src(%dma_wait3A_309 : memref<212992x64xf32, #tpu.memory_space<hbm>>) dst(%arg21 : memref<64x64xf32, #tpu.memory_space<vmem>>)
      %scan3A_310 = arith.constant 0 : i32
      %scan3A_311 = arith.constant 0 : i32
      %scan3A_312 = arith.constant 64 : i32
      %scan3A_313 = arith.addi %scan3A_311, %scan3A_312 : i32
      %scan3A_314 = arith.constant 2 : i32
      scf.for %scan3A_316 = %scan3A_311 to %scan3A_313 step %scan3A_314  : i32 {
        %broadcast_in_dim3A_317 = arith.constant 0.000000e+00 : f32
        %broadcast_in_dim3A_318 = vector.broadcast %broadcast_in_dim3A_317 : f32 to vector<16xf32>
        %get3A_319 = arith.index_cast %scan3A_316 : i32 to index
        %get3A_320 = arith.constant 0 : index
        %get3A_321 = tpu.vector_load %arg20[%get3A_319, %get3A_320] {strides = array<i32>} : memref<64x64xf32, #tpu.memory_space<vmem>>, vector<16xf32>,
        %get3A_322 = arith.index_cast %scan3A_316 : i32 to index
        %get3A_323 = arith.constant 0 : index
        %get3A_324 = tpu.vector_load %arg21[%get3A_322, %get3A_323] {strides = array<i32>} : memref<64x64xf32, #tpu.memory_space<vmem>>, vector<16xf32>,
        %add3A_325 = arith.addf %get3A_321, %get3A_324 : vector<16xf32>
        %get3A_326 = arith.index_cast %scan3A_316 : i32 to index
        %get3A_327 = arith.constant 0 : index
        %get3A_328 = tpu.vector_load %arg22[%get3A_326, %get3A_327] {strides = array<i32>} : memref<64x64xf32, #tpu.memory_space<vmem>>, vector<16xf32>,
        %add3A_329 = arith.addf %add3A_325, %get3A_328 : vector<16xf32>
        %ge3A_330 = arith.constant 0.000000e+00 : f32
        %ge3A_331 = vector.broadcast %ge3A_330 : f32 to vector<16xf32>
        %ge3A_332 = arith.cmpf oge, %add3A_329, %ge3A_331 : vector<16xf32>
        %mul3A_333 = arith.constant 2.000000e-01 : f32
        %mul3A_334 = vector.broadcast %mul3A_333 : f32 to vector<16xf32>
        %mul3A_335 = arith.mulf %mul3A_334, %add3A_329 : vector<16xf32>
        %select_n3A_336 = arith.select %ge3A_332, %add3A_329, %mul3A_335 : vector<16xi1>, vector<16xf32>
        %mul3A_337 = arith.mulf %select_n3A_336, %get3A_104 : vector<16xf32>
        %add3A_338 = arith.addf %broadcast_in_dim3A_318, %mul3A_337 : vector<16xf32>
        %get3A_339 = arith.index_cast %scan3A_316 : i32 to index
        %get3A_340 = arith.constant 16 : index
        %get3A_341 = tpu.vector_load %arg20[%get3A_339, %get3A_340] {strides = array<i32>} : memref<64x64xf32, #tpu.memory_space<vmem>>, vector<16xf32>,
        %get3A_342 = arith.index_cast %scan3A_316 : i32 to index
        %get3A_343 = arith.constant 16 : index
        %get3A_344 = tpu.vector_load %arg21[%get3A_342, %get3A_343] {strides = array<i32>} : memref<64x64xf32, #tpu.memory_space<vmem>>, vector<16xf32>,
        %add3A_345 = arith.addf %get3A_341, %get3A_344 : vector<16xf32>
        %get3A_346 = arith.index_cast %scan3A_316 : i32 to index
        %get3A_347 = arith.constant 16 : index
        %get3A_348 = tpu.vector_load %arg22[%get3A_346, %get3A_347] {strides = array<i32>} : memref<64x64xf32, #tpu.memory_space<vmem>>, vector<16xf32>,
        %add3A_349 = arith.addf %add3A_345, %get3A_348 : vector<16xf32>
        %ge3A_350 = arith.constant 0.000000e+00 : f32
        %ge3A_351 = vector.broadcast %ge3A_350 : f32 to vector<16xf32>
        %ge3A_352 = arith.cmpf oge, %add3A_349, %ge3A_351 : vector<16xf32>
        %mul3A_353 = arith.constant 2.000000e-01 : f32
        %mul3A_354 = vector.broadcast %mul3A_353 : f32 to vector<16xf32>
        %mul3A_355 = arith.mulf %mul3A_354, %add3A_349 : vector<16xf32>
        %select_n3A_356 = arith.select %ge3A_352, %add3A_349, %mul3A_355 : vector<16xi1>, vector<16xf32>
        %mul3A_357 = arith.mulf %select_n3A_356, %get3A_108 : vector<16xf32>
        %add3A_358 = arith.addf %add3A_338, %mul3A_357 : vector<16xf32>
        %get3A_359 = arith.index_cast %scan3A_316 : i32 to index
        %get3A_360 = arith.constant 32 : index
        %get3A_361 = tpu.vector_load %arg20[%get3A_359, %get3A_360] {strides = array<i32>} : memref<64x64xf32, #tpu.memory_space<vmem>>, vector<16xf32>,
        %get3A_362 = arith.index_cast %scan3A_316 : i32 to index
        %get3A_363 = arith.constant 32 : index
        %get3A_364 = tpu.vector_load %arg21[%get3A_362, %get3A_363] {strides = array<i32>} : memref<64x64xf32, #tpu.memory_space<vmem>>, vector<16xf32>,
        %add3A_365 = arith.addf %get3A_361, %get3A_364 : vector<16xf32>
        %get3A_366 = arith.index_cast %scan3A_316 : i32 to index
        %get3A_367 = arith.constant 32 : index
        %get3A_368 = tpu.vector_load %arg22[%get3A_366, %get3A_367] {strides = array<i32>} : memref<64x64xf32, #tpu.memory_space<vmem>>, vector<16xf32>,
        %add3A_369 = arith.addf %add3A_365, %get3A_368 : vector<16xf32>
        %ge3A_370 = arith.constant 0.000000e+00 : f32
        %ge3A_371 = vector.broadcast %ge3A_370 : f32 to vector<16xf32>
        %ge3A_372 = arith.cmpf oge, %add3A_369, %ge3A_371 : vector<16xf32>
        %mul3A_373 = arith.constant 2.000000e-01 : f32
        %mul3A_374 = vector.broadcast %mul3A_373 : f32 to vector<16xf32>
        %mul3A_375 = arith.mulf %mul3A_374, %add3A_369 : vector<16xf32>
        %select_n3A_376 = arith.select %ge3A_372, %add3A_369, %mul3A_375 : vector<16xi1>, vector<16xf32>
        %mul3A_377 = arith.mulf %select_n3A_376, %get3A_112 : vector<16xf32>
        %add3A_378 = arith.addf %add3A_358, %mul3A_377 : vector<16xf32>
        %get3A_379 = arith.index_cast %scan3A_316 : i32 to index
        %get3A_380 = arith.constant 48 : index
        %get3A_381 = tpu.vector_load %arg20[%get3A_379, %get3A_380] {strides = array<i32>} : memref<64x64xf32, #tpu.memory_space<vmem>>, vector<16xf32>,
        %get3A_382 = arith.index_cast %scan3A_316 : i32 to index
        %get3A_383 = arith.constant 48 : index
        %get3A_384 = tpu.vector_load %arg21[%get3A_382, %get3A_383] {strides = array<i32>} : memref<64x64xf32, #tpu.memory_space<vmem>>, vector<16xf32>,
        %add3A_385 = arith.addf %get3A_381, %get3A_384 : vector<16xf32>
        %get3A_386 = arith.index_cast %scan3A_316 : i32 to index
        %get3A_387 = arith.constant 48 : index
        %get3A_388 = tpu.vector_load %arg22[%get3A_386, %get3A_387] {strides = array<i32>} : memref<64x64xf32, #tpu.memory_space<vmem>>, vector<16xf32>,
        %add3A_389 = arith.addf %add3A_385, %get3A_388 : vector<16xf32>
        %ge3A_390 = arith.constant 0.000000e+00 : f32
        %ge3A_391 = vector.broadcast %ge3A_390 : f32 to vector<16xf32>
        %ge3A_392 = arith.cmpf oge, %add3A_389, %ge3A_391 : vector<16xf32>
        %mul3A_393 = arith.constant 2.000000e-01 : f32
        %mul3A_394 = vector.broadcast %mul3A_393 : f32 to vector<16xf32>
        %mul3A_395 = arith.mulf %mul3A_394, %add3A_389 : vector<16xf32>
        %select_n3A_396 = arith.select %ge3A_392, %add3A_389, %mul3A_395 : vector<16xi1>, vector<16xf32>
        %mul3A_397 = arith.mulf %select_n3A_396, %get3A_116 : vector<16xf32>
        %add3A_398 = arith.addf %add3A_378, %mul3A_397 : vector<16xf32>
        %swap3A_399 = arith.constant 0 : index
        %swap3A_400 = tpu.vector_load %arg25[%swap3A_399] {strides = array<i32>} : memref<16xf32, #tpu.memory_space<vmem>>, vector<16xf32>,
        tpu.vector_store %arg25[%swap3A_399], %add3A_398 {strides = array<i32>} : memref<16xf32, #tpu.memory_space<vmem>>, vector<16xf32>,
        %xor3A = arith.constant 1 : i32
        %xor3A_401 = vector.broadcast %xor3A : i32 to vector<16xi32>
        %xor3A_402 = arith.xori %iota3A, %xor3A_401 : vector<16xi32>
        %gather3A = tpu.vector_load_idx %arg25[%xor3A_402] : memref<16xf32, #tpu.memory_space<vmem>>[vector<16xi32>], vector<16xf32>,
        %add3A_403 = arith.addf %add3A_398, %gather3A : vector<16xf32>
        %swap3A_404 = arith.constant 0 : index
        %swap3A_405 = tpu.vector_load %arg25[%swap3A_404] {strides = array<i32>} : memref<16xf32, #tpu.memory_space<vmem>>, vector<16xf32>,
        tpu.vector_store %arg25[%swap3A_404], %add3A_403 {strides = array<i32>} : memref<16xf32, #tpu.memory_space<vmem>>, vector<16xf32>,
        %xor3A_406 = arith.constant 2 : i32
        %xor3A_407 = vector.broadcast %xor3A_406 : i32 to vector<16xi32>
        %xor3A_408 = arith.xori %iota3A, %xor3A_407 : vector<16xi32>
        %gather3A_409 = tpu.vector_load_idx %arg25[%xor3A_408] : memref<16xf32, #tpu.memory_space<vmem>>[vector<16xi32>], vector<16xf32>,
        %add3A_410 = arith.addf %add3A_403, %gather3A_409 : vector<16xf32>
        %swap3A_411 = arith.constant 0 : index
        %swap3A_412 = tpu.vector_load %arg25[%swap3A_411] {strides = array<i32>} : memref<16xf32, #tpu.memory_space<vmem>>, vector<16xf32>,
        tpu.vector_store %arg25[%swap3A_411], %add3A_410 {strides = array<i32>} : memref<16xf32, #tpu.memory_space<vmem>>, vector<16xf32>,
        %xor3A_413 = arith.constant 4 : i32
        %xor3A_414 = vector.broadcast %xor3A_413 : i32 to vector<16xi32>
        %xor3A_415 = arith.xori %iota3A, %xor3A_414 : vector<16xi32>
        %gather3A_416 = tpu.vector_load_idx %arg25[%xor3A_415] : memref<16xf32, #tpu.memory_space<vmem>>[vector<16xi32>], vector<16xf32>,
        %add3A_417 = arith.addf %add3A_410, %gather3A_416 : vector<16xf32>
        %swap3A_418 = arith.constant 0 : index
        %swap3A_419 = tpu.vector_load %arg25[%swap3A_418] {strides = array<i32>} : memref<16xf32, #tpu.memory_space<vmem>>, vector<16xf32>,
        tpu.vector_store %arg25[%swap3A_418], %add3A_417 {strides = array<i32>} : memref<16xf32, #tpu.memory_space<vmem>>, vector<16xf32>,
        %xor3A_420 = arith.constant 8 : i32
        %xor3A_421 = vector.broadcast %xor3A_420 : i32 to vector<16xi32>
        %xor3A_422 = arith.xori %iota3A, %xor3A_421 : vector<16xi32>
        %gather3A_423 = tpu.vector_load_idx %arg25[%xor3A_422] : memref<16xf32, #tpu.memory_space<vmem>>[vector<16xi32>], vector<16xf32>,
        %add3A_424 = arith.addf %add3A_417, %gather3A_423 : vector<16xf32>
        %exp3A = math.exp %add3A_424 : vector<16xf32>
        %mul3A_425 = arith.mulf %get3A_321, %exp3A : vector<16xf32>
        %swap3A_426 = arith.index_cast %scan3A_316 : i32 to index
        %swap3A_427 = arith.constant 0 : index
        %swap3A_428 = tpu.vector_load %arg23[%swap3A_426, %swap3A_427] {strides = array<i32>} : memref<64x64xf32, #tpu.memory_space<vmem>>, vector<16xf32>,
        tpu.vector_store %arg23[%swap3A_426, %swap3A_427], %mul3A_425 {strides = array<i32>} : memref<64x64xf32, #tpu.memory_space<vmem>>, vector<16xf32>,
        %mul3A_429 = arith.mulf %get3A_341, %exp3A : vector<16xf32>
        %swap3A_430 = arith.index_cast %scan3A_316 : i32 to index
        %swap3A_431 = arith.constant 16 : index
        %swap3A_432 = tpu.vector_load %arg23[%swap3A_430, %swap3A_431] {strides = array<i32>} : memref<64x64xf32, #tpu.memory_space<vmem>>, vector<16xf32>,
        tpu.vector_store %arg23[%swap3A_430, %swap3A_431], %mul3A_429 {strides = array<i32>} : memref<64x64xf32, #tpu.memory_space<vmem>>, vector<16xf32>,
        %mul3A_433 = arith.mulf %get3A_361, %exp3A : vector<16xf32>
        %swap3A_434 = arith.index_cast %scan3A_316 : i32 to index
        %swap3A_435 = arith.constant 32 : index
        %swap3A_436 = tpu.vector_load %arg23[%swap3A_434, %swap3A_435] {strides = array<i32>} : memref<64x64xf32, #tpu.memory_space<vmem>>, vector<16xf32>,
        tpu.vector_store %arg23[%swap3A_434, %swap3A_435], %mul3A_433 {strides = array<i32>} : memref<64x64xf32, #tpu.memory_space<vmem>>, vector<16xf32>,
        %mul3A_437 = arith.mulf %get3A_381, %exp3A : vector<16xf32>
        %swap3A_438 = arith.index_cast %scan3A_316 : i32 to index
        %swap3A_439 = arith.constant 48 : index
        %swap3A_440 = tpu.vector_load %arg23[%swap3A_438, %swap3A_439] {strides = array<i32>} : memref<64x64xf32, #tpu.memory_space<vmem>>, vector<16xf32>,
        tpu.vector_store %arg23[%swap3A_438, %swap3A_439], %mul3A_437 {strides = array<i32>} : memref<64x64xf32, #tpu.memory_space<vmem>>, vector<16xf32>,
        %broadcast_in_dim3A_441 = vector.broadcast %scan3A_316 : i32 to vector<16xi32>
        tpu.vector_store_idx %arg24[%broadcast_in_dim3A_441, %iota3A], %exp3A masked %lt3A_2 : memref<64x4xf32, #tpu.memory_space<vmem>>[vector<16xi32>, vector<16xi32>], vector<16xf32>, vector<16xi1>
        %scan3A_442 = arith.constant 1 : i32
        %scan3A_443 = arith.addi %scan3A_316, %scan3A_442 : i32
        %broadcast_in_dim3A_444 = arith.constant 0.000000e+00 : f32
        %broadcast_in_dim3A_445 = vector.broadcast %broadcast_in_dim3A_444 : f32 to vector<16xf32>
        %get3A_446 = arith.index_cast %scan3A_443 : i32 to index
        %get3A_447 = arith.constant 0 : index
        %get3A_448 = tpu.vector_load %arg20[%get3A_446, %get3A_447] {strides = array<i32>} : memref<64x64xf32, #tpu.memory_space<vmem>>, vector<16xf32>,
        %get3A_449 = arith.index_cast %scan3A_443 : i32 to index
        %get3A_450 = arith.constant 0 : index
        %get3A_451 = tpu.vector_load %arg21[%get3A_449, %get3A_450] {strides = array<i32>} : memref<64x64xf32, #tpu.memory_space<vmem>>, vector<16xf32>,
        %add3A_452 = arith.addf %get3A_448, %get3A_451 : vector<16xf32>
        %get3A_453 = arith.index_cast %scan3A_443 : i32 to index
        %get3A_454 = arith.constant 0 : index
        %get3A_455 = tpu.vector_load %arg22[%get3A_453, %get3A_454] {strides = array<i32>} : memref<64x64xf32, #tpu.memory_space<vmem>>, vector<16xf32>,
        %add3A_456 = arith.addf %add3A_452, %get3A_455 : vector<16xf32>
        %ge3A_457 = arith.constant 0.000000e+00 : f32
        %ge3A_458 = vector.broadcast %ge3A_457 : f32 to vector<16xf32>
        %ge3A_459 = arith.cmpf oge, %add3A_456, %ge3A_458 : vector<16xf32>
        %mul3A_460 = arith.constant 2.000000e-01 : f32
        %mul3A_461 = vector.broadcast %mul3A_460 : f32 to vector<16xf32>
        %mul3A_462 = arith.mulf %mul3A_461, %add3A_456 : vector<16xf32>
        %select_n3A_463 = arith.select %ge3A_459, %add3A_456, %mul3A_462 : vector<16xi1>, vector<16xf32>
        %mul3A_464 = arith.mulf %select_n3A_463, %get3A_104 : vector<16xf32>
        %add3A_465 = arith.addf %broadcast_in_dim3A_445, %mul3A_464 : vector<16xf32>
        %get3A_466 = arith.index_cast %scan3A_443 : i32 to index
        %get3A_467 = arith.constant 16 : index
        %get3A_468 = tpu.vector_load %arg20[%get3A_466, %get3A_467] {strides = array<i32>} : memref<64x64xf32, #tpu.memory_space<vmem>>, vector<16xf32>,
        %get3A_469 = arith.index_cast %scan3A_443 : i32 to index
        %get3A_470 = arith.constant 16 : index
        %get3A_471 = tpu.vector_load %arg21[%get3A_469, %get3A_470] {strides = array<i32>} : memref<64x64xf32, #tpu.memory_space<vmem>>, vector<16xf32>,
        %add3A_472 = arith.addf %get3A_468, %get3A_471 : vector<16xf32>
        %get3A_473 = arith.index_cast %scan3A_443 : i32 to index
        %get3A_474 = arith.constant 16 : index
        %get3A_475 = tpu.vector_load %arg22[%get3A_473, %get3A_474] {strides = array<i32>} : memref<64x64xf32, #tpu.memory_space<vmem>>, vector<16xf32>,
        %add3A_476 = arith.addf %add3A_472, %get3A_475 : vector<16xf32>
        %ge3A_477 = arith.constant 0.000000e+00 : f32
        %ge3A_478 = vector.broadcast %ge3A_477 : f32 to vector<16xf32>
        %ge3A_479 = arith.cmpf oge, %add3A_476, %ge3A_478 : vector<16xf32>
        %mul3A_480 = arith.constant 2.000000e-01 : f32
        %mul3A_481 = vector.broadcast %mul3A_480 : f32 to vector<16xf32>
        %mul3A_482 = arith.mulf %mul3A_481, %add3A_476 : vector<16xf32>
        %select_n3A_483 = arith.select %ge3A_479, %add3A_476, %mul3A_482 : vector<16xi1>, vector<16xf32>
        %mul3A_484 = arith.mulf %select_n3A_483, %get3A_108 : vector<16xf32>
        %add3A_485 = arith.addf %add3A_465, %mul3A_484 : vector<16xf32>
        %get3A_486 = arith.index_cast %scan3A_443 : i32 to index
        %get3A_487 = arith.constant 32 : index
        %get3A_488 = tpu.vector_load %arg20[%get3A_486, %get3A_487] {strides = array<i32>} : memref<64x64xf32, #tpu.memory_space<vmem>>, vector<16xf32>,
        %get3A_489 = arith.index_cast %scan3A_443 : i32 to index
        %get3A_490 = arith.constant 32 : index
        %get3A_491 = tpu.vector_load %arg21[%get3A_489, %get3A_490] {strides = array<i32>} : memref<64x64xf32, #tpu.memory_space<vmem>>, vector<16xf32>,
        %add3A_492 = arith.addf %get3A_488, %get3A_491 : vector<16xf32>
        %get3A_493 = arith.index_cast %scan3A_443 : i32 to index
        %get3A_494 = arith.constant 32 : index
        %get3A_495 = tpu.vector_load %arg22[%get3A_493, %get3A_494] {strides = array<i32>} : memref<64x64xf32, #tpu.memory_space<vmem>>, vector<16xf32>,
        %add3A_496 = arith.addf %add3A_492, %get3A_495 : vector<16xf32>
        %ge3A_497 = arith.constant 0.000000e+00 : f32
        %ge3A_498 = vector.broadcast %ge3A_497 : f32 to vector<16xf32>
        %ge3A_499 = arith.cmpf oge, %add3A_496, %ge3A_498 : vector<16xf32>
        %mul3A_500 = arith.constant 2.000000e-01 : f32
        %mul3A_501 = vector.broadcast %mul3A_500 : f32 to vector<16xf32>
        %mul3A_502 = arith.mulf %mul3A_501, %add3A_496 : vector<16xf32>
        %select_n3A_503 = arith.select %ge3A_499, %add3A_496, %mul3A_502 : vector<16xi1>, vector<16xf32>
        %mul3A_504 = arith.mulf %select_n3A_503, %get3A_112 : vector<16xf32>
        %add3A_505 = arith.addf %add3A_485, %mul3A_504 : vector<16xf32>
        %get3A_506 = arith.index_cast %scan3A_443 : i32 to index
        %get3A_507 = arith.constant 48 : index
        %get3A_508 = tpu.vector_load %arg20[%get3A_506, %get3A_507] {strides = array<i32>} : memref<64x64xf32, #tpu.memory_space<vmem>>, vector<16xf32>,
        %get3A_509 = arith.index_cast %scan3A_443 : i32 to index
        %get3A_510 = arith.constant 48 : index
        %get3A_511 = tpu.vector_load %arg21[%get3A_509, %get3A_510] {strides = array<i32>} : memref<64x64xf32, #tpu.memory_space<vmem>>, vector<16xf32>,
        %add3A_512 = arith.addf %get3A_508, %get3A_511 : vector<16xf32>
        %get3A_513 = arith.index_cast %scan3A_443 : i32 to index
        %get3A_514 = arith.constant 48 : index
        %get3A_515 = tpu.vector_load %arg22[%get3A_513, %get3A_514] {strides = array<i32>} : memref<64x64xf32, #tpu.memory_space<vmem>>, vector<16xf32>,
        %add3A_516 = arith.addf %add3A_512, %get3A_515 : vector<16xf32>
        %ge3A_517 = arith.constant 0.000000e+00 : f32
        %ge3A_518 = vector.broadcast %ge3A_517 : f32 to vector<16xf32>
        %ge3A_519 = arith.cmpf oge, %add3A_516, %ge3A_518 : vector<16xf32>
        %mul3A_520 = arith.constant 2.000000e-01 : f32
        %mul3A_521 = vector.broadcast %mul3A_520 : f32 to vector<16xf32>
        %mul3A_522 = arith.mulf %mul3A_521, %add3A_516 : vector<16xf32>
        %select_n3A_523 = arith.select %ge3A_519, %add3A_516, %mul3A_522 : vector<16xi1>, vector<16xf32>
        %mul3A_524 = arith.mulf %select_n3A_523, %get3A_116 : vector<16xf32>
        %add3A_525 = arith.addf %add3A_505, %mul3A_524 : vector<16xf32>
        %swap3A_526 = arith.constant 0 : index
        %swap3A_527 = tpu.vector_load %arg25[%swap3A_526] {strides = array<i32>} : memref<16xf32, #tpu.memory_space<vmem>>, vector<16xf32>,
        tpu.vector_store %arg25[%swap3A_526], %add3A_525 {strides = array<i32>} : memref<16xf32, #tpu.memory_space<vmem>>, vector<16xf32>,
        %xor3A_528 = arith.constant 1 : i32
        %xor3A_529 = vector.broadcast %xor3A_528 : i32 to vector<16xi32>
        %xor3A_530 = arith.xori %iota3A, %xor3A_529 : vector<16xi32>
        %gather3A_531 = tpu.vector_load_idx %arg25[%xor3A_530] : memref<16xf32, #tpu.memory_space<vmem>>[vector<16xi32>], vector<16xf32>,
        %add3A_532 = arith.addf %add3A_525, %gather3A_531 : vector<16xf32>
        %swap3A_533 = arith.constant 0 : index
        %swap3A_534 = tpu.vector_load %arg25[%swap3A_533] {strides = array<i32>} : memref<16xf32, #tpu.memory_space<vmem>>, vector<16xf32>,
        tpu.vector_store %arg25[%swap3A_533], %add3A_532 {strides = array<i32>} : memref<16xf32, #tpu.memory_space<vmem>>, vector<16xf32>,
        %xor3A_535 = arith.constant 2 : i32
        %xor3A_536 = vector.broadcast %xor3A_535 : i32 to vector<16xi32>
        %xor3A_537 = arith.xori %iota3A, %xor3A_536 : vector<16xi32>
        %gather3A_538 = tpu.vector_load_idx %arg25[%xor3A_537] : memref<16xf32, #tpu.memory_space<vmem>>[vector<16xi32>], vector<16xf32>,
        %add3A_539 = arith.addf %add3A_532, %gather3A_538 : vector<16xf32>
        %swap3A_540 = arith.constant 0 : index
        %swap3A_541 = tpu.vector_load %arg25[%swap3A_540] {strides = array<i32>} : memref<16xf32, #tpu.memory_space<vmem>>, vector<16xf32>,
        tpu.vector_store %arg25[%swap3A_540], %add3A_539 {strides = array<i32>} : memref<16xf32, #tpu.memory_space<vmem>>, vector<16xf32>,
        %xor3A_542 = arith.constant 4 : i32
        %xor3A_543 = vector.broadcast %xor3A_542 : i32 to vector<16xi32>
        %xor3A_544 = arith.xori %iota3A, %xor3A_543 : vector<16xi32>
        %gather3A_545 = tpu.vector_load_idx %arg25[%xor3A_544] : memref<16xf32, #tpu.memory_space<vmem>>[vector<16xi32>], vector<16xf32>,
        %add3A_546 = arith.addf %add3A_539, %gather3A_545 : vector<16xf32>
        %swap3A_547 = arith.constant 0 : index
        %swap3A_548 = tpu.vector_load %arg25[%swap3A_547] {strides = array<i32>} : memref<16xf32, #tpu.memory_space<vmem>>, vector<16xf32>,
        tpu.vector_store %arg25[%swap3A_547], %add3A_546 {strides = array<i32>} : memref<16xf32, #tpu.memory_space<vmem>>, vector<16xf32>,
        %xor3A_549 = arith.constant 8 : i32
        %xor3A_550 = vector.broadcast %xor3A_549 : i32 to vector<16xi32>
        %xor3A_551 = arith.xori %iota3A, %xor3A_550 : vector<16xi32>
        %gather3A_552 = tpu.vector_load_idx %arg25[%xor3A_551] : memref<16xf32, #tpu.memory_space<vmem>>[vector<16xi32>], vector<16xf32>,
        %add3A_553 = arith.addf %add3A_546, %gather3A_552 : vector<16xf32>
        %exp3A_554 = math.exp %add3A_553 : vector<16xf32>
        %mul3A_555 = arith.mulf %get3A_448, %exp3A_554 : vector<16xf32>
        %swap3A_556 = arith.index_cast %scan3A_443 : i32 to index
        %swap3A_557 = arith.constant 0 : index
        %swap3A_558 = tpu.vector_load %arg23[%swap3A_556, %swap3A_557] {strides = array<i32>} : memref<64x64xf32, #tpu.memory_space<vmem>>, vector<16xf32>,
        tpu.vector_store %arg23[%swap3A_556, %swap3A_557], %mul3A_555 {strides = array<i32>} : memref<64x64xf32, #tpu.memory_space<vmem>>, vector<16xf32>,
        %mul3A_559 = arith.mulf %get3A_468, %exp3A_554 : vector<16xf32>
        %swap3A_560 = arith.index_cast %scan3A_443 : i32 to index
        %swap3A_561 = arith.constant 16 : index
        %swap3A_562 = tpu.vector_load %arg23[%swap3A_560, %swap3A_561] {strides = array<i32>} : memref<64x64xf32, #tpu.memory_space<vmem>>, vector<16xf32>,
        tpu.vector_store %arg23[%swap3A_560, %swap3A_561], %mul3A_559 {strides = array<i32>} : memref<64x64xf32, #tpu.memory_space<vmem>>, vector<16xf32>,
        %mul3A_563 = arith.mulf %get3A_488, %exp3A_554 : vector<16xf32>
        %swap3A_564 = arith.index_cast %scan3A_443 : i32 to index
        %swap3A_565 = arith.constant 32 : index
        %swap3A_566 = tpu.vector_load %arg23[%swap3A_564, %swap3A_565] {strides = array<i32>} : memref<64x64xf32, #tpu.memory_space<vmem>>, vector<16xf32>,
        tpu.vector_store %arg23[%swap3A_564, %swap3A_565], %mul3A_563 {strides = array<i32>} : memref<64x64xf32, #tpu.memory_space<vmem>>, vector<16xf32>,
        %mul3A_567 = arith.mulf %get3A_508, %exp3A_554 : vector<16xf32>
        %swap3A_568 = arith.index_cast %scan3A_443 : i32 to index
        %swap3A_569 = arith.constant 48 : index
        %swap3A_570 = tpu.vector_load %arg23[%swap3A_568, %swap3A_569] {strides = array<i32>} : memref<64x64xf32, #tpu.memory_space<vmem>>, vector<16xf32>,
        tpu.vector_store %arg23[%swap3A_568, %swap3A_569], %mul3A_567 {strides = array<i32>} : memref<64x64xf32, #tpu.memory_space<vmem>>, vector<16xf32>,
        %broadcast_in_dim3A_571 = vector.broadcast %scan3A_443 : i32 to vector<16xi32>
        tpu.vector_store_idx %arg24[%broadcast_in_dim3A_571, %iota3A], %exp3A_554 masked %lt3A_2 : memref<64x4xf32, #tpu.memory_space<vmem>>[vector<16xi32>, vector<16xi32>], vector<16xf32>, vector<16xi1>
      }
      %scan3A_315 = arith.constant 64 : i32
      "tpu.region"() ({
        %run_scoped3A = tpu.sem_alloc : memref<!tpu.dma_semaphore, #tpu.memory_space<semaphore_mem>>
        %dma_start3A_316 = arith.constant 0 : i32
        %dma_start3A_317 = arith.constant 0 : i32
        %dma_start3A_318 = tpu.memref_slice %arg12[%dma_start3A_316, %dma_start3A_317] : memref<26632x64xf32, #tpu.memory_space<vmem_shared>> -> memref<26632x64xf32, #tpu.memory_space<vmem_shared>>
        tpu.enqueue_indirect_dma source(%arg23 : memref<64x64xf32, #tpu.memory_space<vmem>>) target(%dma_start3A_318 : memref<26632x64xf32, #tpu.memory_space<vmem_shared>>) offsets(%arg19 : memref<64xi32, #tpu.memory_space<vmem>>) semaphore(%run_scoped3A : memref<!tpu.dma_semaphore, #tpu.memory_space<semaphore_mem>>) {add = true}
        %dma_wait3A_319 = arith.constant 0 : i32
        %dma_wait3A_320 = arith.constant 0 : i32
        %dma_wait3A_321 = tpu.memref_slice %arg12[%dma_wait3A_319, %dma_wait3A_320] : memref<26632x64xf32, #tpu.memory_space<vmem_shared>> -> memref<26632x64xf32, #tpu.memory_space<vmem_shared>>
        tpu.wait_indirect_dma semaphore(%run_scoped3A : memref<!tpu.dma_semaphore, #tpu.memory_space<semaphore_mem>>) src(%arg23 : memref<64x64xf32, #tpu.memory_space<vmem>>) dst(%dma_wait3A_321 : memref<26632x64xf32, #tpu.memory_space<vmem_shared>>)
        tpu.yield
      }) : () -> ()
      "tpu.region"() ({
        %run_scoped3A = tpu.sem_alloc : memref<!tpu.dma_semaphore, #tpu.memory_space<semaphore_mem>>
        %dma_start3A_316 = arith.constant 0 : i32
        %dma_start3A_317 = arith.constant 0 : i32
        %dma_start3A_318 = tpu.memref_slice %arg13[%dma_start3A_316, %dma_start3A_317] : memref<26632x4xf32, #tpu.memory_space<vmem_shared>> -> memref<26632x4xf32, #tpu.memory_space<vmem_shared>>
        tpu.enqueue_indirect_dma source(%arg24 : memref<64x4xf32, #tpu.memory_space<vmem>>) target(%dma_start3A_318 : memref<26632x4xf32, #tpu.memory_space<vmem_shared>>) offsets(%arg19 : memref<64xi32, #tpu.memory_space<vmem>>) semaphore(%run_scoped3A : memref<!tpu.dma_semaphore, #tpu.memory_space<semaphore_mem>>) {add = true}
        %dma_wait3A_319 = arith.constant 0 : i32
        %dma_wait3A_320 = arith.constant 0 : i32
        %dma_wait3A_321 = tpu.memref_slice %arg13[%dma_wait3A_319, %dma_wait3A_320] : memref<26632x4xf32, #tpu.memory_space<vmem_shared>> -> memref<26632x4xf32, #tpu.memory_space<vmem_shared>>
        tpu.wait_indirect_dma semaphore(%run_scoped3A : memref<!tpu.dma_semaphore, #tpu.memory_space<semaphore_mem>>) src(%arg24 : memref<64x4xf32, #tpu.memory_space<vmem>>) dst(%dma_wait3A_321 : memref<26632x4xf32, #tpu.memory_space<vmem_shared>>)
        tpu.yield
      }) : () -> ()
    }
    %scan3A_123 = arith.constant 96 : i32
    %barrier3A_124 = arith.constant 0 : index
    tpu.barrier barrier_id(%barrier3A_124)
    %mul3A_125 = arith.constant 26624 : i32
    %mul3A_126 = arith.muli %arg0, %mul3A_125 : i32
    %add3A_127 = arith.constant 106496 : i32
    %add3A_128 = arith.addi %add3A_127, %mul3A_126 : i32
    %mul3A_129 = arith.constant 1664 : i32
    %mul3A_130 = arith.muli %arg1, %mul3A_129 : i32
    %add3A_131 = arith.addi %add3A_128, %mul3A_130 : i32
    %mul3A_132 = arith.constant 1664 : i32
    %mul3A_133 = arith.muli %arg1, %mul3A_132 : i32
    %multiple_of3A_134 = tpu.assume_multiple %add3A_131, 8 : i32
    "tpu.region"() ({
      %run_scoped3A = tpu.sem_alloc : memref<!tpu.dma_semaphore, #tpu.memory_space<semaphore_mem>>
      %dma_start3A = arith.constant 0 : i32
      %dma_start3A_187 = tpu.memref_slice %arg10[%multiple_of3A_134, %dma_start3A] : memref<212992x64xf32, #tpu.memory_space<hbm>> -> memref<1664x64xf32, #tpu.memory_space<hbm>>
      %dma_start3A_188 = arith.constant 0 : i32
      %dma_start3A_189 = tpu.memref_slice %arg12[%mul3A_133, %dma_start3A_188] : memref<26632x64xf32, #tpu.memory_space<vmem_shared>> -> memref<1664x64xf32, #tpu.memory_space<vmem_shared>>
      tpu.enqueue_dma source(%dma_start3A_189 : memref<1664x64xf32, #tpu.memory_space<vmem_shared>>) target(%dma_start3A_187 : memref<1664x64xf32, #tpu.memory_space<hbm>>) target_semaphore(%run_scoped3A : memref<!tpu.dma_semaphore, #tpu.memory_space<semaphore_mem>>)
      %dma_wait3A = arith.constant 0 : i32
      %dma_wait3A_190 = tpu.memref_slice %arg10[%multiple_of3A_134, %dma_wait3A] : memref<212992x64xf32, #tpu.memory_space<hbm>> -> memref<1664x64xf32, #tpu.memory_space<hbm>>
      %dma_wait3A_191 = arith.constant 0 : i32
      %dma_wait3A_192 = tpu.memref_slice %arg12[%mul3A_133, %dma_wait3A_191] : memref<26632x64xf32, #tpu.memory_space<vmem_shared>> -> memref<1664x64xf32, #tpu.memory_space<vmem_shared>>
      tpu.wait_dma2 semaphore(%run_scoped3A : memref<!tpu.dma_semaphore, #tpu.memory_space<semaphore_mem>>) src(%dma_wait3A_192 : memref<1664x64xf32, #tpu.memory_space<vmem_shared>>) dst(%dma_wait3A_190 : memref<1664x64xf32, #tpu.memory_space<hbm>>)
      tpu.yield
    }) : () -> ()
    %mul3A_135 = arith.constant 1664 : i32
    %mul3A_136 = arith.muli %arg1, %mul3A_135 : i32
    %multiple_of3A_137 = tpu.assume_multiple %add3A_131, 8 : i32
    "tpu.region"() ({
      %run_scoped3A = tpu.sem_alloc : memref<!tpu.dma_semaphore, #tpu.memory_space<semaphore_mem>>
      %dma_start3A = arith.constant 0 : i32
      %dma_start3A_187 = tpu.memref_slice %arg11[%multiple_of3A_137, %dma_start3A] : memref<212992x4xf32, #tpu.memory_space<hbm>> -> memref<1664x4xf32, #tpu.memory_space<hbm>>
      %dma_start3A_188 = arith.constant 0 : i32
      %dma_start3A_189 = tpu.memref_slice %arg13[%mul3A_136, %dma_start3A_188] : memref<26632x4xf32, #tpu.memory_space<vmem_shared>> -> memref<1664x4xf32, #tpu.memory_space<vmem_shared>>
      tpu.enqueue_dma source(%dma_start3A_189 : memref<1664x4xf32, #tpu.memory_space<vmem_shared>>) target(%dma_start3A_187 : memref<1664x4xf32, #tpu.memory_space<hbm>>) target_semaphore(%run_scoped3A : memref<!tpu.dma_semaphore, #tpu.memory_space<semaphore_mem>>)
      %dma_wait3A = arith.constant 0 : i32
      %dma_wait3A_190 = tpu.memref_slice %arg11[%multiple_of3A_137, %dma_wait3A] : memref<212992x4xf32, #tpu.memory_space<hbm>> -> memref<1664x4xf32, #tpu.memory_space<hbm>>
      %dma_wait3A_191 = arith.constant 0 : i32
      %dma_wait3A_192 = tpu.memref_slice %arg13[%mul3A_136, %dma_wait3A_191] : memref<26632x4xf32, #tpu.memory_space<vmem_shared>> -> memref<1664x4xf32, #tpu.memory_space<vmem_shared>>
      tpu.wait_dma2 semaphore(%run_scoped3A : memref<!tpu.dma_semaphore, #tpu.memory_space<semaphore_mem>>) src(%dma_wait3A_192 : memref<1664x4xf32, #tpu.memory_space<vmem_shared>>) dst(%dma_wait3A_190 : memref<1664x4xf32, #tpu.memory_space<hbm>>)
      tpu.yield
    }) : () -> ()
    %barrier3A_138 = arith.constant 0 : index
    tpu.barrier barrier_id(%barrier3A_138)
    %mul3A_139 = arith.constant 1664 : i32
    %mul3A_140 = arith.muli %arg1, %mul3A_139 : i32
    "tpu.region"() ({
      %run_scoped3A = tpu.sem_alloc : memref<!tpu.dma_semaphore, #tpu.memory_space<semaphore_mem>>
      %dma_start3A = arith.constant 0 : i32
      %dma_start3A_187 = tpu.memref_slice %arg12[%mul3A_140, %dma_start3A] : memref<26632x64xf32, #tpu.memory_space<vmem_shared>> -> memref<1664x64xf32, #tpu.memory_space<vmem_shared>>
      tpu.enqueue_dma source(%arg8 : memref<1664x64xf32, #tpu.memory_space<hbm>>) target(%dma_start3A_187 : memref<1664x64xf32, #tpu.memory_space<vmem_shared>>) target_semaphore(%run_scoped3A : memref<!tpu.dma_semaphore, #tpu.memory_space<semaphore_mem>>)
      %dma_wait3A = arith.constant 0 : i32
      %dma_wait3A_188 = tpu.memref_slice %arg12[%mul3A_140, %dma_wait3A] : memref<26632x64xf32, #tpu.memory_space<vmem_shared>> -> memref<1664x64xf32, #tpu.memory_space<vmem_shared>>
      tpu.wait_dma2 semaphore(%run_scoped3A : memref<!tpu.dma_semaphore, #tpu.memory_space<semaphore_mem>>) src(%arg8 : memref<1664x64xf32, #tpu.memory_space<hbm>>) dst(%dma_wait3A_188 : memref<1664x64xf32, #tpu.memory_space<vmem_shared>>)
      tpu.yield
    }) : () -> ()
    %mul3A_141 = arith.constant 1664 : i32
    %mul3A_142 = arith.muli %arg1, %mul3A_141 : i32
    "tpu.region"() ({
      %run_scoped3A = tpu.sem_alloc : memref<!tpu.dma_semaphore, #tpu.memory_space<semaphore_mem>>
      %dma_start3A = arith.constant 0 : i32
      %dma_start3A_187 = tpu.memref_slice %arg13[%mul3A_142, %dma_start3A] : memref<26632x4xf32, #tpu.memory_space<vmem_shared>> -> memref<1664x4xf32, #tpu.memory_space<vmem_shared>>
      tpu.enqueue_dma source(%arg9 : memref<1664x4xf32, #tpu.memory_space<hbm>>) target(%dma_start3A_187 : memref<1664x4xf32, #tpu.memory_space<vmem_shared>>) target_semaphore(%run_scoped3A : memref<!tpu.dma_semaphore, #tpu.memory_space<semaphore_mem>>)
      %dma_wait3A = arith.constant 0 : i32
      %dma_wait3A_188 = tpu.memref_slice %arg13[%mul3A_142, %dma_wait3A] : memref<26632x4xf32, #tpu.memory_space<vmem_shared>> -> memref<1664x4xf32, #tpu.memory_space<vmem_shared>>
      tpu.wait_dma2 semaphore(%run_scoped3A : memref<!tpu.dma_semaphore, #tpu.memory_space<semaphore_mem>>) src(%arg9 : memref<1664x4xf32, #tpu.memory_space<hbm>>) dst(%dma_wait3A_188 : memref<1664x4xf32, #tpu.memory_space<vmem_shared>>)
      tpu.yield
    }) : () -> ()
    %eq3A_143 = arith.constant 0 : i32
    %eq3A_144 = arith.cmpi eq, %arg1, %eq3A_143 : i32
    %convert_element_type3A_145 = arith.extui %eq3A_144 : i1 to i32
    %cond3A_146 = arith.constant 0 : i32
    %cond3A_147 = arith.cmpi ne, %convert_element_type3A_145, %cond3A_146 : i32
    scf.if %cond3A_147 {
      "tpu.region"() ({
        %run_scoped3A = tpu.sem_alloc : memref<!tpu.dma_semaphore, #tpu.memory_space<semaphore_mem>>
        %dma_start3A = arith.constant 26624 : i32
        %dma_start3A_187 = arith.constant 0 : i32
        %dma_start3A_188 = tpu.memref_slice %arg12[%dma_start3A, %dma_start3A_187] : memref<26632x64xf32, #tpu.memory_space<vmem_shared>> -> memref<8x64xf32, #tpu.memory_space<vmem_shared>>
        %dma_start3A_189 = arith.constant 0 : i32
        %dma_start3A_190 = arith.constant 0 : i32
        %dma_start3A_191 = tpu.memref_slice %arg8[%dma_start3A_189, %dma_start3A_190] : memref<1664x64xf32, #tpu.memory_space<hbm>> -> memref<8x64xf32, #tpu.memory_space<hbm>>
        tpu.enqueue_dma source(%dma_start3A_191 : memref<8x64xf32, #tpu.memory_space<hbm>>) target(%dma_start3A_188 : memref<8x64xf32, #tpu.memory_space<vmem_shared>>) target_semaphore(%run_scoped3A : memref<!tpu.dma_semaphore, #tpu.memory_space<semaphore_mem>>)
        %dma_wait3A = arith.constant 26624 : i32
        %dma_wait3A_192 = arith.constant 0 : i32
        %dma_wait3A_193 = tpu.memref_slice %arg12[%dma_wait3A, %dma_wait3A_192] : memref<26632x64xf32, #tpu.memory_space<vmem_shared>> -> memref<8x64xf32, #tpu.memory_space<vmem_shared>>
        %dma_wait3A_194 = arith.constant 0 : i32
        %dma_wait3A_195 = arith.constant 0 : i32
        %dma_wait3A_196 = tpu.memref_slice %arg8[%dma_wait3A_194, %dma_wait3A_195] : memref<1664x64xf32, #tpu.memory_space<hbm>> -> memref<8x64xf32, #tpu.memory_space<hbm>>
        tpu.wait_dma2 semaphore(%run_scoped3A : memref<!tpu.dma_semaphore, #tpu.memory_space<semaphore_mem>>) src(%dma_wait3A_196 : memref<8x64xf32, #tpu.memory_space<hbm>>) dst(%dma_wait3A_193 : memref<8x64xf32, #tpu.memory_space<vmem_shared>>)
        tpu.yield
      }) : () -> ()
      "tpu.region"() ({
        %run_scoped3A = tpu.sem_alloc : memref<!tpu.dma_semaphore, #tpu.memory_space<semaphore_mem>>
        %dma_start3A = arith.constant 26624 : i32
        %dma_start3A_187 = arith.constant 0 : i32
        %dma_start3A_188 = tpu.memref_slice %arg13[%dma_start3A, %dma_start3A_187] : memref<26632x4xf32, #tpu.memory_space<vmem_shared>> -> memref<8x4xf32, #tpu.memory_space<vmem_shared>>
        %dma_start3A_189 = arith.constant 0 : i32
        %dma_start3A_190 = arith.constant 0 : i32
        %dma_start3A_191 = tpu.memref_slice %arg9[%dma_start3A_189, %dma_start3A_190] : memref<1664x4xf32, #tpu.memory_space<hbm>> -> memref<8x4xf32, #tpu.memory_space<hbm>>
        tpu.enqueue_dma source(%dma_start3A_191 : memref<8x4xf32, #tpu.memory_space<hbm>>) target(%dma_start3A_188 : memref<8x4xf32, #tpu.memory_space<vmem_shared>>) target_semaphore(%run_scoped3A : memref<!tpu.dma_semaphore, #tpu.memory_space<semaphore_mem>>)
        %dma_wait3A = arith.constant 26624 : i32
        %dma_wait3A_192 = arith.constant 0 : i32
        %dma_wait3A_193 = tpu.memref_slice %arg13[%dma_wait3A, %dma_wait3A_192] : memref<26632x4xf32, #tpu.memory_space<vmem_shared>> -> memref<8x4xf32, #tpu.memory_space<vmem_shared>>
        %dma_wait3A_194 = arith.constant 0 : i32
        %dma_wait3A_195 = arith.constant 0 : i32
        %dma_wait3A_196 = tpu.memref_slice %arg9[%dma_wait3A_194, %dma_wait3A_195] : memref<1664x4xf32, #tpu.memory_space<hbm>> -> memref<8x4xf32, #tpu.memory_space<hbm>>
        tpu.wait_dma2 semaphore(%run_scoped3A : memref<!tpu.dma_semaphore, #tpu.memory_space<semaphore_mem>>) src(%dma_wait3A_196 : memref<8x4xf32, #tpu.memory_space<hbm>>) dst(%dma_wait3A_193 : memref<8x4xf32, #tpu.memory_space<vmem_shared>>)
        tpu.yield
      }) : () -> ()
    } else {
    }
    %barrier3A_148 = arith.constant 0 : index
    tpu.barrier barrier_id(%barrier3A_148)
    %get3A_149 = arith.constant 3 : i32
    %get3A_150 = arith.index_cast %get3A_149 : i32 to index
    %get3A_151 = arith.constant 0 : index
    %get3A_152 = tpu.vector_load %arg14[%get3A_150, %get3A_151] {strides = array<i32>} : memref<4x64xf32, #tpu.memory_space<vmem>>, vector<16xf32>,
    %get3A_153 = arith.constant 3 : i32
    %get3A_154 = arith.index_cast %get3A_153 : i32 to index
    %get3A_155 = arith.constant 16 : index
    %get3A_156 = tpu.vector_load %arg14[%get3A_154, %get3A_155] {strides = array<i32>} : memref<4x64xf32, #tpu.memory_space<vmem>>, vector<16xf32>,
    %get3A_157 = arith.constant 3 : i32
    %get3A_158 = arith.index_cast %get3A_157 : i32 to index
    %get3A_159 = arith.constant 32 : index
    %get3A_160 = tpu.vector_load %arg14[%get3A_158, %get3A_159] {strides = array<i32>} : memref<4x64xf32, #tpu.memory_space<vmem>>, vector<16xf32>,
    %get3A_161 = arith.constant 3 : i32
    %get3A_162 = arith.index_cast %get3A_161 : i32 to index
    %get3A_163 = arith.constant 48 : index
    %get3A_164 = tpu.vector_load %arg14[%get3A_162, %get3A_163] {strides = array<i32>} : memref<4x64xf32, #tpu.memory_space<vmem>>, vector<16xf32>,
    %scan3A_165 = arith.constant 0 : i32
    %scan3A_166 = arith.constant 159744 : i32
    %scan3A_167 = arith.constant 0 : i32
    %scan3A_168 = arith.constant 96 : i32
    %scan3A_169 = arith.addi %scan3A_167, %scan3A_168 : i32
    %scan3A_170 = arith.constant 1 : i32
    scf.for %scan3A_187 = %scan3A_167 to %scan3A_169 step %scan3A_170  : i32 {
      %mul3A_188 = arith.constant 64 : i32
      %mul3A_189 = arith.muli %scan3A_187, %mul3A_188 : i32
      %add3A_190 = arith.addi %mul3A_0, %mul3A_189 : i32
      %multiple_of3A_191 = tpu.assume_multiple %add3A_190, 64 : i32
      "tpu.region"() ({
        %run_scoped3A = tpu.sem_alloc : memref<!tpu.dma_semaphore, #tpu.memory_space<semaphore_mem>>
        %dma_start3A_316 = tpu.memref_slice %arg5[%multiple_of3A_191] : memref<98304xi32, #tpu.memory_space<hbm>> -> memref<64xi32, #tpu.memory_space<hbm>>
        %dma_start3A_317 = tpu.memref_slice %arg5[%multiple_of3A_191] : memref<98304xi32, #tpu.memory_space<hbm>> -> memref<64xi32, #tpu.memory_space<hbm>>
        tpu.enqueue_dma source(%dma_start3A_317 : memref<64xi32, #tpu.memory_space<hbm>>) target(%arg15 : memref<64xi32, #tpu.memory_space<vmem>>) target_semaphore(%run_scoped3A : memref<!tpu.dma_semaphore, #tpu.memory_space<semaphore_mem>>)
        %dma_wait3A_318 = tpu.memref_slice %arg5[%multiple_of3A_191] : memref<98304xi32, #tpu.memory_space<hbm>> -> memref<64xi32, #tpu.memory_space<hbm>>
        %dma_wait3A_319 = tpu.memref_slice %arg5[%multiple_of3A_191] : memref<98304xi32, #tpu.memory_space<hbm>> -> memref<64xi32, #tpu.memory_space<hbm>>
        tpu.wait_dma2 semaphore(%run_scoped3A : memref<!tpu.dma_semaphore, #tpu.memory_space<semaphore_mem>>) src(%dma_wait3A_319 : memref<64xi32, #tpu.memory_space<hbm>>) dst(%arg15 : memref<64xi32, #tpu.memory_space<vmem>>)
        tpu.yield
      }) : () -> ()
      "tpu.region"() ({
        %run_scoped3A = tpu.sem_alloc : memref<!tpu.dma_semaphore, #tpu.memory_space<semaphore_mem>>
        %dma_start3A_316 = tpu.memref_slice %arg6[%multiple_of3A_191] : memref<98304xi32, #tpu.memory_space<hbm>> -> memref<64xi32, #tpu.memory_space<hbm>>
        %dma_start3A_317 = tpu.memref_slice %arg6[%multiple_of3A_191] : memref<98304xi32, #tpu.memory_space<hbm>> -> memref<64xi32, #tpu.memory_space<hbm>>
        tpu.enqueue_dma source(%dma_start3A_317 : memref<64xi32, #tpu.memory_space<hbm>>) target(%arg16 : memref<64xi32, #tpu.memory_space<vmem>>) target_semaphore(%run_scoped3A : memref<!tpu.dma_semaphore, #tpu.memory_space<semaphore_mem>>)
        %dma_wait3A_318 = tpu.memref_slice %arg6[%multiple_of3A_191] : memref<98304xi32, #tpu.memory_space<hbm>> -> memref<64xi32, #tpu.memory_space<hbm>>
        %dma_wait3A_319 = tpu.memref_slice %arg6[%multiple_of3A_191] : memref<98304xi32, #tpu.memory_space<hbm>> -> memref<64xi32, #tpu.memory_space<hbm>>
        tpu.wait_dma2 semaphore(%run_scoped3A : memref<!tpu.dma_semaphore, #tpu.memory_space<semaphore_mem>>) src(%dma_wait3A_319 : memref<64xi32, #tpu.memory_space<hbm>>) dst(%arg16 : memref<64xi32, #tpu.memory_space<vmem>>)
        tpu.yield
      }) : () -> ()
      %get3A_192 = arith.constant 0 : index
      %get3A_193 = tpu.vector_load %arg15[%get3A_192] {strides = array<i32>} : memref<64xi32, #tpu.memory_space<vmem>>, vector<16xi32>,
      %get3A_194 = arith.constant 0 : index
      %get3A_195 = tpu.vector_load %arg16[%get3A_194] {strides = array<i32>} : memref<64xi32, #tpu.memory_space<vmem>>, vector<16xi32>,
      %add3A_196 = vector.broadcast %scan3A_166 : i32 to vector<16xi32>
      %add3A_197 = arith.addi %get3A_193, %add3A_196 : vector<16xi32>
      %swap3A = arith.constant 0 : index
      %swap3A_198 = tpu.vector_load %arg17[%swap3A] {strides = array<i32>} : memref<64xi32, #tpu.memory_space<vmem>>, vector<16xi32>,
      tpu.vector_store %arg17[%swap3A], %add3A_197 {strides = array<i32>} : memref<64xi32, #tpu.memory_space<vmem>>, vector<16xi32>,
      %add3A_199 = vector.broadcast %scan3A_166 : i32 to vector<16xi32>
      %add3A_200 = arith.addi %get3A_195, %add3A_199 : vector<16xi32>
      %swap3A_201 = arith.constant 0 : index
      %swap3A_202 = tpu.vector_load %arg18[%swap3A_201] {strides = array<i32>} : memref<64xi32, #tpu.memory_space<vmem>>, vector<16xi32>,
      tpu.vector_store %arg18[%swap3A_201], %add3A_200 {strides = array<i32>} : memref<64xi32, #tpu.memory_space<vmem>>, vector<16xi32>,
      %mul3A_203 = arith.constant 26624 : i32
      %mul3A_204 = arith.muli %arg0, %mul3A_203 : i32
      %sub3A = vector.broadcast %mul3A_204 : i32 to vector<16xi32>
      %sub3A_205 = arith.subi %get3A_195, %sub3A : vector<16xi32>
      %ge3A = arith.constant 0 : i32
      %ge3A_206 = vector.broadcast %ge3A : i32 to vector<16xi32>
      %ge3A_207 = arith.cmpi sge, %sub3A_205, %ge3A_206 : vector<16xi32>
      %lt3A_208 = arith.constant 26624 : i32
      %lt3A_209 = vector.broadcast %lt3A_208 : i32 to vector<16xi32>
      %lt3A_210 = arith.cmpi slt, %sub3A_205, %lt3A_209 : vector<16xi32>
      %and3A = arith.andi %ge3A_207, %lt3A_210 : vector<16xi1>
      %jit3A = arith.constant 26624 : i32
      %broadcast_in_dim3A = vector.broadcast %jit3A : i32 to vector<16xi32>
      %select_n3A = arith.select %and3A, %sub3A_205, %broadcast_in_dim3A : vector<16xi1>, vector<16xi32>
      %swap3A_211 = arith.constant 0 : index
      %swap3A_212 = tpu.vector_load %arg19[%swap3A_211] {strides = array<i32>} : memref<64xi32, #tpu.memory_space<vmem>>, vector<16xi32>,
      tpu.vector_store %arg19[%swap3A_211], %select_n3A {strides = array<i32>} : memref<64xi32, #tpu.memory_space<vmem>>, vector<16xi32>,
      %get3A_213 = arith.constant 16 : index
      %get3A_214 = tpu.vector_load %arg15[%get3A_213] {strides = array<i32>} : memref<64xi32, #tpu.memory_space<vmem>>, vector<16xi32>,
      %get3A_215 = arith.constant 16 : index
      %get3A_216 = tpu.vector_load %arg16[%get3A_215] {strides = array<i32>} : memref<64xi32, #tpu.memory_space<vmem>>, vector<16xi32>,
      %add3A_217 = vector.broadcast %scan3A_166 : i32 to vector<16xi32>
      %add3A_218 = arith.addi %get3A_214, %add3A_217 : vector<16xi32>
      %swap3A_219 = arith.constant 16 : index
      %swap3A_220 = tpu.vector_load %arg17[%swap3A_219] {strides = array<i32>} : memref<64xi32, #tpu.memory_space<vmem>>, vector<16xi32>,
      tpu.vector_store %arg17[%swap3A_219], %add3A_218 {strides = array<i32>} : memref<64xi32, #tpu.memory_space<vmem>>, vector<16xi32>,
      %add3A_221 = vector.broadcast %scan3A_166 : i32 to vector<16xi32>
      %add3A_222 = arith.addi %get3A_216, %add3A_221 : vector<16xi32>
      %swap3A_223 = arith.constant 16 : index
      %swap3A_224 = tpu.vector_load %arg18[%swap3A_223] {strides = array<i32>} : memref<64xi32, #tpu.memory_space<vmem>>, vector<16xi32>,
      tpu.vector_store %arg18[%swap3A_223], %add3A_222 {strides = array<i32>} : memref<64xi32, #tpu.memory_space<vmem>>, vector<16xi32>,
      %mul3A_225 = arith.constant 26624 : i32
      %mul3A_226 = arith.muli %arg0, %mul3A_225 : i32
      %sub3A_227 = vector.broadcast %mul3A_226 : i32 to vector<16xi32>
      %sub3A_228 = arith.subi %get3A_216, %sub3A_227 : vector<16xi32>
      %ge3A_229 = arith.constant 0 : i32
      %ge3A_230 = vector.broadcast %ge3A_229 : i32 to vector<16xi32>
      %ge3A_231 = arith.cmpi sge, %sub3A_228, %ge3A_230 : vector<16xi32>
      %lt3A_232 = arith.constant 26624 : i32
      %lt3A_233 = vector.broadcast %lt3A_232 : i32 to vector<16xi32>
      %lt3A_234 = arith.cmpi slt, %sub3A_228, %lt3A_233 : vector<16xi32>
      %and3A_235 = arith.andi %ge3A_231, %lt3A_234 : vector<16xi1>
      %jit3A_236 = arith.constant 26624 : i32
      %broadcast_in_dim3A_237 = vector.broadcast %jit3A_236 : i32 to vector<16xi32>
      %select_n3A_238 = arith.select %and3A_235, %sub3A_228, %broadcast_in_dim3A_237 : vector<16xi1>, vector<16xi32>
      %swap3A_239 = arith.constant 16 : index
      %swap3A_240 = tpu.vector_load %arg19[%swap3A_239] {strides = array<i32>} : memref<64xi32, #tpu.memory_space<vmem>>, vector<16xi32>,
      tpu.vector_store %arg19[%swap3A_239], %select_n3A_238 {strides = array<i32>} : memref<64xi32, #tpu.memory_space<vmem>>, vector<16xi32>,
      %get3A_241 = arith.constant 32 : index
      %get3A_242 = tpu.vector_load %arg15[%get3A_241] {strides = array<i32>} : memref<64xi32, #tpu.memory_space<vmem>>, vector<16xi32>,
      %get3A_243 = arith.constant 32 : index
      %get3A_244 = tpu.vector_load %arg16[%get3A_243] {strides = array<i32>} : memref<64xi32, #tpu.memory_space<vmem>>, vector<16xi32>,
      %add3A_245 = vector.broadcast %scan3A_166 : i32 to vector<16xi32>
      %add3A_246 = arith.addi %get3A_242, %add3A_245 : vector<16xi32>
      %swap3A_247 = arith.constant 32 : index
      %swap3A_248 = tpu.vector_load %arg17[%swap3A_247] {strides = array<i32>} : memref<64xi32, #tpu.memory_space<vmem>>, vector<16xi32>,
      tpu.vector_store %arg17[%swap3A_247], %add3A_246 {strides = array<i32>} : memref<64xi32, #tpu.memory_space<vmem>>, vector<16xi32>,
      %add3A_249 = vector.broadcast %scan3A_166 : i32 to vector<16xi32>
      %add3A_250 = arith.addi %get3A_244, %add3A_249 : vector<16xi32>
      %swap3A_251 = arith.constant 32 : index
      %swap3A_252 = tpu.vector_load %arg18[%swap3A_251] {strides = array<i32>} : memref<64xi32, #tpu.memory_space<vmem>>, vector<16xi32>,
      tpu.vector_store %arg18[%swap3A_251], %add3A_250 {strides = array<i32>} : memref<64xi32, #tpu.memory_space<vmem>>, vector<16xi32>,
      %mul3A_253 = arith.constant 26624 : i32
      %mul3A_254 = arith.muli %arg0, %mul3A_253 : i32
      %sub3A_255 = vector.broadcast %mul3A_254 : i32 to vector<16xi32>
      %sub3A_256 = arith.subi %get3A_244, %sub3A_255 : vector<16xi32>
      %ge3A_257 = arith.constant 0 : i32
      %ge3A_258 = vector.broadcast %ge3A_257 : i32 to vector<16xi32>
      %ge3A_259 = arith.cmpi sge, %sub3A_256, %ge3A_258 : vector<16xi32>
      %lt3A_260 = arith.constant 26624 : i32
      %lt3A_261 = vector.broadcast %lt3A_260 : i32 to vector<16xi32>
      %lt3A_262 = arith.cmpi slt, %sub3A_256, %lt3A_261 : vector<16xi32>
      %and3A_263 = arith.andi %ge3A_259, %lt3A_262 : vector<16xi1>
      %jit3A_264 = arith.constant 26624 : i32
      %broadcast_in_dim3A_265 = vector.broadcast %jit3A_264 : i32 to vector<16xi32>
      %select_n3A_266 = arith.select %and3A_263, %sub3A_256, %broadcast_in_dim3A_265 : vector<16xi1>, vector<16xi32>
      %swap3A_267 = arith.constant 32 : index
      %swap3A_268 = tpu.vector_load %arg19[%swap3A_267] {strides = array<i32>} : memref<64xi32, #tpu.memory_space<vmem>>, vector<16xi32>,
      tpu.vector_store %arg19[%swap3A_267], %select_n3A_266 {strides = array<i32>} : memref<64xi32, #tpu.memory_space<vmem>>, vector<16xi32>,
      %get3A_269 = arith.constant 48 : index
      %get3A_270 = tpu.vector_load %arg15[%get3A_269] {strides = array<i32>} : memref<64xi32, #tpu.memory_space<vmem>>, vector<16xi32>,
      %get3A_271 = arith.constant 48 : index
      %get3A_272 = tpu.vector_load %arg16[%get3A_271] {strides = array<i32>} : memref<64xi32, #tpu.memory_space<vmem>>, vector<16xi32>,
      %add3A_273 = vector.broadcast %scan3A_166 : i32 to vector<16xi32>
      %add3A_274 = arith.addi %get3A_270, %add3A_273 : vector<16xi32>
      %swap3A_275 = arith.constant 48 : index
      %swap3A_276 = tpu.vector_load %arg17[%swap3A_275] {strides = array<i32>} : memref<64xi32, #tpu.memory_space<vmem>>, vector<16xi32>,
      tpu.vector_store %arg17[%swap3A_275], %add3A_274 {strides = array<i32>} : memref<64xi32, #tpu.memory_space<vmem>>, vector<16xi32>,
      %add3A_277 = vector.broadcast %scan3A_166 : i32 to vector<16xi32>
      %add3A_278 = arith.addi %get3A_272, %add3A_277 : vector<16xi32>
      %swap3A_279 = arith.constant 48 : index
      %swap3A_280 = tpu.vector_load %arg18[%swap3A_279] {strides = array<i32>} : memref<64xi32, #tpu.memory_space<vmem>>, vector<16xi32>,
      tpu.vector_store %arg18[%swap3A_279], %add3A_278 {strides = array<i32>} : memref<64xi32, #tpu.memory_space<vmem>>, vector<16xi32>,
      %mul3A_281 = arith.constant 26624 : i32
      %mul3A_282 = arith.muli %arg0, %mul3A_281 : i32
      %sub3A_283 = vector.broadcast %mul3A_282 : i32 to vector<16xi32>
      %sub3A_284 = arith.subi %get3A_272, %sub3A_283 : vector<16xi32>
      %ge3A_285 = arith.constant 0 : i32
      %ge3A_286 = vector.broadcast %ge3A_285 : i32 to vector<16xi32>
      %ge3A_287 = arith.cmpi sge, %sub3A_284, %ge3A_286 : vector<16xi32>
      %lt3A_288 = arith.constant 26624 : i32
      %lt3A_289 = vector.broadcast %lt3A_288 : i32 to vector<16xi32>
      %lt3A_290 = arith.cmpi slt, %sub3A_284, %lt3A_289 : vector<16xi32>
      %and3A_291 = arith.andi %ge3A_287, %lt3A_290 : vector<16xi1>
      %jit3A_292 = arith.constant 26624 : i32
      %broadcast_in_dim3A_293 = vector.broadcast %jit3A_292 : i32 to vector<16xi32>
      %select_n3A_294 = arith.select %and3A_291, %sub3A_284, %broadcast_in_dim3A_293 : vector<16xi1>, vector<16xi32>
      %swap3A_295 = arith.constant 48 : index
      %swap3A_296 = tpu.vector_load %arg19[%swap3A_295] {strides = array<i32>} : memref<64xi32, #tpu.memory_space<vmem>>, vector<16xi32>,
      tpu.vector_store %arg19[%swap3A_295], %select_n3A_294 {strides = array<i32>} : memref<64xi32, #tpu.memory_space<vmem>>, vector<16xi32>,
      %dma_start3A = arith.constant 0 : i32
      %dma_start3A_297 = arith.constant 0 : i32
      %dma_start3A_298 = tpu.memref_slice %arg2[%dma_start3A, %dma_start3A_297] : memref<212992x64xf32, #tpu.memory_space<hbm>> -> memref<212992x64xf32, #tpu.memory_space<hbm>>
      tpu.enqueue_indirect_dma source(%dma_start3A_298 : memref<212992x64xf32, #tpu.memory_space<hbm>>) target(%arg20 : memref<64x64xf32, #tpu.memory_space<vmem>>) offsets(%arg17 : memref<64xi32, #tpu.memory_space<vmem>>) semaphore(%arg26 : memref<!tpu.dma_semaphore, #tpu.memory_space<semaphore_mem>>)
      %dma_start3A_299 = arith.constant 0 : i32
      %dma_start3A_300 = arith.constant 0 : i32
      %dma_start3A_301 = tpu.memref_slice %arg3[%dma_start3A_299, %dma_start3A_300] : memref<212992x64xf32, #tpu.memory_space<hbm>> -> memref<212992x64xf32, #tpu.memory_space<hbm>>
      tpu.enqueue_indirect_dma source(%dma_start3A_301 : memref<212992x64xf32, #tpu.memory_space<hbm>>) target(%arg21 : memref<64x64xf32, #tpu.memory_space<vmem>>) offsets(%arg18 : memref<64xi32, #tpu.memory_space<vmem>>) semaphore(%arg27 : memref<!tpu.dma_semaphore, #tpu.memory_space<semaphore_mem>>)
      %add3A_302 = arith.constant 294912 : i32
      %add3A_303 = arith.addi %multiple_of3A_191, %add3A_302 : i32
      %multiple_of3A_304 = tpu.assume_multiple %add3A_303, 64 : i32
      "tpu.region"() ({
        %run_scoped3A = tpu.sem_alloc : memref<!tpu.dma_semaphore, #tpu.memory_space<semaphore_mem>>
        %dma_start3A_316 = arith.constant 0 : i32
        %dma_start3A_317 = tpu.memref_slice %arg4[%multiple_of3A_304, %dma_start3A_316] : memref<393216x64xf32, #tpu.memory_space<hbm>> -> memref<64x64xf32, #tpu.memory_space<hbm>>
        %dma_start3A_318 = arith.constant 0 : i32
        %dma_start3A_319 = tpu.memref_slice %arg4[%multiple_of3A_304, %dma_start3A_318] : memref<393216x64xf32, #tpu.memory_space<hbm>> -> memref<64x64xf32, #tpu.memory_space<hbm>>
        tpu.enqueue_dma source(%dma_start3A_319 : memref<64x64xf32, #tpu.memory_space<hbm>>) target(%arg22 : memref<64x64xf32, #tpu.memory_space<vmem>>) target_semaphore(%run_scoped3A : memref<!tpu.dma_semaphore, #tpu.memory_space<semaphore_mem>>)
        %dma_wait3A_320 = arith.constant 0 : i32
        %dma_wait3A_321 = tpu.memref_slice %arg4[%multiple_of3A_304, %dma_wait3A_320] : memref<393216x64xf32, #tpu.memory_space<hbm>> -> memref<64x64xf32, #tpu.memory_space<hbm>>
        %dma_wait3A_322 = arith.constant 0 : i32
        %dma_wait3A_323 = tpu.memref_slice %arg4[%multiple_of3A_304, %dma_wait3A_322] : memref<393216x64xf32, #tpu.memory_space<hbm>> -> memref<64x64xf32, #tpu.memory_space<hbm>>
        tpu.wait_dma2 semaphore(%run_scoped3A : memref<!tpu.dma_semaphore, #tpu.memory_space<semaphore_mem>>) src(%dma_wait3A_323 : memref<64x64xf32, #tpu.memory_space<hbm>>) dst(%arg22 : memref<64x64xf32, #tpu.memory_space<vmem>>)
        tpu.yield
      }) : () -> ()
      %dma_wait3A = arith.constant 0 : i32
      %dma_wait3A_305 = arith.constant 0 : i32
      %dma_wait3A_306 = tpu.memref_slice %arg2[%dma_wait3A, %dma_wait3A_305] : memref<212992x64xf32, #tpu.memory_space<hbm>> -> memref<212992x64xf32, #tpu.memory_space<hbm>>
      tpu.wait_indirect_dma semaphore(%arg26 : memref<!tpu.dma_semaphore, #tpu.memory_space<semaphore_mem>>) src(%dma_wait3A_306 : memref<212992x64xf32, #tpu.memory_space<hbm>>) dst(%arg20 : memref<64x64xf32, #tpu.memory_space<vmem>>)
      %dma_wait3A_307 = arith.constant 0 : i32
      %dma_wait3A_308 = arith.constant 0 : i32
      %dma_wait3A_309 = tpu.memref_slice %arg3[%dma_wait3A_307, %dma_wait3A_308] : memref<212992x64xf32, #tpu.memory_space<hbm>> -> memref<212992x64xf32, #tpu.memory_space<hbm>>
      tpu.wait_indirect_dma semaphore(%arg27 : memref<!tpu.dma_semaphore, #tpu.memory_space<semaphore_mem>>) src(%dma_wait3A_309 : memref<212992x64xf32, #tpu.memory_space<hbm>>) dst(%arg21 : memref<64x64xf32, #tpu.memory_space<vmem>>)
      %scan3A_310 = arith.constant 0 : i32
      %scan3A_311 = arith.constant 0 : i32
      %scan3A_312 = arith.constant 64 : i32
      %scan3A_313 = arith.addi %scan3A_311, %scan3A_312 : i32
      %scan3A_314 = arith.constant 2 : i32
      scf.for %scan3A_316 = %scan3A_311 to %scan3A_313 step %scan3A_314  : i32 {
        %broadcast_in_dim3A_317 = arith.constant 0.000000e+00 : f32
        %broadcast_in_dim3A_318 = vector.broadcast %broadcast_in_dim3A_317 : f32 to vector<16xf32>
        %get3A_319 = arith.index_cast %scan3A_316 : i32 to index
        %get3A_320 = arith.constant 0 : index
        %get3A_321 = tpu.vector_load %arg20[%get3A_319, %get3A_320] {strides = array<i32>} : memref<64x64xf32, #tpu.memory_space<vmem>>, vector<16xf32>,
        %get3A_322 = arith.index_cast %scan3A_316 : i32 to index
        %get3A_323 = arith.constant 0 : index
        %get3A_324 = tpu.vector_load %arg21[%get3A_322, %get3A_323] {strides = array<i32>} : memref<64x64xf32, #tpu.memory_space<vmem>>, vector<16xf32>,
        %add3A_325 = arith.addf %get3A_321, %get3A_324 : vector<16xf32>
        %get3A_326 = arith.index_cast %scan3A_316 : i32 to index
        %get3A_327 = arith.constant 0 : index
        %get3A_328 = tpu.vector_load %arg22[%get3A_326, %get3A_327] {strides = array<i32>} : memref<64x64xf32, #tpu.memory_space<vmem>>, vector<16xf32>,
        %add3A_329 = arith.addf %add3A_325, %get3A_328 : vector<16xf32>
        %ge3A_330 = arith.constant 0.000000e+00 : f32
        %ge3A_331 = vector.broadcast %ge3A_330 : f32 to vector<16xf32>
        %ge3A_332 = arith.cmpf oge, %add3A_329, %ge3A_331 : vector<16xf32>
        %mul3A_333 = arith.constant 2.000000e-01 : f32
        %mul3A_334 = vector.broadcast %mul3A_333 : f32 to vector<16xf32>
        %mul3A_335 = arith.mulf %mul3A_334, %add3A_329 : vector<16xf32>
        %select_n3A_336 = arith.select %ge3A_332, %add3A_329, %mul3A_335 : vector<16xi1>, vector<16xf32>
        %mul3A_337 = arith.mulf %select_n3A_336, %get3A_152 : vector<16xf32>
        %add3A_338 = arith.addf %broadcast_in_dim3A_318, %mul3A_337 : vector<16xf32>
        %get3A_339 = arith.index_cast %scan3A_316 : i32 to index
        %get3A_340 = arith.constant 16 : index
        %get3A_341 = tpu.vector_load %arg20[%get3A_339, %get3A_340] {strides = array<i32>} : memref<64x64xf32, #tpu.memory_space<vmem>>, vector<16xf32>,
        %get3A_342 = arith.index_cast %scan3A_316 : i32 to index
        %get3A_343 = arith.constant 16 : index
        %get3A_344 = tpu.vector_load %arg21[%get3A_342, %get3A_343] {strides = array<i32>} : memref<64x64xf32, #tpu.memory_space<vmem>>, vector<16xf32>,
        %add3A_345 = arith.addf %get3A_341, %get3A_344 : vector<16xf32>
        %get3A_346 = arith.index_cast %scan3A_316 : i32 to index
        %get3A_347 = arith.constant 16 : index
        %get3A_348 = tpu.vector_load %arg22[%get3A_346, %get3A_347] {strides = array<i32>} : memref<64x64xf32, #tpu.memory_space<vmem>>, vector<16xf32>,
        %add3A_349 = arith.addf %add3A_345, %get3A_348 : vector<16xf32>
        %ge3A_350 = arith.constant 0.000000e+00 : f32
        %ge3A_351 = vector.broadcast %ge3A_350 : f32 to vector<16xf32>
        %ge3A_352 = arith.cmpf oge, %add3A_349, %ge3A_351 : vector<16xf32>
        %mul3A_353 = arith.constant 2.000000e-01 : f32
        %mul3A_354 = vector.broadcast %mul3A_353 : f32 to vector<16xf32>
        %mul3A_355 = arith.mulf %mul3A_354, %add3A_349 : vector<16xf32>
        %select_n3A_356 = arith.select %ge3A_352, %add3A_349, %mul3A_355 : vector<16xi1>, vector<16xf32>
        %mul3A_357 = arith.mulf %select_n3A_356, %get3A_156 : vector<16xf32>
        %add3A_358 = arith.addf %add3A_338, %mul3A_357 : vector<16xf32>
        %get3A_359 = arith.index_cast %scan3A_316 : i32 to index
        %get3A_360 = arith.constant 32 : index
        %get3A_361 = tpu.vector_load %arg20[%get3A_359, %get3A_360] {strides = array<i32>} : memref<64x64xf32, #tpu.memory_space<vmem>>, vector<16xf32>,
        %get3A_362 = arith.index_cast %scan3A_316 : i32 to index
        %get3A_363 = arith.constant 32 : index
        %get3A_364 = tpu.vector_load %arg21[%get3A_362, %get3A_363] {strides = array<i32>} : memref<64x64xf32, #tpu.memory_space<vmem>>, vector<16xf32>,
        %add3A_365 = arith.addf %get3A_361, %get3A_364 : vector<16xf32>
        %get3A_366 = arith.index_cast %scan3A_316 : i32 to index
        %get3A_367 = arith.constant 32 : index
        %get3A_368 = tpu.vector_load %arg22[%get3A_366, %get3A_367] {strides = array<i32>} : memref<64x64xf32, #tpu.memory_space<vmem>>, vector<16xf32>,
        %add3A_369 = arith.addf %add3A_365, %get3A_368 : vector<16xf32>
        %ge3A_370 = arith.constant 0.000000e+00 : f32
        %ge3A_371 = vector.broadcast %ge3A_370 : f32 to vector<16xf32>
        %ge3A_372 = arith.cmpf oge, %add3A_369, %ge3A_371 : vector<16xf32>
        %mul3A_373 = arith.constant 2.000000e-01 : f32
        %mul3A_374 = vector.broadcast %mul3A_373 : f32 to vector<16xf32>
        %mul3A_375 = arith.mulf %mul3A_374, %add3A_369 : vector<16xf32>
        %select_n3A_376 = arith.select %ge3A_372, %add3A_369, %mul3A_375 : vector<16xi1>, vector<16xf32>
        %mul3A_377 = arith.mulf %select_n3A_376, %get3A_160 : vector<16xf32>
        %add3A_378 = arith.addf %add3A_358, %mul3A_377 : vector<16xf32>
        %get3A_379 = arith.index_cast %scan3A_316 : i32 to index
        %get3A_380 = arith.constant 48 : index
        %get3A_381 = tpu.vector_load %arg20[%get3A_379, %get3A_380] {strides = array<i32>} : memref<64x64xf32, #tpu.memory_space<vmem>>, vector<16xf32>,
        %get3A_382 = arith.index_cast %scan3A_316 : i32 to index
        %get3A_383 = arith.constant 48 : index
        %get3A_384 = tpu.vector_load %arg21[%get3A_382, %get3A_383] {strides = array<i32>} : memref<64x64xf32, #tpu.memory_space<vmem>>, vector<16xf32>,
        %add3A_385 = arith.addf %get3A_381, %get3A_384 : vector<16xf32>
        %get3A_386 = arith.index_cast %scan3A_316 : i32 to index
        %get3A_387 = arith.constant 48 : index
        %get3A_388 = tpu.vector_load %arg22[%get3A_386, %get3A_387] {strides = array<i32>} : memref<64x64xf32, #tpu.memory_space<vmem>>, vector<16xf32>,
        %add3A_389 = arith.addf %add3A_385, %get3A_388 : vector<16xf32>
        %ge3A_390 = arith.constant 0.000000e+00 : f32
        %ge3A_391 = vector.broadcast %ge3A_390 : f32 to vector<16xf32>
        %ge3A_392 = arith.cmpf oge, %add3A_389, %ge3A_391 : vector<16xf32>
        %mul3A_393 = arith.constant 2.000000e-01 : f32
        %mul3A_394 = vector.broadcast %mul3A_393 : f32 to vector<16xf32>
        %mul3A_395 = arith.mulf %mul3A_394, %add3A_389 : vector<16xf32>
        %select_n3A_396 = arith.select %ge3A_392, %add3A_389, %mul3A_395 : vector<16xi1>, vector<16xf32>
        %mul3A_397 = arith.mulf %select_n3A_396, %get3A_164 : vector<16xf32>
        %add3A_398 = arith.addf %add3A_378, %mul3A_397 : vector<16xf32>
        %swap3A_399 = arith.constant 0 : index
        %swap3A_400 = tpu.vector_load %arg25[%swap3A_399] {strides = array<i32>} : memref<16xf32, #tpu.memory_space<vmem>>, vector<16xf32>,
        tpu.vector_store %arg25[%swap3A_399], %add3A_398 {strides = array<i32>} : memref<16xf32, #tpu.memory_space<vmem>>, vector<16xf32>,
        %xor3A = arith.constant 1 : i32
        %xor3A_401 = vector.broadcast %xor3A : i32 to vector<16xi32>
        %xor3A_402 = arith.xori %iota3A, %xor3A_401 : vector<16xi32>
        %gather3A = tpu.vector_load_idx %arg25[%xor3A_402] : memref<16xf32, #tpu.memory_space<vmem>>[vector<16xi32>], vector<16xf32>,
        %add3A_403 = arith.addf %add3A_398, %gather3A : vector<16xf32>
        %swap3A_404 = arith.constant 0 : index
        %swap3A_405 = tpu.vector_load %arg25[%swap3A_404] {strides = array<i32>} : memref<16xf32, #tpu.memory_space<vmem>>, vector<16xf32>,
        tpu.vector_store %arg25[%swap3A_404], %add3A_403 {strides = array<i32>} : memref<16xf32, #tpu.memory_space<vmem>>, vector<16xf32>,
        %xor3A_406 = arith.constant 2 : i32
        %xor3A_407 = vector.broadcast %xor3A_406 : i32 to vector<16xi32>
        %xor3A_408 = arith.xori %iota3A, %xor3A_407 : vector<16xi32>
        %gather3A_409 = tpu.vector_load_idx %arg25[%xor3A_408] : memref<16xf32, #tpu.memory_space<vmem>>[vector<16xi32>], vector<16xf32>,
        %add3A_410 = arith.addf %add3A_403, %gather3A_409 : vector<16xf32>
        %swap3A_411 = arith.constant 0 : index
        %swap3A_412 = tpu.vector_load %arg25[%swap3A_411] {strides = array<i32>} : memref<16xf32, #tpu.memory_space<vmem>>, vector<16xf32>,
        tpu.vector_store %arg25[%swap3A_411], %add3A_410 {strides = array<i32>} : memref<16xf32, #tpu.memory_space<vmem>>, vector<16xf32>,
        %xor3A_413 = arith.constant 4 : i32
        %xor3A_414 = vector.broadcast %xor3A_413 : i32 to vector<16xi32>
        %xor3A_415 = arith.xori %iota3A, %xor3A_414 : vector<16xi32>
        %gather3A_416 = tpu.vector_load_idx %arg25[%xor3A_415] : memref<16xf32, #tpu.memory_space<vmem>>[vector<16xi32>], vector<16xf32>,
        %add3A_417 = arith.addf %add3A_410, %gather3A_416 : vector<16xf32>
        %swap3A_418 = arith.constant 0 : index
        %swap3A_419 = tpu.vector_load %arg25[%swap3A_418] {strides = array<i32>} : memref<16xf32, #tpu.memory_space<vmem>>, vector<16xf32>,
        tpu.vector_store %arg25[%swap3A_418], %add3A_417 {strides = array<i32>} : memref<16xf32, #tpu.memory_space<vmem>>, vector<16xf32>,
        %xor3A_420 = arith.constant 8 : i32
        %xor3A_421 = vector.broadcast %xor3A_420 : i32 to vector<16xi32>
        %xor3A_422 = arith.xori %iota3A, %xor3A_421 : vector<16xi32>
        %gather3A_423 = tpu.vector_load_idx %arg25[%xor3A_422] : memref<16xf32, #tpu.memory_space<vmem>>[vector<16xi32>], vector<16xf32>,
        %add3A_424 = arith.addf %add3A_417, %gather3A_423 : vector<16xf32>
        %exp3A = math.exp %add3A_424 : vector<16xf32>
        %mul3A_425 = arith.mulf %get3A_321, %exp3A : vector<16xf32>
        %swap3A_426 = arith.index_cast %scan3A_316 : i32 to index
        %swap3A_427 = arith.constant 0 : index
        %swap3A_428 = tpu.vector_load %arg23[%swap3A_426, %swap3A_427] {strides = array<i32>} : memref<64x64xf32, #tpu.memory_space<vmem>>, vector<16xf32>,
        tpu.vector_store %arg23[%swap3A_426, %swap3A_427], %mul3A_425 {strides = array<i32>} : memref<64x64xf32, #tpu.memory_space<vmem>>, vector<16xf32>,
        %mul3A_429 = arith.mulf %get3A_341, %exp3A : vector<16xf32>
        %swap3A_430 = arith.index_cast %scan3A_316 : i32 to index
        %swap3A_431 = arith.constant 16 : index
        %swap3A_432 = tpu.vector_load %arg23[%swap3A_430, %swap3A_431] {strides = array<i32>} : memref<64x64xf32, #tpu.memory_space<vmem>>, vector<16xf32>,
        tpu.vector_store %arg23[%swap3A_430, %swap3A_431], %mul3A_429 {strides = array<i32>} : memref<64x64xf32, #tpu.memory_space<vmem>>, vector<16xf32>,
        %mul3A_433 = arith.mulf %get3A_361, %exp3A : vector<16xf32>
        %swap3A_434 = arith.index_cast %scan3A_316 : i32 to index
        %swap3A_435 = arith.constant 32 : index
        %swap3A_436 = tpu.vector_load %arg23[%swap3A_434, %swap3A_435] {strides = array<i32>} : memref<64x64xf32, #tpu.memory_space<vmem>>, vector<16xf32>,
        tpu.vector_store %arg23[%swap3A_434, %swap3A_435], %mul3A_433 {strides = array<i32>} : memref<64x64xf32, #tpu.memory_space<vmem>>, vector<16xf32>,
        %mul3A_437 = arith.mulf %get3A_381, %exp3A : vector<16xf32>
        %swap3A_438 = arith.index_cast %scan3A_316 : i32 to index
        %swap3A_439 = arith.constant 48 : index
        %swap3A_440 = tpu.vector_load %arg23[%swap3A_438, %swap3A_439] {strides = array<i32>} : memref<64x64xf32, #tpu.memory_space<vmem>>, vector<16xf32>,
        tpu.vector_store %arg23[%swap3A_438, %swap3A_439], %mul3A_437 {strides = array<i32>} : memref<64x64xf32, #tpu.memory_space<vmem>>, vector<16xf32>,
        %broadcast_in_dim3A_441 = vector.broadcast %scan3A_316 : i32 to vector<16xi32>
        tpu.vector_store_idx %arg24[%broadcast_in_dim3A_441, %iota3A], %exp3A masked %lt3A_2 : memref<64x4xf32, #tpu.memory_space<vmem>>[vector<16xi32>, vector<16xi32>], vector<16xf32>, vector<16xi1>
        %scan3A_442 = arith.constant 1 : i32
        %scan3A_443 = arith.addi %scan3A_316, %scan3A_442 : i32
        %broadcast_in_dim3A_444 = arith.constant 0.000000e+00 : f32
        %broadcast_in_dim3A_445 = vector.broadcast %broadcast_in_dim3A_444 : f32 to vector<16xf32>
        %get3A_446 = arith.index_cast %scan3A_443 : i32 to index
        %get3A_447 = arith.constant 0 : index
        %get3A_448 = tpu.vector_load %arg20[%get3A_446, %get3A_447] {strides = array<i32>} : memref<64x64xf32, #tpu.memory_space<vmem>>, vector<16xf32>,
        %get3A_449 = arith.index_cast %scan3A_443 : i32 to index
        %get3A_450 = arith.constant 0 : index
        %get3A_451 = tpu.vector_load %arg21[%get3A_449, %get3A_450] {strides = array<i32>} : memref<64x64xf32, #tpu.memory_space<vmem>>, vector<16xf32>,
        %add3A_452 = arith.addf %get3A_448, %get3A_451 : vector<16xf32>
        %get3A_453 = arith.index_cast %scan3A_443 : i32 to index
        %get3A_454 = arith.constant 0 : index
        %get3A_455 = tpu.vector_load %arg22[%get3A_453, %get3A_454] {strides = array<i32>} : memref<64x64xf32, #tpu.memory_space<vmem>>, vector<16xf32>,
        %add3A_456 = arith.addf %add3A_452, %get3A_455 : vector<16xf32>
        %ge3A_457 = arith.constant 0.000000e+00 : f32
        %ge3A_458 = vector.broadcast %ge3A_457 : f32 to vector<16xf32>
        %ge3A_459 = arith.cmpf oge, %add3A_456, %ge3A_458 : vector<16xf32>
        %mul3A_460 = arith.constant 2.000000e-01 : f32
        %mul3A_461 = vector.broadcast %mul3A_460 : f32 to vector<16xf32>
        %mul3A_462 = arith.mulf %mul3A_461, %add3A_456 : vector<16xf32>
        %select_n3A_463 = arith.select %ge3A_459, %add3A_456, %mul3A_462 : vector<16xi1>, vector<16xf32>
        %mul3A_464 = arith.mulf %select_n3A_463, %get3A_152 : vector<16xf32>
        %add3A_465 = arith.addf %broadcast_in_dim3A_445, %mul3A_464 : vector<16xf32>
        %get3A_466 = arith.index_cast %scan3A_443 : i32 to index
        %get3A_467 = arith.constant 16 : index
        %get3A_468 = tpu.vector_load %arg20[%get3A_466, %get3A_467] {strides = array<i32>} : memref<64x64xf32, #tpu.memory_space<vmem>>, vector<16xf32>,
        %get3A_469 = arith.index_cast %scan3A_443 : i32 to index
        %get3A_470 = arith.constant 16 : index
        %get3A_471 = tpu.vector_load %arg21[%get3A_469, %get3A_470] {strides = array<i32>} : memref<64x64xf32, #tpu.memory_space<vmem>>, vector<16xf32>,
        %add3A_472 = arith.addf %get3A_468, %get3A_471 : vector<16xf32>
        %get3A_473 = arith.index_cast %scan3A_443 : i32 to index
        %get3A_474 = arith.constant 16 : index
        %get3A_475 = tpu.vector_load %arg22[%get3A_473, %get3A_474] {strides = array<i32>} : memref<64x64xf32, #tpu.memory_space<vmem>>, vector<16xf32>,
        %add3A_476 = arith.addf %add3A_472, %get3A_475 : vector<16xf32>
        %ge3A_477 = arith.constant 0.000000e+00 : f32
        %ge3A_478 = vector.broadcast %ge3A_477 : f32 to vector<16xf32>
        %ge3A_479 = arith.cmpf oge, %add3A_476, %ge3A_478 : vector<16xf32>
        %mul3A_480 = arith.constant 2.000000e-01 : f32
        %mul3A_481 = vector.broadcast %mul3A_480 : f32 to vector<16xf32>
        %mul3A_482 = arith.mulf %mul3A_481, %add3A_476 : vector<16xf32>
        %select_n3A_483 = arith.select %ge3A_479, %add3A_476, %mul3A_482 : vector<16xi1>, vector<16xf32>
        %mul3A_484 = arith.mulf %select_n3A_483, %get3A_156 : vector<16xf32>
        %add3A_485 = arith.addf %add3A_465, %mul3A_484 : vector<16xf32>
        %get3A_486 = arith.index_cast %scan3A_443 : i32 to index
        %get3A_487 = arith.constant 32 : index
        %get3A_488 = tpu.vector_load %arg20[%get3A_486, %get3A_487] {strides = array<i32>} : memref<64x64xf32, #tpu.memory_space<vmem>>, vector<16xf32>,
        %get3A_489 = arith.index_cast %scan3A_443 : i32 to index
        %get3A_490 = arith.constant 32 : index
        %get3A_491 = tpu.vector_load %arg21[%get3A_489, %get3A_490] {strides = array<i32>} : memref<64x64xf32, #tpu.memory_space<vmem>>, vector<16xf32>,
        %add3A_492 = arith.addf %get3A_488, %get3A_491 : vector<16xf32>
        %get3A_493 = arith.index_cast %scan3A_443 : i32 to index
        %get3A_494 = arith.constant 32 : index
        %get3A_495 = tpu.vector_load %arg22[%get3A_493, %get3A_494] {strides = array<i32>} : memref<64x64xf32, #tpu.memory_space<vmem>>, vector<16xf32>,
        %add3A_496 = arith.addf %add3A_492, %get3A_495 : vector<16xf32>
        %ge3A_497 = arith.constant 0.000000e+00 : f32
        %ge3A_498 = vector.broadcast %ge3A_497 : f32 to vector<16xf32>
        %ge3A_499 = arith.cmpf oge, %add3A_496, %ge3A_498 : vector<16xf32>
        %mul3A_500 = arith.constant 2.000000e-01 : f32
        %mul3A_501 = vector.broadcast %mul3A_500 : f32 to vector<16xf32>
        %mul3A_502 = arith.mulf %mul3A_501, %add3A_496 : vector<16xf32>
        %select_n3A_503 = arith.select %ge3A_499, %add3A_496, %mul3A_502 : vector<16xi1>, vector<16xf32>
        %mul3A_504 = arith.mulf %select_n3A_503, %get3A_160 : vector<16xf32>
        %add3A_505 = arith.addf %add3A_485, %mul3A_504 : vector<16xf32>
        %get3A_506 = arith.index_cast %scan3A_443 : i32 to index
        %get3A_507 = arith.constant 48 : index
        %get3A_508 = tpu.vector_load %arg20[%get3A_506, %get3A_507] {strides = array<i32>} : memref<64x64xf32, #tpu.memory_space<vmem>>, vector<16xf32>,
        %get3A_509 = arith.index_cast %scan3A_443 : i32 to index
        %get3A_510 = arith.constant 48 : index
        %get3A_511 = tpu.vector_load %arg21[%get3A_509, %get3A_510] {strides = array<i32>} : memref<64x64xf32, #tpu.memory_space<vmem>>, vector<16xf32>,
        %add3A_512 = arith.addf %get3A_508, %get3A_511 : vector<16xf32>
        %get3A_513 = arith.index_cast %scan3A_443 : i32 to index
        %get3A_514 = arith.constant 48 : index
        %get3A_515 = tpu.vector_load %arg22[%get3A_513, %get3A_514] {strides = array<i32>} : memref<64x64xf32, #tpu.memory_space<vmem>>, vector<16xf32>,
        %add3A_516 = arith.addf %add3A_512, %get3A_515 : vector<16xf32>
        %ge3A_517 = arith.constant 0.000000e+00 : f32
        %ge3A_518 = vector.broadcast %ge3A_517 : f32 to vector<16xf32>
        %ge3A_519 = arith.cmpf oge, %add3A_516, %ge3A_518 : vector<16xf32>
        %mul3A_520 = arith.constant 2.000000e-01 : f32
        %mul3A_521 = vector.broadcast %mul3A_520 : f32 to vector<16xf32>
        %mul3A_522 = arith.mulf %mul3A_521, %add3A_516 : vector<16xf32>
        %select_n3A_523 = arith.select %ge3A_519, %add3A_516, %mul3A_522 : vector<16xi1>, vector<16xf32>
        %mul3A_524 = arith.mulf %select_n3A_523, %get3A_164 : vector<16xf32>
        %add3A_525 = arith.addf %add3A_505, %mul3A_524 : vector<16xf32>
        %swap3A_526 = arith.constant 0 : index
        %swap3A_527 = tpu.vector_load %arg25[%swap3A_526] {strides = array<i32>} : memref<16xf32, #tpu.memory_space<vmem>>, vector<16xf32>,
        tpu.vector_store %arg25[%swap3A_526], %add3A_525 {strides = array<i32>} : memref<16xf32, #tpu.memory_space<vmem>>, vector<16xf32>,
        %xor3A_528 = arith.constant 1 : i32
        %xor3A_529 = vector.broadcast %xor3A_528 : i32 to vector<16xi32>
        %xor3A_530 = arith.xori %iota3A, %xor3A_529 : vector<16xi32>
        %gather3A_531 = tpu.vector_load_idx %arg25[%xor3A_530] : memref<16xf32, #tpu.memory_space<vmem>>[vector<16xi32>], vector<16xf32>,
        %add3A_532 = arith.addf %add3A_525, %gather3A_531 : vector<16xf32>
        %swap3A_533 = arith.constant 0 : index
        %swap3A_534 = tpu.vector_load %arg25[%swap3A_533] {strides = array<i32>} : memref<16xf32, #tpu.memory_space<vmem>>, vector<16xf32>,
        tpu.vector_store %arg25[%swap3A_533], %add3A_532 {strides = array<i32>} : memref<16xf32, #tpu.memory_space<vmem>>, vector<16xf32>,
        %xor3A_535 = arith.constant 2 : i32
        %xor3A_536 = vector.broadcast %xor3A_535 : i32 to vector<16xi32>
        %xor3A_537 = arith.xori %iota3A, %xor3A_536 : vector<16xi32>
        %gather3A_538 = tpu.vector_load_idx %arg25[%xor3A_537] : memref<16xf32, #tpu.memory_space<vmem>>[vector<16xi32>], vector<16xf32>,
        %add3A_539 = arith.addf %add3A_532, %gather3A_538 : vector<16xf32>
        %swap3A_540 = arith.constant 0 : index
        %swap3A_541 = tpu.vector_load %arg25[%swap3A_540] {strides = array<i32>} : memref<16xf32, #tpu.memory_space<vmem>>, vector<16xf32>,
        tpu.vector_store %arg25[%swap3A_540], %add3A_539 {strides = array<i32>} : memref<16xf32, #tpu.memory_space<vmem>>, vector<16xf32>,
        %xor3A_542 = arith.constant 4 : i32
        %xor3A_543 = vector.broadcast %xor3A_542 : i32 to vector<16xi32>
        %xor3A_544 = arith.xori %iota3A, %xor3A_543 : vector<16xi32>
        %gather3A_545 = tpu.vector_load_idx %arg25[%xor3A_544] : memref<16xf32, #tpu.memory_space<vmem>>[vector<16xi32>], vector<16xf32>,
        %add3A_546 = arith.addf %add3A_539, %gather3A_545 : vector<16xf32>
        %swap3A_547 = arith.constant 0 : index
        %swap3A_548 = tpu.vector_load %arg25[%swap3A_547] {strides = array<i32>} : memref<16xf32, #tpu.memory_space<vmem>>, vector<16xf32>,
        tpu.vector_store %arg25[%swap3A_547], %add3A_546 {strides = array<i32>} : memref<16xf32, #tpu.memory_space<vmem>>, vector<16xf32>,
        %xor3A_549 = arith.constant 8 : i32
        %xor3A_550 = vector.broadcast %xor3A_549 : i32 to vector<16xi32>
        %xor3A_551 = arith.xori %iota3A, %xor3A_550 : vector<16xi32>
        %gather3A_552 = tpu.vector_load_idx %arg25[%xor3A_551] : memref<16xf32, #tpu.memory_space<vmem>>[vector<16xi32>], vector<16xf32>,
        %add3A_553 = arith.addf %add3A_546, %gather3A_552 : vector<16xf32>
        %exp3A_554 = math.exp %add3A_553 : vector<16xf32>
        %mul3A_555 = arith.mulf %get3A_448, %exp3A_554 : vector<16xf32>
        %swap3A_556 = arith.index_cast %scan3A_443 : i32 to index
        %swap3A_557 = arith.constant 0 : index
        %swap3A_558 = tpu.vector_load %arg23[%swap3A_556, %swap3A_557] {strides = array<i32>} : memref<64x64xf32, #tpu.memory_space<vmem>>, vector<16xf32>,
        tpu.vector_store %arg23[%swap3A_556, %swap3A_557], %mul3A_555 {strides = array<i32>} : memref<64x64xf32, #tpu.memory_space<vmem>>, vector<16xf32>,
        %mul3A_559 = arith.mulf %get3A_468, %exp3A_554 : vector<16xf32>
        %swap3A_560 = arith.index_cast %scan3A_443 : i32 to index
        %swap3A_561 = arith.constant 16 : index
        %swap3A_562 = tpu.vector_load %arg23[%swap3A_560, %swap3A_561] {strides = array<i32>} : memref<64x64xf32, #tpu.memory_space<vmem>>, vector<16xf32>,
        tpu.vector_store %arg23[%swap3A_560, %swap3A_561], %mul3A_559 {strides = array<i32>} : memref<64x64xf32, #tpu.memory_space<vmem>>, vector<16xf32>,
        %mul3A_563 = arith.mulf %get3A_488, %exp3A_554 : vector<16xf32>
        %swap3A_564 = arith.index_cast %scan3A_443 : i32 to index
        %swap3A_565 = arith.constant 32 : index
        %swap3A_566 = tpu.vector_load %arg23[%swap3A_564, %swap3A_565] {strides = array<i32>} : memref<64x64xf32, #tpu.memory_space<vmem>>, vector<16xf32>,
        tpu.vector_store %arg23[%swap3A_564, %swap3A_565], %mul3A_563 {strides = array<i32>} : memref<64x64xf32, #tpu.memory_space<vmem>>, vector<16xf32>,
        %mul3A_567 = arith.mulf %get3A_508, %exp3A_554 : vector<16xf32>
        %swap3A_568 = arith.index_cast %scan3A_443 : i32 to index
        %swap3A_569 = arith.constant 48 : index
        %swap3A_570 = tpu.vector_load %arg23[%swap3A_568, %swap3A_569] {strides = array<i32>} : memref<64x64xf32, #tpu.memory_space<vmem>>, vector<16xf32>,
        tpu.vector_store %arg23[%swap3A_568, %swap3A_569], %mul3A_567 {strides = array<i32>} : memref<64x64xf32, #tpu.memory_space<vmem>>, vector<16xf32>,
        %broadcast_in_dim3A_571 = vector.broadcast %scan3A_443 : i32 to vector<16xi32>
        tpu.vector_store_idx %arg24[%broadcast_in_dim3A_571, %iota3A], %exp3A_554 masked %lt3A_2 : memref<64x4xf32, #tpu.memory_space<vmem>>[vector<16xi32>, vector<16xi32>], vector<16xf32>, vector<16xi1>
      }
      %scan3A_315 = arith.constant 64 : i32
      "tpu.region"() ({
        %run_scoped3A = tpu.sem_alloc : memref<!tpu.dma_semaphore, #tpu.memory_space<semaphore_mem>>
        %dma_start3A_316 = arith.constant 0 : i32
        %dma_start3A_317 = arith.constant 0 : i32
        %dma_start3A_318 = tpu.memref_slice %arg12[%dma_start3A_316, %dma_start3A_317] : memref<26632x64xf32, #tpu.memory_space<vmem_shared>> -> memref<26632x64xf32, #tpu.memory_space<vmem_shared>>
        tpu.enqueue_indirect_dma source(%arg23 : memref<64x64xf32, #tpu.memory_space<vmem>>) target(%dma_start3A_318 : memref<26632x64xf32, #tpu.memory_space<vmem_shared>>) offsets(%arg19 : memref<64xi32, #tpu.memory_space<vmem>>) semaphore(%run_scoped3A : memref<!tpu.dma_semaphore, #tpu.memory_space<semaphore_mem>>) {add = true}
        %dma_wait3A_319 = arith.constant 0 : i32
        %dma_wait3A_320 = arith.constant 0 : i32
        %dma_wait3A_321 = tpu.memref_slice %arg12[%dma_wait3A_319, %dma_wait3A_320] : memref<26632x64xf32, #tpu.memory_space<vmem_shared>> -> memref<26632x64xf32, #tpu.memory_space<vmem_shared>>
        tpu.wait_indirect_dma semaphore(%run_scoped3A : memref<!tpu.dma_semaphore, #tpu.memory_space<semaphore_mem>>) src(%arg23 : memref<64x64xf32, #tpu.memory_space<vmem>>) dst(%dma_wait3A_321 : memref<26632x64xf32, #tpu.memory_space<vmem_shared>>)
        tpu.yield
      }) : () -> ()
      "tpu.region"() ({
        %run_scoped3A = tpu.sem_alloc : memref<!tpu.dma_semaphore, #tpu.memory_space<semaphore_mem>>
        %dma_start3A_316 = arith.constant 0 : i32
        %dma_start3A_317 = arith.constant 0 : i32
        %dma_start3A_318 = tpu.memref_slice %arg13[%dma_start3A_316, %dma_start3A_317] : memref<26632x4xf32, #tpu.memory_space<vmem_shared>> -> memref<26632x4xf32, #tpu.memory_space<vmem_shared>>
        tpu.enqueue_indirect_dma source(%arg24 : memref<64x4xf32, #tpu.memory_space<vmem>>) target(%dma_start3A_318 : memref<26632x4xf32, #tpu.memory_space<vmem_shared>>) offsets(%arg19 : memref<64xi32, #tpu.memory_space<vmem>>) semaphore(%run_scoped3A : memref<!tpu.dma_semaphore, #tpu.memory_space<semaphore_mem>>) {add = true}
        %dma_wait3A_319 = arith.constant 0 : i32
        %dma_wait3A_320 = arith.constant 0 : i32
        %dma_wait3A_321 = tpu.memref_slice %arg13[%dma_wait3A_319, %dma_wait3A_320] : memref<26632x4xf32, #tpu.memory_space<vmem_shared>> -> memref<26632x4xf32, #tpu.memory_space<vmem_shared>>
        tpu.wait_indirect_dma semaphore(%run_scoped3A : memref<!tpu.dma_semaphore, #tpu.memory_space<semaphore_mem>>) src(%arg24 : memref<64x4xf32, #tpu.memory_space<vmem>>) dst(%dma_wait3A_321 : memref<26632x4xf32, #tpu.memory_space<vmem_shared>>)
        tpu.yield
      }) : () -> ()
    }
    %scan3A_171 = arith.constant 96 : i32
    %barrier3A_172 = arith.constant 0 : index
    tpu.barrier barrier_id(%barrier3A_172)
    %mul3A_173 = arith.constant 26624 : i32
    %mul3A_174 = arith.muli %arg0, %mul3A_173 : i32
    %add3A_175 = arith.constant 159744 : i32
    %add3A_176 = arith.addi %add3A_175, %mul3A_174 : i32
    %mul3A_177 = arith.constant 1664 : i32
    %mul3A_178 = arith.muli %arg1, %mul3A_177 : i32
    %add3A_179 = arith.addi %add3A_176, %mul3A_178 : i32
    %mul3A_180 = arith.constant 1664 : i32
    %mul3A_181 = arith.muli %arg1, %mul3A_180 : i32
    %multiple_of3A_182 = tpu.assume_multiple %add3A_179, 8 : i32
    "tpu.region"() ({
      %run_scoped3A = tpu.sem_alloc : memref<!tpu.dma_semaphore, #tpu.memory_space<semaphore_mem>>
      %dma_start3A = arith.constant 0 : i32
      %dma_start3A_187 = tpu.memref_slice %arg10[%multiple_of3A_182, %dma_start3A] : memref<212992x64xf32, #tpu.memory_space<hbm>> -> memref<1664x64xf32, #tpu.memory_space<hbm>>
      %dma_start3A_188 = arith.constant 0 : i32
      %dma_start3A_189 = tpu.memref_slice %arg12[%mul3A_181, %dma_start3A_188] : memref<26632x64xf32, #tpu.memory_space<vmem_shared>> -> memref<1664x64xf32, #tpu.memory_space<vmem_shared>>
      tpu.enqueue_dma source(%dma_start3A_189 : memref<1664x64xf32, #tpu.memory_space<vmem_shared>>) target(%dma_start3A_187 : memref<1664x64xf32, #tpu.memory_space<hbm>>) target_semaphore(%run_scoped3A : memref<!tpu.dma_semaphore, #tpu.memory_space<semaphore_mem>>)
      %dma_wait3A = arith.constant 0 : i32
      %dma_wait3A_190 = tpu.memref_slice %arg10[%multiple_of3A_182, %dma_wait3A] : memref<212992x64xf32, #tpu.memory_space<hbm>> -> memref<1664x64xf32, #tpu.memory_space<hbm>>
      %dma_wait3A_191 = arith.constant 0 : i32
      %dma_wait3A_192 = tpu.memref_slice %arg12[%mul3A_181, %dma_wait3A_191] : memref<26632x64xf32, #tpu.memory_space<vmem_shared>> -> memref<1664x64xf32, #tpu.memory_space<vmem_shared>>
      tpu.wait_dma2 semaphore(%run_scoped3A : memref<!tpu.dma_semaphore, #tpu.memory_space<semaphore_mem>>) src(%dma_wait3A_192 : memref<1664x64xf32, #tpu.memory_space<vmem_shared>>) dst(%dma_wait3A_190 : memref<1664x64xf32, #tpu.memory_space<hbm>>)
      tpu.yield
    }) : () -> ()
    %mul3A_183 = arith.constant 1664 : i32
    %mul3A_184 = arith.muli %arg1, %mul3A_183 : i32
    %multiple_of3A_185 = tpu.assume_multiple %add3A_179, 8 : i32
    "tpu.region"() ({
      %run_scoped3A = tpu.sem_alloc : memref<!tpu.dma_semaphore, #tpu.memory_space<semaphore_mem>>
      %dma_start3A = arith.constant 0 : i32
      %dma_start3A_187 = tpu.memref_slice %arg11[%multiple_of3A_185, %dma_start3A] : memref<212992x4xf32, #tpu.memory_space<hbm>> -> memref<1664x4xf32, #tpu.memory_space<hbm>>
      %dma_start3A_188 = arith.constant 0 : i32
      %dma_start3A_189 = tpu.memref_slice %arg13[%mul3A_184, %dma_start3A_188] : memref<26632x4xf32, #tpu.memory_space<vmem_shared>> -> memref<1664x4xf32, #tpu.memory_space<vmem_shared>>
      tpu.enqueue_dma source(%dma_start3A_189 : memref<1664x4xf32, #tpu.memory_space<vmem_shared>>) target(%dma_start3A_187 : memref<1664x4xf32, #tpu.memory_space<hbm>>) target_semaphore(%run_scoped3A : memref<!tpu.dma_semaphore, #tpu.memory_space<semaphore_mem>>)
      %dma_wait3A = arith.constant 0 : i32
      %dma_wait3A_190 = tpu.memref_slice %arg11[%multiple_of3A_185, %dma_wait3A] : memref<212992x4xf32, #tpu.memory_space<hbm>> -> memref<1664x4xf32, #tpu.memory_space<hbm>>
      %dma_wait3A_191 = arith.constant 0 : i32
      %dma_wait3A_192 = tpu.memref_slice %arg13[%mul3A_184, %dma_wait3A_191] : memref<26632x4xf32, #tpu.memory_space<vmem_shared>> -> memref<1664x4xf32, #tpu.memory_space<vmem_shared>>
      tpu.wait_dma2 semaphore(%run_scoped3A : memref<!tpu.dma_semaphore, #tpu.memory_space<semaphore_mem>>) src(%dma_wait3A_192 : memref<1664x4xf32, #tpu.memory_space<vmem_shared>>) dst(%dma_wait3A_190 : memref<1664x4xf32, #tpu.memory_space<hbm>>)
      tpu.yield
    }) : () -> ()
    %barrier3A_186 = arith.constant 0 : index
    tpu.barrier barrier_id(%barrier3A_186)
    return
  }
}

#map = affine_map<(d0, d1) -> (0, 0)>
#map1 = affine_map<(d0, d1) -> (0)>
module attributes {stable_mosaic.version = 14 : i64} {
  func.func @_sc_edge_body(%arg0: i32, %arg1: i32, %arg2: memref<53248x64xf32, #tpu.memory_space<hbm>>, %arg3: memref<53248x64xf32, #tpu.memory_space<hbm>>, %arg4: memref<98304x64xf32, #tpu.memory_space<hbm>>, %arg5: memref<98304xi32, #tpu.memory_space<hbm>>, %arg6: memref<98304xi32, #tpu.memory_space<hbm>>, %arg7: memref<1x64xf32, #tpu.memory_space<hbm>>, %arg8: memref<1664x64xf32, #tpu.memory_space<hbm>>, %arg9: memref<1664x4xf32, #tpu.memory_space<hbm>>, %arg10: memref<53248x64xf32, #tpu.memory_space<hbm>>, %arg11: memref<53248x4xf32, #tpu.memory_space<hbm>>, %arg12: memref<26632x64xf32, #tpu.memory_space<vmem_shared>>, %arg13: memref<26632x4xf32, #tpu.memory_space<vmem_shared>>, %arg14: memref<1x64xf32, #tpu.memory_space<vmem>>, %arg15: memref<64xi32, #tpu.memory_space<vmem>>, %arg16: memref<64xi32, #tpu.memory_space<vmem>>, %arg17: memref<64xi32, #tpu.memory_space<vmem>>, %arg18: memref<64xi32, #tpu.memory_space<vmem>>, %arg19: memref<64xi32, #tpu.memory_space<vmem>>, %arg20: memref<64x64xf32, #tpu.memory_space<vmem>>, %arg21: memref<64x64xf32, #tpu.memory_space<vmem>>, %arg22: memref<64x64xf32, #tpu.memory_space<vmem>>, %arg23: memref<64x64xf32, #tpu.memory_space<vmem>>, %arg24: memref<64x4xf32, #tpu.memory_space<vmem>>, %arg25: memref<16xf32, #tpu.memory_space<vmem>>, %arg26: memref<!tpu.dma_semaphore, #tpu.memory_space<semaphore_mem>>, %arg27: memref<!tpu.dma_semaphore, #tpu.memory_space<semaphore_mem>>) attributes {dimension_semantics = [#tpu.dimension_semantics<core_parallel>, #tpu.dimension_semantics<subcore_parallel>], iteration_bounds = array<i64: 2, 16>, scalar_prefetch = 0 : i64, scratch_operands = 16 : i64, tpu.core_type = #tpu.core_type<sc_vector_subcore>, window_params = [{transform_indices = #map}, {transform_indices = #map}, {transform_indices = #map}, {transform_indices = #map1}, {transform_indices = #map1}, {transform_indices = #map}, {transform_indices = #map}, {transform_indices = #map}, {transform_indices = #map}, {transform_indices = #map}]} {
    %mul3A = arith.constant 6144 : i32
    %mul3A_0 = arith.muli %arg1, %mul3A : i32
    %iota3A = tpu.iota {dimensions = array<i32: 0>} : vector<16xi32>
    %lt3A = arith.constant 4 : i32
    %lt3A_1 = vector.broadcast %lt3A : i32 to vector<16xi32>
    %lt3A_2 = arith.cmpi slt, %iota3A, %lt3A_1 : vector<16xi32>
    "tpu.region"() ({
      %run_scoped3A = tpu.sem_alloc : memref<!tpu.dma_semaphore, #tpu.memory_space<semaphore_mem>>
      tpu.enqueue_dma source(%arg7 : memref<1x64xf32, #tpu.memory_space<hbm>>) target(%arg14 : memref<1x64xf32, #tpu.memory_space<vmem>>) target_semaphore(%run_scoped3A : memref<!tpu.dma_semaphore, #tpu.memory_space<semaphore_mem>>)
      tpu.wait_dma2 semaphore(%run_scoped3A : memref<!tpu.dma_semaphore, #tpu.memory_space<semaphore_mem>>) src(%arg7 : memref<1x64xf32, #tpu.memory_space<hbm>>) dst(%arg14 : memref<1x64xf32, #tpu.memory_space<vmem>>)
      tpu.yield
    }) : () -> ()
    %mul3A_3 = arith.constant 1664 : i32
    %mul3A_4 = arith.muli %arg1, %mul3A_3 : i32
    "tpu.region"() ({
      %run_scoped3A = tpu.sem_alloc : memref<!tpu.dma_semaphore, #tpu.memory_space<semaphore_mem>>
      %dma_start3A = arith.constant 0 : i32
      %dma_start3A_43 = tpu.memref_slice %arg12[%mul3A_4, %dma_start3A] : memref<26632x64xf32, #tpu.memory_space<vmem_shared>> -> memref<1664x64xf32, #tpu.memory_space<vmem_shared>>
      tpu.enqueue_dma source(%arg8 : memref<1664x64xf32, #tpu.memory_space<hbm>>) target(%dma_start3A_43 : memref<1664x64xf32, #tpu.memory_space<vmem_shared>>) target_semaphore(%run_scoped3A : memref<!tpu.dma_semaphore, #tpu.memory_space<semaphore_mem>>)
      %dma_wait3A = arith.constant 0 : i32
      %dma_wait3A_44 = tpu.memref_slice %arg12[%mul3A_4, %dma_wait3A] : memref<26632x64xf32, #tpu.memory_space<vmem_shared>> -> memref<1664x64xf32, #tpu.memory_space<vmem_shared>>
      tpu.wait_dma2 semaphore(%run_scoped3A : memref<!tpu.dma_semaphore, #tpu.memory_space<semaphore_mem>>) src(%arg8 : memref<1664x64xf32, #tpu.memory_space<hbm>>) dst(%dma_wait3A_44 : memref<1664x64xf32, #tpu.memory_space<vmem_shared>>)
      tpu.yield
    }) : () -> ()
    %mul3A_5 = arith.constant 1664 : i32
    %mul3A_6 = arith.muli %arg1, %mul3A_5 : i32
    "tpu.region"() ({
      %run_scoped3A = tpu.sem_alloc : memref<!tpu.dma_semaphore, #tpu.memory_space<semaphore_mem>>
      %dma_start3A = arith.constant 0 : i32
      %dma_start3A_43 = tpu.memref_slice %arg13[%mul3A_6, %dma_start3A] : memref<26632x4xf32, #tpu.memory_space<vmem_shared>> -> memref<1664x4xf32, #tpu.memory_space<vmem_shared>>
      tpu.enqueue_dma source(%arg9 : memref<1664x4xf32, #tpu.memory_space<hbm>>) target(%dma_start3A_43 : memref<1664x4xf32, #tpu.memory_space<vmem_shared>>) target_semaphore(%run_scoped3A : memref<!tpu.dma_semaphore, #tpu.memory_space<semaphore_mem>>)
      %dma_wait3A = arith.constant 0 : i32
      %dma_wait3A_44 = tpu.memref_slice %arg13[%mul3A_6, %dma_wait3A] : memref<26632x4xf32, #tpu.memory_space<vmem_shared>> -> memref<1664x4xf32, #tpu.memory_space<vmem_shared>>
      tpu.wait_dma2 semaphore(%run_scoped3A : memref<!tpu.dma_semaphore, #tpu.memory_space<semaphore_mem>>) src(%arg9 : memref<1664x4xf32, #tpu.memory_space<hbm>>) dst(%dma_wait3A_44 : memref<1664x4xf32, #tpu.memory_space<vmem_shared>>)
      tpu.yield
    }) : () -> ()
    %eq3A = arith.constant 0 : i32
    %eq3A_7 = arith.cmpi eq, %arg1, %eq3A : i32
    %convert_element_type3A = arith.extui %eq3A_7 : i1 to i32
    %cond3A = arith.constant 0 : i32
    %cond3A_8 = arith.cmpi ne, %convert_element_type3A, %cond3A : i32
    scf.if %cond3A_8 {
      "tpu.region"() ({
        %run_scoped3A = tpu.sem_alloc : memref<!tpu.dma_semaphore, #tpu.memory_space<semaphore_mem>>
        %dma_start3A = arith.constant 26624 : i32
        %dma_start3A_43 = arith.constant 0 : i32
        %dma_start3A_44 = tpu.memref_slice %arg12[%dma_start3A, %dma_start3A_43] : memref<26632x64xf32, #tpu.memory_space<vmem_shared>> -> memref<8x64xf32, #tpu.memory_space<vmem_shared>>
        %dma_start3A_45 = arith.constant 0 : i32
        %dma_start3A_46 = arith.constant 0 : i32
        %dma_start3A_47 = tpu.memref_slice %arg8[%dma_start3A_45, %dma_start3A_46] : memref<1664x64xf32, #tpu.memory_space<hbm>> -> memref<8x64xf32, #tpu.memory_space<hbm>>
        tpu.enqueue_dma source(%dma_start3A_47 : memref<8x64xf32, #tpu.memory_space<hbm>>) target(%dma_start3A_44 : memref<8x64xf32, #tpu.memory_space<vmem_shared>>) target_semaphore(%run_scoped3A : memref<!tpu.dma_semaphore, #tpu.memory_space<semaphore_mem>>)
        %dma_wait3A = arith.constant 26624 : i32
        %dma_wait3A_48 = arith.constant 0 : i32
        %dma_wait3A_49 = tpu.memref_slice %arg12[%dma_wait3A, %dma_wait3A_48] : memref<26632x64xf32, #tpu.memory_space<vmem_shared>> -> memref<8x64xf32, #tpu.memory_space<vmem_shared>>
        %dma_wait3A_50 = arith.constant 0 : i32
        %dma_wait3A_51 = arith.constant 0 : i32
        %dma_wait3A_52 = tpu.memref_slice %arg8[%dma_wait3A_50, %dma_wait3A_51] : memref<1664x64xf32, #tpu.memory_space<hbm>> -> memref<8x64xf32, #tpu.memory_space<hbm>>
        tpu.wait_dma2 semaphore(%run_scoped3A : memref<!tpu.dma_semaphore, #tpu.memory_space<semaphore_mem>>) src(%dma_wait3A_52 : memref<8x64xf32, #tpu.memory_space<hbm>>) dst(%dma_wait3A_49 : memref<8x64xf32, #tpu.memory_space<vmem_shared>>)
        tpu.yield
      }) : () -> ()
      "tpu.region"() ({
        %run_scoped3A = tpu.sem_alloc : memref<!tpu.dma_semaphore, #tpu.memory_space<semaphore_mem>>
        %dma_start3A = arith.constant 26624 : i32
        %dma_start3A_43 = arith.constant 0 : i32
        %dma_start3A_44 = tpu.memref_slice %arg13[%dma_start3A, %dma_start3A_43] : memref<26632x4xf32, #tpu.memory_space<vmem_shared>> -> memref<8x4xf32, #tpu.memory_space<vmem_shared>>
        %dma_start3A_45 = arith.constant 0 : i32
        %dma_start3A_46 = arith.constant 0 : i32
        %dma_start3A_47 = tpu.memref_slice %arg9[%dma_start3A_45, %dma_start3A_46] : memref<1664x4xf32, #tpu.memory_space<hbm>> -> memref<8x4xf32, #tpu.memory_space<hbm>>
        tpu.enqueue_dma source(%dma_start3A_47 : memref<8x4xf32, #tpu.memory_space<hbm>>) target(%dma_start3A_44 : memref<8x4xf32, #tpu.memory_space<vmem_shared>>) target_semaphore(%run_scoped3A : memref<!tpu.dma_semaphore, #tpu.memory_space<semaphore_mem>>)
        %dma_wait3A = arith.constant 26624 : i32
        %dma_wait3A_48 = arith.constant 0 : i32
        %dma_wait3A_49 = tpu.memref_slice %arg13[%dma_wait3A, %dma_wait3A_48] : memref<26632x4xf32, #tpu.memory_space<vmem_shared>> -> memref<8x4xf32, #tpu.memory_space<vmem_shared>>
        %dma_wait3A_50 = arith.constant 0 : i32
        %dma_wait3A_51 = arith.constant 0 : i32
        %dma_wait3A_52 = tpu.memref_slice %arg9[%dma_wait3A_50, %dma_wait3A_51] : memref<1664x4xf32, #tpu.memory_space<hbm>> -> memref<8x4xf32, #tpu.memory_space<hbm>>
        tpu.wait_dma2 semaphore(%run_scoped3A : memref<!tpu.dma_semaphore, #tpu.memory_space<semaphore_mem>>) src(%dma_wait3A_52 : memref<8x4xf32, #tpu.memory_space<hbm>>) dst(%dma_wait3A_49 : memref<8x4xf32, #tpu.memory_space<vmem_shared>>)
        tpu.yield
      }) : () -> ()
    } else {
    }
    %barrier3A = arith.constant 0 : index
    tpu.barrier barrier_id(%barrier3A)
    %get3A = arith.constant 0 : i32
    %get3A_9 = arith.index_cast %get3A : i32 to index
    %get3A_10 = arith.constant 0 : index
    %get3A_11 = tpu.vector_load %arg14[%get3A_9, %get3A_10] {strides = array<i32>} : memref<1x64xf32, #tpu.memory_space<vmem>>, vector<16xf32>,
    %get3A_12 = arith.constant 0 : i32
    %get3A_13 = arith.index_cast %get3A_12 : i32 to index
    %get3A_14 = arith.constant 16 : index
    %get3A_15 = tpu.vector_load %arg14[%get3A_13, %get3A_14] {strides = array<i32>} : memref<1x64xf32, #tpu.memory_space<vmem>>, vector<16xf32>,
    %get3A_16 = arith.constant 0 : i32
    %get3A_17 = arith.index_cast %get3A_16 : i32 to index
    %get3A_18 = arith.constant 32 : index
    %get3A_19 = tpu.vector_load %arg14[%get3A_17, %get3A_18] {strides = array<i32>} : memref<1x64xf32, #tpu.memory_space<vmem>>, vector<16xf32>,
    %get3A_20 = arith.constant 0 : i32
    %get3A_21 = arith.index_cast %get3A_20 : i32 to index
    %get3A_22 = arith.constant 48 : index
    %get3A_23 = tpu.vector_load %arg14[%get3A_21, %get3A_22] {strides = array<i32>} : memref<1x64xf32, #tpu.memory_space<vmem>>, vector<16xf32>,
    %scan3A = arith.constant 0 : i32
    %scan3A_24 = arith.constant 0 : i32
    %scan3A_25 = arith.constant 0 : i32
    %scan3A_26 = arith.constant 96 : i32
    %scan3A_27 = arith.addi %scan3A_25, %scan3A_26 : i32
    %scan3A_28 = arith.constant 1 : i32
    scf.for %scan3A_43 = %scan3A_25 to %scan3A_27 step %scan3A_28  : i32 {
      %mul3A_44 = arith.constant 64 : i32
      %mul3A_45 = arith.muli %scan3A_43, %mul3A_44 : i32
      %add3A_46 = arith.addi %mul3A_0, %mul3A_45 : i32
      %multiple_of3A_47 = tpu.assume_multiple %add3A_46, 64 : i32
      "tpu.region"() ({
        %run_scoped3A = tpu.sem_alloc : memref<!tpu.dma_semaphore, #tpu.memory_space<semaphore_mem>>
        %dma_start3A_172 = tpu.memref_slice %arg5[%multiple_of3A_47] : memref<98304xi32, #tpu.memory_space<hbm>> -> memref<64xi32, #tpu.memory_space<hbm>>
        %dma_start3A_173 = tpu.memref_slice %arg5[%multiple_of3A_47] : memref<98304xi32, #tpu.memory_space<hbm>> -> memref<64xi32, #tpu.memory_space<hbm>>
        tpu.enqueue_dma source(%dma_start3A_173 : memref<64xi32, #tpu.memory_space<hbm>>) target(%arg15 : memref<64xi32, #tpu.memory_space<vmem>>) target_semaphore(%run_scoped3A : memref<!tpu.dma_semaphore, #tpu.memory_space<semaphore_mem>>)
        %dma_wait3A_174 = tpu.memref_slice %arg5[%multiple_of3A_47] : memref<98304xi32, #tpu.memory_space<hbm>> -> memref<64xi32, #tpu.memory_space<hbm>>
        %dma_wait3A_175 = tpu.memref_slice %arg5[%multiple_of3A_47] : memref<98304xi32, #tpu.memory_space<hbm>> -> memref<64xi32, #tpu.memory_space<hbm>>
        tpu.wait_dma2 semaphore(%run_scoped3A : memref<!tpu.dma_semaphore, #tpu.memory_space<semaphore_mem>>) src(%dma_wait3A_175 : memref<64xi32, #tpu.memory_space<hbm>>) dst(%arg15 : memref<64xi32, #tpu.memory_space<vmem>>)
        tpu.yield
      }) : () -> ()
      "tpu.region"() ({
        %run_scoped3A = tpu.sem_alloc : memref<!tpu.dma_semaphore, #tpu.memory_space<semaphore_mem>>
        %dma_start3A_172 = tpu.memref_slice %arg6[%multiple_of3A_47] : memref<98304xi32, #tpu.memory_space<hbm>> -> memref<64xi32, #tpu.memory_space<hbm>>
        %dma_start3A_173 = tpu.memref_slice %arg6[%multiple_of3A_47] : memref<98304xi32, #tpu.memory_space<hbm>> -> memref<64xi32, #tpu.memory_space<hbm>>
        tpu.enqueue_dma source(%dma_start3A_173 : memref<64xi32, #tpu.memory_space<hbm>>) target(%arg16 : memref<64xi32, #tpu.memory_space<vmem>>) target_semaphore(%run_scoped3A : memref<!tpu.dma_semaphore, #tpu.memory_space<semaphore_mem>>)
        %dma_wait3A_174 = tpu.memref_slice %arg6[%multiple_of3A_47] : memref<98304xi32, #tpu.memory_space<hbm>> -> memref<64xi32, #tpu.memory_space<hbm>>
        %dma_wait3A_175 = tpu.memref_slice %arg6[%multiple_of3A_47] : memref<98304xi32, #tpu.memory_space<hbm>> -> memref<64xi32, #tpu.memory_space<hbm>>
        tpu.wait_dma2 semaphore(%run_scoped3A : memref<!tpu.dma_semaphore, #tpu.memory_space<semaphore_mem>>) src(%dma_wait3A_175 : memref<64xi32, #tpu.memory_space<hbm>>) dst(%arg16 : memref<64xi32, #tpu.memory_space<vmem>>)
        tpu.yield
      }) : () -> ()
      %get3A_48 = arith.constant 0 : index
      %get3A_49 = tpu.vector_load %arg15[%get3A_48] {strides = array<i32>} : memref<64xi32, #tpu.memory_space<vmem>>, vector<16xi32>,
      %get3A_50 = arith.constant 0 : index
      %get3A_51 = tpu.vector_load %arg16[%get3A_50] {strides = array<i32>} : memref<64xi32, #tpu.memory_space<vmem>>, vector<16xi32>,
      %add3A_52 = vector.broadcast %scan3A_24 : i32 to vector<16xi32>
      %add3A_53 = arith.addi %get3A_49, %add3A_52 : vector<16xi32>
      %swap3A = arith.constant 0 : index
      %swap3A_54 = tpu.vector_load %arg17[%swap3A] {strides = array<i32>} : memref<64xi32, #tpu.memory_space<vmem>>, vector<16xi32>,
      tpu.vector_store %arg17[%swap3A], %add3A_53 {strides = array<i32>} : memref<64xi32, #tpu.memory_space<vmem>>, vector<16xi32>,
      %add3A_55 = vector.broadcast %scan3A_24 : i32 to vector<16xi32>
      %add3A_56 = arith.addi %get3A_51, %add3A_55 : vector<16xi32>
      %swap3A_57 = arith.constant 0 : index
      %swap3A_58 = tpu.vector_load %arg18[%swap3A_57] {strides = array<i32>} : memref<64xi32, #tpu.memory_space<vmem>>, vector<16xi32>,
      tpu.vector_store %arg18[%swap3A_57], %add3A_56 {strides = array<i32>} : memref<64xi32, #tpu.memory_space<vmem>>, vector<16xi32>,
      %mul3A_59 = arith.constant 26624 : i32
      %mul3A_60 = arith.muli %arg0, %mul3A_59 : i32
      %sub3A = vector.broadcast %mul3A_60 : i32 to vector<16xi32>
      %sub3A_61 = arith.subi %get3A_51, %sub3A : vector<16xi32>
      %ge3A = arith.constant 0 : i32
      %ge3A_62 = vector.broadcast %ge3A : i32 to vector<16xi32>
      %ge3A_63 = arith.cmpi sge, %sub3A_61, %ge3A_62 : vector<16xi32>
      %lt3A_64 = arith.constant 26624 : i32
      %lt3A_65 = vector.broadcast %lt3A_64 : i32 to vector<16xi32>
      %lt3A_66 = arith.cmpi slt, %sub3A_61, %lt3A_65 : vector<16xi32>
      %and3A = arith.andi %ge3A_63, %lt3A_66 : vector<16xi1>
      %jit3A = arith.constant 26624 : i32
      %broadcast_in_dim3A = vector.broadcast %jit3A : i32 to vector<16xi32>
      %select_n3A = arith.select %and3A, %sub3A_61, %broadcast_in_dim3A : vector<16xi1>, vector<16xi32>
      %swap3A_67 = arith.constant 0 : index
      %swap3A_68 = tpu.vector_load %arg19[%swap3A_67] {strides = array<i32>} : memref<64xi32, #tpu.memory_space<vmem>>, vector<16xi32>,
      tpu.vector_store %arg19[%swap3A_67], %select_n3A {strides = array<i32>} : memref<64xi32, #tpu.memory_space<vmem>>, vector<16xi32>,
      %get3A_69 = arith.constant 16 : index
      %get3A_70 = tpu.vector_load %arg15[%get3A_69] {strides = array<i32>} : memref<64xi32, #tpu.memory_space<vmem>>, vector<16xi32>,
      %get3A_71 = arith.constant 16 : index
      %get3A_72 = tpu.vector_load %arg16[%get3A_71] {strides = array<i32>} : memref<64xi32, #tpu.memory_space<vmem>>, vector<16xi32>,
      %add3A_73 = vector.broadcast %scan3A_24 : i32 to vector<16xi32>
      %add3A_74 = arith.addi %get3A_70, %add3A_73 : vector<16xi32>
      %swap3A_75 = arith.constant 16 : index
      %swap3A_76 = tpu.vector_load %arg17[%swap3A_75] {strides = array<i32>} : memref<64xi32, #tpu.memory_space<vmem>>, vector<16xi32>,
      tpu.vector_store %arg17[%swap3A_75], %add3A_74 {strides = array<i32>} : memref<64xi32, #tpu.memory_space<vmem>>, vector<16xi32>,
      %add3A_77 = vector.broadcast %scan3A_24 : i32 to vector<16xi32>
      %add3A_78 = arith.addi %get3A_72, %add3A_77 : vector<16xi32>
      %swap3A_79 = arith.constant 16 : index
      %swap3A_80 = tpu.vector_load %arg18[%swap3A_79] {strides = array<i32>} : memref<64xi32, #tpu.memory_space<vmem>>, vector<16xi32>,
      tpu.vector_store %arg18[%swap3A_79], %add3A_78 {strides = array<i32>} : memref<64xi32, #tpu.memory_space<vmem>>, vector<16xi32>,
      %mul3A_81 = arith.constant 26624 : i32
      %mul3A_82 = arith.muli %arg0, %mul3A_81 : i32
      %sub3A_83 = vector.broadcast %mul3A_82 : i32 to vector<16xi32>
      %sub3A_84 = arith.subi %get3A_72, %sub3A_83 : vector<16xi32>
      %ge3A_85 = arith.constant 0 : i32
      %ge3A_86 = vector.broadcast %ge3A_85 : i32 to vector<16xi32>
      %ge3A_87 = arith.cmpi sge, %sub3A_84, %ge3A_86 : vector<16xi32>
      %lt3A_88 = arith.constant 26624 : i32
      %lt3A_89 = vector.broadcast %lt3A_88 : i32 to vector<16xi32>
      %lt3A_90 = arith.cmpi slt, %sub3A_84, %lt3A_89 : vector<16xi32>
      %and3A_91 = arith.andi %ge3A_87, %lt3A_90 : vector<16xi1>
      %jit3A_92 = arith.constant 26624 : i32
      %broadcast_in_dim3A_93 = vector.broadcast %jit3A_92 : i32 to vector<16xi32>
      %select_n3A_94 = arith.select %and3A_91, %sub3A_84, %broadcast_in_dim3A_93 : vector<16xi1>, vector<16xi32>
      %swap3A_95 = arith.constant 16 : index
      %swap3A_96 = tpu.vector_load %arg19[%swap3A_95] {strides = array<i32>} : memref<64xi32, #tpu.memory_space<vmem>>, vector<16xi32>,
      tpu.vector_store %arg19[%swap3A_95], %select_n3A_94 {strides = array<i32>} : memref<64xi32, #tpu.memory_space<vmem>>, vector<16xi32>,
      %get3A_97 = arith.constant 32 : index
      %get3A_98 = tpu.vector_load %arg15[%get3A_97] {strides = array<i32>} : memref<64xi32, #tpu.memory_space<vmem>>, vector<16xi32>,
      %get3A_99 = arith.constant 32 : index
      %get3A_100 = tpu.vector_load %arg16[%get3A_99] {strides = array<i32>} : memref<64xi32, #tpu.memory_space<vmem>>, vector<16xi32>,
      %add3A_101 = vector.broadcast %scan3A_24 : i32 to vector<16xi32>
      %add3A_102 = arith.addi %get3A_98, %add3A_101 : vector<16xi32>
      %swap3A_103 = arith.constant 32 : index
      %swap3A_104 = tpu.vector_load %arg17[%swap3A_103] {strides = array<i32>} : memref<64xi32, #tpu.memory_space<vmem>>, vector<16xi32>,
      tpu.vector_store %arg17[%swap3A_103], %add3A_102 {strides = array<i32>} : memref<64xi32, #tpu.memory_space<vmem>>, vector<16xi32>,
      %add3A_105 = vector.broadcast %scan3A_24 : i32 to vector<16xi32>
      %add3A_106 = arith.addi %get3A_100, %add3A_105 : vector<16xi32>
      %swap3A_107 = arith.constant 32 : index
      %swap3A_108 = tpu.vector_load %arg18[%swap3A_107] {strides = array<i32>} : memref<64xi32, #tpu.memory_space<vmem>>, vector<16xi32>,
      tpu.vector_store %arg18[%swap3A_107], %add3A_106 {strides = array<i32>} : memref<64xi32, #tpu.memory_space<vmem>>, vector<16xi32>,
      %mul3A_109 = arith.constant 26624 : i32
      %mul3A_110 = arith.muli %arg0, %mul3A_109 : i32
      %sub3A_111 = vector.broadcast %mul3A_110 : i32 to vector<16xi32>
      %sub3A_112 = arith.subi %get3A_100, %sub3A_111 : vector<16xi32>
      %ge3A_113 = arith.constant 0 : i32
      %ge3A_114 = vector.broadcast %ge3A_113 : i32 to vector<16xi32>
      %ge3A_115 = arith.cmpi sge, %sub3A_112, %ge3A_114 : vector<16xi32>
      %lt3A_116 = arith.constant 26624 : i32
      %lt3A_117 = vector.broadcast %lt3A_116 : i32 to vector<16xi32>
      %lt3A_118 = arith.cmpi slt, %sub3A_112, %lt3A_117 : vector<16xi32>
      %and3A_119 = arith.andi %ge3A_115, %lt3A_118 : vector<16xi1>
      %jit3A_120 = arith.constant 26624 : i32
      %broadcast_in_dim3A_121 = vector.broadcast %jit3A_120 : i32 to vector<16xi32>
      %select_n3A_122 = arith.select %and3A_119, %sub3A_112, %broadcast_in_dim3A_121 : vector<16xi1>, vector<16xi32>
      %swap3A_123 = arith.constant 32 : index
      %swap3A_124 = tpu.vector_load %arg19[%swap3A_123] {strides = array<i32>} : memref<64xi32, #tpu.memory_space<vmem>>, vector<16xi32>,
      tpu.vector_store %arg19[%swap3A_123], %select_n3A_122 {strides = array<i32>} : memref<64xi32, #tpu.memory_space<vmem>>, vector<16xi32>,
      %get3A_125 = arith.constant 48 : index
      %get3A_126 = tpu.vector_load %arg15[%get3A_125] {strides = array<i32>} : memref<64xi32, #tpu.memory_space<vmem>>, vector<16xi32>,
      %get3A_127 = arith.constant 48 : index
      %get3A_128 = tpu.vector_load %arg16[%get3A_127] {strides = array<i32>} : memref<64xi32, #tpu.memory_space<vmem>>, vector<16xi32>,
      %add3A_129 = vector.broadcast %scan3A_24 : i32 to vector<16xi32>
      %add3A_130 = arith.addi %get3A_126, %add3A_129 : vector<16xi32>
      %swap3A_131 = arith.constant 48 : index
      %swap3A_132 = tpu.vector_load %arg17[%swap3A_131] {strides = array<i32>} : memref<64xi32, #tpu.memory_space<vmem>>, vector<16xi32>,
      tpu.vector_store %arg17[%swap3A_131], %add3A_130 {strides = array<i32>} : memref<64xi32, #tpu.memory_space<vmem>>, vector<16xi32>,
      %add3A_133 = vector.broadcast %scan3A_24 : i32 to vector<16xi32>
      %add3A_134 = arith.addi %get3A_128, %add3A_133 : vector<16xi32>
      %swap3A_135 = arith.constant 48 : index
      %swap3A_136 = tpu.vector_load %arg18[%swap3A_135] {strides = array<i32>} : memref<64xi32, #tpu.memory_space<vmem>>, vector<16xi32>,
      tpu.vector_store %arg18[%swap3A_135], %add3A_134 {strides = array<i32>} : memref<64xi32, #tpu.memory_space<vmem>>, vector<16xi32>,
      %mul3A_137 = arith.constant 26624 : i32
      %mul3A_138 = arith.muli %arg0, %mul3A_137 : i32
      %sub3A_139 = vector.broadcast %mul3A_138 : i32 to vector<16xi32>
      %sub3A_140 = arith.subi %get3A_128, %sub3A_139 : vector<16xi32>
      %ge3A_141 = arith.constant 0 : i32
      %ge3A_142 = vector.broadcast %ge3A_141 : i32 to vector<16xi32>
      %ge3A_143 = arith.cmpi sge, %sub3A_140, %ge3A_142 : vector<16xi32>
      %lt3A_144 = arith.constant 26624 : i32
      %lt3A_145 = vector.broadcast %lt3A_144 : i32 to vector<16xi32>
      %lt3A_146 = arith.cmpi slt, %sub3A_140, %lt3A_145 : vector<16xi32>
      %and3A_147 = arith.andi %ge3A_143, %lt3A_146 : vector<16xi1>
      %jit3A_148 = arith.constant 26624 : i32
      %broadcast_in_dim3A_149 = vector.broadcast %jit3A_148 : i32 to vector<16xi32>
      %select_n3A_150 = arith.select %and3A_147, %sub3A_140, %broadcast_in_dim3A_149 : vector<16xi1>, vector<16xi32>
      %swap3A_151 = arith.constant 48 : index
      %swap3A_152 = tpu.vector_load %arg19[%swap3A_151] {strides = array<i32>} : memref<64xi32, #tpu.memory_space<vmem>>, vector<16xi32>,
      tpu.vector_store %arg19[%swap3A_151], %select_n3A_150 {strides = array<i32>} : memref<64xi32, #tpu.memory_space<vmem>>, vector<16xi32>,
      %dma_start3A = arith.constant 0 : i32
      %dma_start3A_153 = arith.constant 0 : i32
      %dma_start3A_154 = tpu.memref_slice %arg2[%dma_start3A, %dma_start3A_153] : memref<53248x64xf32, #tpu.memory_space<hbm>> -> memref<53248x64xf32, #tpu.memory_space<hbm>>
      tpu.enqueue_indirect_dma source(%dma_start3A_154 : memref<53248x64xf32, #tpu.memory_space<hbm>>) target(%arg20 : memref<64x64xf32, #tpu.memory_space<vmem>>) offsets(%arg17 : memref<64xi32, #tpu.memory_space<vmem>>) semaphore(%arg26 : memref<!tpu.dma_semaphore, #tpu.memory_space<semaphore_mem>>)
      %dma_start3A_155 = arith.constant 0 : i32
      %dma_start3A_156 = arith.constant 0 : i32
      %dma_start3A_157 = tpu.memref_slice %arg3[%dma_start3A_155, %dma_start3A_156] : memref<53248x64xf32, #tpu.memory_space<hbm>> -> memref<53248x64xf32, #tpu.memory_space<hbm>>
      tpu.enqueue_indirect_dma source(%dma_start3A_157 : memref<53248x64xf32, #tpu.memory_space<hbm>>) target(%arg21 : memref<64x64xf32, #tpu.memory_space<vmem>>) offsets(%arg18 : memref<64xi32, #tpu.memory_space<vmem>>) semaphore(%arg27 : memref<!tpu.dma_semaphore, #tpu.memory_space<semaphore_mem>>)
      %add3A_158 = arith.constant 0 : i32
      %add3A_159 = arith.addi %multiple_of3A_47, %add3A_158 : i32
      %multiple_of3A_160 = tpu.assume_multiple %add3A_159, 64 : i32
      "tpu.region"() ({
        %run_scoped3A = tpu.sem_alloc : memref<!tpu.dma_semaphore, #tpu.memory_space<semaphore_mem>>
        %dma_start3A_172 = arith.constant 0 : i32
        %dma_start3A_173 = tpu.memref_slice %arg4[%multiple_of3A_160, %dma_start3A_172] : memref<98304x64xf32, #tpu.memory_space<hbm>> -> memref<64x64xf32, #tpu.memory_space<hbm>>
        %dma_start3A_174 = arith.constant 0 : i32
        %dma_start3A_175 = tpu.memref_slice %arg4[%multiple_of3A_160, %dma_start3A_174] : memref<98304x64xf32, #tpu.memory_space<hbm>> -> memref<64x64xf32, #tpu.memory_space<hbm>>
        tpu.enqueue_dma source(%dma_start3A_175 : memref<64x64xf32, #tpu.memory_space<hbm>>) target(%arg22 : memref<64x64xf32, #tpu.memory_space<vmem>>) target_semaphore(%run_scoped3A : memref<!tpu.dma_semaphore, #tpu.memory_space<semaphore_mem>>)
        %dma_wait3A_176 = arith.constant 0 : i32
        %dma_wait3A_177 = tpu.memref_slice %arg4[%multiple_of3A_160, %dma_wait3A_176] : memref<98304x64xf32, #tpu.memory_space<hbm>> -> memref<64x64xf32, #tpu.memory_space<hbm>>
        %dma_wait3A_178 = arith.constant 0 : i32
        %dma_wait3A_179 = tpu.memref_slice %arg4[%multiple_of3A_160, %dma_wait3A_178] : memref<98304x64xf32, #tpu.memory_space<hbm>> -> memref<64x64xf32, #tpu.memory_space<hbm>>
        tpu.wait_dma2 semaphore(%run_scoped3A : memref<!tpu.dma_semaphore, #tpu.memory_space<semaphore_mem>>) src(%dma_wait3A_179 : memref<64x64xf32, #tpu.memory_space<hbm>>) dst(%arg22 : memref<64x64xf32, #tpu.memory_space<vmem>>)
        tpu.yield
      }) : () -> ()
      %dma_wait3A = arith.constant 0 : i32
      %dma_wait3A_161 = arith.constant 0 : i32
      %dma_wait3A_162 = tpu.memref_slice %arg2[%dma_wait3A, %dma_wait3A_161] : memref<53248x64xf32, #tpu.memory_space<hbm>> -> memref<53248x64xf32, #tpu.memory_space<hbm>>
      tpu.wait_indirect_dma semaphore(%arg26 : memref<!tpu.dma_semaphore, #tpu.memory_space<semaphore_mem>>) src(%dma_wait3A_162 : memref<53248x64xf32, #tpu.memory_space<hbm>>) dst(%arg20 : memref<64x64xf32, #tpu.memory_space<vmem>>)
      %dma_wait3A_163 = arith.constant 0 : i32
      %dma_wait3A_164 = arith.constant 0 : i32
      %dma_wait3A_165 = tpu.memref_slice %arg3[%dma_wait3A_163, %dma_wait3A_164] : memref<53248x64xf32, #tpu.memory_space<hbm>> -> memref<53248x64xf32, #tpu.memory_space<hbm>>
      tpu.wait_indirect_dma semaphore(%arg27 : memref<!tpu.dma_semaphore, #tpu.memory_space<semaphore_mem>>) src(%dma_wait3A_165 : memref<53248x64xf32, #tpu.memory_space<hbm>>) dst(%arg21 : memref<64x64xf32, #tpu.memory_space<vmem>>)
      %scan3A_166 = arith.constant 0 : i32
      %scan3A_167 = arith.constant 0 : i32
      %scan3A_168 = arith.constant 64 : i32
      %scan3A_169 = arith.addi %scan3A_167, %scan3A_168 : i32
      %scan3A_170 = arith.constant 2 : i32
      scf.for %scan3A_172 = %scan3A_167 to %scan3A_169 step %scan3A_170  : i32 {
        %broadcast_in_dim3A_173 = arith.constant 0.000000e+00 : f32
        %broadcast_in_dim3A_174 = vector.broadcast %broadcast_in_dim3A_173 : f32 to vector<16xf32>
        %get3A_175 = arith.index_cast %scan3A_172 : i32 to index
        %get3A_176 = arith.constant 0 : index
        %get3A_177 = tpu.vector_load %arg20[%get3A_175, %get3A_176] {strides = array<i32>} : memref<64x64xf32, #tpu.memory_space<vmem>>, vector<16xf32>,
        %get3A_178 = arith.index_cast %scan3A_172 : i32 to index
        %get3A_179 = arith.constant 0 : index
        %get3A_180 = tpu.vector_load %arg21[%get3A_178, %get3A_179] {strides = array<i32>} : memref<64x64xf32, #tpu.memory_space<vmem>>, vector<16xf32>,
        %add3A_181 = arith.addf %get3A_177, %get3A_180 : vector<16xf32>
        %get3A_182 = arith.index_cast %scan3A_172 : i32 to index
        %get3A_183 = arith.constant 0 : index
        %get3A_184 = tpu.vector_load %arg22[%get3A_182, %get3A_183] {strides = array<i32>} : memref<64x64xf32, #tpu.memory_space<vmem>>, vector<16xf32>,
        %add3A_185 = arith.addf %add3A_181, %get3A_184 : vector<16xf32>
        %ge3A_186 = arith.constant 0.000000e+00 : f32
        %ge3A_187 = vector.broadcast %ge3A_186 : f32 to vector<16xf32>
        %ge3A_188 = arith.cmpf oge, %add3A_185, %ge3A_187 : vector<16xf32>
        %mul3A_189 = arith.constant 2.000000e-01 : f32
        %mul3A_190 = vector.broadcast %mul3A_189 : f32 to vector<16xf32>
        %mul3A_191 = arith.mulf %mul3A_190, %add3A_185 : vector<16xf32>
        %select_n3A_192 = arith.select %ge3A_188, %add3A_185, %mul3A_191 : vector<16xi1>, vector<16xf32>
        %mul3A_193 = arith.mulf %select_n3A_192, %get3A_11 : vector<16xf32>
        %add3A_194 = arith.addf %broadcast_in_dim3A_174, %mul3A_193 : vector<16xf32>
        %get3A_195 = arith.index_cast %scan3A_172 : i32 to index
        %get3A_196 = arith.constant 16 : index
        %get3A_197 = tpu.vector_load %arg20[%get3A_195, %get3A_196] {strides = array<i32>} : memref<64x64xf32, #tpu.memory_space<vmem>>, vector<16xf32>,
        %get3A_198 = arith.index_cast %scan3A_172 : i32 to index
        %get3A_199 = arith.constant 16 : index
        %get3A_200 = tpu.vector_load %arg21[%get3A_198, %get3A_199] {strides = array<i32>} : memref<64x64xf32, #tpu.memory_space<vmem>>, vector<16xf32>,
        %add3A_201 = arith.addf %get3A_197, %get3A_200 : vector<16xf32>
        %get3A_202 = arith.index_cast %scan3A_172 : i32 to index
        %get3A_203 = arith.constant 16 : index
        %get3A_204 = tpu.vector_load %arg22[%get3A_202, %get3A_203] {strides = array<i32>} : memref<64x64xf32, #tpu.memory_space<vmem>>, vector<16xf32>,
        %add3A_205 = arith.addf %add3A_201, %get3A_204 : vector<16xf32>
        %ge3A_206 = arith.constant 0.000000e+00 : f32
        %ge3A_207 = vector.broadcast %ge3A_206 : f32 to vector<16xf32>
        %ge3A_208 = arith.cmpf oge, %add3A_205, %ge3A_207 : vector<16xf32>
        %mul3A_209 = arith.constant 2.000000e-01 : f32
        %mul3A_210 = vector.broadcast %mul3A_209 : f32 to vector<16xf32>
        %mul3A_211 = arith.mulf %mul3A_210, %add3A_205 : vector<16xf32>
        %select_n3A_212 = arith.select %ge3A_208, %add3A_205, %mul3A_211 : vector<16xi1>, vector<16xf32>
        %mul3A_213 = arith.mulf %select_n3A_212, %get3A_15 : vector<16xf32>
        %add3A_214 = arith.addf %add3A_194, %mul3A_213 : vector<16xf32>
        %get3A_215 = arith.index_cast %scan3A_172 : i32 to index
        %get3A_216 = arith.constant 32 : index
        %get3A_217 = tpu.vector_load %arg20[%get3A_215, %get3A_216] {strides = array<i32>} : memref<64x64xf32, #tpu.memory_space<vmem>>, vector<16xf32>,
        %get3A_218 = arith.index_cast %scan3A_172 : i32 to index
        %get3A_219 = arith.constant 32 : index
        %get3A_220 = tpu.vector_load %arg21[%get3A_218, %get3A_219] {strides = array<i32>} : memref<64x64xf32, #tpu.memory_space<vmem>>, vector<16xf32>,
        %add3A_221 = arith.addf %get3A_217, %get3A_220 : vector<16xf32>
        %get3A_222 = arith.index_cast %scan3A_172 : i32 to index
        %get3A_223 = arith.constant 32 : index
        %get3A_224 = tpu.vector_load %arg22[%get3A_222, %get3A_223] {strides = array<i32>} : memref<64x64xf32, #tpu.memory_space<vmem>>, vector<16xf32>,
        %add3A_225 = arith.addf %add3A_221, %get3A_224 : vector<16xf32>
        %ge3A_226 = arith.constant 0.000000e+00 : f32
        %ge3A_227 = vector.broadcast %ge3A_226 : f32 to vector<16xf32>
        %ge3A_228 = arith.cmpf oge, %add3A_225, %ge3A_227 : vector<16xf32>
        %mul3A_229 = arith.constant 2.000000e-01 : f32
        %mul3A_230 = vector.broadcast %mul3A_229 : f32 to vector<16xf32>
        %mul3A_231 = arith.mulf %mul3A_230, %add3A_225 : vector<16xf32>
        %select_n3A_232 = arith.select %ge3A_228, %add3A_225, %mul3A_231 : vector<16xi1>, vector<16xf32>
        %mul3A_233 = arith.mulf %select_n3A_232, %get3A_19 : vector<16xf32>
        %add3A_234 = arith.addf %add3A_214, %mul3A_233 : vector<16xf32>
        %get3A_235 = arith.index_cast %scan3A_172 : i32 to index
        %get3A_236 = arith.constant 48 : index
        %get3A_237 = tpu.vector_load %arg20[%get3A_235, %get3A_236] {strides = array<i32>} : memref<64x64xf32, #tpu.memory_space<vmem>>, vector<16xf32>,
        %get3A_238 = arith.index_cast %scan3A_172 : i32 to index
        %get3A_239 = arith.constant 48 : index
        %get3A_240 = tpu.vector_load %arg21[%get3A_238, %get3A_239] {strides = array<i32>} : memref<64x64xf32, #tpu.memory_space<vmem>>, vector<16xf32>,
        %add3A_241 = arith.addf %get3A_237, %get3A_240 : vector<16xf32>
        %get3A_242 = arith.index_cast %scan3A_172 : i32 to index
        %get3A_243 = arith.constant 48 : index
        %get3A_244 = tpu.vector_load %arg22[%get3A_242, %get3A_243] {strides = array<i32>} : memref<64x64xf32, #tpu.memory_space<vmem>>, vector<16xf32>,
        %add3A_245 = arith.addf %add3A_241, %get3A_244 : vector<16xf32>
        %ge3A_246 = arith.constant 0.000000e+00 : f32
        %ge3A_247 = vector.broadcast %ge3A_246 : f32 to vector<16xf32>
        %ge3A_248 = arith.cmpf oge, %add3A_245, %ge3A_247 : vector<16xf32>
        %mul3A_249 = arith.constant 2.000000e-01 : f32
        %mul3A_250 = vector.broadcast %mul3A_249 : f32 to vector<16xf32>
        %mul3A_251 = arith.mulf %mul3A_250, %add3A_245 : vector<16xf32>
        %select_n3A_252 = arith.select %ge3A_248, %add3A_245, %mul3A_251 : vector<16xi1>, vector<16xf32>
        %mul3A_253 = arith.mulf %select_n3A_252, %get3A_23 : vector<16xf32>
        %add3A_254 = arith.addf %add3A_234, %mul3A_253 : vector<16xf32>
        %swap3A_255 = arith.constant 0 : index
        %swap3A_256 = tpu.vector_load %arg25[%swap3A_255] {strides = array<i32>} : memref<16xf32, #tpu.memory_space<vmem>>, vector<16xf32>,
        tpu.vector_store %arg25[%swap3A_255], %add3A_254 {strides = array<i32>} : memref<16xf32, #tpu.memory_space<vmem>>, vector<16xf32>,
        %xor3A = arith.constant 1 : i32
        %xor3A_257 = vector.broadcast %xor3A : i32 to vector<16xi32>
        %xor3A_258 = arith.xori %iota3A, %xor3A_257 : vector<16xi32>
        %gather3A = tpu.vector_load_idx %arg25[%xor3A_258] : memref<16xf32, #tpu.memory_space<vmem>>[vector<16xi32>], vector<16xf32>,
        %add3A_259 = arith.addf %add3A_254, %gather3A : vector<16xf32>
        %swap3A_260 = arith.constant 0 : index
        %swap3A_261 = tpu.vector_load %arg25[%swap3A_260] {strides = array<i32>} : memref<16xf32, #tpu.memory_space<vmem>>, vector<16xf32>,
        tpu.vector_store %arg25[%swap3A_260], %add3A_259 {strides = array<i32>} : memref<16xf32, #tpu.memory_space<vmem>>, vector<16xf32>,
        %xor3A_262 = arith.constant 2 : i32
        %xor3A_263 = vector.broadcast %xor3A_262 : i32 to vector<16xi32>
        %xor3A_264 = arith.xori %iota3A, %xor3A_263 : vector<16xi32>
        %gather3A_265 = tpu.vector_load_idx %arg25[%xor3A_264] : memref<16xf32, #tpu.memory_space<vmem>>[vector<16xi32>], vector<16xf32>,
        %add3A_266 = arith.addf %add3A_259, %gather3A_265 : vector<16xf32>
        %swap3A_267 = arith.constant 0 : index
        %swap3A_268 = tpu.vector_load %arg25[%swap3A_267] {strides = array<i32>} : memref<16xf32, #tpu.memory_space<vmem>>, vector<16xf32>,
        tpu.vector_store %arg25[%swap3A_267], %add3A_266 {strides = array<i32>} : memref<16xf32, #tpu.memory_space<vmem>>, vector<16xf32>,
        %xor3A_269 = arith.constant 4 : i32
        %xor3A_270 = vector.broadcast %xor3A_269 : i32 to vector<16xi32>
        %xor3A_271 = arith.xori %iota3A, %xor3A_270 : vector<16xi32>
        %gather3A_272 = tpu.vector_load_idx %arg25[%xor3A_271] : memref<16xf32, #tpu.memory_space<vmem>>[vector<16xi32>], vector<16xf32>,
        %add3A_273 = arith.addf %add3A_266, %gather3A_272 : vector<16xf32>
        %swap3A_274 = arith.constant 0 : index
        %swap3A_275 = tpu.vector_load %arg25[%swap3A_274] {strides = array<i32>} : memref<16xf32, #tpu.memory_space<vmem>>, vector<16xf32>,
        tpu.vector_store %arg25[%swap3A_274], %add3A_273 {strides = array<i32>} : memref<16xf32, #tpu.memory_space<vmem>>, vector<16xf32>,
        %xor3A_276 = arith.constant 8 : i32
        %xor3A_277 = vector.broadcast %xor3A_276 : i32 to vector<16xi32>
        %xor3A_278 = arith.xori %iota3A, %xor3A_277 : vector<16xi32>
        %gather3A_279 = tpu.vector_load_idx %arg25[%xor3A_278] : memref<16xf32, #tpu.memory_space<vmem>>[vector<16xi32>], vector<16xf32>,
        %add3A_280 = arith.addf %add3A_273, %gather3A_279 : vector<16xf32>
        %exp3A = math.exp %add3A_280 : vector<16xf32>
        %mul3A_281 = arith.mulf %get3A_177, %exp3A : vector<16xf32>
        %swap3A_282 = arith.index_cast %scan3A_172 : i32 to index
        %swap3A_283 = arith.constant 0 : index
        %swap3A_284 = tpu.vector_load %arg23[%swap3A_282, %swap3A_283] {strides = array<i32>} : memref<64x64xf32, #tpu.memory_space<vmem>>, vector<16xf32>,
        tpu.vector_store %arg23[%swap3A_282, %swap3A_283], %mul3A_281 {strides = array<i32>} : memref<64x64xf32, #tpu.memory_space<vmem>>, vector<16xf32>,
        %mul3A_285 = arith.mulf %get3A_197, %exp3A : vector<16xf32>
        %swap3A_286 = arith.index_cast %scan3A_172 : i32 to index
        %swap3A_287 = arith.constant 16 : index
        %swap3A_288 = tpu.vector_load %arg23[%swap3A_286, %swap3A_287] {strides = array<i32>} : memref<64x64xf32, #tpu.memory_space<vmem>>, vector<16xf32>,
        tpu.vector_store %arg23[%swap3A_286, %swap3A_287], %mul3A_285 {strides = array<i32>} : memref<64x64xf32, #tpu.memory_space<vmem>>, vector<16xf32>,
        %mul3A_289 = arith.mulf %get3A_217, %exp3A : vector<16xf32>
        %swap3A_290 = arith.index_cast %scan3A_172 : i32 to index
        %swap3A_291 = arith.constant 32 : index
        %swap3A_292 = tpu.vector_load %arg23[%swap3A_290, %swap3A_291] {strides = array<i32>} : memref<64x64xf32, #tpu.memory_space<vmem>>, vector<16xf32>,
        tpu.vector_store %arg23[%swap3A_290, %swap3A_291], %mul3A_289 {strides = array<i32>} : memref<64x64xf32, #tpu.memory_space<vmem>>, vector<16xf32>,
        %mul3A_293 = arith.mulf %get3A_237, %exp3A : vector<16xf32>
        %swap3A_294 = arith.index_cast %scan3A_172 : i32 to index
        %swap3A_295 = arith.constant 48 : index
        %swap3A_296 = tpu.vector_load %arg23[%swap3A_294, %swap3A_295] {strides = array<i32>} : memref<64x64xf32, #tpu.memory_space<vmem>>, vector<16xf32>,
        tpu.vector_store %arg23[%swap3A_294, %swap3A_295], %mul3A_293 {strides = array<i32>} : memref<64x64xf32, #tpu.memory_space<vmem>>, vector<16xf32>,
        %broadcast_in_dim3A_297 = vector.broadcast %scan3A_172 : i32 to vector<16xi32>
        tpu.vector_store_idx %arg24[%broadcast_in_dim3A_297, %iota3A], %exp3A masked %lt3A_2 : memref<64x4xf32, #tpu.memory_space<vmem>>[vector<16xi32>, vector<16xi32>], vector<16xf32>, vector<16xi1>
        %scan3A_298 = arith.constant 1 : i32
        %scan3A_299 = arith.addi %scan3A_172, %scan3A_298 : i32
        %broadcast_in_dim3A_300 = arith.constant 0.000000e+00 : f32
        %broadcast_in_dim3A_301 = vector.broadcast %broadcast_in_dim3A_300 : f32 to vector<16xf32>
        %get3A_302 = arith.index_cast %scan3A_299 : i32 to index
        %get3A_303 = arith.constant 0 : index
        %get3A_304 = tpu.vector_load %arg20[%get3A_302, %get3A_303] {strides = array<i32>} : memref<64x64xf32, #tpu.memory_space<vmem>>, vector<16xf32>,
        %get3A_305 = arith.index_cast %scan3A_299 : i32 to index
        %get3A_306 = arith.constant 0 : index
        %get3A_307 = tpu.vector_load %arg21[%get3A_305, %get3A_306] {strides = array<i32>} : memref<64x64xf32, #tpu.memory_space<vmem>>, vector<16xf32>,
        %add3A_308 = arith.addf %get3A_304, %get3A_307 : vector<16xf32>
        %get3A_309 = arith.index_cast %scan3A_299 : i32 to index
        %get3A_310 = arith.constant 0 : index
        %get3A_311 = tpu.vector_load %arg22[%get3A_309, %get3A_310] {strides = array<i32>} : memref<64x64xf32, #tpu.memory_space<vmem>>, vector<16xf32>,
        %add3A_312 = arith.addf %add3A_308, %get3A_311 : vector<16xf32>
        %ge3A_313 = arith.constant 0.000000e+00 : f32
        %ge3A_314 = vector.broadcast %ge3A_313 : f32 to vector<16xf32>
        %ge3A_315 = arith.cmpf oge, %add3A_312, %ge3A_314 : vector<16xf32>
        %mul3A_316 = arith.constant 2.000000e-01 : f32
        %mul3A_317 = vector.broadcast %mul3A_316 : f32 to vector<16xf32>
        %mul3A_318 = arith.mulf %mul3A_317, %add3A_312 : vector<16xf32>
        %select_n3A_319 = arith.select %ge3A_315, %add3A_312, %mul3A_318 : vector<16xi1>, vector<16xf32>
        %mul3A_320 = arith.mulf %select_n3A_319, %get3A_11 : vector<16xf32>
        %add3A_321 = arith.addf %broadcast_in_dim3A_301, %mul3A_320 : vector<16xf32>
        %get3A_322 = arith.index_cast %scan3A_299 : i32 to index
        %get3A_323 = arith.constant 16 : index
        %get3A_324 = tpu.vector_load %arg20[%get3A_322, %get3A_323] {strides = array<i32>} : memref<64x64xf32, #tpu.memory_space<vmem>>, vector<16xf32>,
        %get3A_325 = arith.index_cast %scan3A_299 : i32 to index
        %get3A_326 = arith.constant 16 : index
        %get3A_327 = tpu.vector_load %arg21[%get3A_325, %get3A_326] {strides = array<i32>} : memref<64x64xf32, #tpu.memory_space<vmem>>, vector<16xf32>,
        %add3A_328 = arith.addf %get3A_324, %get3A_327 : vector<16xf32>
        %get3A_329 = arith.index_cast %scan3A_299 : i32 to index
        %get3A_330 = arith.constant 16 : index
        %get3A_331 = tpu.vector_load %arg22[%get3A_329, %get3A_330] {strides = array<i32>} : memref<64x64xf32, #tpu.memory_space<vmem>>, vector<16xf32>,
        %add3A_332 = arith.addf %add3A_328, %get3A_331 : vector<16xf32>
        %ge3A_333 = arith.constant 0.000000e+00 : f32
        %ge3A_334 = vector.broadcast %ge3A_333 : f32 to vector<16xf32>
        %ge3A_335 = arith.cmpf oge, %add3A_332, %ge3A_334 : vector<16xf32>
        %mul3A_336 = arith.constant 2.000000e-01 : f32
        %mul3A_337 = vector.broadcast %mul3A_336 : f32 to vector<16xf32>
        %mul3A_338 = arith.mulf %mul3A_337, %add3A_332 : vector<16xf32>
        %select_n3A_339 = arith.select %ge3A_335, %add3A_332, %mul3A_338 : vector<16xi1>, vector<16xf32>
        %mul3A_340 = arith.mulf %select_n3A_339, %get3A_15 : vector<16xf32>
        %add3A_341 = arith.addf %add3A_321, %mul3A_340 : vector<16xf32>
        %get3A_342 = arith.index_cast %scan3A_299 : i32 to index
        %get3A_343 = arith.constant 32 : index
        %get3A_344 = tpu.vector_load %arg20[%get3A_342, %get3A_343] {strides = array<i32>} : memref<64x64xf32, #tpu.memory_space<vmem>>, vector<16xf32>,
        %get3A_345 = arith.index_cast %scan3A_299 : i32 to index
        %get3A_346 = arith.constant 32 : index
        %get3A_347 = tpu.vector_load %arg21[%get3A_345, %get3A_346] {strides = array<i32>} : memref<64x64xf32, #tpu.memory_space<vmem>>, vector<16xf32>,
        %add3A_348 = arith.addf %get3A_344, %get3A_347 : vector<16xf32>
        %get3A_349 = arith.index_cast %scan3A_299 : i32 to index
        %get3A_350 = arith.constant 32 : index
        %get3A_351 = tpu.vector_load %arg22[%get3A_349, %get3A_350] {strides = array<i32>} : memref<64x64xf32, #tpu.memory_space<vmem>>, vector<16xf32>,
        %add3A_352 = arith.addf %add3A_348, %get3A_351 : vector<16xf32>
        %ge3A_353 = arith.constant 0.000000e+00 : f32
        %ge3A_354 = vector.broadcast %ge3A_353 : f32 to vector<16xf32>
        %ge3A_355 = arith.cmpf oge, %add3A_352, %ge3A_354 : vector<16xf32>
        %mul3A_356 = arith.constant 2.000000e-01 : f32
        %mul3A_357 = vector.broadcast %mul3A_356 : f32 to vector<16xf32>
        %mul3A_358 = arith.mulf %mul3A_357, %add3A_352 : vector<16xf32>
        %select_n3A_359 = arith.select %ge3A_355, %add3A_352, %mul3A_358 : vector<16xi1>, vector<16xf32>
        %mul3A_360 = arith.mulf %select_n3A_359, %get3A_19 : vector<16xf32>
        %add3A_361 = arith.addf %add3A_341, %mul3A_360 : vector<16xf32>
        %get3A_362 = arith.index_cast %scan3A_299 : i32 to index
        %get3A_363 = arith.constant 48 : index
        %get3A_364 = tpu.vector_load %arg20[%get3A_362, %get3A_363] {strides = array<i32>} : memref<64x64xf32, #tpu.memory_space<vmem>>, vector<16xf32>,
        %get3A_365 = arith.index_cast %scan3A_299 : i32 to index
        %get3A_366 = arith.constant 48 : index
        %get3A_367 = tpu.vector_load %arg21[%get3A_365, %get3A_366] {strides = array<i32>} : memref<64x64xf32, #tpu.memory_space<vmem>>, vector<16xf32>,
        %add3A_368 = arith.addf %get3A_364, %get3A_367 : vector<16xf32>
        %get3A_369 = arith.index_cast %scan3A_299 : i32 to index
        %get3A_370 = arith.constant 48 : index
        %get3A_371 = tpu.vector_load %arg22[%get3A_369, %get3A_370] {strides = array<i32>} : memref<64x64xf32, #tpu.memory_space<vmem>>, vector<16xf32>,
        %add3A_372 = arith.addf %add3A_368, %get3A_371 : vector<16xf32>
        %ge3A_373 = arith.constant 0.000000e+00 : f32
        %ge3A_374 = vector.broadcast %ge3A_373 : f32 to vector<16xf32>
        %ge3A_375 = arith.cmpf oge, %add3A_372, %ge3A_374 : vector<16xf32>
        %mul3A_376 = arith.constant 2.000000e-01 : f32
        %mul3A_377 = vector.broadcast %mul3A_376 : f32 to vector<16xf32>
        %mul3A_378 = arith.mulf %mul3A_377, %add3A_372 : vector<16xf32>
        %select_n3A_379 = arith.select %ge3A_375, %add3A_372, %mul3A_378 : vector<16xi1>, vector<16xf32>
        %mul3A_380 = arith.mulf %select_n3A_379, %get3A_23 : vector<16xf32>
        %add3A_381 = arith.addf %add3A_361, %mul3A_380 : vector<16xf32>
        %swap3A_382 = arith.constant 0 : index
        %swap3A_383 = tpu.vector_load %arg25[%swap3A_382] {strides = array<i32>} : memref<16xf32, #tpu.memory_space<vmem>>, vector<16xf32>,
        tpu.vector_store %arg25[%swap3A_382], %add3A_381 {strides = array<i32>} : memref<16xf32, #tpu.memory_space<vmem>>, vector<16xf32>,
        %xor3A_384 = arith.constant 1 : i32
        %xor3A_385 = vector.broadcast %xor3A_384 : i32 to vector<16xi32>
        %xor3A_386 = arith.xori %iota3A, %xor3A_385 : vector<16xi32>
        %gather3A_387 = tpu.vector_load_idx %arg25[%xor3A_386] : memref<16xf32, #tpu.memory_space<vmem>>[vector<16xi32>], vector<16xf32>,
        %add3A_388 = arith.addf %add3A_381, %gather3A_387 : vector<16xf32>
        %swap3A_389 = arith.constant 0 : index
        %swap3A_390 = tpu.vector_load %arg25[%swap3A_389] {strides = array<i32>} : memref<16xf32, #tpu.memory_space<vmem>>, vector<16xf32>,
        tpu.vector_store %arg25[%swap3A_389], %add3A_388 {strides = array<i32>} : memref<16xf32, #tpu.memory_space<vmem>>, vector<16xf32>,
        %xor3A_391 = arith.constant 2 : i32
        %xor3A_392 = vector.broadcast %xor3A_391 : i32 to vector<16xi32>
        %xor3A_393 = arith.xori %iota3A, %xor3A_392 : vector<16xi32>
        %gather3A_394 = tpu.vector_load_idx %arg25[%xor3A_393] : memref<16xf32, #tpu.memory_space<vmem>>[vector<16xi32>], vector<16xf32>,
        %add3A_395 = arith.addf %add3A_388, %gather3A_394 : vector<16xf32>
        %swap3A_396 = arith.constant 0 : index
        %swap3A_397 = tpu.vector_load %arg25[%swap3A_396] {strides = array<i32>} : memref<16xf32, #tpu.memory_space<vmem>>, vector<16xf32>,
        tpu.vector_store %arg25[%swap3A_396], %add3A_395 {strides = array<i32>} : memref<16xf32, #tpu.memory_space<vmem>>, vector<16xf32>,
        %xor3A_398 = arith.constant 4 : i32
        %xor3A_399 = vector.broadcast %xor3A_398 : i32 to vector<16xi32>
        %xor3A_400 = arith.xori %iota3A, %xor3A_399 : vector<16xi32>
        %gather3A_401 = tpu.vector_load_idx %arg25[%xor3A_400] : memref<16xf32, #tpu.memory_space<vmem>>[vector<16xi32>], vector<16xf32>,
        %add3A_402 = arith.addf %add3A_395, %gather3A_401 : vector<16xf32>
        %swap3A_403 = arith.constant 0 : index
        %swap3A_404 = tpu.vector_load %arg25[%swap3A_403] {strides = array<i32>} : memref<16xf32, #tpu.memory_space<vmem>>, vector<16xf32>,
        tpu.vector_store %arg25[%swap3A_403], %add3A_402 {strides = array<i32>} : memref<16xf32, #tpu.memory_space<vmem>>, vector<16xf32>,
        %xor3A_405 = arith.constant 8 : i32
        %xor3A_406 = vector.broadcast %xor3A_405 : i32 to vector<16xi32>
        %xor3A_407 = arith.xori %iota3A, %xor3A_406 : vector<16xi32>
        %gather3A_408 = tpu.vector_load_idx %arg25[%xor3A_407] : memref<16xf32, #tpu.memory_space<vmem>>[vector<16xi32>], vector<16xf32>,
        %add3A_409 = arith.addf %add3A_402, %gather3A_408 : vector<16xf32>
        %exp3A_410 = math.exp %add3A_409 : vector<16xf32>
        %mul3A_411 = arith.mulf %get3A_304, %exp3A_410 : vector<16xf32>
        %swap3A_412 = arith.index_cast %scan3A_299 : i32 to index
        %swap3A_413 = arith.constant 0 : index
        %swap3A_414 = tpu.vector_load %arg23[%swap3A_412, %swap3A_413] {strides = array<i32>} : memref<64x64xf32, #tpu.memory_space<vmem>>, vector<16xf32>,
        tpu.vector_store %arg23[%swap3A_412, %swap3A_413], %mul3A_411 {strides = array<i32>} : memref<64x64xf32, #tpu.memory_space<vmem>>, vector<16xf32>,
        %mul3A_415 = arith.mulf %get3A_324, %exp3A_410 : vector<16xf32>
        %swap3A_416 = arith.index_cast %scan3A_299 : i32 to index
        %swap3A_417 = arith.constant 16 : index
        %swap3A_418 = tpu.vector_load %arg23[%swap3A_416, %swap3A_417] {strides = array<i32>} : memref<64x64xf32, #tpu.memory_space<vmem>>, vector<16xf32>,
        tpu.vector_store %arg23[%swap3A_416, %swap3A_417], %mul3A_415 {strides = array<i32>} : memref<64x64xf32, #tpu.memory_space<vmem>>, vector<16xf32>,
        %mul3A_419 = arith.mulf %get3A_344, %exp3A_410 : vector<16xf32>
        %swap3A_420 = arith.index_cast %scan3A_299 : i32 to index
        %swap3A_421 = arith.constant 32 : index
        %swap3A_422 = tpu.vector_load %arg23[%swap3A_420, %swap3A_421] {strides = array<i32>} : memref<64x64xf32, #tpu.memory_space<vmem>>, vector<16xf32>,
        tpu.vector_store %arg23[%swap3A_420, %swap3A_421], %mul3A_419 {strides = array<i32>} : memref<64x64xf32, #tpu.memory_space<vmem>>, vector<16xf32>,
        %mul3A_423 = arith.mulf %get3A_364, %exp3A_410 : vector<16xf32>
        %swap3A_424 = arith.index_cast %scan3A_299 : i32 to index
        %swap3A_425 = arith.constant 48 : index
        %swap3A_426 = tpu.vector_load %arg23[%swap3A_424, %swap3A_425] {strides = array<i32>} : memref<64x64xf32, #tpu.memory_space<vmem>>, vector<16xf32>,
        tpu.vector_store %arg23[%swap3A_424, %swap3A_425], %mul3A_423 {strides = array<i32>} : memref<64x64xf32, #tpu.memory_space<vmem>>, vector<16xf32>,
        %broadcast_in_dim3A_427 = vector.broadcast %scan3A_299 : i32 to vector<16xi32>
        tpu.vector_store_idx %arg24[%broadcast_in_dim3A_427, %iota3A], %exp3A_410 masked %lt3A_2 : memref<64x4xf32, #tpu.memory_space<vmem>>[vector<16xi32>, vector<16xi32>], vector<16xf32>, vector<16xi1>
      }
      %scan3A_171 = arith.constant 64 : i32
      "tpu.region"() ({
        %run_scoped3A = tpu.sem_alloc : memref<!tpu.dma_semaphore, #tpu.memory_space<semaphore_mem>>
        %dma_start3A_172 = arith.constant 0 : i32
        %dma_start3A_173 = arith.constant 0 : i32
        %dma_start3A_174 = tpu.memref_slice %arg12[%dma_start3A_172, %dma_start3A_173] : memref<26632x64xf32, #tpu.memory_space<vmem_shared>> -> memref<26632x64xf32, #tpu.memory_space<vmem_shared>>
        tpu.enqueue_indirect_dma source(%arg23 : memref<64x64xf32, #tpu.memory_space<vmem>>) target(%dma_start3A_174 : memref<26632x64xf32, #tpu.memory_space<vmem_shared>>) offsets(%arg19 : memref<64xi32, #tpu.memory_space<vmem>>) semaphore(%run_scoped3A : memref<!tpu.dma_semaphore, #tpu.memory_space<semaphore_mem>>) {add = true}
        %dma_wait3A_175 = arith.constant 0 : i32
        %dma_wait3A_176 = arith.constant 0 : i32
        %dma_wait3A_177 = tpu.memref_slice %arg12[%dma_wait3A_175, %dma_wait3A_176] : memref<26632x64xf32, #tpu.memory_space<vmem_shared>> -> memref<26632x64xf32, #tpu.memory_space<vmem_shared>>
        tpu.wait_indirect_dma semaphore(%run_scoped3A : memref<!tpu.dma_semaphore, #tpu.memory_space<semaphore_mem>>) src(%arg23 : memref<64x64xf32, #tpu.memory_space<vmem>>) dst(%dma_wait3A_177 : memref<26632x64xf32, #tpu.memory_space<vmem_shared>>)
        tpu.yield
      }) : () -> ()
      "tpu.region"() ({
        %run_scoped3A = tpu.sem_alloc : memref<!tpu.dma_semaphore, #tpu.memory_space<semaphore_mem>>
        %dma_start3A_172 = arith.constant 0 : i32
        %dma_start3A_173 = arith.constant 0 : i32
        %dma_start3A_174 = tpu.memref_slice %arg13[%dma_start3A_172, %dma_start3A_173] : memref<26632x4xf32, #tpu.memory_space<vmem_shared>> -> memref<26632x4xf32, #tpu.memory_space<vmem_shared>>
        tpu.enqueue_indirect_dma source(%arg24 : memref<64x4xf32, #tpu.memory_space<vmem>>) target(%dma_start3A_174 : memref<26632x4xf32, #tpu.memory_space<vmem_shared>>) offsets(%arg19 : memref<64xi32, #tpu.memory_space<vmem>>) semaphore(%run_scoped3A : memref<!tpu.dma_semaphore, #tpu.memory_space<semaphore_mem>>) {add = true}
        %dma_wait3A_175 = arith.constant 0 : i32
        %dma_wait3A_176 = arith.constant 0 : i32
        %dma_wait3A_177 = tpu.memref_slice %arg13[%dma_wait3A_175, %dma_wait3A_176] : memref<26632x4xf32, #tpu.memory_space<vmem_shared>> -> memref<26632x4xf32, #tpu.memory_space<vmem_shared>>
        tpu.wait_indirect_dma semaphore(%run_scoped3A : memref<!tpu.dma_semaphore, #tpu.memory_space<semaphore_mem>>) src(%arg24 : memref<64x4xf32, #tpu.memory_space<vmem>>) dst(%dma_wait3A_177 : memref<26632x4xf32, #tpu.memory_space<vmem_shared>>)
        tpu.yield
      }) : () -> ()
    }
    %scan3A_29 = arith.constant 96 : i32
    %barrier3A_30 = arith.constant 0 : index
    tpu.barrier barrier_id(%barrier3A_30)
    %mul3A_31 = arith.constant 26624 : i32
    %mul3A_32 = arith.muli %arg0, %mul3A_31 : i32
    %add3A = arith.constant 0 : i32
    %add3A_33 = arith.addi %add3A, %mul3A_32 : i32
    %mul3A_34 = arith.constant 1664 : i32
    %mul3A_35 = arith.muli %arg1, %mul3A_34 : i32
    %add3A_36 = arith.addi %add3A_33, %mul3A_35 : i32
    %mul3A_37 = arith.constant 1664 : i32
    %mul3A_38 = arith.muli %arg1, %mul3A_37 : i32
    %multiple_of3A = tpu.assume_multiple %add3A_36, 8 : i32
    "tpu.region"() ({
      %run_scoped3A = tpu.sem_alloc : memref<!tpu.dma_semaphore, #tpu.memory_space<semaphore_mem>>
      %dma_start3A = arith.constant 0 : i32
      %dma_start3A_43 = tpu.memref_slice %arg10[%multiple_of3A, %dma_start3A] : memref<53248x64xf32, #tpu.memory_space<hbm>> -> memref<1664x64xf32, #tpu.memory_space<hbm>>
      %dma_start3A_44 = arith.constant 0 : i32
      %dma_start3A_45 = tpu.memref_slice %arg12[%mul3A_38, %dma_start3A_44] : memref<26632x64xf32, #tpu.memory_space<vmem_shared>> -> memref<1664x64xf32, #tpu.memory_space<vmem_shared>>
      tpu.enqueue_dma source(%dma_start3A_45 : memref<1664x64xf32, #tpu.memory_space<vmem_shared>>) target(%dma_start3A_43 : memref<1664x64xf32, #tpu.memory_space<hbm>>) target_semaphore(%run_scoped3A : memref<!tpu.dma_semaphore, #tpu.memory_space<semaphore_mem>>)
      %dma_wait3A = arith.constant 0 : i32
      %dma_wait3A_46 = tpu.memref_slice %arg10[%multiple_of3A, %dma_wait3A] : memref<53248x64xf32, #tpu.memory_space<hbm>> -> memref<1664x64xf32, #tpu.memory_space<hbm>>
      %dma_wait3A_47 = arith.constant 0 : i32
      %dma_wait3A_48 = tpu.memref_slice %arg12[%mul3A_38, %dma_wait3A_47] : memref<26632x64xf32, #tpu.memory_space<vmem_shared>> -> memref<1664x64xf32, #tpu.memory_space<vmem_shared>>
      tpu.wait_dma2 semaphore(%run_scoped3A : memref<!tpu.dma_semaphore, #tpu.memory_space<semaphore_mem>>) src(%dma_wait3A_48 : memref<1664x64xf32, #tpu.memory_space<vmem_shared>>) dst(%dma_wait3A_46 : memref<1664x64xf32, #tpu.memory_space<hbm>>)
      tpu.yield
    }) : () -> ()
    %mul3A_39 = arith.constant 1664 : i32
    %mul3A_40 = arith.muli %arg1, %mul3A_39 : i32
    %multiple_of3A_41 = tpu.assume_multiple %add3A_36, 8 : i32
    "tpu.region"() ({
      %run_scoped3A = tpu.sem_alloc : memref<!tpu.dma_semaphore, #tpu.memory_space<semaphore_mem>>
      %dma_start3A = arith.constant 0 : i32
      %dma_start3A_43 = tpu.memref_slice %arg11[%multiple_of3A_41, %dma_start3A] : memref<53248x4xf32, #tpu.memory_space<hbm>> -> memref<1664x4xf32, #tpu.memory_space<hbm>>
      %dma_start3A_44 = arith.constant 0 : i32
      %dma_start3A_45 = tpu.memref_slice %arg13[%mul3A_40, %dma_start3A_44] : memref<26632x4xf32, #tpu.memory_space<vmem_shared>> -> memref<1664x4xf32, #tpu.memory_space<vmem_shared>>
      tpu.enqueue_dma source(%dma_start3A_45 : memref<1664x4xf32, #tpu.memory_space<vmem_shared>>) target(%dma_start3A_43 : memref<1664x4xf32, #tpu.memory_space<hbm>>) target_semaphore(%run_scoped3A : memref<!tpu.dma_semaphore, #tpu.memory_space<semaphore_mem>>)
      %dma_wait3A = arith.constant 0 : i32
      %dma_wait3A_46 = tpu.memref_slice %arg11[%multiple_of3A_41, %dma_wait3A] : memref<53248x4xf32, #tpu.memory_space<hbm>> -> memref<1664x4xf32, #tpu.memory_space<hbm>>
      %dma_wait3A_47 = arith.constant 0 : i32
      %dma_wait3A_48 = tpu.memref_slice %arg13[%mul3A_40, %dma_wait3A_47] : memref<26632x4xf32, #tpu.memory_space<vmem_shared>> -> memref<1664x4xf32, #tpu.memory_space<vmem_shared>>
      tpu.wait_dma2 semaphore(%run_scoped3A : memref<!tpu.dma_semaphore, #tpu.memory_space<semaphore_mem>>) src(%dma_wait3A_48 : memref<1664x4xf32, #tpu.memory_space<vmem_shared>>) dst(%dma_wait3A_46 : memref<1664x4xf32, #tpu.memory_space<hbm>>)
      tpu.yield
    }) : () -> ()
    %barrier3A_42 = arith.constant 0 : index
    tpu.barrier barrier_id(%barrier3A_42)
    return
  }
}

module attributes {stable_mosaic.version = 14 : i64} {
  func.func @_stage_a2_body(%arg0: i32, %arg1: memref<512x4xf32, #tpu.memory_space<vmem>>, %arg2: memref<4x256xf32, #tpu.memory_space<vmem>>, %arg3: memref<4x64xf32, #tpu.memory_space<vmem>>, %arg4: memref<4x512x64xf32, #tpu.memory_space<vmem>>, %arg5: memref<512x64xf32, #tpu.memory_space<vmem>>) attributes {dimension_semantics = [#tpu.dimension_semantics<arbitrary>], iteration_bounds = array<i64: 192>, scalar_prefetch = 0 : i64, scratch_operands = 0 : i64, tpu.core_type = #tpu.core_type<tc>, window_params = [{transform_indices = @transform_0, window_bounds = array<i64: 512, 4>}, {pipeline_mode = #tpu.pipeline_mode<synchronous>, transform_indices = @transform_1, window_bounds = array<i64: 4, 256>}, {pipeline_mode = #tpu.pipeline_mode<synchronous>, transform_indices = @transform_2, window_bounds = array<i64: 4, 64>}, {transform_indices = @transform_3, window_bounds = array<i64: 4, 512, 64>}, {transform_indices = @transform_4, window_bounds = array<i64: 512, 64>}]} {
    %get3A = arith.constant 0 : index
    %get3A_0 = arith.constant 0 : index
    %get3A_1 = vector.load %arg1[%get3A, %get3A_0] : memref<512x4xf32, #tpu.memory_space<vmem>>, vector<512x4xf32>
    %get3A_2 = arith.constant 0 : index
    %get3A_3 = arith.constant 0 : index
    %get3A_4 = vector.load %arg2[%get3A_2, %get3A_3] : memref<4x256xf32, #tpu.memory_space<vmem>>, vector<4x256xf32>
    %dot_general3A = arith.constant dense<0.000000e+00> : vector<512x256xf32>
    %dot_general3A_5 = tpu.matmul %get3A_1, %get3A_4, %dot_general3A {dimension_numbers = #tpu.dot_dimension_numbers<[1], [0], [0], [1], [0, 0, 1, 1], [], []>, transpose_lhs_hint = false} : vector<512x4xf32>, vector<4x256xf32>, vector<512x256xf32> -> vector<512x256xf32>
    %slice3A = vector.extract_strided_slice %dot_general3A_5 {offsets = [0, 0], sizes = [512, 64], strides = [1, 1]} : vector<512x256xf32> to vector<512x64xf32>
    %swap3A = arith.constant 0 : index
    %swap3A_6 = arith.constant 0 : index
    %swap3A_7 = arith.constant 0 : index
    %swap3A_8 = vector.load %arg4[%swap3A, %swap3A_6, %swap3A_7] : memref<4x512x64xf32, #tpu.memory_space<vmem>>, vector<1x512x64xf32>
    %swap3A_9 = vector.shape_cast %swap3A_8 : vector<1x512x64xf32> to vector<512x64xf32>
    %swap3A_10 = vector.shape_cast %slice3A : vector<512x64xf32> to vector<1x512x64xf32>
    tpu.vector_store %arg4[%swap3A, %swap3A_6, %swap3A_7], %swap3A_10 {strides = array<i32>} : memref<4x512x64xf32, #tpu.memory_space<vmem>>, vector<1x512x64xf32>,
    %slice3A_11 = vector.extract_strided_slice %dot_general3A_5 {offsets = [0, 64], sizes = [512, 64], strides = [1, 1]} : vector<512x256xf32> to vector<512x64xf32>
    %swap3A_12 = arith.constant 1 : index
    %swap3A_13 = arith.constant 0 : index
    %swap3A_14 = arith.constant 0 : index
    %swap3A_15 = vector.load %arg4[%swap3A_12, %swap3A_13, %swap3A_14] : memref<4x512x64xf32, #tpu.memory_space<vmem>>, vector<1x512x64xf32>
    %swap3A_16 = vector.shape_cast %swap3A_15 : vector<1x512x64xf32> to vector<512x64xf32>
    %swap3A_17 = vector.shape_cast %slice3A_11 : vector<512x64xf32> to vector<1x512x64xf32>
    tpu.vector_store %arg4[%swap3A_12, %swap3A_13, %swap3A_14], %swap3A_17 {strides = array<i32>} : memref<4x512x64xf32, #tpu.memory_space<vmem>>, vector<1x512x64xf32>,
    %slice3A_18 = vector.extract_strided_slice %dot_general3A_5 {offsets = [0, 128], sizes = [512, 64], strides = [1, 1]} : vector<512x256xf32> to vector<512x64xf32>
    %swap3A_19 = arith.constant 2 : index
    %swap3A_20 = arith.constant 0 : index
    %swap3A_21 = arith.constant 0 : index
    %swap3A_22 = vector.load %arg4[%swap3A_19, %swap3A_20, %swap3A_21] : memref<4x512x64xf32, #tpu.memory_space<vmem>>, vector<1x512x64xf32>
    %swap3A_23 = vector.shape_cast %swap3A_22 : vector<1x512x64xf32> to vector<512x64xf32>
    %swap3A_24 = vector.shape_cast %slice3A_18 : vector<512x64xf32> to vector<1x512x64xf32>
    tpu.vector_store %arg4[%swap3A_19, %swap3A_20, %swap3A_21], %swap3A_24 {strides = array<i32>} : memref<4x512x64xf32, #tpu.memory_space<vmem>>, vector<1x512x64xf32>,
    %slice3A_25 = vector.extract_strided_slice %dot_general3A_5 {offsets = [0, 192], sizes = [512, 64], strides = [1, 1]} : vector<512x256xf32> to vector<512x64xf32>
    %swap3A_26 = arith.constant 3 : index
    %swap3A_27 = arith.constant 0 : index
    %swap3A_28 = arith.constant 0 : index
    %swap3A_29 = vector.load %arg4[%swap3A_26, %swap3A_27, %swap3A_28] : memref<4x512x64xf32, #tpu.memory_space<vmem>>, vector<1x512x64xf32>
    %swap3A_30 = vector.shape_cast %swap3A_29 : vector<1x512x64xf32> to vector<512x64xf32>
    %swap3A_31 = vector.shape_cast %slice3A_25 : vector<512x64xf32> to vector<1x512x64xf32>
    tpu.vector_store %arg4[%swap3A_26, %swap3A_27, %swap3A_28], %swap3A_31 {strides = array<i32>} : memref<4x512x64xf32, #tpu.memory_space<vmem>>, vector<1x512x64xf32>,
    %get3A_32 = arith.constant 0 : index
    %get3A_33 = arith.constant 0 : index
    %get3A_34 = vector.load %arg3[%get3A_32, %get3A_33] : memref<4x64xf32, #tpu.memory_space<vmem>>, vector<4x64xf32>
    %dot_general3A_35 = arith.constant dense<0.000000e+00> : vector<512x64xf32>
    %dot_general3A_36 = tpu.matmul %get3A_1, %get3A_34, %dot_general3A_35 {dimension_numbers = #tpu.dot_dimension_numbers<[1], [0], [0], [1], [0, 0, 1, 1], [], []>, transpose_lhs_hint = false} : vector<512x4xf32>, vector<4x64xf32>, vector<512x64xf32> -> vector<512x64xf32>
    %swap3A_37 = arith.constant 0 : index
    %swap3A_38 = arith.constant 0 : index
    %swap3A_39 = vector.load %arg5[%swap3A_37, %swap3A_38] : memref<512x64xf32, #tpu.memory_space<vmem>>, vector<512x64xf32>
    tpu.vector_store %arg5[%swap3A_37, %swap3A_38], %dot_general3A_36 {strides = array<i32>} : memref<512x64xf32, #tpu.memory_space<vmem>>, vector<512x64xf32>,
    return
  }
  func.func @transform_0(%arg0: i32) -> (i32, i32) {
    %c0_i32 = arith.constant 0 : i32
    %c0_i32_0 = arith.constant 0 : i32
    return %arg0, %c0_i32 : i32, i32
  }
  func.func @transform_1(%arg0: i32) -> (i32, i32) {
    %c0_i32 = arith.constant 0 : i32
    %c0_i32_0 = arith.constant 0 : i32
    %c0_i32_1 = arith.constant 0 : i32
    return %c0_i32, %c0_i32_0 : i32, i32
  }
  func.func @transform_2(%arg0: i32) -> (i32, i32) {
    %c0_i32 = arith.constant 0 : i32
    %c0_i32_0 = arith.constant 0 : i32
    %c0_i32_1 = arith.constant 0 : i32
    return %c0_i32, %c0_i32_0 : i32, i32
  }
  func.func @transform_3(%arg0: i32) -> (i32, i32, i32) {
    %c0_i32 = arith.constant 0 : i32
    %c0_i32_0 = arith.constant 0 : i32
    %c0_i32_1 = arith.constant 0 : i32
    return %c0_i32, %arg0, %c0_i32_0 : i32, i32, i32
  }
  func.func @transform_4(%arg0: i32) -> (i32, i32) {
    %c0_i32 = arith.constant 0 : i32
    %c0_i32_0 = arith.constant 0 : i32
    return %arg0, %c0_i32 : i32, i32
  }
}

module attributes {stable_mosaic.version = 14 : i64} {
  func.func @_stage_a1_body(%arg0: i32, %arg1: memref<128x20xf32, #tpu.memory_space<vmem>>, %arg2: memref<128x1xi32, #tpu.memory_space<vmem>>, %arg3: memref<5x20x64xf32, #tpu.memory_space<vmem>>, %arg4: memref<5x64xf32, #tpu.memory_space<vmem>>, %arg5: memref<64x256xf32, #tpu.memory_space<vmem>>, %arg6: memref<1x256xf32, #tpu.memory_space<vmem>>, %arg7: memref<64x256xf32, #tpu.memory_space<vmem>>, %arg8: memref<1x256xf32, #tpu.memory_space<vmem>>, %arg9: memref<4x128x64xf32, #tpu.memory_space<vmem>>, %arg10: memref<4x128x64xf32, #tpu.memory_space<vmem>>) attributes {dimension_semantics = [#tpu.dimension_semantics<arbitrary>], iteration_bounds = array<i64: 416>, scalar_prefetch = 0 : i64, scratch_operands = 0 : i64, tpu.core_type = #tpu.core_type<tc>, window_params = [{transform_indices = @transform_0, window_bounds = array<i64: 128, 20>}, {transform_indices = @transform_1, window_bounds = array<i64: 128, 1>}, {pipeline_mode = #tpu.pipeline_mode<synchronous>, transform_indices = @transform_2, window_bounds = array<i64: 5, 20, 64>}, {pipeline_mode = #tpu.pipeline_mode<synchronous>, transform_indices = @transform_3, window_bounds = array<i64: 5, 64>}, {pipeline_mode = #tpu.pipeline_mode<synchronous>, transform_indices = @transform_4, window_bounds = array<i64: 64, 256>}, {pipeline_mode = #tpu.pipeline_mode<synchronous>, transform_indices = @transform_5, window_bounds = array<i64: 1, 256>}, {pipeline_mode = #tpu.pipeline_mode<synchronous>, transform_indices = @transform_6, window_bounds = array<i64: 64, 256>}, {pipeline_mode = #tpu.pipeline_mode<synchronous>, transform_indices = @transform_7, window_bounds = array<i64: 1, 256>}, {transform_indices = @transform_8, window_bounds = array<i64: 4, 128, 64>}, {transform_indices = @transform_9, window_bounds = array<i64: 4, 128, 64>}]} {
    %get3A = arith.constant 0 : index
    %get3A_0 = arith.constant 0 : index
    %get3A_1 = vector.load %arg1[%get3A, %get3A_0] : memref<128x20xf32, #tpu.memory_space<vmem>>, vector<128x20xf32>
    %get3A_2 = arith.constant 0 : index
    %get3A_3 = arith.constant 0 : index
    %get3A_4 = vector.load %arg2[%get3A_2, %get3A_3] : memref<128x1xi32, #tpu.memory_space<vmem>>, vector<128x1xi32>
    %broadcast_in_dim3A = arith.constant 0.000000e+00 : f32
    %broadcast_in_dim3A_5 = vector.broadcast %broadcast_in_dim3A : f32 to vector<128x64xf32>
    %get3A_6 = arith.constant 0 : index
    %get3A_7 = arith.constant 0 : index
    %get3A_8 = arith.constant 0 : index
    %get3A_9 = vector.load %arg3[%get3A_6, %get3A_7, %get3A_8] : memref<5x20x64xf32, #tpu.memory_space<vmem>>, vector<1x20x64xf32>
    %get3A_10 = vector.shape_cast %get3A_9 : vector<1x20x64xf32> to vector<20x64xf32>
    %dot_general3A = arith.constant dense<0.000000e+00> : vector<128x64xf32>
    %dot_general3A_11 = tpu.matmul %get3A_1, %get3A_10, %dot_general3A {dimension_numbers = #tpu.dot_dimension_numbers<[1], [0], [0], [1], [0, 0, 1, 1], [], []>, transpose_lhs_hint = false} : vector<128x20xf32>, vector<20x64xf32>, vector<128x64xf32> -> vector<128x64xf32>
    %get3A_12 = arith.constant 0 : index
    %get3A_13 = arith.constant 0 : index
    %get3A_14 = vector.load %arg4[%get3A_12, %get3A_13] : memref<5x64xf32, #tpu.memory_space<vmem>>, vector<1x64xf32>
    %get3A_15 = vector.shape_cast %get3A_14 : vector<1x64xf32> to vector<64xf32>
    %broadcast_in_dim3A_16 = vector.shape_cast %get3A_15 : vector<64xf32> to vector<1x64xf32>
    %add3A = vector.broadcast %broadcast_in_dim3A_16 : vector<1x64xf32> to vector<128x64xf32>
    %add3A_17 = arith.addf %dot_general3A_11, %add3A : vector<128x64xf32>
    %eq3A = arith.constant 0 : i32
    %eq3A_18 = vector.broadcast %eq3A : i32 to vector<128x1xi32>
    %eq3A_19 = arith.cmpi eq, %get3A_4, %eq3A_18 : vector<128x1xi32>
    %broadcast_in_dim3A_20 = vector.shape_cast %eq3A_19 : vector<128x1xi1> to vector<128x1xi1>
    %broadcast_in_dim3A_21 = vector.broadcast %broadcast_in_dim3A_20 : vector<128x1xi1> to vector<128x64xi1>
    %select_n3A = arith.select %broadcast_in_dim3A_21, %add3A_17, %broadcast_in_dim3A_5 : vector<128x64xi1>, vector<128x64xf32>
    %get3A_22 = arith.constant 1 : index
    %get3A_23 = arith.constant 0 : index
    %get3A_24 = arith.constant 0 : index
    %get3A_25 = vector.load %arg3[%get3A_22, %get3A_23, %get3A_24] : memref<5x20x64xf32, #tpu.memory_space<vmem>>, vector<1x20x64xf32>
    %get3A_26 = vector.shape_cast %get3A_25 : vector<1x20x64xf32> to vector<20x64xf32>
    %dot_general3A_27 = arith.constant dense<0.000000e+00> : vector<128x64xf32>
    %dot_general3A_28 = tpu.matmul %get3A_1, %get3A_26, %dot_general3A_27 {dimension_numbers = #tpu.dot_dimension_numbers<[1], [0], [0], [1], [0, 0, 1, 1], [], []>, transpose_lhs_hint = false} : vector<128x20xf32>, vector<20x64xf32>, vector<128x64xf32> -> vector<128x64xf32>
    %get3A_29 = arith.constant 1 : index
    %get3A_30 = arith.constant 0 : index
    %get3A_31 = vector.load %arg4[%get3A_29, %get3A_30] : memref<5x64xf32, #tpu.memory_space<vmem>>, vector<1x64xf32>
    %get3A_32 = vector.shape_cast %get3A_31 : vector<1x64xf32> to vector<64xf32>
    %broadcast_in_dim3A_33 = vector.shape_cast %get3A_32 : vector<64xf32> to vector<1x64xf32>
    %add3A_34 = vector.broadcast %broadcast_in_dim3A_33 : vector<1x64xf32> to vector<128x64xf32>
    %add3A_35 = arith.addf %dot_general3A_28, %add3A_34 : vector<128x64xf32>
    %eq3A_36 = arith.constant 1 : i32
    %eq3A_37 = vector.broadcast %eq3A_36 : i32 to vector<128x1xi32>
    %eq3A_38 = arith.cmpi eq, %get3A_4, %eq3A_37 : vector<128x1xi32>
    %broadcast_in_dim3A_39 = vector.shape_cast %eq3A_38 : vector<128x1xi1> to vector<128x1xi1>
    %broadcast_in_dim3A_40 = vector.broadcast %broadcast_in_dim3A_39 : vector<128x1xi1> to vector<128x64xi1>
    %select_n3A_41 = arith.select %broadcast_in_dim3A_40, %add3A_35, %select_n3A : vector<128x64xi1>, vector<128x64xf32>
    %get3A_42 = arith.constant 2 : index
    %get3A_43 = arith.constant 0 : index
    %get3A_44 = arith.constant 0 : index
    %get3A_45 = vector.load %arg3[%get3A_42, %get3A_43, %get3A_44] : memref<5x20x64xf32, #tpu.memory_space<vmem>>, vector<1x20x64xf32>
    %get3A_46 = vector.shape_cast %get3A_45 : vector<1x20x64xf32> to vector<20x64xf32>
    %dot_general3A_47 = arith.constant dense<0.000000e+00> : vector<128x64xf32>
    %dot_general3A_48 = tpu.matmul %get3A_1, %get3A_46, %dot_general3A_47 {dimension_numbers = #tpu.dot_dimension_numbers<[1], [0], [0], [1], [0, 0, 1, 1], [], []>, transpose_lhs_hint = false} : vector<128x20xf32>, vector<20x64xf32>, vector<128x64xf32> -> vector<128x64xf32>
    %get3A_49 = arith.constant 2 : index
    %get3A_50 = arith.constant 0 : index
    %get3A_51 = vector.load %arg4[%get3A_49, %get3A_50] : memref<5x64xf32, #tpu.memory_space<vmem>>, vector<1x64xf32>
    %get3A_52 = vector.shape_cast %get3A_51 : vector<1x64xf32> to vector<64xf32>
    %broadcast_in_dim3A_53 = vector.shape_cast %get3A_52 : vector<64xf32> to vector<1x64xf32>
    %add3A_54 = vector.broadcast %broadcast_in_dim3A_53 : vector<1x64xf32> to vector<128x64xf32>
    %add3A_55 = arith.addf %dot_general3A_48, %add3A_54 : vector<128x64xf32>
    %eq3A_56 = arith.constant 2 : i32
    %eq3A_57 = vector.broadcast %eq3A_56 : i32 to vector<128x1xi32>
    %eq3A_58 = arith.cmpi eq, %get3A_4, %eq3A_57 : vector<128x1xi32>
    %broadcast_in_dim3A_59 = vector.shape_cast %eq3A_58 : vector<128x1xi1> to vector<128x1xi1>
    %broadcast_in_dim3A_60 = vector.broadcast %broadcast_in_dim3A_59 : vector<128x1xi1> to vector<128x64xi1>
    %select_n3A_61 = arith.select %broadcast_in_dim3A_60, %add3A_55, %select_n3A_41 : vector<128x64xi1>, vector<128x64xf32>
    %get3A_62 = arith.constant 3 : index
    %get3A_63 = arith.constant 0 : index
    %get3A_64 = arith.constant 0 : index
    %get3A_65 = vector.load %arg3[%get3A_62, %get3A_63, %get3A_64] : memref<5x20x64xf32, #tpu.memory_space<vmem>>, vector<1x20x64xf32>
    %get3A_66 = vector.shape_cast %get3A_65 : vector<1x20x64xf32> to vector<20x64xf32>
    %dot_general3A_67 = arith.constant dense<0.000000e+00> : vector<128x64xf32>
    %dot_general3A_68 = tpu.matmul %get3A_1, %get3A_66, %dot_general3A_67 {dimension_numbers = #tpu.dot_dimension_numbers<[1], [0], [0], [1], [0, 0, 1, 1], [], []>, transpose_lhs_hint = false} : vector<128x20xf32>, vector<20x64xf32>, vector<128x64xf32> -> vector<128x64xf32>
    %get3A_69 = arith.constant 3 : index
    %get3A_70 = arith.constant 0 : index
    %get3A_71 = vector.load %arg4[%get3A_69, %get3A_70] : memref<5x64xf32, #tpu.memory_space<vmem>>, vector<1x64xf32>
    %get3A_72 = vector.shape_cast %get3A_71 : vector<1x64xf32> to vector<64xf32>
    %broadcast_in_dim3A_73 = vector.shape_cast %get3A_72 : vector<64xf32> to vector<1x64xf32>
    %add3A_74 = vector.broadcast %broadcast_in_dim3A_73 : vector<1x64xf32> to vector<128x64xf32>
    %add3A_75 = arith.addf %dot_general3A_68, %add3A_74 : vector<128x64xf32>
    %eq3A_76 = arith.constant 3 : i32
    %eq3A_77 = vector.broadcast %eq3A_76 : i32 to vector<128x1xi32>
    %eq3A_78 = arith.cmpi eq, %get3A_4, %eq3A_77 : vector<128x1xi32>
    %broadcast_in_dim3A_79 = vector.shape_cast %eq3A_78 : vector<128x1xi1> to vector<128x1xi1>
    %broadcast_in_dim3A_80 = vector.broadcast %broadcast_in_dim3A_79 : vector<128x1xi1> to vector<128x64xi1>
    %select_n3A_81 = arith.select %broadcast_in_dim3A_80, %add3A_75, %select_n3A_61 : vector<128x64xi1>, vector<128x64xf32>
    %get3A_82 = arith.constant 4 : index
    %get3A_83 = arith.constant 0 : index
    %get3A_84 = arith.constant 0 : index
    %get3A_85 = vector.load %arg3[%get3A_82, %get3A_83, %get3A_84] : memref<5x20x64xf32, #tpu.memory_space<vmem>>, vector<1x20x64xf32>
    %get3A_86 = vector.shape_cast %get3A_85 : vector<1x20x64xf32> to vector<20x64xf32>
    %dot_general3A_87 = arith.constant dense<0.000000e+00> : vector<128x64xf32>
    %dot_general3A_88 = tpu.matmul %get3A_1, %get3A_86, %dot_general3A_87 {dimension_numbers = #tpu.dot_dimension_numbers<[1], [0], [0], [1], [0, 0, 1, 1], [], []>, transpose_lhs_hint = false} : vector<128x20xf32>, vector<20x64xf32>, vector<128x64xf32> -> vector<128x64xf32>
    %get3A_89 = arith.constant 4 : index
    %get3A_90 = arith.constant 0 : index
    %get3A_91 = vector.load %arg4[%get3A_89, %get3A_90] : memref<5x64xf32, #tpu.memory_space<vmem>>, vector<1x64xf32>
    %get3A_92 = vector.shape_cast %get3A_91 : vector<1x64xf32> to vector<64xf32>
    %broadcast_in_dim3A_93 = vector.shape_cast %get3A_92 : vector<64xf32> to vector<1x64xf32>
    %add3A_94 = vector.broadcast %broadcast_in_dim3A_93 : vector<1x64xf32> to vector<128x64xf32>
    %add3A_95 = arith.addf %dot_general3A_88, %add3A_94 : vector<128x64xf32>
    %eq3A_96 = arith.constant 4 : i32
    %eq3A_97 = vector.broadcast %eq3A_96 : i32 to vector<128x1xi32>
    %eq3A_98 = arith.cmpi eq, %get3A_4, %eq3A_97 : vector<128x1xi32>
    %broadcast_in_dim3A_99 = vector.shape_cast %eq3A_98 : vector<128x1xi1> to vector<128x1xi1>
    %broadcast_in_dim3A_100 = vector.broadcast %broadcast_in_dim3A_99 : vector<128x1xi1> to vector<128x64xi1>
    %select_n3A_101 = arith.select %broadcast_in_dim3A_100, %add3A_95, %select_n3A_81 : vector<128x64xi1>, vector<128x64xf32>
    %gt3A = arith.constant 0.000000e+00 : f32
    %gt3A_102 = vector.broadcast %gt3A : f32 to vector<128x64xf32>
    %gt3A_103 = arith.cmpf ogt, %select_n3A_101, %gt3A_102 : vector<128x64xf32>
    %exp3A = math.exp %select_n3A_101 : vector<128x64xf32>
    %sub3A = arith.constant 1.000000e+00 : f32
    %sub3A_104 = vector.broadcast %sub3A : f32 to vector<128x64xf32>
    %sub3A_105 = arith.subf %exp3A, %sub3A_104 : vector<128x64xf32>
    %select_n3A_106 = arith.select %gt3A_103, %select_n3A_101, %sub3A_105 : vector<128x64xi1>, vector<128x64xf32>
    %get3A_107 = arith.constant 0 : index
    %get3A_108 = arith.constant 0 : index
    %get3A_109 = vector.load %arg5[%get3A_107, %get3A_108] : memref<64x256xf32, #tpu.memory_space<vmem>>, vector<64x256xf32>
    %dot_general3A_110 = arith.constant dense<0.000000e+00> : vector<128x256xf32>
    %dot_general3A_111 = tpu.matmul %select_n3A_106, %get3A_109, %dot_general3A_110 {dimension_numbers = #tpu.dot_dimension_numbers<[1], [0], [0], [1], [0, 0, 1, 1], [], []>, transpose_lhs_hint = false} : vector<128x64xf32>, vector<64x256xf32>, vector<128x256xf32> -> vector<128x256xf32>
    %get3A_112 = arith.constant 0 : index
    %get3A_113 = arith.constant 0 : index
    %get3A_114 = vector.load %arg6[%get3A_112, %get3A_113] : memref<1x256xf32, #tpu.memory_space<vmem>>, vector<1x256xf32>
    %add3A_115 = vector.broadcast %get3A_114 : vector<1x256xf32> to vector<128x256xf32>
    %add3A_116 = arith.addf %dot_general3A_111, %add3A_115 : vector<128x256xf32>
    %get3A_117 = arith.constant 0 : index
    %get3A_118 = arith.constant 0 : index
    %get3A_119 = vector.load %arg7[%get3A_117, %get3A_118] : memref<64x256xf32, #tpu.memory_space<vmem>>, vector<64x256xf32>
    %dot_general3A_120 = arith.constant dense<0.000000e+00> : vector<128x256xf32>
    %dot_general3A_121 = tpu.matmul %select_n3A_106, %get3A_119, %dot_general3A_120 {dimension_numbers = #tpu.dot_dimension_numbers<[1], [0], [0], [1], [0, 0, 1, 1], [], []>, transpose_lhs_hint = false} : vector<128x64xf32>, vector<64x256xf32>, vector<128x256xf32> -> vector<128x256xf32>
    %get3A_122 = arith.constant 0 : index
    %get3A_123 = arith.constant 0 : index
    %get3A_124 = vector.load %arg8[%get3A_122, %get3A_123] : memref<1x256xf32, #tpu.memory_space<vmem>>, vector<1x256xf32>
    %add3A_125 = vector.broadcast %get3A_124 : vector<1x256xf32> to vector<128x256xf32>
    %add3A_126 = arith.addf %dot_general3A_121, %add3A_125 : vector<128x256xf32>
    %slice3A = vector.extract_strided_slice %add3A_116 {offsets = [0, 0], sizes = [128, 64], strides = [1, 1]} : vector<128x256xf32> to vector<128x64xf32>
    %swap3A = arith.constant 0 : index
    %swap3A_127 = arith.constant 0 : index
    %swap3A_128 = arith.constant 0 : index
    %swap3A_129 = vector.load %arg9[%swap3A, %swap3A_127, %swap3A_128] : memref<4x128x64xf32, #tpu.memory_space<vmem>>, vector<1x128x64xf32>
    %swap3A_130 = vector.shape_cast %swap3A_129 : vector<1x128x64xf32> to vector<128x64xf32>
    %swap3A_131 = vector.shape_cast %slice3A : vector<128x64xf32> to vector<1x128x64xf32>
    tpu.vector_store %arg9[%swap3A, %swap3A_127, %swap3A_128], %swap3A_131 {strides = array<i32>} : memref<4x128x64xf32, #tpu.memory_space<vmem>>, vector<1x128x64xf32>,
    %slice3A_132 = vector.extract_strided_slice %add3A_126 {offsets = [0, 0], sizes = [128, 64], strides = [1, 1]} : vector<128x256xf32> to vector<128x64xf32>
    %swap3A_133 = arith.constant 0 : index
    %swap3A_134 = arith.constant 0 : index
    %swap3A_135 = arith.constant 0 : index
    %swap3A_136 = vector.load %arg10[%swap3A_133, %swap3A_134, %swap3A_135] : memref<4x128x64xf32, #tpu.memory_space<vmem>>, vector<1x128x64xf32>
    %swap3A_137 = vector.shape_cast %swap3A_136 : vector<1x128x64xf32> to vector<128x64xf32>
    %swap3A_138 = vector.shape_cast %slice3A_132 : vector<128x64xf32> to vector<1x128x64xf32>
    tpu.vector_store %arg10[%swap3A_133, %swap3A_134, %swap3A_135], %swap3A_138 {strides = array<i32>} : memref<4x128x64xf32, #tpu.memory_space<vmem>>, vector<1x128x64xf32>,
    %slice3A_139 = vector.extract_strided_slice %add3A_116 {offsets = [0, 64], sizes = [128, 64], strides = [1, 1]} : vector<128x256xf32> to vector<128x64xf32>
    %swap3A_140 = arith.constant 1 : index
    %swap3A_141 = arith.constant 0 : index
    %swap3A_142 = arith.constant 0 : index
    %swap3A_143 = vector.load %arg9[%swap3A_140, %swap3A_141, %swap3A_142] : memref<4x128x64xf32, #tpu.memory_space<vmem>>, vector<1x128x64xf32>
    %swap3A_144 = vector.shape_cast %swap3A_143 : vector<1x128x64xf32> to vector<128x64xf32>
    %swap3A_145 = vector.shape_cast %slice3A_139 : vector<128x64xf32> to vector<1x128x64xf32>
    tpu.vector_store %arg9[%swap3A_140, %swap3A_141, %swap3A_142], %swap3A_145 {strides = array<i32>} : memref<4x128x64xf32, #tpu.memory_space<vmem>>, vector<1x128x64xf32>,
    %slice3A_146 = vector.extract_strided_slice %add3A_126 {offsets = [0, 64], sizes = [128, 64], strides = [1, 1]} : vector<128x256xf32> to vector<128x64xf32>
    %swap3A_147 = arith.constant 1 : index
    %swap3A_148 = arith.constant 0 : index
    %swap3A_149 = arith.constant 0 : index
    %swap3A_150 = vector.load %arg10[%swap3A_147, %swap3A_148, %swap3A_149] : memref<4x128x64xf32, #tpu.memory_space<vmem>>, vector<1x128x64xf32>
    %swap3A_151 = vector.shape_cast %swap3A_150 : vector<1x128x64xf32> to vector<128x64xf32>
    %swap3A_152 = vector.shape_cast %slice3A_146 : vector<128x64xf32> to vector<1x128x64xf32>
    tpu.vector_store %arg10[%swap3A_147, %swap3A_148, %swap3A_149], %swap3A_152 {strides = array<i32>} : memref<4x128x64xf32, #tpu.memory_space<vmem>>, vector<1x128x64xf32>,
    %slice3A_153 = vector.extract_strided_slice %add3A_116 {offsets = [0, 128], sizes = [128, 64], strides = [1, 1]} : vector<128x256xf32> to vector<128x64xf32>
    %swap3A_154 = arith.constant 2 : index
    %swap3A_155 = arith.constant 0 : index
    %swap3A_156 = arith.constant 0 : index
    %swap3A_157 = vector.load %arg9[%swap3A_154, %swap3A_155, %swap3A_156] : memref<4x128x64xf32, #tpu.memory_space<vmem>>, vector<1x128x64xf32>
    %swap3A_158 = vector.shape_cast %swap3A_157 : vector<1x128x64xf32> to vector<128x64xf32>
    %swap3A_159 = vector.shape_cast %slice3A_153 : vector<128x64xf32> to vector<1x128x64xf32>
    tpu.vector_store %arg9[%swap3A_154, %swap3A_155, %swap3A_156], %swap3A_159 {strides = array<i32>} : memref<4x128x64xf32, #tpu.memory_space<vmem>>, vector<1x128x64xf32>,
    %slice3A_160 = vector.extract_strided_slice %add3A_126 {offsets = [0, 128], sizes = [128, 64], strides = [1, 1]} : vector<128x256xf32> to vector<128x64xf32>
    %swap3A_161 = arith.constant 2 : index
    %swap3A_162 = arith.constant 0 : index
    %swap3A_163 = arith.constant 0 : index
    %swap3A_164 = vector.load %arg10[%swap3A_161, %swap3A_162, %swap3A_163] : memref<4x128x64xf32, #tpu.memory_space<vmem>>, vector<1x128x64xf32>
    %swap3A_165 = vector.shape_cast %swap3A_164 : vector<1x128x64xf32> to vector<128x64xf32>
    %swap3A_166 = vector.shape_cast %slice3A_160 : vector<128x64xf32> to vector<1x128x64xf32>
    tpu.vector_store %arg10[%swap3A_161, %swap3A_162, %swap3A_163], %swap3A_166 {strides = array<i32>} : memref<4x128x64xf32, #tpu.memory_space<vmem>>, vector<1x128x64xf32>,
    %slice3A_167 = vector.extract_strided_slice %add3A_116 {offsets = [0, 192], sizes = [128, 64], strides = [1, 1]} : vector<128x256xf32> to vector<128x64xf32>
    %swap3A_168 = arith.constant 3 : index
    %swap3A_169 = arith.constant 0 : index
    %swap3A_170 = arith.constant 0 : index
    %swap3A_171 = vector.load %arg9[%swap3A_168, %swap3A_169, %swap3A_170] : memref<4x128x64xf32, #tpu.memory_space<vmem>>, vector<1x128x64xf32>
    %swap3A_172 = vector.shape_cast %swap3A_171 : vector<1x128x64xf32> to vector<128x64xf32>
    %swap3A_173 = vector.shape_cast %slice3A_167 : vector<128x64xf32> to vector<1x128x64xf32>
    tpu.vector_store %arg9[%swap3A_168, %swap3A_169, %swap3A_170], %swap3A_173 {strides = array<i32>} : memref<4x128x64xf32, #tpu.memory_space<vmem>>, vector<1x128x64xf32>,
    %slice3A_174 = vector.extract_strided_slice %add3A_126 {offsets = [0, 192], sizes = [128, 64], strides = [1, 1]} : vector<128x256xf32> to vector<128x64xf32>
    %swap3A_175 = arith.constant 3 : index
    %swap3A_176 = arith.constant 0 : index
    %swap3A_177 = arith.constant 0 : index
    %swap3A_178 = vector.load %arg10[%swap3A_175, %swap3A_176, %swap3A_177] : memref<4x128x64xf32, #tpu.memory_space<vmem>>, vector<1x128x64xf32>
    %swap3A_179 = vector.shape_cast %swap3A_178 : vector<1x128x64xf32> to vector<128x64xf32>
    %swap3A_180 = vector.shape_cast %slice3A_174 : vector<128x64xf32> to vector<1x128x64xf32>
    tpu.vector_store %arg10[%swap3A_175, %swap3A_176, %swap3A_177], %swap3A_180 {strides = array<i32>} : memref<4x128x64xf32, #tpu.memory_space<vmem>>, vector<1x128x64xf32>,
    return
  }
  func.func @transform_0(%arg0: i32) -> (i32, i32) {
    %c0_i32 = arith.constant 0 : i32
    %c0_i32_0 = arith.constant 0 : i32
    return %arg0, %c0_i32 : i32, i32
  }
  func.func @transform_1(%arg0: i32) -> (i32, i32) {
    %c0_i32 = arith.constant 0 : i32
    %c0_i32_0 = arith.constant 0 : i32
    return %arg0, %c0_i32 : i32, i32
  }
  func.func @transform_2(%arg0: i32) -> (i32, i32, i32) {
    %c0_i32 = arith.constant 0 : i32
    %c0_i32_0 = arith.constant 0 : i32
    %c0_i32_1 = arith.constant 0 : i32
    %c0_i32_2 = arith.constant 0 : i32
    return %c0_i32, %c0_i32_0, %c0_i32_1 : i32, i32, i32
  }
  func.func @transform_3(%arg0: i32) -> (i32, i32) {
    %c0_i32 = arith.constant 0 : i32
    %c0_i32_0 = arith.constant 0 : i32
    %c0_i32_1 = arith.constant 0 : i32
    return %c0_i32, %c0_i32_0 : i32, i32
  }
  func.func @transform_4(%arg0: i32) -> (i32, i32) {
    %c0_i32 = arith.constant 0 : i32
    %c0_i32_0 = arith.constant 0 : i32
    %c0_i32_1 = arith.constant 0 : i32
    return %c0_i32, %c0_i32_0 : i32, i32
  }
  func.func @transform_5(%arg0: i32) -> (i32, i32) {
    %c0_i32 = arith.constant 0 : i32
    %c0_i32_0 = arith.constant 0 : i32
    %c0_i32_1 = arith.constant 0 : i32
    return %c0_i32, %c0_i32_0 : i32, i32
  }
  func.func @transform_6(%arg0: i32) -> (i32, i32) {
    %c0_i32 = arith.constant 0 : i32
    %c0_i32_0 = arith.constant 0 : i32
    %c0_i32_1 = arith.constant 0 : i32
    return %c0_i32, %c0_i32_0 : i32, i32
  }
  func.func @transform_7(%arg0: i32) -> (i32, i32) {
    %c0_i32 = arith.constant 0 : i32
    %c0_i32_0 = arith.constant 0 : i32
    %c0_i32_1 = arith.constant 0 : i32
    return %c0_i32, %c0_i32_0 : i32, i32
  }
  func.func @transform_8(%arg0: i32) -> (i32, i32, i32) {
    %c0_i32 = arith.constant 0 : i32
    %c0_i32_0 = arith.constant 0 : i32
    %c0_i32_1 = arith.constant 0 : i32
    return %c0_i32, %arg0, %c0_i32_0 : i32, i32, i32
  }
  func.func @transform_9(%arg0: i32) -> (i32, i32, i32) {
    %c0_i32 = arith.constant 0 : i32
    %c0_i32_0 = arith.constant 0 : i32
    %c0_i32_1 = arith.constant 0 : i32
    return %c0_i32, %arg0, %c0_i32_0 : i32, i32, i32
  }
}

module attributes {stable_mosaic.version = 14 : i64} {
  func.func @_stage_c_body(%arg0: i32, %arg1: memref<4x128x64xf32, #tpu.memory_space<vmem>>, %arg2: memref<4x128x4xf32, #tpu.memory_space<vmem>>, %arg3: memref<1x256xf32, #tpu.memory_space<vmem>>, %arg4: memref<1x256xf32, #tpu.memory_space<vmem>>, %arg5: memref<1x256xf32, #tpu.memory_space<vmem>>, %arg6: memref<256x64xf32, #tpu.memory_space<vmem>>, %arg7: memref<1x64xf32, #tpu.memory_space<vmem>>, %arg8: memref<256x64xf32, #tpu.memory_space<vmem>>, %arg9: memref<1x64xf32, #tpu.memory_space<vmem>>, %arg10: memref<128x64xf32, #tpu.memory_space<vmem>>, %arg11: memref<128x64xf32, #tpu.memory_space<vmem>>) attributes {dimension_semantics = [#tpu.dimension_semantics<arbitrary>], iteration_bounds = array<i64: 416>, scalar_prefetch = 0 : i64, scratch_operands = 0 : i64, tpu.core_type = #tpu.core_type<tc>, window_params = [{transform_indices = @transform_0, window_bounds = array<i64: 4, 128, 64>}, {transform_indices = @transform_1, window_bounds = array<i64: 4, 128, 4>}, {pipeline_mode = #tpu.pipeline_mode<synchronous>, transform_indices = @transform_2, window_bounds = array<i64: 1, 256>}, {pipeline_mode = #tpu.pipeline_mode<synchronous>, transform_indices = @transform_3, window_bounds = array<i64: 1, 256>}, {pipeline_mode = #tpu.pipeline_mode<synchronous>, transform_indices = @transform_4, window_bounds = array<i64: 1, 256>}, {pipeline_mode = #tpu.pipeline_mode<synchronous>, transform_indices = @transform_5, window_bounds = array<i64: 256, 64>}, {pipeline_mode = #tpu.pipeline_mode<synchronous>, transform_indices = @transform_6, window_bounds = array<i64: 1, 64>}, {pipeline_mode = #tpu.pipeline_mode<synchronous>, transform_indices = @transform_7, window_bounds = array<i64: 256, 64>}, {pipeline_mode = #tpu.pipeline_mode<synchronous>, transform_indices = @transform_8, window_bounds = array<i64: 1, 64>}, {transform_indices = @transform_9, window_bounds = array<i64: 128, 64>}, {transform_indices = @transform_10, window_bounds = array<i64: 128, 64>}]} {
    %get3A = arith.constant 0 : index
    %get3A_0 = arith.constant 0 : index
    %get3A_1 = arith.constant 0 : index
    %get3A_2 = vector.load %arg2[%get3A, %get3A_0, %get3A_1] : memref<4x128x4xf32, #tpu.memory_space<vmem>>, vector<1x128x4xf32>
    %get3A_3 = vector.shape_cast %get3A_2 : vector<1x128x4xf32> to vector<128x4xf32>
    %slice3A = vector.extract_strided_slice %get3A_3 {offsets = [0, 0], sizes = [128, 1], strides = [1, 1]} : vector<128x4xf32> to vector<128x1xf32>
    %get3A_4 = arith.constant 0 : index
    %get3A_5 = arith.constant 0 : index
    %get3A_6 = arith.constant 0 : index
    %get3A_7 = vector.load %arg1[%get3A_4, %get3A_5, %get3A_6] : memref<4x128x64xf32, #tpu.memory_space<vmem>>, vector<1x128x64xf32>
    %get3A_8 = vector.shape_cast %get3A_7 : vector<1x128x64xf32> to vector<128x64xf32>
    %add3A = arith.constant 1.000000e-16 : f32
    %add3A_9 = vector.broadcast %add3A : f32 to vector<128x1xf32>
    %add3A_10 = arith.addf %slice3A, %add3A_9 : vector<128x1xf32>
    %div3A = vector.broadcast %add3A_10 : vector<128x1xf32> to vector<128x64xf32>
    %div3A_11 = arith.divf %get3A_8, %div3A : vector<128x64xf32>
    %get3A_12 = arith.constant 1 : index
    %get3A_13 = arith.constant 0 : index
    %get3A_14 = arith.constant 0 : index
    %get3A_15 = vector.load %arg2[%get3A_12, %get3A_13, %get3A_14] : memref<4x128x4xf32, #tpu.memory_space<vmem>>, vector<1x128x4xf32>
    %get3A_16 = vector.shape_cast %get3A_15 : vector<1x128x4xf32> to vector<128x4xf32>
    %slice3A_17 = vector.extract_strided_slice %get3A_16 {offsets = [0, 0], sizes = [128, 1], strides = [1, 1]} : vector<128x4xf32> to vector<128x1xf32>
    %get3A_18 = arith.constant 1 : index
    %get3A_19 = arith.constant 0 : index
    %get3A_20 = arith.constant 0 : index
    %get3A_21 = vector.load %arg1[%get3A_18, %get3A_19, %get3A_20] : memref<4x128x64xf32, #tpu.memory_space<vmem>>, vector<1x128x64xf32>
    %get3A_22 = vector.shape_cast %get3A_21 : vector<1x128x64xf32> to vector<128x64xf32>
    %add3A_23 = arith.constant 1.000000e-16 : f32
    %add3A_24 = vector.broadcast %add3A_23 : f32 to vector<128x1xf32>
    %add3A_25 = arith.addf %slice3A_17, %add3A_24 : vector<128x1xf32>
    %div3A_26 = vector.broadcast %add3A_25 : vector<128x1xf32> to vector<128x64xf32>
    %div3A_27 = arith.divf %get3A_22, %div3A_26 : vector<128x64xf32>
    %get3A_28 = arith.constant 2 : index
    %get3A_29 = arith.constant 0 : index
    %get3A_30 = arith.constant 0 : index
    %get3A_31 = vector.load %arg2[%get3A_28, %get3A_29, %get3A_30] : memref<4x128x4xf32, #tpu.memory_space<vmem>>, vector<1x128x4xf32>
    %get3A_32 = vector.shape_cast %get3A_31 : vector<1x128x4xf32> to vector<128x4xf32>
    %slice3A_33 = vector.extract_strided_slice %get3A_32 {offsets = [0, 0], sizes = [128, 1], strides = [1, 1]} : vector<128x4xf32> to vector<128x1xf32>
    %get3A_34 = arith.constant 2 : index
    %get3A_35 = arith.constant 0 : index
    %get3A_36 = arith.constant 0 : index
    %get3A_37 = vector.load %arg1[%get3A_34, %get3A_35, %get3A_36] : memref<4x128x64xf32, #tpu.memory_space<vmem>>, vector<1x128x64xf32>
    %get3A_38 = vector.shape_cast %get3A_37 : vector<1x128x64xf32> to vector<128x64xf32>
    %add3A_39 = arith.constant 1.000000e-16 : f32
    %add3A_40 = vector.broadcast %add3A_39 : f32 to vector<128x1xf32>
    %add3A_41 = arith.addf %slice3A_33, %add3A_40 : vector<128x1xf32>
    %div3A_42 = vector.broadcast %add3A_41 : vector<128x1xf32> to vector<128x64xf32>
    %div3A_43 = arith.divf %get3A_38, %div3A_42 : vector<128x64xf32>
    %get3A_44 = arith.constant 3 : index
    %get3A_45 = arith.constant 0 : index
    %get3A_46 = arith.constant 0 : index
    %get3A_47 = vector.load %arg2[%get3A_44, %get3A_45, %get3A_46] : memref<4x128x4xf32, #tpu.memory_space<vmem>>, vector<1x128x4xf32>
    %get3A_48 = vector.shape_cast %get3A_47 : vector<1x128x4xf32> to vector<128x4xf32>
    %slice3A_49 = vector.extract_strided_slice %get3A_48 {offsets = [0, 0], sizes = [128, 1], strides = [1, 1]} : vector<128x4xf32> to vector<128x1xf32>
    %get3A_50 = arith.constant 3 : index
    %get3A_51 = arith.constant 0 : index
    %get3A_52 = arith.constant 0 : index
    %get3A_53 = vector.load %arg1[%get3A_50, %get3A_51, %get3A_52] : memref<4x128x64xf32, #tpu.memory_space<vmem>>, vector<1x128x64xf32>
    %get3A_54 = vector.shape_cast %get3A_53 : vector<1x128x64xf32> to vector<128x64xf32>
    %add3A_55 = arith.constant 1.000000e-16 : f32
    %add3A_56 = vector.broadcast %add3A_55 : f32 to vector<128x1xf32>
    %add3A_57 = arith.addf %slice3A_49, %add3A_56 : vector<128x1xf32>
    %div3A_58 = vector.broadcast %add3A_57 : vector<128x1xf32> to vector<128x64xf32>
    %div3A_59 = arith.divf %get3A_54, %div3A_58 : vector<128x64xf32>
    %concatenate3A = tpu.concatenate %div3A_11, %div3A_27, %div3A_43, %div3A_59 in 1 : vector<128x64xf32>, vector<128x64xf32>, vector<128x64xf32>, vector<128x64xf32> -> vector<128x256xf32>
    %get3A_60 = arith.constant 0 : index
    %get3A_61 = arith.constant 0 : index
    %get3A_62 = vector.load %arg3[%get3A_60, %get3A_61] : memref<1x256xf32, #tpu.memory_space<vmem>>, vector<1x256xf32>
    %add3A_63 = vector.broadcast %get3A_62 : vector<1x256xf32> to vector<128x256xf32>
    %add3A_64 = arith.addf %concatenate3A, %add3A_63 : vector<128x256xf32>
    %reduce_sum3A = arith.constant dense<0.000000e+00> : vector<128xf32>
    %reduce_sum3A_65 = vector.multi_reduction <add>, %add3A_64, %reduce_sum3A [1] : vector<128x256xf32> to vector<128xf32>
    %broadcast_in_dim3A = vector.shape_cast %reduce_sum3A_65 : vector<128xf32> to vector<128x1xf32>
    %div3A_66 = arith.constant 2.560000e+02 : f32
    %div3A_67 = vector.broadcast %div3A_66 : f32 to vector<128x1xf32>
    %div3A_68 = arith.divf %broadcast_in_dim3A, %div3A_67 : vector<128x1xf32>
    %sub3A = vector.broadcast %div3A_68 : vector<128x1xf32> to vector<128x256xf32>
    %sub3A_69 = arith.subf %add3A_64, %sub3A : vector<128x256xf32>
    %integer_pow3A = arith.mulf %sub3A_69, %sub3A_69 : vector<128x256xf32>
    %reduce_sum3A_70 = arith.constant dense<0.000000e+00> : vector<128xf32>
    %reduce_sum3A_71 = vector.multi_reduction <add>, %integer_pow3A, %reduce_sum3A_70 [1] : vector<128x256xf32> to vector<128xf32>
    %broadcast_in_dim3A_72 = vector.shape_cast %reduce_sum3A_71 : vector<128xf32> to vector<128x1xf32>
    %div3A_73 = arith.constant 2.560000e+02 : f32
    %div3A_74 = vector.broadcast %div3A_73 : f32 to vector<128x1xf32>
    %div3A_75 = arith.divf %broadcast_in_dim3A_72, %div3A_74 : vector<128x1xf32>
    %sub3A_76 = vector.broadcast %div3A_68 : vector<128x1xf32> to vector<128x256xf32>
    %sub3A_77 = arith.subf %add3A_64, %sub3A_76 : vector<128x256xf32>
    %add3A_78 = arith.constant 9.99999974E-6 : f32
    %add3A_79 = vector.broadcast %add3A_78 : f32 to vector<128x1xf32>
    %add3A_80 = arith.addf %div3A_75, %add3A_79 : vector<128x1xf32>
    %sqrt3A = math.sqrt %add3A_80 : vector<128x1xf32>
    %div3A_81 = vector.broadcast %sqrt3A : vector<128x1xf32> to vector<128x256xf32>
    %div3A_82 = arith.divf %sub3A_77, %div3A_81 : vector<128x256xf32>
    %get3A_83 = arith.constant 0 : index
    %get3A_84 = arith.constant 0 : index
    %get3A_85 = vector.load %arg4[%get3A_83, %get3A_84] : memref<1x256xf32, #tpu.memory_space<vmem>>, vector<1x256xf32>
    %mul3A = vector.broadcast %get3A_85 : vector<1x256xf32> to vector<128x256xf32>
    %mul3A_86 = arith.mulf %div3A_82, %mul3A : vector<128x256xf32>
    %get3A_87 = arith.constant 0 : index
    %get3A_88 = arith.constant 0 : index
    %get3A_89 = vector.load %arg5[%get3A_87, %get3A_88] : memref<1x256xf32, #tpu.memory_space<vmem>>, vector<1x256xf32>
    %add3A_90 = vector.broadcast %get3A_89 : vector<1x256xf32> to vector<128x256xf32>
    %add3A_91 = arith.addf %mul3A_86, %add3A_90 : vector<128x256xf32>
    %gt3A = arith.constant 0.000000e+00 : f32
    %gt3A_92 = vector.broadcast %gt3A : f32 to vector<128x256xf32>
    %gt3A_93 = arith.cmpf ogt, %add3A_91, %gt3A_92 : vector<128x256xf32>
    %exp3A = math.exp %add3A_91 : vector<128x256xf32>
    %sub3A_94 = arith.constant 1.000000e+00 : f32
    %sub3A_95 = vector.broadcast %sub3A_94 : f32 to vector<128x256xf32>
    %sub3A_96 = arith.subf %exp3A, %sub3A_95 : vector<128x256xf32>
    %select_n3A = arith.select %gt3A_93, %add3A_91, %sub3A_96 : vector<128x256xi1>, vector<128x256xf32>
    %get3A_97 = arith.constant 0 : index
    %get3A_98 = arith.constant 0 : index
    %get3A_99 = vector.load %arg6[%get3A_97, %get3A_98] : memref<256x64xf32, #tpu.memory_space<vmem>>, vector<256x64xf32>
    %dot_general3A = arith.constant dense<0.000000e+00> : vector<128x64xf32>
    %dot_general3A_100 = tpu.matmul %select_n3A, %get3A_99, %dot_general3A {dimension_numbers = #tpu.dot_dimension_numbers<[1], [0], [0], [1], [0, 0, 1, 1], [], []>, transpose_lhs_hint = false} : vector<128x256xf32>, vector<256x64xf32>, vector<128x64xf32> -> vector<128x64xf32>
    %get3A_101 = arith.constant 0 : index
    %get3A_102 = arith.constant 0 : index
    %get3A_103 = vector.load %arg7[%get3A_101, %get3A_102] : memref<1x64xf32, #tpu.memory_space<vmem>>, vector<1x64xf32>
    %add3A_104 = vector.broadcast %get3A_103 : vector<1x64xf32> to vector<128x64xf32>
    %add3A_105 = arith.addf %dot_general3A_100, %add3A_104 : vector<128x64xf32>
    %swap3A = arith.constant 0 : index
    %swap3A_106 = arith.constant 0 : index
    %swap3A_107 = vector.load %arg10[%swap3A, %swap3A_106] : memref<128x64xf32, #tpu.memory_space<vmem>>, vector<128x64xf32>
    tpu.vector_store %arg10[%swap3A, %swap3A_106], %add3A_105 {strides = array<i32>} : memref<128x64xf32, #tpu.memory_space<vmem>>, vector<128x64xf32>,
    %get3A_108 = arith.constant 0 : index
    %get3A_109 = arith.constant 0 : index
    %get3A_110 = vector.load %arg8[%get3A_108, %get3A_109] : memref<256x64xf32, #tpu.memory_space<vmem>>, vector<256x64xf32>
    %dot_general3A_111 = arith.constant dense<0.000000e+00> : vector<128x64xf32>
    %dot_general3A_112 = tpu.matmul %select_n3A, %get3A_110, %dot_general3A_111 {dimension_numbers = #tpu.dot_dimension_numbers<[1], [0], [0], [1], [0, 0, 1, 1], [], []>, transpose_lhs_hint = false} : vector<128x256xf32>, vector<256x64xf32>, vector<128x64xf32> -> vector<128x64xf32>
    %get3A_113 = arith.constant 0 : index
    %get3A_114 = arith.constant 0 : index
    %get3A_115 = vector.load %arg9[%get3A_113, %get3A_114] : memref<1x64xf32, #tpu.memory_space<vmem>>, vector<1x64xf32>
    %add3A_116 = vector.broadcast %get3A_115 : vector<1x64xf32> to vector<128x64xf32>
    %add3A_117 = arith.addf %dot_general3A_112, %add3A_116 : vector<128x64xf32>
    %swap3A_118 = arith.constant 0 : index
    %swap3A_119 = arith.constant 0 : index
    %swap3A_120 = vector.load %arg11[%swap3A_118, %swap3A_119] : memref<128x64xf32, #tpu.memory_space<vmem>>, vector<128x64xf32>
    tpu.vector_store %arg11[%swap3A_118, %swap3A_119], %add3A_117 {strides = array<i32>} : memref<128x64xf32, #tpu.memory_space<vmem>>, vector<128x64xf32>,
    return
  }
  func.func @transform_0(%arg0: i32) -> (i32, i32, i32) {
    %c0_i32 = arith.constant 0 : i32
    %c0_i32_0 = arith.constant 0 : i32
    %c0_i32_1 = arith.constant 0 : i32
    return %c0_i32, %arg0, %c0_i32_0 : i32, i32, i32
  }
  func.func @transform_1(%arg0: i32) -> (i32, i32, i32) {
    %c0_i32 = arith.constant 0 : i32
    %c0_i32_0 = arith.constant 0 : i32
    %c0_i32_1 = arith.constant 0 : i32
    return %c0_i32, %arg0, %c0_i32_0 : i32, i32, i32
  }
  func.func @transform_2(%arg0: i32) -> (i32, i32) {
    %c0_i32 = arith.constant 0 : i32
    %c0_i32_0 = arith.constant 0 : i32
    %c0_i32_1 = arith.constant 0 : i32
    return %c0_i32, %c0_i32_0 : i32, i32
  }
  func.func @transform_3(%arg0: i32) -> (i32, i32) {
    %c0_i32 = arith.constant 0 : i32
    %c0_i32_0 = arith.constant 0 : i32
    %c0_i32_1 = arith.constant 0 : i32
    return %c0_i32, %c0_i32_0 : i32, i32
  }
  func.func @transform_4(%arg0: i32) -> (i32, i32) {
    %c0_i32 = arith.constant 0 : i32
    %c0_i32_0 = arith.constant 0 : i32
    %c0_i32_1 = arith.constant 0 : i32
    return %c0_i32, %c0_i32_0 : i32, i32
  }
  func.func @transform_5(%arg0: i32) -> (i32, i32) {
    %c0_i32 = arith.constant 0 : i32
    %c0_i32_0 = arith.constant 0 : i32
    %c0_i32_1 = arith.constant 0 : i32
    return %c0_i32, %c0_i32_0 : i32, i32
  }
  func.func @transform_6(%arg0: i32) -> (i32, i32) {
    %c0_i32 = arith.constant 0 : i32
    %c0_i32_0 = arith.constant 0 : i32
    %c0_i32_1 = arith.constant 0 : i32
    return %c0_i32, %c0_i32_0 : i32, i32
  }
  func.func @transform_7(%arg0: i32) -> (i32, i32) {
    %c0_i32 = arith.constant 0 : i32
    %c0_i32_0 = arith.constant 0 : i32
    %c0_i32_1 = arith.constant 0 : i32
    return %c0_i32, %c0_i32_0 : i32, i32
  }
  func.func @transform_8(%arg0: i32) -> (i32, i32) {
    %c0_i32 = arith.constant 0 : i32
    %c0_i32_0 = arith.constant 0 : i32
    %c0_i32_1 = arith.constant 0 : i32
    return %c0_i32, %c0_i32_0 : i32, i32
  }
  func.func @transform_9(%arg0: i32) -> (i32, i32) {
    %c0_i32 = arith.constant 0 : i32
    %c0_i32_0 = arith.constant 0 : i32
    return %arg0, %c0_i32 : i32, i32
  }
  func.func @transform_10(%arg0: i32) -> (i32, i32) {
    %c0_i32 = arith.constant 0 : i32
    %c0_i32_0 = arith.constant 0 : i32
    return %arg0, %c0_i32 : i32, i32
  }
}

module attributes {stable_mosaic.version = 14 : i64} {
  func.func @_stage_e_body(%arg0: i32, %arg1: memref<1664x64xf32, #tpu.memory_space<vmem>>, %arg2: memref<1664x4xf32, #tpu.memory_space<vmem>>, %arg3: memref<1x64xf32, #tpu.memory_space<vmem>>, %arg4: memref<1x64xf32, #tpu.memory_space<vmem>>, %arg5: memref<1x64xf32, #tpu.memory_space<vmem>>, %arg6: memref<128x12xf32, #tpu.memory_space<vmem>>, %arg7: memref<1x12xf32, #tpu.memory_space<vmem>>, %arg8: memref<64x64xf32, #tpu.memory_space<vmem>>, %arg9: memref<1x64xf32, #tpu.memory_space<vmem>>, %arg10: memref<1x64xf32, #tpu.memory_space<vmem>>, %arg11: memref<1x1xf32, #tpu.memory_space<vmem>>, %arg12: memref<64x64xf32, #tpu.memory_space<vmem>>, %arg13: memref<1x64xf32, #tpu.memory_space<vmem>>, %arg14: memref<1x64xf32, #tpu.memory_space<vmem>>, %arg15: memref<1x1xf32, #tpu.memory_space<vmem>>, %arg16: memref<128x1xf32, #tpu.memory_space<vmem>>, %arg17: memref<128x1xf32, #tpu.memory_space<vmem>>, %arg18: memref<128x1xf32, #tpu.memory_space<vmem>>) attributes {dimension_semantics = [#tpu.dimension_semantics<arbitrary>], iteration_bounds = array<i64: 32>, scalar_prefetch = 0 : i64, scratch_operands = 0 : i64, tpu.core_type = #tpu.core_type<tc>, window_params = [{transform_indices = @transform_0, window_bounds = array<i64: 1664, 64>}, {transform_indices = @transform_1, window_bounds = array<i64: 1664, 4>}, {pipeline_mode = #tpu.pipeline_mode<synchronous>, transform_indices = @transform_2, window_bounds = array<i64: 1, 64>}, {pipeline_mode = #tpu.pipeline_mode<synchronous>, transform_indices = @transform_3, window_bounds = array<i64: 1, 64>}, {pipeline_mode = #tpu.pipeline_mode<synchronous>, transform_indices = @transform_4, window_bounds = array<i64: 1, 64>}, {transform_indices = @transform_5, window_bounds = array<i64: 128, 12>}, {pipeline_mode = #tpu.pipeline_mode<synchronous>, transform_indices = @transform_6, window_bounds = array<i64: 1, 12>}, {pipeline_mode = #tpu.pipeline_mode<synchronous>, transform_indices = @transform_7, window_bounds = array<i64: 64, 64>}, {pipeline_mode = #tpu.pipeline_mode<synchronous>, transform_indices = @transform_8, window_bounds = array<i64: 1, 64>}, {pipeline_mode = #tpu.pipeline_mode<synchronous>, transform_indices = @transform_9, window_bounds = array<i64: 1, 64>}, {pipeline_mode = #tpu.pipeline_mode<synchronous>, transform_indices = @transform_10, window_bounds = array<i64: 1, 1>}, {pipeline_mode = #tpu.pipeline_mode<synchronous>, transform_indices = @transform_11, window_bounds = array<i64: 64, 64>}, {pipeline_mode = #tpu.pipeline_mode<synchronous>, transform_indices = @transform_12, window_bounds = array<i64: 1, 64>}, {pipeline_mode = #tpu.pipeline_mode<synchronous>, transform_indices = @transform_13, window_bounds = array<i64: 1, 64>}, {pipeline_mode = #tpu.pipeline_mode<synchronous>, transform_indices = @transform_14, window_bounds = array<i64: 1, 1>}, {transform_indices = @transform_15, window_bounds = array<i64: 128, 1>}, {transform_indices = @transform_16, window_bounds = array<i64: 128, 1>}, {transform_indices = @transform_17, window_bounds = array<i64: 128, 1>}]} {
    %get3A = arith.constant 0 : index
    %get3A_0 = arith.constant 0 : index
    %get3A_1 = vector.load %arg2[%get3A, %get3A_0] : memref<1664x4xf32, #tpu.memory_space<vmem>>, vector<1664x4xf32>
    %slice3A = vector.extract_strided_slice %get3A_1 {offsets = [0, 0], sizes = [1664, 1], strides = [1, 1]} : vector<1664x4xf32> to vector<1664x1xf32>
    %get3A_2 = arith.constant 0 : index
    %get3A_3 = arith.constant 0 : index
    %get3A_4 = vector.load %arg1[%get3A_2, %get3A_3] : memref<1664x64xf32, #tpu.memory_space<vmem>>, vector<1664x64xf32>
    %add3A = arith.constant 1.000000e-16 : f32
    %add3A_5 = vector.broadcast %add3A : f32 to vector<1664x1xf32>
    %add3A_6 = arith.addf %slice3A, %add3A_5 : vector<1664x1xf32>
    %div3A = vector.broadcast %add3A_6 : vector<1664x1xf32> to vector<1664x64xf32>
    %div3A_7 = arith.divf %get3A_4, %div3A : vector<1664x64xf32>
    %get3A_8 = arith.constant 0 : index
    %get3A_9 = arith.constant 0 : index
    %get3A_10 = vector.load %arg3[%get3A_8, %get3A_9] : memref<1x64xf32, #tpu.memory_space<vmem>>, vector<1x64xf32>
    %add3A_11 = vector.broadcast %get3A_10 : vector<1x64xf32> to vector<1664x64xf32>
    %add3A_12 = arith.addf %div3A_7, %add3A_11 : vector<1664x64xf32>
    %reduce_sum3A = arith.constant dense<0.000000e+00> : vector<1664xf32>
    %reduce_sum3A_13 = vector.multi_reduction <add>, %add3A_12, %reduce_sum3A [1] : vector<1664x64xf32> to vector<1664xf32>
    %broadcast_in_dim3A = vector.shape_cast %reduce_sum3A_13 : vector<1664xf32> to vector<1664x1xf32>
    %div3A_14 = arith.constant 6.400000e+01 : f32
    %div3A_15 = vector.broadcast %div3A_14 : f32 to vector<1664x1xf32>
    %div3A_16 = arith.divf %broadcast_in_dim3A, %div3A_15 : vector<1664x1xf32>
    %sub3A = vector.broadcast %div3A_16 : vector<1664x1xf32> to vector<1664x64xf32>
    %sub3A_17 = arith.subf %add3A_12, %sub3A : vector<1664x64xf32>
    %integer_pow3A = arith.mulf %sub3A_17, %sub3A_17 : vector<1664x64xf32>
    %reduce_sum3A_18 = arith.constant dense<0.000000e+00> : vector<1664xf32>
    %reduce_sum3A_19 = vector.multi_reduction <add>, %integer_pow3A, %reduce_sum3A_18 [1] : vector<1664x64xf32> to vector<1664xf32>
    %broadcast_in_dim3A_20 = vector.shape_cast %reduce_sum3A_19 : vector<1664xf32> to vector<1664x1xf32>
    %div3A_21 = arith.constant 6.400000e+01 : f32
    %div3A_22 = vector.broadcast %div3A_21 : f32 to vector<1664x1xf32>
    %div3A_23 = arith.divf %broadcast_in_dim3A_20, %div3A_22 : vector<1664x1xf32>
    %sub3A_24 = vector.broadcast %div3A_16 : vector<1664x1xf32> to vector<1664x64xf32>
    %sub3A_25 = arith.subf %add3A_12, %sub3A_24 : vector<1664x64xf32>
    %add3A_26 = arith.constant 9.99999974E-6 : f32
    %add3A_27 = vector.broadcast %add3A_26 : f32 to vector<1664x1xf32>
    %add3A_28 = arith.addf %div3A_23, %add3A_27 : vector<1664x1xf32>
    %sqrt3A = math.sqrt %add3A_28 : vector<1664x1xf32>
    %div3A_29 = vector.broadcast %sqrt3A : vector<1664x1xf32> to vector<1664x64xf32>
    %div3A_30 = arith.divf %sub3A_25, %div3A_29 : vector<1664x64xf32>
    %get3A_31 = arith.constant 0 : index
    %get3A_32 = arith.constant 0 : index
    %get3A_33 = vector.load %arg4[%get3A_31, %get3A_32] : memref<1x64xf32, #tpu.memory_space<vmem>>, vector<1x64xf32>
    %mul3A = vector.broadcast %get3A_33 : vector<1x64xf32> to vector<1664x64xf32>
    %mul3A_34 = arith.mulf %div3A_30, %mul3A : vector<1664x64xf32>
    %get3A_35 = arith.constant 0 : index
    %get3A_36 = arith.constant 0 : index
    %get3A_37 = vector.load %arg5[%get3A_35, %get3A_36] : memref<1x64xf32, #tpu.memory_space<vmem>>, vector<1x64xf32>
    %add3A_38 = vector.broadcast %get3A_37 : vector<1x64xf32> to vector<1664x64xf32>
    %add3A_39 = arith.addf %mul3A_34, %add3A_38 : vector<1664x64xf32>
    %gt3A = arith.constant 0.000000e+00 : f32
    %gt3A_40 = vector.broadcast %gt3A : f32 to vector<1664x64xf32>
    %gt3A_41 = arith.cmpf ogt, %add3A_39, %gt3A_40 : vector<1664x64xf32>
    %exp3A = math.exp %add3A_39 : vector<1664x64xf32>
    %sub3A_42 = arith.constant 1.000000e+00 : f32
    %sub3A_43 = vector.broadcast %sub3A_42 : f32 to vector<1664x64xf32>
    %sub3A_44 = arith.subf %exp3A, %sub3A_43 : vector<1664x64xf32>
    %select_n3A = arith.select %gt3A_41, %add3A_39, %sub3A_44 : vector<1664x64xi1>, vector<1664x64xf32>
    %reshape3A = vector.shape_cast %select_n3A : vector<1664x64xf32> to vector<128x13x64xf32>
    %reduce_sum3A_45 = arith.constant dense<0.000000e+00> : vector<128x64xf32>
    %reduce_sum3A_46 = vector.multi_reduction <add>, %reshape3A, %reduce_sum3A_45 [1] : vector<128x13x64xf32> to vector<128x64xf32>
    %div3A_47 = arith.constant 1.300000e+01 : f32
    %div3A_48 = vector.broadcast %div3A_47 : f32 to vector<128x64xf32>
    %div3A_49 = arith.divf %reduce_sum3A_46, %div3A_48 : vector<128x64xf32>
    %slice3A_50 = vector.extract_strided_slice %reshape3A {offsets = [0, 1, 0], sizes = [128, 12, 64], strides = [1, 1, 1]} : vector<128x13x64xf32> to vector<128x12x64xf32>
    %reshape3A_51 = vector.shape_cast %slice3A_50 : vector<128x12x64xf32> to vector<1536x64xf32>
    %get3A_52 = arith.constant 0 : index
    %get3A_53 = arith.constant 0 : index
    %get3A_54 = vector.load %arg8[%get3A_52, %get3A_53] : memref<64x64xf32, #tpu.memory_space<vmem>>, vector<64x64xf32>
    %dot_general3A = arith.constant dense<0.000000e+00> : vector<1536x64xf32>
    %dot_general3A_55 = tpu.matmul %reshape3A_51, %get3A_54, %dot_general3A {dimension_numbers = #tpu.dot_dimension_numbers<[1], [0], [0], [1], [0, 0, 1, 1], [], []>, transpose_lhs_hint = false} : vector<1536x64xf32>, vector<64x64xf32>, vector<1536x64xf32> -> vector<1536x64xf32>
    %get3A_56 = arith.constant 0 : index
    %get3A_57 = arith.constant 0 : index
    %get3A_58 = vector.load %arg9[%get3A_56, %get3A_57] : memref<1x64xf32, #tpu.memory_space<vmem>>, vector<1x64xf32>
    %add3A_59 = vector.broadcast %get3A_58 : vector<1x64xf32> to vector<1536x64xf32>
    %add3A_60 = arith.addf %dot_general3A_55, %add3A_59 : vector<1536x64xf32>
    %tanh3A = math.tanh %add3A_60 : vector<1536x64xf32>
    %get3A_61 = arith.constant 0 : index
    %get3A_62 = arith.constant 0 : index
    %get3A_63 = vector.load %arg10[%get3A_61, %get3A_62] : memref<1x64xf32, #tpu.memory_space<vmem>>, vector<1x64xf32>
    %mul3A_64 = vector.broadcast %get3A_63 : vector<1x64xf32> to vector<1536x64xf32>
    %mul3A_65 = arith.mulf %tanh3A, %mul3A_64 : vector<1536x64xf32>
    %reduce_sum3A_66 = arith.constant dense<0.000000e+00> : vector<1536xf32>
    %reduce_sum3A_67 = vector.multi_reduction <add>, %mul3A_65, %reduce_sum3A_66 [1] : vector<1536x64xf32> to vector<1536xf32>
    %reshape3A_68 = vector.shape_cast %reduce_sum3A_67 : vector<1536xf32> to vector<128x12xf32>
    %get3A_69 = arith.constant 0 : index
    %get3A_70 = arith.constant 0 : index
    %get3A_71 = vector.load %arg11[%get3A_69, %get3A_70] : memref<1x1xf32, #tpu.memory_space<vmem>>, vector<1x1xf32>
    %get3A_72 = vector.extract %get3A_71[0, 0] : f32 from vector<1x1xf32>
    %add3A_73 = vector.broadcast %get3A_72 : f32 to vector<128x12xf32>
    %add3A_74 = arith.addf %reshape3A_68, %add3A_73 : vector<128x12xf32>
    %get3A_75 = arith.constant 0 : index
    %get3A_76 = arith.constant 0 : index
    %get3A_77 = vector.load %arg7[%get3A_75, %get3A_76] : memref<1x12xf32, #tpu.memory_space<vmem>>, vector<1x12xf32>
    %exp3A_78 = math.exp %get3A_77 : vector<1x12xf32>
    %jit3A = arith.constant 1.500000e-01 : f32
    %jit3A_79 = arith.constant 8.000000e-01 : f32
    %max3A = vector.broadcast %jit3A : f32 to vector<1x12xf32>
    %max3A_80 = arith.maximumf %max3A, %exp3A_78 : vector<1x12xf32>
    %min3A = vector.broadcast %jit3A_79 : f32 to vector<1x12xf32>
    %min3A_81 = arith.minimumf %min3A, %max3A_80 : vector<1x12xf32>
    %get3A_82 = arith.constant 0 : index
    %get3A_83 = arith.constant 0 : index
    %get3A_84 = vector.load %arg6[%get3A_82, %get3A_83] : memref<128x12xf32, #tpu.memory_space<vmem>>, vector<128x12xf32>
    %sub3A_85 = arith.subf %get3A_84, %add3A_74 : vector<128x12xf32>
    %integer_pow3A_86 = arith.mulf %sub3A_85, %sub3A_85 : vector<128x12xf32>
    %neg3A = arith.constant 0.000000e+00 : f32
    %neg3A_87 = vector.broadcast %neg3A : f32 to vector<128x12xf32>
    %neg3A_88 = arith.subf %neg3A_87, %integer_pow3A_86 : vector<128x12xf32>
    %integer_pow3A_89 = arith.mulf %min3A_81, %min3A_81 : vector<1x12xf32>
    %mul3A_90 = arith.constant 2.000000e+00 : f32
    %mul3A_91 = vector.broadcast %mul3A_90 : f32 to vector<1x12xf32>
    %mul3A_92 = arith.mulf %mul3A_91, %integer_pow3A_89 : vector<1x12xf32>
    %div3A_93 = vector.broadcast %mul3A_92 : vector<1x12xf32> to vector<128x12xf32>
    %div3A_94 = arith.divf %neg3A_88, %div3A_93 : vector<128x12xf32>
    %log3A = math.log %min3A_81 : vector<1x12xf32>
    %sub3A_95 = vector.broadcast %log3A : vector<1x12xf32> to vector<128x12xf32>
    %sub3A_96 = arith.subf %div3A_94, %sub3A_95 : vector<128x12xf32>
    %sub3A_97 = arith.constant 0.918938517 : f32
    %sub3A_98 = vector.broadcast %sub3A_97 : f32 to vector<128x12xf32>
    %sub3A_99 = arith.subf %sub3A_96, %sub3A_98 : vector<128x12xf32>
    %reduce_sum3A_100 = arith.constant dense<0.000000e+00> : vector<128xf32>
    %reduce_sum3A_101 = vector.multi_reduction <add>, %sub3A_99, %reduce_sum3A_100 [1] : vector<128x12xf32> to vector<128xf32>
    %broadcast_in_dim3A_102 = vector.shape_cast %reduce_sum3A_101 : vector<128xf32> to vector<128x1xf32>
    %swap3A = arith.constant 0 : index
    %swap3A_103 = arith.constant 0 : index
    %swap3A_104 = vector.load %arg16[%swap3A, %swap3A_103] : memref<128x1xf32, #tpu.memory_space<vmem>>, vector<128x1xf32>
    tpu.vector_store %arg16[%swap3A, %swap3A_103], %broadcast_in_dim3A_102 {strides = array<i32>} : memref<128x1xf32, #tpu.memory_space<vmem>>, vector<128x1xf32>,
    %log3A_105 = math.log %min3A_81 : vector<1x12xf32>
    %add3A_106 = arith.constant 1.41893852 : f32
    %add3A_107 = vector.broadcast %add3A_106 : f32 to vector<1x12xf32>
    %add3A_108 = arith.addf %add3A_107, %log3A_105 : vector<1x12xf32>
    %reduce_sum3A_109 = vector.shape_cast %add3A_108 : vector<1x12xf32> to vector<1x1x12xf32>
    %reduce_sum3A_110 = arith.constant dense<0.000000e+00> : vector<1xf32>
    %reduce_sum3A_111 = vector.multi_reduction <add>, %reduce_sum3A_109, %reduce_sum3A_110 [1, 2] : vector<1x1x12xf32> to vector<1xf32>
    %reduce_sum3A_112 = vector.shape_cast %reduce_sum3A_111 : vector<1xf32> to vector<1x1x1xf32>
    %reduce_sum3A_113 = vector.extract %reduce_sum3A_112[0, 0, 0] : f32 from vector<1x1x1xf32>
    %broadcast_in_dim3A_114 = vector.broadcast %reduce_sum3A_113 : f32 to vector<128x1xf32>
    %swap3A_115 = arith.constant 0 : index
    %swap3A_116 = arith.constant 0 : index
    %swap3A_117 = vector.load %arg17[%swap3A_115, %swap3A_116] : memref<128x1xf32, #tpu.memory_space<vmem>>, vector<128x1xf32>
    tpu.vector_store %arg17[%swap3A_115, %swap3A_116], %broadcast_in_dim3A_114 {strides = array<i32>} : memref<128x1xf32, #tpu.memory_space<vmem>>, vector<128x1xf32>,
    %get3A_118 = arith.constant 0 : index
    %get3A_119 = arith.constant 0 : index
    %get3A_120 = vector.load %arg12[%get3A_118, %get3A_119] : memref<64x64xf32, #tpu.memory_space<vmem>>, vector<64x64xf32>
    %dot_general3A_121 = arith.constant dense<0.000000e+00> : vector<128x64xf32>
    %dot_general3A_122 = tpu.matmul %div3A_49, %get3A_120, %dot_general3A_121 {dimension_numbers = #tpu.dot_dimension_numbers<[1], [0], [0], [1], [0, 0, 1, 1], [], []>, transpose_lhs_hint = false} : vector<128x64xf32>, vector<64x64xf32>, vector<128x64xf32> -> vector<128x64xf32>
    %get3A_123 = arith.constant 0 : index
    %get3A_124 = arith.constant 0 : index
    %get3A_125 = vector.load %arg13[%get3A_123, %get3A_124] : memref<1x64xf32, #tpu.memory_space<vmem>>, vector<1x64xf32>
    %add3A_126 = vector.broadcast %get3A_125 : vector<1x64xf32> to vector<128x64xf32>
    %add3A_127 = arith.addf %dot_general3A_122, %add3A_126 : vector<128x64xf32>
    %tanh3A_128 = math.tanh %add3A_127 : vector<128x64xf32>
    %get3A_129 = arith.constant 0 : index
    %get3A_130 = arith.constant 0 : index
    %get3A_131 = vector.load %arg14[%get3A_129, %get3A_130] : memref<1x64xf32, #tpu.memory_space<vmem>>, vector<1x64xf32>
    %mul3A_132 = vector.broadcast %get3A_131 : vector<1x64xf32> to vector<128x64xf32>
    %mul3A_133 = arith.mulf %tanh3A_128, %mul3A_132 : vector<128x64xf32>
    %reduce_sum3A_134 = arith.constant dense<0.000000e+00> : vector<128xf32>
    %reduce_sum3A_135 = vector.multi_reduction <add>, %mul3A_133, %reduce_sum3A_134 [1] : vector<128x64xf32> to vector<128xf32>
    %broadcast_in_dim3A_136 = vector.shape_cast %reduce_sum3A_135 : vector<128xf32> to vector<128x1xf32>
    %get3A_137 = arith.constant 0 : index
    %get3A_138 = arith.constant 0 : index
    %get3A_139 = vector.load %arg15[%get3A_137, %get3A_138] : memref<1x1xf32, #tpu.memory_space<vmem>>, vector<1x1xf32>
    %get3A_140 = vector.extract %get3A_139[0, 0] : f32 from vector<1x1xf32>
    %add3A_141 = vector.broadcast %get3A_140 : f32 to vector<128x1xf32>
    %add3A_142 = arith.addf %broadcast_in_dim3A_136, %add3A_141 : vector<128x1xf32>
    %swap3A_143 = arith.constant 0 : index
    %swap3A_144 = arith.constant 0 : index
    %swap3A_145 = vector.load %arg18[%swap3A_143, %swap3A_144] : memref<128x1xf32, #tpu.memory_space<vmem>>, vector<128x1xf32>
    tpu.vector_store %arg18[%swap3A_143, %swap3A_144], %add3A_142 {strides = array<i32>} : memref<128x1xf32, #tpu.memory_space<vmem>>, vector<128x1xf32>,
    return
  }
  func.func @transform_0(%arg0: i32) -> (i32, i32) {
    %c0_i32 = arith.constant 0 : i32
    %c0_i32_0 = arith.constant 0 : i32
    return %arg0, %c0_i32 : i32, i32
  }
  func.func @transform_1(%arg0: i32) -> (i32, i32) {
    %c0_i32 = arith.constant 0 : i32
    %c0_i32_0 = arith.constant 0 : i32
    return %arg0, %c0_i32 : i32, i32
  }
  func.func @transform_2(%arg0: i32) -> (i32, i32) {
    %c0_i32 = arith.constant 0 : i32
    %c0_i32_0 = arith.constant 0 : i32
    %c0_i32_1 = arith.constant 0 : i32
    return %c0_i32, %c0_i32_0 : i32, i32
  }
  func.func @transform_3(%arg0: i32) -> (i32, i32) {
    %c0_i32 = arith.constant 0 : i32
    %c0_i32_0 = arith.constant 0 : i32
    %c0_i32_1 = arith.constant 0 : i32
    return %c0_i32, %c0_i32_0 : i32, i32
  }
  func.func @transform_4(%arg0: i32) -> (i32, i32) {
    %c0_i32 = arith.constant 0 : i32
    %c0_i32_0 = arith.constant 0 : i32
    %c0_i32_1 = arith.constant 0 : i32
    return %c0_i32, %c0_i32_0 : i32, i32
  }
  func.func @transform_5(%arg0: i32) -> (i32, i32) {
    %c0_i32 = arith.constant 0 : i32
    %c0_i32_0 = arith.constant 0 : i32
    return %arg0, %c0_i32 : i32, i32
  }
  func.func @transform_6(%arg0: i32) -> (i32, i32) {
    %c0_i32 = arith.constant 0 : i32
    %c0_i32_0 = arith.constant 0 : i32
    %c0_i32_1 = arith.constant 0 : i32
    return %c0_i32, %c0_i32_0 : i32, i32
  }
  func.func @transform_7(%arg0: i32) -> (i32, i32) {
    %c0_i32 = arith.constant 0 : i32
    %c0_i32_0 = arith.constant 0 : i32
    %c0_i32_1 = arith.constant 0 : i32
    return %c0_i32, %c0_i32_0 : i32, i32
  }
  func.func @transform_8(%arg0: i32) -> (i32, i32) {
    %c0_i32 = arith.constant 0 : i32
    %c0_i32_0 = arith.constant 0 : i32
    %c0_i32_1 = arith.constant 0 : i32
    return %c0_i32, %c0_i32_0 : i32, i32
  }
  func.func @transform_9(%arg0: i32) -> (i32, i32) {
    %c0_i32 = arith.constant 0 : i32
    %c0_i32_0 = arith.constant 0 : i32
    %c0_i32_1 = arith.constant 0 : i32
    return %c0_i32, %c0_i32_0 : i32, i32
  }
  func.func @transform_10(%arg0: i32) -> (i32, i32) {
    %c0_i32 = arith.constant 0 : i32
    %c0_i32_0 = arith.constant 0 : i32
    %c0_i32_1 = arith.constant 0 : i32
    return %c0_i32, %c0_i32_0 : i32, i32
  }
  func.func @transform_11(%arg0: i32) -> (i32, i32) {
    %c0_i32 = arith.constant 0 : i32
    %c0_i32_0 = arith.constant 0 : i32
    %c0_i32_1 = arith.constant 0 : i32
    return %c0_i32, %c0_i32_0 : i32, i32
  }
  func.func @transform_12(%arg0: i32) -> (i32, i32) {
    %c0_i32 = arith.constant 0 : i32
    %c0_i32_0 = arith.constant 0 : i32
    %c0_i32_1 = arith.constant 0 : i32
    return %c0_i32, %c0_i32_0 : i32, i32
  }
  func.func @transform_13(%arg0: i32) -> (i32, i32) {
    %c0_i32 = arith.constant 0 : i32
    %c0_i32_0 = arith.constant 0 : i32
    %c0_i32_1 = arith.constant 0 : i32
    return %c0_i32, %c0_i32_0 : i32, i32
  }
  func.func @transform_14(%arg0: i32) -> (i32, i32) {
    %c0_i32 = arith.constant 0 : i32
    %c0_i32_0 = arith.constant 0 : i32
    %c0_i32_1 = arith.constant 0 : i32
    return %c0_i32, %c0_i32_0 : i32, i32
  }
  func.func @transform_15(%arg0: i32) -> (i32, i32) {
    %c0_i32 = arith.constant 0 : i32
    %c0_i32_0 = arith.constant 0 : i32
    return %arg0, %c0_i32 : i32, i32
  }
  func.func @transform_16(%arg0: i32) -> (i32, i32) {
    %c0_i32 = arith.constant 0 : i32
    %c0_i32_0 = arith.constant 0 : i32
    return %arg0, %c0_i32 : i32, i32
  }
  func.func @transform_17(%arg0: i32) -> (i32, i32) {
    %c0_i32 = arith.constant 0 : i32
    %c0_i32_0 = arith.constant 0 : i32
    return %arg0, %c0_i32 : i32, i32
  }
}

</mosaic_0001>

<sc_bundles>
// kernel: kernel.11.cloned.1.call-start
scs
__scs_entry_jumppad:
0x0: {  	(pc) =	sbr.rel $0x88, $3  }
0x1: {  	(tag) =	ssettag $0x0;
	lr =	simm.s32 $0x1  }
0x2: {  	[smem:$0x3F7F] =	sst lr;
	_ =	strace $0xD0000000  }
0x3: {  	_ = 	snop  }
0x4: {  	_ = 	snop  }
0x5: {  	_ = 	snop  }
0x6: {  	_ = 	snop  }
0x7: {  	_ = 	snop  }
__scs_overlays_trampoline_lowered:
0x8: {  	[smem:$0x3F8E] =	sst s0  }
0x9: {  	[smem:$0x3F8F] =	sst s1  }
0xa: {  	[smem:$0x3F90] =	sst s2  }
0xb: {  	[smem:$0x3F91] =	sst s3  }
0xc: {  	[smem:$0x3F92] =	sst s4  }
0xd: {  	[smem:$0x3F93] =	sst s5  }
0xe: {  	[smem:$0x3F94] =	sst s6  }
0xf: {  	[smem:$0x3F95] =	sst s7  }
0x10: {  	[smem:$0x3F96] =	sst s8  }
0x11: {  	[smem:$0x3F97] =	sst s9;
	s0 =	simm.s32 @!p0 $0x0  }
0x12: {  	s1 =	sld [smem:$0x3F7D];
	s0 =	simm.s32 @p0 $0x1  }
0x13: {  	[smem:$0x3F98] =	sst s0;
	s0 =	simm.s32 @!p1 $0x0  }
0x14: {  	s2 =	sld [smem:$0x3F7C];
	s0 =	simm.s32 @p1 $0x1  }
0x15: {  	[smem:$0x3F99] =	sst s0;
	s0 =	simm.s32 @!p2 $0x0  }
0x16: {  	s3 =	sld [smem:$0x3FDB];
	s0 =	simm.s32 @p2 $0x1  }
0x17: {  	s4 =	simm.s32 $0x1BF5;
	[smem:$0x3F9B] =	sst s0  }
0x18: {  	s0 =	sld [smem:$0x3F7E];
	_ =	swait.ge [sflag:s4], $0x0  }
0x19: {  	s7 =	sld [smem:$0x3F7F]  }
0x1a: {  	s8 =	sadd.s32 $0xFFFFE003, lr  }
0x1b: {  	s9 =	sadd.s32 $0xFFFFFEF7, lr;
	s5 =	simm.s32 $0xFFFFFFFF;
	p2 =	slt.u32 s8, $0xFFFFF086  }
0x1c: {  	p1 =	slt.u32 s9, $0xF7A;
	s5 =	simm.s32 @!p2 $0x0  }
0x1d: {  	s5 =	simm.s32 @p1 $0x1;
	p0 =	seq.s32 s7, s2  }
0x1e: {  	s7 =	smul.u32 @!p0 $0xF7A, s2;
	p2 =	seq.s32 @!p0 s5, $0x0  }
0x1f: {  	s9 =	smul.u32 $0xF7A, s1;
	s8 =	simm.s32 @!p0 $0x1BF5;
	p2 =	por !p2, p0  }
0x20: {  	[sflag:s8] =	ssyncset.s32 @!p0 $0xFFFFF086;
	s6 =	sadd.s32 @!p0 s3, s7;
	s7 =	simm.s32 @!p0 $0x108  }
0x21: {  	s3 =	sadd.s32 s3, s9;
	s6 =	sadd.s32 @!p0 $0x88, s6;
	s7 =	simm.s32 @p2 $0x1082  }
0x22: {  	[simem:s7], [sflag:s8] =	dma.local @!p0 [hbm:s6], $0xF7A  }
0x23: {  	s9 =	sor.u32 $0xD0000000, s2;
	s6 =	simm.s32 $0x108;
	_ =	swait.ge @!p0 [sflag:s8], $0x0  }
0x24: {  	s3 =	sadd.s32 $0x88, s3;
	s6 =	simm.s32 @!p1 $0x1082;
	[sflag:s4] =	ssyncset.s32 $0xFFFFF086  }
0x25: {  	[simem:s6], [sflag:s4] =	dma.local [hbm:s3], $0xF7A  }
0x26: {  	[smem:$0x3F7F] =	sst s1;
	(tag) =	ssettag s2;
	_ =	strace s9  }
0x27: {  	s1 =	sld [smem:$0x3F8F]  }
0x28: {  	s2 =	sld [smem:$0x3F90]  }
0x29: {  	s4 =	sld [smem:$0x3F92]  }
0x2a: {  	p0 =	seq.s32 s5, $0x0;
	s5 =	sld [smem:$0x3F93]  }
0x2b: {  	s6 =	sld [smem:$0x3F94]  }
0x2c: {  	s7 =	sld [smem:$0x3F95]  }
0x2d: {  	s3 =	simm.s32 $0x108;
	s8 =	sld [smem:$0x3F96]  }
0x2e: {  	s3 =	simm.s32 @!p0 $0x1082;
	s9 =	sld [smem:$0x3F97]  }
0x2f: {  	lr =	sadd.s32 s0, s3;
	s0 =	sld [smem:$0x3F8E]  }
0x30: {  	s3 =	sld [smem:$0x3F91]  }
0x31: {  	[smem:$0x3F9A] =	sst s10  }
0x32: {  	s10 =	sld [smem:$0x3F98];
	_ =	sdelay $0x3  }
0x33: {  	p0 =	seq.s32 s10, $0x1;
	s10 =	sld [smem:$0x3F9A];
	_ =	sdelay $0x3  }
0x34: {  	[smem:$0x3F9A] =	sst s10  }
0x35: {  	s10 =	sld [smem:$0x3F99];
	_ =	sdelay $0x3  }
0x36: {  	p1 =	seq.s32 s10, $0x1;
	s10 =	sld [smem:$0x3F9A];
	_ =	sdelay $0x3  }
0x37: {  	[smem:$0x3F9A] =	sst s10  }
0x38: {  	s10 =	sld [smem:$0x3F9B]  }
0x39: {  	_ = 	snop;
	(pc) =	sbr.ind lr, $3  }
0x3a: {  	_ = 	snop  }
0x3b: {  	_ = 	snop  }
0x3c: {  	p2 =	seq.s32 s10, $0x1;
	s10 =	sld [smem:$0x3F9A]  }
0x3d: {  	_ =	shalt  }
0x3e: {  	_ =	shalt  }
0x3f: {  	_ =	shalt  }
0x40: {  	_ =	shalt  }
0x41: {  	_ =	shalt  }
0x42: {  	_ =	shalt  }
0x43: {  	_ =	shalt  }
0x44: {  	_ =	shalt  }
0x45: {  	_ =	shalt  }
0x46: {  	_ =	shalt  }
0x47: {  	_ =	shalt  }
0x48: {  	_ =	shalt  }
0x49: {  	_ =	shalt  }
0x4a: {  	_ =	shalt  }
0x4b: {  	_ =	shalt  }
0x4c: {  	_ =	shalt  }
0x4d: {  	_ =	shalt  }
0x4e: {  	_ =	shalt  }
0x4f: {  	_ =	shalt  }
0x50: {  	_ =	shalt  }
0x51: {  	_ =	shalt  }
0x52: {  	_ =	shalt  }
0x53: {  	_ =	shalt  }
0x54: {  	_ =	shalt  }
0x55: {  	_ =	shalt  }
0x56: {  	_ =	shalt  }
0x57: {  	_ =	shalt  }
0x58: {  	_ =	shalt  }
0x59: {  	_ =	shalt  }
0x5a: {  	_ =	shalt  }
0x5b: {  	_ =	shalt  }
0x5c: {  	_ =	shalt  }
0x5d: {  	_ =	shalt  }
0x5e: {  	_ =	shalt  }
0x5f: {  	_ =	shalt  }
0x60: {  	_ =	shalt  }
0x61: {  	_ =	shalt  }
0x62: {  	_ =	shalt  }
0x63: {  	_ =	shalt  }
0x64: {  	_ =	shalt  }
0x65: {  	_ =	shalt  }
0x66: {  	_ =	shalt  }
0x67: {  	_ =	shalt  }
0x68: {  	_ =	shalt  }
0x69: {  	_ =	shalt  }
0x6a: {  	_ =	shalt  }
0x6b: {  	_ =	shalt  }
0x6c: {  	_ =	shalt  }
0x6d: {  	_ =	shalt  }
0x6e: {  	_ =	shalt  }
0x6f: {  	_ =	shalt  }
0x70: {  	_ =	shalt  }
0x71: {  	_ =	shalt  }
0x72: {  	_ =	shalt  }
0x73: {  	_ =	shalt  }
0x74: {  	_ =	shalt  }
0x75: {  	_ =	shalt  }
0x76: {  	_ =	shalt  }
0x77: {  	_ =	shalt  }
0x78: {  	_ =	shalt  }
0x79: {  	_ =	shalt  }
0x7a: {  	_ =	shalt  }
0x7b: {  	_ =	shalt  }
0x7c: {  	_ =	shalt  }
0x7d: {  	_ =	shalt  }
0x7e: {  	_ =	shalt  }
0x7f: {  	_ =	shalt  }
0x80: {  	_ =	shalt  }
0x81: {  	_ =	shalt  }
0x82: {  	_ =	shalt  }
0x83: {  	_ =	shalt  }
0x84: {  	_ =	shalt  }
0x85: {  	_ =	shalt  }
0x86: {  	_ =	shalt  }
0x87: {  	_ =	shalt  }
.Lfunc_end0:
.L_simem_size_0:
called_computation.1_lowered:
.L_overlay_start_0:
0x88: {  	s2 =	sld [smem:$0x3FD9]  }
0x89: {  	s3 =	sld [smem:$0x3FFE];
	_ =	sdelay $0x1  }
0x8a: {  	s1 =	srdreg.scid  }
0x8b: {  	s0 =	sand.u32 $0x1, s1  }
0x8c: {  	s14 =	sshll.u32 s0, $0xA;
	s2 =	sadd.s32 s3, s2  }
0x8d: {  	s2 =	sadd.s32 s2, s14  }
0x8e: {  	[smem:$0x3FA6] =	sst s2  }
0x8f: {  	_ = 	snop  }
0x90: {  	s2 =	sld [smem:$0x3FD0];
	_ =	sdelay $0x2  }
0x91: {  	s4 =	simm.s32 $0xA;
	s5 =	simm.s32 $0x10;
	s15 =	sld [smem:$0x3FB4]  }
0x92: {  	[smem:s5], [sflag:s4] =	dma.local [hbm:s2], $0x1  }
0x93: {  	_ =	swait.eq [sflag:s4], $0x1  }
0x94: {  	[sflag:s4] =	ssyncset.done $0x0  }
0x95: {  	[sflag:s4] =	ssyncadd.s32 $0xFFFFFFFF  }
0x96: {  	s16 =	sld [smem:$0x10];
	(tm) =	ssettm $0x1  }
0x97: {  	s17 =	sld [smem:$0x3FFB];
	_ =	sdelay $0x3  }
0x98: {  	_ =	strace s17  }
0x99: {  	s4 =	sld [smem:$0x3FFC];
	_ =	sdelay $0x3  }
0x9a: {  	_ =	strace s4  }
0x9b: {  	s4 =	sld [smem:$0x3FFD];
	_ =	sdelay $0x3  }
0x9c: {  	_ =	strace s4  }
0x9d: {  	_ =	strace $0x8FFFFFFF  }
0x9e: {  	s18 =	sld [smem:$0x3FDB];
	_ =	sdelay $0x1  }
0x9f: {  	s19 =	simm.s32 $_scs_section_size  }
0xa0: {  	s6 =	simm.s32 $_size__tile_overlayer_lowered;
	s7 =	simm.s32 $_tile_overlayer_lowered  }
0xa1: {  	s22 =	simm.s32 $0x1BFF;
	s21 =	sshll.u32 s7, $0x1;
	s4 =	sadd.s32 s19, s18  }
0xa2: {  	s8 =	simm.s32 $0x0;
	s20 =	sshll.u32 s6, $0x1;
	s6 =	sadd.s32 s21, s4  }
0xa3: {  	[timem:s8], [sflag:s22] =	dma.local [hbm:s6], s20  }
0xa4: {  	_ =	swait.ge [sflag:s22], s20  }
0xa5: {  	s5 =	ssub.s32 $0x0, s20;
	[sflag:s22] =	ssyncset.done $0x0  }
0xa6: {  	[sflag:s22] =	ssyncadd.s32 s5;
	_ =	sdelay $0x1  }
0xa7: {  	s23 =	simm.s32 $0x1B8B  }
0xa8: {  	_ =	swait.ge [sflag:s23], $0x1  }
0xa9: {  	[sflag:s23] =	ssyncset.done $0x0  }
0xaa: {  	s25 =	simm.s32 $0x1B8E;
	s24 =	sld [smem:$0x3FFE];
	[sflag:s23] =	ssyncadd.s32 $0xFFFFFFFF  }
0xab: {  	s26 =	simm.s32 $execute0_lowered;
	[smem:$0x3FD2] =	sst s25  }
0xac: {  	s6 =	sshll.u32 s26, $0x1;
	_ =	strace $0x80000049;
	[dreg:$0x1] =	wrdreg $0xFFFFFFFF  }
0xad: {  	s28 =	simm.s32 $_size_execute0_lowered;
	s4 =	sadd.s32 s4, s6;
	[dreg:$0x0] =	wrdreg $0x0  }
0xae: {  	s6 =	sshll.u32 s28, $0x1;
	[dreg:$0x2] =	wrdreg s4  }
0xaf: {  	[dreg:$0x3] =	wrdreg s6  }
0xb0: {  	[dreg:$0x4] =	wrdreg $0xC0  }
0xb1: {  	_ =	task [dreg:s8], $0x5FFFF  }
0xb2: {  	[dreg:$0x1] =	wrdreg $0xFFFFFFFF  }
0xb3: {  	[dreg:$0x0] =	wrdreg $0x60  }
0xb4: {  	[dreg:$0x2] =	wrdreg s24  }
0xb5: {  	[dreg:$0x3] =	wrdreg s15  }
0xb6: {  	[dreg:$0x4] =	wrdreg s16  }
0xb7: {  	[dreg:$0x5] =	wrdreg $0x0  }
0xb8: {  	[dreg:$0x6] =	wrdreg $0x1A0200  }
0xb9: {  	[dreg:$0x7] =	wrdreg $0x9  }
0xba: {  	_ =	task.clear_ibuf [dreg:s8], $0x8FFFF;
	_ =	strace $0x90000049  }
0xbb: {  	s29 =	simm.s32 $0x9;
	_ =	strace $0x8000004B  }
0xbc: {  	_ =	swait.ge [sflag:s29], $0x1  }
0xbd: {  	[sflag:s29] =	ssyncadd.s32 $0xFFFFFFFF  }
0xbe: {  	_ =	strace $0x9000004B  }
0xbf: {  	_ =	sfence  }
0xc0: {  	s30 =	sld [smem:$0x0];
	_ =	sdelay $0x2  }
0xc1: {  	s31 =	sshll.u32 s1, $0xD;
	s1 =	sshrl.u32 s1, $0x2  }
0xc2: {  	s3 =	sand.u32 $0x4000, s31;
	s1 =	sadd.s32 s1, s30  }
0xc3: {  	s0 =	sor.u32 s3, s0;
	s1 =	sshll.u32 s1, $0x11  }
0xc4: {  	s0 =	sor.u32 s1, s0  }
0xc5: {  	s0 =	sadd.s32 $0x8F2B, s0  }
0xc6: {  	[sflag:s0] =	ssyncadd.remote.s32 $0x1  }
0xc7: {  	_ =	sfence.sel $0xFFFF  }
0xc8: {  	[dreg:$0x0] =	wrdreg $0xFFFFFFFF;
	(pc) =	sbr.abs _section_cstart, $3  }
0xc9: {  	[dreg:$0x1] =	wrdreg $0xFFFFFFFF  }
0xca: {  	_ =	task.clear_ibuf [dreg:s8], $0x2FFFF;
	_ =	strace $0x9FFFFFFF  }
0xcb: {  	(tm) =	ssettm $0x7FFFFFFF  }
tec
execute0_lowered:
.L_overlay_start_1:
0x0: {  	(tag) =	ssettag $0x1  }
0x1: {  	s1 =	rddreg [dreg:$0x0]  }
0x2: {  	s4 =	rddreg [dreg:$0x3]  }
0x3: {  	s15 =	rddreg [dreg:$0x4]  }
0x4: {  	s0 =	simm.s32 $0x0;
	s21 =	srdreg.scid;
	s2 =	stileid.u32  }
0x5: {  	s17 =	simm.s32 $0x3;
	s28 =	simm.s32 $0x1BBA8;
	s29 =	simm.s32 $0x1BB28  }
0x6: {  	s30 =	simm.s32 $0x1CBA8;
	s31 =	simm.s32 $0x1DBA8;
	s16 =	simm.s32 $0x1FBA8  }
0x7: {  	[smem:$0x7FF] =	sst s0;
	s3 =	sand.u32 $0x1, s21;
	s6 =	sadd.s32 $0x34E800, s1  }
0x8: {  	s5 =	smul.u32 $0x680, s2;
	s7 =	sadd.s32 $0xB400, s1;
	s8 =	sadd.s32 $0x522800, s1  }
0x9: {  	s9 =	sadd.s32 $0x8400, s1;
	s10 =	sadd.s32 $0x5400, s1;
	s12 =	smul.u32 $0x68000, s2  }
0xa: {  	s11 =	sadd.s32 $0x34B400, s1;
	s14 =	smul.u32 $0xD000, s2;
	p0 =	sne.s32 s2, $0x0  }
0xb: {  	s26 =	sshll.u32 s2, $0x6;
	_ =	strace $0x8000004A;
	s0 =	smul.u32 $0x6800, s3  }
0xc: {  	[dreg:$0x6] =	wrdreg s11;
	s3 =	ssub.s32 $0x2, s3;
	s18 =	sor.u32 $0x1C03, s26  }
0xd: {  	v0 =	vimm.s32 $0xEFCDAB89;
	v1 =	vimm.s32 $0x67452301;
	s26 =	simm.s32 $0x1BAE8;
	s13 =	sshrl.u32 s3, $0x1;
	s23 =	sshrl.u32 s12, $0x2  }
0xe: {  	v0 =	vunpack.c.l.s4.s8 v0;
	v1 =	vunpack.c.l.s4.s8 v1;
	s12 =	smul.u32 $0x1800, s2;
	s24 =	sshrl.u32 s14, $0x2;
	s14 =	sadd.s32 $0x1A0000, s4  }
0xf: {  	v2 =	vimm.s32 $0xDCFE98BA;
	v3 =	vimm.s32 $0x54761032;
	s2 =	simm.s32 $0x1BB68;
	[dreg:$0xa] =	wrdreg s18;
	s5 =	sadd.s32 s5, s0  }
0x10: {  	v4 =	vimm.s32 $0xBA98FEDC;
	v0 =	vunpack.c.0.s8.s32 v0;
	v1 =	vunpack.c.0.s8.s32 v1;
	s3 =	ssub.s32 s3, s13;
	s13 =	sadd.s32 s24, s15;
	s24 =	simm.s32 $0x1BAA8  }
0x11: {  	v5 =	vimm.s32 $0x32107654;
	v6 =	vimm.s32 $0xFEDCBA98;
	v2 =	vunpack.c.l.s4.s8 v2;
	s22 =	sshll.u32 s5, $0x3;
	s25 =	smax.u32 s3, $0x1;
	s20 =	sshrl.u32 s13, $0x3  }
0x12: {  	v3 =	vunpack.c.l.s4.s8 v3;
	v1 =	vcombine.low v1, v0;
	v0 =	vmov s0;
	s0 =	simm.s32 $0x1;
	s13 =	simm.s32 $0x1EBA8;
	s11 =	sadd.s32 s22, s1  }
0x13: {  	v7 =	vimm.s32 $0x76543210;
	v4 =	vunpack.c.l.s4.s8 v4;
	v5 =	vunpack.c.l.s4.s8 v5;
	s1 =	sadd.s32 s5, s1;
	s5 =	sadd.s32 s23, s4;
	[dreg:$0x9] =	wrdreg s25  }
0x14: {  	v6 =	vunpack.c.l.s4.s8 v6;
	v2 =	vunpack.c.0.s8.s32 v2;
	v3 =	vunpack.c.0.s8.s32 v3;
	s4 =	smov.u32 s15;
	[dreg:$0xc] =	wrdreg s20;
	s11 =	sadd.s32 $0x3C3800, s11  }
0x15: {  	v7 =	vunpack.c.l.s4.s8 v7;
	v4 =	vunpack.c.0.s8.s32 v4;
	v5 =	vunpack.c.0.s8.s32 v5;
	s15 =	sadd.s32 $0x34000, s15;
	s1 =	sadd.s32 $0x3B6800, s1;
	[dreg:$0x7] =	wrdreg s11  }
0x16: {  	v2 =	vcombine.low v3, v2;
	v3 =	vunpack.c.0.s8.s32 v6;
	s23 =	simm.s32 $0x1BA68;
	s19 =	sshrl.u32 s5, $0x3;
	[dreg:$0x8] =	wrdreg s1  }
0x17: {  	v4 =	vcombine.low v5, v4;
	v5 =	vunpack.c.0.s8.s32 v7;
	s25 =	simm.s32 $0x40;
	s1 =	sshrl.u32 @!p0 s14, $0x3;
	[dreg:$0xb] =	wrdreg s19  }
0x18: {  	v1 =	vand.u32 $0xF, v1;
	v2 =	vand.u32 $0xF, v2;
	v6 =	vand.u32 $0xF, v3;
	s5 =	simm.s32 $0x1FDA8;
	[dreg:$0xd] =	wrdreg s1;
	s1 =	sshrl.u32 @!p0 s15, $0x3  }
0x19: {  	v3 =	vand.u32 $0xF, v4;
	v4 =	vcombine.low v6, v5;
	v5 =	vlaneseq.u32;
	s11 =	simm.s32 $0x0;
	[dreg:$0xe] =	wrdreg s1;
	s1 =	simm.s32 $0x2  }
.LBB2_1:
0x1a: {  	[dreg:$0xf] =	wrdreg s11  }
0x1b: {  	s3 =	rddreg [dreg:$0x1];
	s22 =	simm.s32 $0x0;
	s14 =	simm.s32 $0x1BA28  }
0x1c: {  	[tilespmem:s14], [sflag:$0x3] =	stream.linear.gather [hbm4b:s3+s22], $0x40, $0x38;
	[tilespmem:$0x1FDB8] =	vst v63  }
0x1d: {  	_ =	swait.ge [sflag:s17], $0x40  }
0x1e: {  	[sflag:s17] =	ssyncset.done $0x0  }
0x1f: {  	s14 =	rddreg [dreg:$0x6];
	[sflag:s17] =	ssyncadd.s32 $0xFFFFFFC0  }
0x20: {  	[spmem:s19], [sflag:s18] =	dma.local [hbm:s14], $0x3400  }
0x21: {  	_ =	swait.ge [sflag:s17], $0x3400  }
0x22: {  	[sflag:s17] =	ssyncset.done $0x0  }
0x23: {  	[sflag:s17] =	ssyncadd.s32 $0xFFFFCC00  }
0x24: {  	s11 =	rddreg [dreg:$0x2]  }
0x25: {  	[spmem:s20], [sflag:s18] =	dma.local [hbm:s11], $0x680  }
0x26: {  	_ =	swait.ge [sflag:s17], $0x680  }
0x27: {  	[sflag:s17] =	ssyncset.done $0x0  }
0x28: {  	s3 =	rddreg [dreg:$0xd];
	[sflag:s17] =	ssyncadd.s32 $0xFFFFF980  }
0x29: {  	[spmem:s3], [sflag:s18] =	dma.local @!p0 [hbm:s14], $0x40  }
0x2a: {  	s3 =	simm.s32 @!p0 $0x3  }
0x2b: {  	_ =	swait.ge @!p0 [sflag:s3], $0x40  }
0x2c: {  	[sflag:s3] =	ssyncset.done @!p0 $0x0  }
0x2d: {  	s14 =	rddreg [dreg:$0xe];
	[sflag:s3] =	ssyncadd.s32 @!p0 $0xFFFFFFC0  }
0x2e: {  	[spmem:s14], [sflag:s18] =	dma.local @!p0 [hbm:s11], $0x8  }
0x2f: {  	_ =	swait.ge @!p0 [sflag:s3], $0x8  }
0x30: {  	[sflag:s3] =	ssyncset.done @!p0 $0x0  }
0x31: {  	[sflag:s3] =	ssyncadd.s32 @!p0 $0xFFFFFFF8  }
0x32: {  	[bflag:$0x0] =	sbarrier.arrive $0xFFFF  }
0x33: {  	v6 =	vld [tilespmem:$0x1BA28]  }
0x34: {  	v7 =	vld [tilespmem:$0x1BA38]  }
0x35: {  	v8 =	vld [tilespmem:$0x1BA48]  }
0x36: {  	s15 =	simm.s32 $0x0;
	v9 =	vld [tilespmem:$0x1BA58]  }
.LBB2_2:
0x37: {  	s3 =	sshll.u32 s15, $0x6  }
0x38: {  	s3 =	sadd.s32 s12, s3  }
0x39: {  	s11 =	sshrl.u32 s3, $0x3  }
0x3a: {  	s18 =	simm.s32 $0x0;
	s14 =	sadd.s32 s9, s11  }
0x3b: {  	[tilespmem:s23], [sflag:$0x3] =	stream.linear.gather [hbm4b:s14+s18], $0x40, $0x38;
	[tilespmem:$0x1FDB8] =	vst v63  }
0x3c: {  	_ =	swait.ge [sflag:s17], $0x40  }
0x3d: {  	[sflag:s17] =	ssyncset.done $0x0  }
0x3e: {  	s11 =	sadd.s32 s10, s11;
	[sflag:s17] =	ssyncadd.s32 $0xFFFFFFC0  }
0x3f: {  	[tilespmem:s24], [sflag:$0x3] =	stream.linear.gather [hbm4b:s11+s18], $0x40, $0x38;
	[tilespmem:$0x1FDB8] =	vst v63  }
0x40: {  	_ =	swait.ge [sflag:s17], $0x40  }
0x41: {  	[sflag:s17] =	ssyncset.done $0x0  }
0x42: {  	[sflag:s17] =	ssyncadd.s32 $0xFFFFFFC0  }
0x43: {  	v10 =	vld [tilespmem:$0x1BA68]  }
0x44: {  	v11 =	vld [tilespmem:$0x1BAA8]  }
0x45: {  	v12 =	vld [tilespmem:$0x1BA78]  }
0x46: {  	v13 =	vld [tilespmem:$0x1BAB8];
	_ =	sdelay $0x1  }
0x47: {  	v14 =	vld [tilespmem:$0x1BA88];
	[tilespmem:$0x1BAE8] =	vst v10  }
0x48: {  	[tilespmem:$0x1BB28] =	vst v11  }
0x49: {  	v10 =	vsub.s32 v11, v0;
	v11 =	vld [tilespmem:$0x1BAC8];
	[tilespmem:$0x1BAF8] =	vst v12  }
0x4a: {  	v12 =	vld [tilespmem:$0x1BA98];
	[tilespmem:$0x1BB38] =	vst v13;
	v10 =	vmin.u32 v10, $0x6800  }
0x4b: {  	[tilespmem:$0x1BB68] =	vst v10;
	v10 =	vsub.s32 v13, v0;
	v13 =	vld [tilespmem:$0x1BAD8]  }
0x4c: {  	[tilespmem:$0x1BB08] =	vst v14;
	v10 =	vmin.u32 v10, $0x6800  }
0x4d: {  	[tilespmem:$0x1BB78] =	vst v10  }
0x4e: {  	v10 =	vsub.s32 v11, v0;
	[tilespmem:$0x1BB48] =	vst v11  }
0x4f: {  	[tilespmem:$0x1BB18] =	vst v12;
	v10 =	vmin.u32 v10, $0x6800  }
0x50: {  	[tilespmem:$0x1BB88] =	vst v10;
	v10 =	vsub.s32 v13, v0  }
0x51: {  	[tilespmem:$0x1BB58] =	vst v13;
	v10 =	vmin.u32 v10, $0x6800  }
0x52: {  	[tilespmem:$0x1BB98] =	vst v10  }
0x53: {  	[tilespmem:s28], [sflag:$0x1] =	stream.indirect.gather [hbm4b:s6+s25], $0x40, s26, s25, $0xb8;
	[tilespmem:$0x1FDB8] =	vst v63  }
0x54: {  	s3 =	sshll.u32 s3, $0x3  }
0x55: {  	[tilespmem:s30], [sflag:$0x2] =	stream.indirect.gather [hbm4b:s7+s25], $0x40, s29, s25, $0xb8;
	[tilespmem:$0x1FDB8] =	vst v63  }
0x56: {  	s3 =	sadd.s32 s8, s3  }
0x57: {  	[tilespmem:s31], [sflag:$0x3] =	stream.linear.gather [hbm4b:s3+s18], $0x1000, $0x38;
	[tilespmem:$0x1FDB8] =	vst v63  }
0x58: {  	_ =	swait.ge [sflag:s17], $0x1000  }
0x59: {  	[sflag:s17] =	ssyncset.done $0x0  }
0x5a: {  	[sflag:s17] =	ssyncadd.s32 $0xFFFFF000  }
0x5b: {  	_ =	swait.ge [sflag:s0], $0x1000  }
0x5c: {  	[sflag:s0] =	ssyncset.done $0x0  }
0x5d: {  	[sflag:s0] =	ssyncadd.s32 $0xFFFFF000  }
0x5e: {  	_ =	swait.ge [sflag:s1], $0x1000  }
0x5f: {  	[sflag:s1] =	ssyncset.done $0x0  }
0x60: {  	s21 =	simm.s32 $0x1CBE8;
	[sflag:s1] =	ssyncadd.s32 $0xFFFFF000  }
0x61: {  	v10 =	vld [tilespmem:s21+$0xFFFFFFF0]  }
0x62: {  	v11 =	vld [tilespmem:s21+$0xFFFFFFE0]  }
0x63: {  	s20 =	simm.s32 $0x1BBE8;
	v12 =	vld [tilespmem:s21+$0xFFFFFFD0]  }
0x64: {  	v13 =	vld [tilespmem:s20+$0xFFFFFFC0]  }
0x65: {  	v14 =	vld [tilespmem:s21+$0xFFFFFFC0]  }
0x66: {  	s22 =	simm.s32 $0x1DBE8;
	v15 =	vld [tilespmem:s20+$0xFFFFFFD0]  }
0x67: {  	v16 =	vld [tilespmem:s22+$0xFFFFFFC0]  }
0x68: {  	v17 =	vld [tilespmem:s22+$0xFFFFFFD0]  }
0x69: {  	v18 =	vld [tilespmem:s20+$0xFFFFFFE0]  }
0x6a: {  	v19 =	vld [tilespmem:s20+$0xFFFFFFF0];
	v14 =	vadd.f32 v14, v13  }
0x6b: {  	v20 =	vld [tilespmem:s22+$0xFFFFFFE0]  }
0x6c: {  	v12 =	vadd.f32 v12, v15;
	v14 =	vadd.f32 v16, v14  }
0x6d: {  	v50 =	vld [tilespmem:s22+$0xFFFFFFF0]  }
0x6e: {  	v11 =	vadd.f32 v11, v18;
	v12 =	vadd.f32 v17, v12;
	v51 =	vmul.f32 $2.000000030e-01, v14  }
0x6f: {  	v10 =	vadd.f32 v10, v19;
	vm0 =	vge.f32 v14, $0.0e+00  }
0x70: {  	v11 =	vadd.f32 v20, v11;
	v21 =	vmul.f32 $2.000000030e-01, v12;
	v14 =	vsel vm0, v14, v51  }
0x71: {  	vm9 =	vge.f32 v12, $0.0e+00;
	v14 =	vmul.f32 v14, v6  }
0x72: {  	v10 =	vadd.f32 v50, v10;
	v52 =	vmul.f32 $2.000000030e-01, v11;
	v12 =	vsel vm9, v12, v21  }
0x73: {  	vm10 =	vge.f32 v11, $0.0e+00;
	v12 =	vmul.f32 v12, v7;
	v14 =	vadd.f32 $0.0e+00, v14  }
0x74: {  	v53 =	vmul.f32 $2.000000030e-01, v10;
	v11 =	vsel vm10, v11, v52  }
0x75: {  	vm11 =	vge.f32 v10, $0.0e+00;
	v11 =	vmul.f32 v11, v8;
	v12 =	vadd.f32 v12, v14  }
0x76: {  	v10 =	vsel vm11, v10, v53  }
0x77: {  	v10 =	vmul.f32 v10, v9;
	v11 =	vadd.f32 v11, v12;
	_ =	sdelay $0x1  }
0x78: {  	v10 =	vadd.f32 v10, v11;
	_ =	sdelay $0x1  }
0x79: {  	[tilespmem:$0x1FDA8] =	vst v10  }
0x7a: {  	v11 =	vld.idx.msk [tilespmem:v1+s5+$0x0], $0xffff;
	_ =	sdelay $0x4  }
0x7b: {  	v10 =	vadd.f32 v10, v11;
	_ =	sdelay $0x1  }
0x7c: {  	[tilespmem:$0x1FDA8] =	vst v10  }
0x7d: {  	v11 =	vld.idx.msk [tilespmem:v2+s5+$0x0], $0xffff;
	_ =	sdelay $0x4  }
0x7e: {  	v10 =	vadd.f32 v10, v11;
	_ =	sdelay $0x1  }
0x7f: {  	[tilespmem:$0x1FDA8] =	vst v10  }
0x80: {  	v11 =	vld.idx.msk [tilespmem:v3+s5+$0x0], $0xffff;
	_ =	sdelay $0x4  }
0x81: {  	v10 =	vadd.f32 v10, v11;
	_ =	sdelay $0x1  }
0x82: {  	[tilespmem:$0x1FDA8] =	vst v10  }
0x83: {  	v11 =	vld.idx.msk [tilespmem:v4+s5+$0x0], $0xffff;
	_ =	sdelay $0x4  }
0x84: {  	v10 =	vadd.f32 v11, v10;
	_ =	sdelay $0x1  }
0x85: {  	v10 =	vmul.f32 $1.442695020e+00, v10;
	_ =	sdelay $0x1  }
0x86: {  	(erf) = vpow2.f32 v10;
	_ =	sdelay $0x8  }
0x87: {  	v10 =	vpop (erf)  }
0x88: {  	s14 =	simm.s32 $0x0;
	v11 =	vmul.f32 v10, v19  }
0x89: {  	s11 =	simm.s32 $0x1EBE8;
	v12 =	vmul.f32 v10, v13;
	v13 =	vor.u32 s14, v5  }
0x8a: {  	v14 =	vmul.f32 v10, v15;
	[tilespmem:s11+$0xFFFFFFF0] =	vst v11  }
0x8b: {  	v11 =	vmul.f32 v10, v18;
	[tilespmem:s11+$0xFFFFFFC0] =	vst v12  }
0x8c: {  	[tilespmem:s11+$0xFFFFFFD0] =	vst v14  }
0x8d: {  	[tilespmem:s11+$0xFFFFFFE0] =	vst v11  }
0x8e: {  	[tilespmem:v13+s16+$0x0] =	vst.idx.msk $0xf, v10  }
0x8f: {  	v14 =	vld [tilespmem:s22+$0x10]  }
0x90: {  	v10 =	vld [tilespmem:s20+$0x20]  }
0x91: {  	v11 =	vld [tilespmem:s20+$0x10]  }
0x92: {  	v12 =	vld [tilespmem:s20+$0x0]  }
0x93: {  	v13 =	vld [tilespmem:s21+$0x0]  }
0x94: {  	v15 =	vld [tilespmem:s21+$0x10]  }
0x95: {  	v54 =	vld [tilespmem:s22+$0x0]  }
0x96: {  	v55 =	vld [tilespmem:s21+$0x20]  }
0x97: {  	v56 =	vld [tilespmem:s22+$0x20]  }
0x98: {  	v58 =	vld [tilespmem:s21+$0x30];
	v57 =	vadd.f32 v13, v12  }
0x99: {  	v13 =	vld [tilespmem:s20+$0x30]  }
0x9a: {  	v15 =	vadd.f32 v15, v11;
	v16 =	vadd.f32 v54, v57  }
0x9b: {  	v59 =	vld [tilespmem:s22+$0x30];
	v17 =	vadd.f32 v55, v10  }
0x9c: {  	v14 =	vadd.f32 v14, v15;
	v15 =	vmul.f32 $2.000000030e-01, v16  }
0x9d: {  	v17 =	vadd.f32 v56, v17;
	vm12 =	vge.f32 v16, $0.0e+00  }
0x9e: {  	v60 =	vmul.f32 $2.000000030e-01, v14;
	v61 =	vadd.f32 v58, v13;
	v15 =	vsel vm12, v16, v15  }
0x9f: {  	vm13 =	vge.f32 v14, $0.0e+00;
	v15 =	vmul.f32 v15, v6  }
0xa0: {  	v62 =	vmul.f32 $2.000000030e-01, v17;
	v14 =	vsel vm13, v14, v60;
	v16 =	vadd.f32 v59, v61  }
0xa1: {  	vm14 =	vge.f32 v17, $0.0e+00;
	v14 =	vmul.f32 v14, v7;
	v15 =	vadd.f32 $0.0e+00, v15  }
0xa2: {  	v17 =	vsel vm14, v17, v62;
	v63 =	vmul.f32 $2.000000030e-01, v16  }
0xa3: {  	v17 =	vmul.f32 v17, v8;
	vm15 =	vge.f32 v16, $0.0e+00;
	v14 =	vadd.f32 v14, v15  }
0xa4: {  	v15 =	vsel vm15, v16, v63  }
0xa5: {  	v15 =	vmul.f32 v15, v9;
	v14 =	vadd.f32 v17, v14;
	_ =	sdelay $0x1  }
0xa6: {  	v14 =	vadd.f32 v15, v14;
	_ =	sdelay $0x1  }
0xa7: {  	[tilespmem:$0x1FDA8] =	vst v14  }
0xa8: {  	v15 =	vld.idx.msk [tilespmem:v1+s5+$0x0], $0xffff;
	_ =	sdelay $0x4  }
0xa9: {  	v14 =	vadd.f32 v14, v15;
	_ =	sdelay $0x1  }
0xaa: {  	[tilespmem:$0x1FDA8] =	vst v14  }
0xab: {  	v15 =	vld.idx.msk [tilespmem:v2+s5+$0x0], $0xffff;
	_ =	sdelay $0x4  }
0xac: {  	v14 =	vadd.f32 v14, v15;
	_ =	sdelay $0x1  }
0xad: {  	[tilespmem:$0x1FDA8] =	vst v14  }
0xae: {  	v15 =	vld.idx.msk [tilespmem:v3+s5+$0x0], $0xffff;
	_ =	sdelay $0x4  }
0xaf: {  	v14 =	vadd.f32 v14, v15;
	_ =	sdelay $0x1  }
0xb0: {  	[tilespmem:$0x1FDA8] =	vst v14  }
0xb1: {  	v15 =	vld.idx.msk [tilespmem:v4+s5+$0x0], $0xffff;
	_ =	sdelay $0x4  }
0xb2: {  	v14 =	vadd.f32 v15, v14;
	_ =	sdelay $0x1  }
0xb3: {  	v14 =	vmul.f32 $1.442695020e+00, v14;
	_ =	sdelay $0x1  }
0xb4: {  	(erf) = vpow2.f32 v14  }
0xb5: {  	s19 =	simm.s32 $0x1EBE8;
	s18 =	simm.s32 $0x1BC68;
	s20 =	simm.s32 $0x2  }
.LBB2_3:
0xb6: {  	s21 =	sadd.s32 $0x80, s21;
	s22 =	sadd.s32 $0x80, s22;
	s11 =	sadd.s32 $0x80, s11  }
0xb7: {  	p1 =	slt.u32 s20, $0x3E;
	s3 =	smov.u32 s20;
	s20 =	sadd.s32 $0x2, s20  }
0xb8: {  	_ =	sdelay $0x4  }
0xb9: {  	s14 =	sadd.s32 $0x8, s14;
	v14 =	vpop (erf)  }
0xba: {  	v15 =	vadd.s32 s14, v5;
	v12 =	vmul.f32 v14, v12;
	v11 =	vmul.f32 v14, v11  }
0xbb: {  	v10 =	vmul.f32 v14, v10;
	v13 =	vmul.f32 v14, v13  }
0xbc: {  	[tilespmem:s19+$0x0] =	vst v12  }
0xbd: {  	[tilespmem:s19+$0x20] =	vst v10  }
0xbe: {  	[tilespmem:s19+$0x10] =	vst v11  }
0xbf: {  	[tilespmem:s19+$0x30] =	vst v13;
	s19 =	smov.u32 s11  }
0xc0: {  	[tilespmem:v15+s16+$0x0] =	vst.idx.msk $0xf, v14  }
0xc1: {  	v10 =	vld [tilespmem:s21+$0xFFFFFFF0]  }
0xc2: {  	v11 =	vld [tilespmem:s21+$0xFFFFFFE0]  }
0xc3: {  	v12 =	vld [tilespmem:s21+$0xFFFFFFD0]  }
0xc4: {  	v13 =	vld [tilespmem:s18+$0xFFFFFFC0]  }
0xc5: {  	v14 =	vld [tilespmem:s21+$0xFFFFFFC0]  }
0xc6: {  	v15 =	vld [tilespmem:s18+$0xFFFFFFD0]  }
0xc7: {  	v16 =	vld [tilespmem:s22+$0xFFFFFFC0]  }
0xc8: {  	v17 =	vld [tilespmem:s22+$0xFFFFFFD0]  }
0xc9: {  	v18 =	vld [tilespmem:s18+$0xFFFFFFE0]  }
0xca: {  	v14 =	vadd.f32 v14, v13;
	v19 =	vld [tilespmem:s18+$0xFFFFFFF0]  }
0xcb: {  	v12 =	vadd.f32 v12, v15;
	v20 =	vld [tilespmem:s22+$0xFFFFFFE0]  }
0xcc: {  	v14 =	vadd.f32 v16, v14;
	v16 =	vld [tilespmem:s22+$0xFFFFFFF0]  }
0xcd: {  	v12 =	vadd.f32 v17, v12  }
0xce: {  	v17 =	vmul.f32 $2.000000030e-01, v14;
	v11 =	vadd.f32 v11, v18  }
0xcf: {  	vm0 =	vge.f32 v14, $0.0e+00;
	v21 =	vmul.f32 $2.000000030e-01, v12;
	v10 =	vadd.f32 v10, v19  }
0xd0: {  	v14 =	vsel vm0, v14, v17;
	vm0 =	vge.f32 v12, $0.0e+00;
	v11 =	vadd.f32 v20, v11  }
0xd1: {  	v14 =	vmul.f32 v14, v6;
	v12 =	vsel vm0, v12, v21;
	v10 =	vadd.f32 v16, v10  }
0xd2: {  	v16 =	vmul.f32 $2.000000030e-01, v11  }
0xd3: {  	v12 =	vmul.f32 v12, v7;
	vm0 =	vge.f32 v11, $0.0e+00;
	v14 =	vadd.f32 $0.0e+00, v14  }
0xd4: {  	v11 =	vsel vm0, v11, v16;
	v16 =	vmul.f32 $2.000000030e-01, v10  }
0xd5: {  	vm0 =	vge.f32 v10, $0.0e+00;
	v12 =	vadd.f32 v12, v14;
	v11 =	vmul.f32 v11, v8  }
0xd6: {  	v10 =	vsel vm0, v10, v16  }
0xd7: {  	v11 =	vadd.f32 v11, v12;
	v10 =	vmul.f32 v10, v9;
	_ =	sdelay $0x1  }
0xd8: {  	v10 =	vadd.f32 v10, v11;
	_ =	sdelay $0x1  }
0xd9: {  	[tilespmem:$0x1FDA8] =	vst v10  }
0xda: {  	v11 =	vld.idx.msk [tilespmem:v1+s5+$0x0], $0xffff;
	_ =	sdelay $0x5  }
0xdb: {  	v10 =	vadd.f32 v10, v11;
	_ =	sdelay $0x1  }
0xdc: {  	[tilespmem:$0x1FDA8] =	vst v10  }
0xdd: {  	v11 =	vld.idx.msk [tilespmem:v2+s5+$0x0], $0xffff;
	_ =	sdelay $0x5  }
0xde: {  	v10 =	vadd.f32 v10, v11;
	_ =	sdelay $0x1  }
0xdf: {  	[tilespmem:$0x1FDA8] =	vst v10  }
0xe0: {  	v11 =	vld.idx.msk [tilespmem:v3+s5+$0x0], $0xffff;
	_ =	sdelay $0x5  }
0xe1: {  	v10 =	vadd.f32 v10, v11;
	_ =	sdelay $0x1  }
0xe2: {  	[tilespmem:$0x1FDA8] =	vst v10  }
0xe3: {  	v11 =	vld.idx.msk [tilespmem:v4+s5+$0x0], $0xffff;
	_ =	sdelay $0x5  }
0xe4: {  	v10 =	vadd.f32 v11, v10;
	_ =	sdelay $0x1  }
0xe5: {  	v10 =	vmul.f32 $1.442695020e+00, v10;
	_ =	sdelay $0x1  }
0xe6: {  	(erf) = vpow2.f32 v10;
	_ =	sdelay $0x8  }
0xe7: {  	v10 =	vpop (erf)  }
0xe8: {  	s14 =	sshll.u32 s3, $0x3;
	v11 =	vmul.f32 v10, v13;
	v12 =	vmul.f32 v10, v19  }
0xe9: {  	v13 =	vmul.f32 v10, v15;
	v14 =	vmul.f32 v10, v18;
	v15 =	vor.u32 s14, v5  }
0xea: {  	[tilespmem:s11+$0xFFFFFFF0] =	vst v12  }
0xeb: {  	[tilespmem:s11+$0xFFFFFFC0] =	vst v11  }
0xec: {  	[tilespmem:s11+$0xFFFFFFD0] =	vst v13  }
0xed: {  	[tilespmem:s11+$0xFFFFFFE0] =	vst v14  }
0xee: {  	[tilespmem:v15+s16+$0x0] =	vst.idx.msk $0xf, v10  }
0xef: {  	v13 =	vld [tilespmem:s22+$0x10]  }
0xf0: {  	v14 =	vld [tilespmem:s22+$0x20]  }
0xf1: {  	v10 =	vld [tilespmem:s18+$0x20]  }
0xf2: {  	v11 =	vld [tilespmem:s18+$0x10]  }
0xf3: {  	v15 =	vld [tilespmem:s21+$0x20]  }
0xf4: {  	v16 =	vld [tilespmem:s21+$0x10]  }
0xf5: {  	v12 =	vld [tilespmem:s18+$0x0]  }
0xf6: {  	v17 =	vld [tilespmem:s21+$0x0];
	_ =	sdelay $0x2  }
0xf7: {  	v15 =	vadd.f32 v15, v10;
	v18 =	vld [tilespmem:s22+$0x0];
	v16 =	vadd.f32 v16, v11;
	_ =	sdelay $0x1  }
0xf8: {  	v14 =	vadd.f32 v14, v15;
	v16 =	vadd.f32 v13, v16  }
0xf9: {  	v15 =	vadd.f32 v17, v12;
	v17 =	vld [tilespmem:s21+$0x30]  }
0xfa: {  	v20 =	vmul.f32 $2.000000030e-01, v14;
	v19 =	vmul.f32 $2.000000030e-01, v16;
	v13 =	vld [tilespmem:s18+$0x30]  }
0xfb: {  	vm1 =	vge.f32 v14, $0.0e+00;
	vm0 =	vge.f32 v16, $0.0e+00;
	v15 =	vadd.f32 v18, v15  }
0xfc: {  	v14 =	vsel vm1, v14, v20;
	v16 =	vsel vm0, v16, v19;
	v18 =	vld [tilespmem:s22+$0x30]  }
0xfd: {  	v19 =	vmul.f32 $2.000000030e-01, v15  }
0xfe: {  	v14 =	vmul.f32 v14, v8;
	vm0 =	vge.f32 v15, $0.0e+00  }
0xff: {  	v15 =	vsel vm0, v15, v19;
	v17 =	vadd.f32 v17, v13  }
0x100: {  	v16 =	vmul.f32 v16, v7;
	v15 =	vmul.f32 v15, v6  }
0x101: {  	v17 =	vadd.f32 v18, v17  }
0x102: {  	v15 =	vadd.f32 $0.0e+00, v15  }
0x103: {  	v18 =	vmul.f32 $2.000000030e-01, v17  }
0x104: {  	vm0 =	vge.f32 v17, $0.0e+00;
	v15 =	vadd.f32 v16, v15  }
0x105: {  	v16 =	vsel vm0, v17, v18  }
0x106: {  	v14 =	vadd.f32 v14, v15;
	v15 =	vmul.f32 v16, v9;
	_ =	sdelay $0x1  }
0x107: {  	v14 =	vadd.f32 v15, v14;
	_ =	sdelay $0x1  }
0x108: {  	[tilespmem:$0x1FDA8] =	vst v14  }
0x109: {  	v15 =	vld.idx.msk [tilespmem:v1+s5+$0x0], $0xffff;
	_ =	sdelay $0x5  }
0x10a: {  	v14 =	vadd.f32 v14, v15;
	_ =	sdelay $0x1  }
0x10b: {  	[tilespmem:$0x1FDA8] =	vst v14  }
0x10c: {  	v15 =	vld.idx.msk [tilespmem:v2+s5+$0x0], $0xffff;
	_ =	sdelay $0x5  }
0x10d: {  	v14 =	vadd.f32 v14, v15;
	_ =	sdelay $0x1  }
0x10e: {  	[tilespmem:$0x1FDA8] =	vst v14  }
0x10f: {  	v15 =	vld.idx.msk [tilespmem:v3+s5+$0x0], $0xffff;
	_ =	sdelay $0x5  }
0x110: {  	v14 =	vadd.f32 v14, v15;
	_ =	sdelay $0x1  }
0x111: {  	[tilespmem:$0x1FDA8] =	vst v14  }
0x112: {  	v15 =	vld.idx.msk [tilespmem:v4+s5+$0x0], $0xffff;
	_ =	sdelay $0x5  }
0x113: {  	v14 =	vadd.f32 v15, v14  }
.Ltmp0:
0x114: {  	(pc) =	sbr.rel @p1 .LBB2_3-.Ltmp0, $3  }
0x115: {  	v14 =	vmul.f32 $1.442695020e+00, v14;
	_ =	sdelay $0x1  }
0x116: {  	(erf) = vpow2.f32 v14  }
0x117: {  	s18 =	sadd.s32 $0x80, s18  }
0x118: {  	_ =	sdelay $0x6  }
0x119: {  	v14 =	vpop (erf)  }
0x11a: {  	s3 =	sadd.s32 $0x8, s14;
	v12 =	vmul.f32 v14, v12  }
0x11b: {  	v15 =	vadd.s32 s3, v5;
	v10 =	vmul.f32 v14, v10  }
0x11c: {  	v11 =	vmul.f32 v14, v11;
	[tilespmem:s19+$0x0] =	vst v12  }
0x11d: {  	v63 =	vmul.f32 v14, v13;
	[tilespmem:s19+$0x20] =	vst v10  }
0x11e: {  	[tilespmem:s19+$0x10] =	vst v11  }
0x11f: {  	[tilespmem:s19+$0x30] =	vst v63  }
0x120: {  	s22 =	rddreg [dreg:$0x3];
	[tilespmem:v15+s16+$0x0] =	vst.idx.msk $0xf, v14  }
0x121: {  	[spmem:s22] =	stream.indirect.scatter.add.f32 [tilespmem:s13], [sflag:$0x3], $0x40, s2, s25, $0xb8;
	[tilespmem:$0x1FDB8] =	vst v63  }
0x122: {  	s15 =	sadd.s32 $0x1, s15;
	_ =	swait.ge [sflag:s17], $0x1000  }
0x123: {  	p1 =	sne.s32 s15, $0x60;
	[sflag:s17] =	ssyncset.done $0x0  }
.Ltmp1:
0x124: {  	[sflag:s17] =	ssyncadd.s32 $0xFFFFF000;
	(pc) =	sbr.rel @p1 .LBB2_2-.Ltmp1, $4  }
0x125: {  	[spmem:s4] =	stream.indirect.scatter.add.f32 [tilespmem:s16], [sflag:$0x3], $0x4, s2, s25, $0xb8;
	[tilespmem:$0x1FDB8] =	vst v63  }
0x126: {  	_ =	swait.ge [sflag:s17], $0x100  }
0x127: {  	[sflag:s17] =	ssyncset.done $0x0  }
0x128: {  	[sflag:s17] =	ssyncadd.s32 $0xFFFFFF00  }
0x129: {  	[bflag:$0x0] =	sbarrier.arrive $0xFFFF  }
0x12a: {  	s3 =	rddreg [dreg:$0x7]  }
0x12b: {  	s18 =	rddreg [dreg:$0xa]  }
0x12c: {  	s19 =	rddreg [dreg:$0xb]  }
0x12d: {  	[hbm:s3], [sflag:s18] =	dma.local [spmem:s19], $0x3400  }
0x12e: {  	_ =	swait.ge [sflag:s17], $0x3400  }
0x12f: {  	[sflag:s17] =	ssyncset.done $0x0;
	s21 =	rddreg [dreg:$0x8]  }
0x130: {  	s20 =	rddreg [dreg:$0xc];
	[sflag:s17] =	ssyncadd.s32 $0xFFFFCC00  }
0x131: {  	[hbm:s21], [sflag:s18] =	dma.local [spmem:s20], $0x680  }
0x132: {  	_ =	swait.ge [sflag:s17], $0x680  }
0x133: {  	s11 =	rddreg [dreg:$0xf]  }
0x134: {  	s22 =	rddreg [dreg:$0x9];
	s11 =	sadd.s32 $0x1, s11  }
0x135: {  	p1 =	sne.s32 s11, s22  }
.Ltmp2:
0x136: {  	_ = 	snop;
	(pc) =	sbr.rel @p1 .LBB2_1-.Ltmp2, $3  }
0x137: {  	[sflag:s17] =	ssyncset.done $0x0  }
0x138: {  	[sflag:s17] =	ssyncadd.s32 $0xFFFFF980  }
0x139: {  	[bflag:$0x0] =	sbarrier.arrive $0xFFFF;
	_ =	sdelay $0x1  }
0x13a: {  	_ =	sfence.sel $0x180000  }
0x13b: {  	[bflag:$0x0] =	sbarrier.arrive $0xFFFF  }
0x13c: {  	_ =	strace $0x9000004A  }
0x13d: {  	[bflag:$0x2] =	sbarrier.arrive $0xFFFF  }
0x13e: {  	s0 =	rddreg [dreg:$0x5]  }
0x13f: {  	s0 =	sadd.s32 @!p0 $0x100000, s0  }
0x140: {  	[sflag:s0] =	ssyncadd.tile.s32 @!p0 $0x1;
	_ =	shalt  }
.Lfunc_end2:
_tile_overlayer_lowered:
.L_overlay_start_2:
0x141: {  	(tag) =	ssettag $0x2  }
0x142: {  	s0 =	rddreg [dreg:$0x0];
	s2 =	stileid.u32  }
0x143: {  	s1 =	rddreg [dreg:$0x1];
	p0 =	sne.s32 s2, $0x0  }
0x144: {  	s3 =	rddreg [dreg:$0x2];
	[bflag:$0x3] =	sbarrier.arrive $0xFFFF;
	s2 =	simm.s32 @!p0 $0x1C03  }
0x145: {  	[timem:s3], [sflag:s2] =	dma.local @!p0 [hbm:s0], s1  }
0x146: {  	s0 =	simm.s32 @!p0 $0x3  }
0x147: {  	_ =	swait.ge @!p0 [sflag:s0], s1  }
0x148: {  	s1 =	ssub.s32 @!p0 $0x0, s1;
	[sflag:s0] =	ssyncset.done @!p0 $0x0  }
0x149: {  	[sflag:s0] =	ssyncadd.s32 @!p0 s1  }
0x14a: {  	[bflag:$0x3] =	sbarrier.arrive $0xFFFF  }
0x14b: {  	_ =	shalt  }

// kernel: kernel.8.cloned.1.call-start
scs
__scs_entry_jumppad:
0x0: {  	(pc) =	sbr.rel $0x88, $3  }
0x1: {  	(tag) =	ssettag $0x0;
	lr =	simm.s32 $0x1  }
0x2: {  	[smem:$0x3F7F] =	sst lr;
	_ =	strace $0xD0000000  }
0x3: {  	_ = 	snop  }
0x4: {  	_ = 	snop  }
0x5: {  	_ = 	snop  }
0x6: {  	_ = 	snop  }
0x7: {  	_ = 	snop  }
__scs_overlays_trampoline_lowered:
0x8: {  	[smem:$0x3F8E] =	sst s0  }
0x9: {  	[smem:$0x3F8F] =	sst s1  }
0xa: {  	[smem:$0x3F90] =	sst s2  }
0xb: {  	[smem:$0x3F91] =	sst s3  }
0xc: {  	[smem:$0x3F92] =	sst s4  }
0xd: {  	[smem:$0x3F93] =	sst s5  }
0xe: {  	[smem:$0x3F94] =	sst s6  }
0xf: {  	[smem:$0x3F95] =	sst s7  }
0x10: {  	[smem:$0x3F96] =	sst s8  }
0x11: {  	[smem:$0x3F97] =	sst s9;
	s0 =	simm.s32 @!p0 $0x0  }
0x12: {  	s1 =	sld [smem:$0x3F7D];
	s0 =	simm.s32 @p0 $0x1  }
0x13: {  	[smem:$0x3F98] =	sst s0;
	s0 =	simm.s32 @!p1 $0x0  }
0x14: {  	s2 =	sld [smem:$0x3F7C];
	s0 =	simm.s32 @p1 $0x1  }
0x15: {  	[smem:$0x3F99] =	sst s0;
	s0 =	simm.s32 @!p2 $0x0  }
0x16: {  	s3 =	sld [smem:$0x3FDB];
	s0 =	simm.s32 @p2 $0x1  }
0x17: {  	s4 =	simm.s32 $0x1BF5;
	[smem:$0x3F9B] =	sst s0  }
0x18: {  	s0 =	sld [smem:$0x3F7E];
	_ =	swait.ge [sflag:s4], $0x0  }
0x19: {  	s7 =	sld [smem:$0x3F7F]  }
0x1a: {  	s8 =	sadd.s32 $0xFFFFE003, lr  }
0x1b: {  	s9 =	sadd.s32 $0xFFFFFEF7, lr;
	s5 =	simm.s32 $0xFFFFFFFF;
	p2 =	slt.u32 s8, $0xFFFFF086  }
0x1c: {  	p1 =	slt.u32 s9, $0xF7A;
	s5 =	simm.s32 @!p2 $0x0  }
0x1d: {  	s5 =	simm.s32 @p1 $0x1;
	p0 =	seq.s32 s7, s2  }
0x1e: {  	s7 =	smul.u32 @!p0 $0xF7A, s2;
	p2 =	seq.s32 @!p0 s5, $0x0  }
0x1f: {  	s9 =	smul.u32 $0xF7A, s1;
	s8 =	simm.s32 @!p0 $0x1BF5;
	p2 =	por !p2, p0  }
0x20: {  	[sflag:s8] =	ssyncset.s32 @!p0 $0xFFFFF086;
	s6 =	sadd.s32 @!p0 s3, s7;
	s7 =	simm.s32 @!p0 $0x108  }
0x21: {  	s3 =	sadd.s32 s3, s9;
	s6 =	sadd.s32 @!p0 $0x88, s6;
	s7 =	simm.s32 @p2 $0x1082  }
0x22: {  	[simem:s7], [sflag:s8] =	dma.local @!p0 [hbm:s6], $0xF7A  }
0x23: {  	s9 =	sor.u32 $0xD0000000, s2;
	s6 =	simm.s32 $0x108;
	_ =	swait.ge @!p0 [sflag:s8], $0x0  }
0x24: {  	s3 =	sadd.s32 $0x88, s3;
	s6 =	simm.s32 @!p1 $0x1082;
	[sflag:s4] =	ssyncset.s32 $0xFFFFF086  }
0x25: {  	[simem:s6], [sflag:s4] =	dma.local [hbm:s3], $0xF7A  }
0x26: {  	[smem:$0x3F7F] =	sst s1;
	(tag) =	ssettag s2;
	_ =	strace s9  }
0x27: {  	s1 =	sld [smem:$0x3F8F]  }
0x28: {  	s2 =	sld [smem:$0x3F90]  }
0x29: {  	s4 =	sld [smem:$0x3F92]  }
0x2a: {  	p0 =	seq.s32 s5, $0x0;
	s5 =	sld [smem:$0x3F93]  }
0x2b: {  	s6 =	sld [smem:$0x3F94]  }
0x2c: {  	s7 =	sld [smem:$0x3F95]  }
0x2d: {  	s3 =	simm.s32 $0x108;
	s8 =	sld [smem:$0x3F96]  }
0x2e: {  	s3 =	simm.s32 @!p0 $0x1082;
	s9 =	sld [smem:$0x3F97]  }
0x2f: {  	lr =	sadd.s32 s0, s3;
	s0 =	sld [smem:$0x3F8E]  }
0x30: {  	s3 =	sld [smem:$0x3F91]  }
0x31: {  	[smem:$0x3F9A] =	sst s10  }
0x32: {  	s10 =	sld [smem:$0x3F98];
	_ =	sdelay $0x3  }
0x33: {  	p0 =	seq.s32 s10, $0x1;
	s10 =	sld [smem:$0x3F9A];
	_ =	sdelay $0x3  }
0x34: {  	[smem:$0x3F9A] =	sst s10  }
0x35: {  	s10 =	sld [smem:$0x3F99];
	_ =	sdelay $0x3  }
0x36: {  	p1 =	seq.s32 s10, $0x1;
	s10 =	sld [smem:$0x3F9A];
	_ =	sdelay $0x3  }
0x37: {  	[smem:$0x3F9A] =	sst s10  }
0x38: {  	s10 =	sld [smem:$0x3F9B]  }
0x39: {  	_ = 	snop;
	(pc) =	sbr.ind lr, $3  }
0x3a: {  	_ = 	snop  }
0x3b: {  	_ = 	snop  }
0x3c: {  	p2 =	seq.s32 s10, $0x1;
	s10 =	sld [smem:$0x3F9A]  }
0x3d: {  	_ =	shalt  }
0x3e: {  	_ =	shalt  }
0x3f: {  	_ =	shalt  }
0x40: {  	_ =	shalt  }
0x41: {  	_ =	shalt  }
0x42: {  	_ =	shalt  }
0x43: {  	_ =	shalt  }
0x44: {  	_ =	shalt  }
0x45: {  	_ =	shalt  }
0x46: {  	_ =	shalt  }
0x47: {  	_ =	shalt  }
0x48: {  	_ =	shalt  }
0x49: {  	_ =	shalt  }
0x4a: {  	_ =	shalt  }
0x4b: {  	_ =	shalt  }
0x4c: {  	_ =	shalt  }
0x4d: {  	_ =	shalt  }
0x4e: {  	_ =	shalt  }
0x4f: {  	_ =	shalt  }
0x50: {  	_ =	shalt  }
0x51: {  	_ =	shalt  }
0x52: {  	_ =	shalt  }
0x53: {  	_ =	shalt  }
0x54: {  	_ =	shalt  }
0x55: {  	_ =	shalt  }
0x56: {  	_ =	shalt  }
0x57: {  	_ =	shalt  }
0x58: {  	_ =	shalt  }
0x59: {  	_ =	shalt  }
0x5a: {  	_ =	shalt  }
0x5b: {  	_ =	shalt  }
0x5c: {  	_ =	shalt  }
0x5d: {  	_ =	shalt  }
0x5e: {  	_ =	shalt  }
0x5f: {  	_ =	shalt  }
0x60: {  	_ =	shalt  }
0x61: {  	_ =	shalt  }
0x62: {  	_ =	shalt  }
0x63: {  	_ =	shalt  }
0x64: {  	_ =	shalt  }
0x65: {  	_ =	shalt  }
0x66: {  	_ =	shalt  }
0x67: {  	_ =	shalt  }
0x68: {  	_ =	shalt  }
0x69: {  	_ =	shalt  }
0x6a: {  	_ =	shalt  }
0x6b: {  	_ =	shalt  }
0x6c: {  	_ =	shalt  }
0x6d: {  	_ =	shalt  }
0x6e: {  	_ =	shalt  }
0x6f: {  	_ =	shalt  }
0x70: {  	_ =	shalt  }
0x71: {  	_ =	shalt  }
0x72: {  	_ =	shalt  }
0x73: {  	_ =	shalt  }
0x74: {  	_ =	shalt  }
0x75: {  	_ =	shalt  }
0x76: {  	_ =	shalt  }
0x77: {  	_ =	shalt  }
0x78: {  	_ =	shalt  }
0x79: {  	_ =	shalt  }
0x7a: {  	_ =	shalt  }
0x7b: {  	_ =	shalt  }
0x7c: {  	_ =	shalt  }
0x7d: {  	_ =	shalt  }
0x7e: {  	_ =	shalt  }
0x7f: {  	_ =	shalt  }
0x80: {  	_ =	shalt  }
0x81: {  	_ =	shalt  }
0x82: {  	_ =	shalt  }
0x83: {  	_ =	shalt  }
0x84: {  	_ =	shalt  }
0x85: {  	_ =	shalt  }
0x86: {  	_ =	shalt  }
0x87: {  	_ =	shalt  }
.Lfunc_end0:
.L_simem_size_0:
called_computation_lowered:
.L_overlay_start_0:
0x88: {  	s2 =	sld [smem:$0x3FD9]  }
0x89: {  	s3 =	sld [smem:$0x3FFE];
	_ =	sdelay $0x1  }
0x8a: {  	s1 =	srdreg.scid  }
0x8b: {  	s0 =	sand.u32 $0x1, s1  }
0x8c: {  	s14 =	sshll.u32 s0, $0xA;
	s2 =	sadd.s32 s3, s2  }
0x8d: {  	s2 =	sadd.s32 s2, s14  }
0x8e: {  	[smem:$0x3FA6] =	sst s2  }
0x8f: {  	_ = 	snop  }
0x90: {  	s2 =	sld [smem:$0x3FD0];
	_ =	sdelay $0x2  }
0x91: {  	s15 =	simm.s32 $0xA;
	s4 =	simm.s32 $0x10  }
0x92: {  	[smem:s4], [sflag:s15] =	dma.local [hbm:s2], $0x1  }
0x93: {  	_ =	swait.eq [sflag:s15], $0x1  }
0x94: {  	[sflag:s15] =	ssyncset.done $0x0  }
0x95: {  	s16 =	sld [smem:$0x10];
	[sflag:s15] =	ssyncadd.s32 $0xFFFFFFFF  }
0x96: {  	s17 =	sld [smem:$0x13];
	(tm) =	ssettm $0x1  }
0x97: {  	s18 =	sld [smem:$0x3FFB];
	_ =	sdelay $0x3  }
0x98: {  	_ =	strace s18  }
0x99: {  	s4 =	sld [smem:$0x3FFC];
	_ =	sdelay $0x3  }
0x9a: {  	_ =	strace s4  }
0x9b: {  	s4 =	sld [smem:$0x3FFD];
	_ =	sdelay $0x3  }
0x9c: {  	_ =	strace s4  }
0x9d: {  	_ =	strace $0x8FFFFFFF  }
0x9e: {  	s19 =	sld [smem:$0x3FDB];
	_ =	sdelay $0x1  }
0x9f: {  	s5 =	simm.s32 $_scs_section_size  }
0xa0: {  	s6 =	simm.s32 $_size__tile_overlayer_lowered;
	s7 =	simm.s32 $_tile_overlayer_lowered  }
0xa1: {  	s22 =	simm.s32 $0x1BFF;
	s21 =	sshll.u32 s7, $0x1;
	s4 =	sadd.s32 s5, s19  }
0xa2: {  	s8 =	simm.s32 $0x0;
	s20 =	sshll.u32 s6, $0x1;
	s6 =	sadd.s32 s21, s4  }
0xa3: {  	[timem:s8], [sflag:s22] =	dma.local [hbm:s6], s20  }
0xa4: {  	_ =	swait.ge [sflag:s22], s20  }
0xa5: {  	s5 =	ssub.s32 $0x0, s20;
	[sflag:s22] =	ssyncset.done $0x0  }
0xa6: {  	[sflag:s22] =	ssyncadd.s32 s5;
	_ =	sdelay $0x1  }
0xa7: {  	s23 =	simm.s32 $0x1B8B  }
0xa8: {  	_ =	swait.ge [sflag:s23], $0x1  }
0xa9: {  	[sflag:s23] =	ssyncset.done $0x0  }
0xaa: {  	s25 =	simm.s32 $0x1B8E;
	s24 =	sld [smem:$0x3FFE];
	[sflag:s23] =	ssyncadd.s32 $0xFFFFFFFF  }
0xab: {  	s26 =	simm.s32 $execute0_lowered;
	[smem:$0x3FD2] =	sst s25  }
0xac: {  	s6 =	sshll.u32 s26, $0x1;
	_ =	strace $0x80000046;
	[dreg:$0x1] =	wrdreg $0xFFFFFFFF  }
0xad: {  	s28 =	simm.s32 $_size_execute0_lowered;
	s4 =	sadd.s32 s4, s6;
	[dreg:$0x0] =	wrdreg $0x0  }
0xae: {  	s6 =	sshll.u32 s28, $0x1;
	[dreg:$0x2] =	wrdreg s4  }
0xaf: {  	[dreg:$0x3] =	wrdreg s6  }
0xb0: {  	[dreg:$0x4] =	wrdreg $0xC0  }
0xb1: {  	_ =	task [dreg:s8], $0x5FFFF  }
0xb2: {  	[dreg:$0x1] =	wrdreg $0xFFFFFFFF  }
0xb3: {  	[dreg:$0x0] =	wrdreg $0x60  }
0xb4: {  	[dreg:$0x2] =	wrdreg s24  }
0xb5: {  	[dreg:$0x3] =	wrdreg s17  }
0xb6: {  	[dreg:$0x4] =	wrdreg s16  }
0xb7: {  	[dreg:$0x5] =	wrdreg $0x0  }
0xb8: {  	[dreg:$0x6] =	wrdreg $0x1A0200  }
0xb9: {  	[dreg:$0x7] =	wrdreg $0x9  }
0xba: {  	_ =	task.clear_ibuf [dreg:s8], $0x8FFFF;
	_ =	strace $0x90000046  }
0xbb: {  	s29 =	simm.s32 $0x9;
	_ =	strace $0x80000048  }
0xbc: {  	_ =	swait.ge [sflag:s29], $0x1  }
0xbd: {  	[sflag:s29] =	ssyncadd.s32 $0xFFFFFFFF  }
0xbe: {  	_ =	strace $0x90000048  }
0xbf: {  	_ =	sfence  }
0xc0: {  	s30 =	sld [smem:$0x0];
	_ =	sdelay $0x2  }
0xc1: {  	s31 =	sshll.u32 s1, $0xD;
	s1 =	sshrl.u32 s1, $0x2  }
0xc2: {  	s3 =	sand.u32 $0x4000, s31;
	s1 =	sadd.s32 s1, s30  }
0xc3: {  	s0 =	sor.u32 s3, s0;
	s1 =	sshll.u32 s1, $0x11  }
0xc4: {  	s0 =	sor.u32 s1, s0  }
0xc5: {  	s0 =	sadd.s32 $0x8F2B, s0  }
0xc6: {  	[sflag:s0] =	ssyncadd.remote.s32 $0x1  }
0xc7: {  	_ =	sfence.sel $0xFFFF  }
0xc8: {  	[dreg:$0x0] =	wrdreg $0xFFFFFFFF;
	(pc) =	sbr.abs _section_cstart, $3  }
0xc9: {  	[dreg:$0x1] =	wrdreg $0xFFFFFFFF  }
0xca: {  	_ =	task.clear_ibuf [dreg:s8], $0x2FFFF;
	_ =	strace $0x9FFFFFFF  }
0xcb: {  	(tm) =	ssettm $0x7FFFFFFF  }
tec
execute0_lowered:
.L_overlay_start_1:
0x0: {  	(tag) =	ssettag $0x1  }
0x1: {  	s0 =	rddreg [dreg:$0x0]  }
0x2: {  	s17 =	rddreg [dreg:$0x3]  }
0x3: {  	s18 =	rddreg [dreg:$0x4]  }
0x4: {  	s1 =	simm.s32 $0x0;
	s4 =	stileid.u32;
	s31 =	simm.s32 $0x1BB68  }
0x5: {  	[smem:$0x7FF] =	sst s1;
	s6 =	sadd.s32 $0x1AB400, s0;
	s3 =	smul.u32 $0x680, s4  }
0x6: {  	s2 =	sadd.s32 $0x90B400, s0;
	s9 =	sadd.s32 $0x8400, s0;
	s26 =	smul.u32 $0x68000, s4  }
0x7: {  	s10 =	sadd.s32 $0x5400, s0;
	s5 =	sadd.s32 $0x34B400, s0;
	s8 =	smul.u32 $0xD000, s4  }
0x8: {  	s25 =	srdreg.scid;
	s11 =	sadd.s32 $0x382800, s0;
	s19 =	sadd.s32 $0x34E800, s0  }
0x9: {  	s1 =	sand.u32 $0x1, s25;
	s24 =	sadd.s32 $0x9CB400, s0;
	s25 =	sadd.s32 $0xA8B400, s0  }
0xa: {  	p0 =	sne.s32 s4, $0x0;
	_ =	strace $0x80000047;
	[dreg:$0x6] =	wrdreg s2  }
0xb: {  	s28 =	smul.u32 $0x1800, s4;
	s4 =	smov.u32 s17;
	[dreg:$0x7] =	wrdreg s5  }
0xc: {  	s2 =	smul.u32 $0x6800, s1;
	s1 =	ssub.s32 $0x2, s1;
	[dreg:$0x12] =	wrdreg s24  }
0xd: {  	[dreg:$0x13] =	wrdreg s25;
	s24 =	sadd.s32 $0xB400, s0;
	s0 =	sadd.s32 $0xB4B400, s0  }
0xe: {  	s7 =	sshrl.u32 s1, $0x1;
	s5 =	sshrl.u32 s26, $0x2;
	s8 =	sshrl.u32 s8, $0x2  }
0xf: {  	[dreg:$0x14] =	wrdreg s0;
	s0 =	simm.s32 $0x3;
	s3 =	sadd.s32 s3, s2  }
0x10: {  	s1 =	ssub.s32 s1, s7;
	s5 =	sadd.s32 s5, s17;
	s20 =	sadd.s32 s8, s18  }
0x11: {  	s29 =	sshll.u32 s3, $0x3;
	s30 =	sadd.s32 $0xD000, s3;
	[dreg:$0xc] =	wrdreg s5  }
0x12: {  	s12 =	sadd.s32 $0x1A000, s3;
	s13 =	sadd.s32 $0x27000, s3;
	[dreg:$0xd] =	wrdreg s20  }
0x13: {  	s3 =	sadd.s32 s19, s3;
	s26 =	smax.u32 s1, $0x1;
	s1 =	smov.u32 s18  }
0x14: {  	v0 =	vimm.s32 $0xEFCDAB89;
	s5 =	simm.s32 $0x40;
	s20 =	simm.s32 $0x1BC28;
	s7 =	sadd.s32 s11, s29  }
0x15: {  	v1 =	vimm.s32 $0x67452301;
	v2 =	vimm.s32 $0xDCFE98BA;
	v3 =	vimm.s32 $0x54761032;
	s14 =	sshll.u32 s30, $0x3;
	s15 =	sshll.u32 s12, $0x3;
	[dreg:$0xe] =	wrdreg s3  }
0x16: {  	v4 =	vimm.s32 $0xBA98FEDC;
	v5 =	vimm.s32 $0x32107654;
	v6 =	vimm.s32 $0xFEDCBA98;
	s16 =	sshll.u32 s13, $0x3;
	s21 =	sadd.s32 s19, s30;
	[dreg:$0x15] =	wrdreg s26  }
0x17: {  	v7 =	vimm.s32 $0x76543210;
	v0 =	vunpack.c.l.s4.s8 v0;
	v1 =	vunpack.c.l.s4.s8 v1;
	s22 =	sadd.s32 s19, s12;
	s23 =	sadd.s32 s19, s13;
	[dreg:$0x8] =	wrdreg s7  }
0x18: {  	v2 =	vunpack.c.l.s4.s8 v2;
	v3 =	vunpack.c.l.s4.s8 v3;
	v4 =	vunpack.c.l.s4.s8 v4;
	s29 =	sadd.s32 $0x1A0000, s17;
	s30 =	sadd.s32 $0x34000, s18;
	[dreg:$0xf] =	wrdreg s21  }
0x19: {  	v5 =	vunpack.c.l.s4.s8 v5;
	v6 =	vunpack.c.l.s4.s8 v6;
	v0 =	vunpack.c.0.s8.s32 v0;
	s12 =	simm.s32 $0x1BC68;
	s13 =	simm.s32 $0x1BBE8;
	[dreg:$0x10] =	wrdreg s22  }
0x1a: {  	v1 =	vunpack.c.0.s8.s32 v1;
	v2 =	vunpack.c.0.s8.s32 v2;
	v3 =	vunpack.c.0.s8.s32 v3;
	s17 =	simm.s32 $0x2;
	s18 =	simm.s32 $0x1FE68;
	[dreg:$0x11] =	wrdreg s23  }
0x1b: {  	v7 =	vunpack.c.l.s4.s8 v7;
	v4 =	vunpack.c.0.s8.s32 v4;
	v5 =	vunpack.c.0.s8.s32 v5;
	s19 =	simm.s32 $0x1FC68;
	s3 =	simm.s32 $0x0;
	[dreg:$0x16] =	wrdreg s29  }
0x1c: {  	v1 =	vcombine.low v1, v0;
	v2 =	vcombine.low v3, v2;
	v3 =	vunpack.c.0.s8.s32 v6;
	s14 =	sadd.s32 s11, s14;
	s15 =	sadd.s32 s11, s15;
	[dreg:$0x17] =	wrdreg s30  }
0x1d: {  	v0 =	vmov s2;
	v4 =	vcombine.low v5, v4;
	v5 =	vunpack.c.0.s8.s32 v7;
	s11 =	sadd.s32 s11, s16;
	s7 =	simm.s32 $0x1BBA8;
	[dreg:$0x9] =	wrdreg s14  }
0x1e: {  	s16 =	simm.s32 $0x1;
	v1 =	vand.u32 $0xF, v1;
	v2 =	vand.u32 $0xF, v2;
	v6 =	vand.u32 $0xF, v3;
	s21 =	simm.s32 $0x1EC68;
	[dreg:$0xa] =	wrdreg s15  }
0x1f: {  	v3 =	vand.u32 $0xF, v4;
	[dreg:$0xb] =	wrdreg s11;
	s14 =	simm.s32 $0x1CC68;
	s15 =	simm.s32 $0x1DC68;
	v4 =	vcombine.low v6, v5;
	v5 =	vlaneseq.u32  }
.LBB2_1:
0x20: {  	[dreg:$0x18] =	wrdreg s3  }
0x21: {  	s2 =	rddreg [dreg:$0x1]  }
0x22: {  	s25 =	simm.s32 $0x0;
	s8 =	simm.s32 $0x1BA28;
	s26 =	stileid.u32  }
0x23: {  	[tilespmem:s8], [sflag:$0x3] =	stream.linear.gather [hbm4b:s2+s25], $0x100, $0x38;
	[tilespmem:$0x1FE78] =	vst v63  }
0x24: {  	s2 =	sshll.u32 s26, $0x6;
	_ =	swait.ge [sflag:s0], $0x100  }
0x25: {  	s11 =	sor.u32 $0x1C03, s2;
	s29 =	rddreg [dreg:$0xc]  }
0x26: {  	[sflag:s0] =	ssyncset.done $0x0;
	s8 =	rddreg [dreg:$0x7];
	s2 =	sshrl.u32 s29, $0x3  }
0x27: {  	[sflag:s0] =	ssyncadd.s32 $0xFFFFFF00;
	[dreg:$0x1a] =	wrdreg s2  }
0x28: {  	[spmem:s2], [sflag:s11] =	dma.local [hbm:s8], $0x3400  }
0x29: {  	_ =	swait.ge [sflag:s0], $0x3400  }
0x2a: {  	[sflag:s0] =	ssyncset.done $0x0  }
0x2b: {  	s30 =	rddreg [dreg:$0xd];
	[sflag:s0] =	ssyncadd.s32 $0xFFFFCC00  }
0x2c: {  	s22 =	sshrl.u32 s30, $0x3;
	s3 =	rddreg [dreg:$0x2]  }
0x2d: {  	[dreg:$0x1b] =	wrdreg s22  }
0x2e: {  	[spmem:s22], [sflag:s11] =	dma.local [hbm:s3], $0x680  }
0x2f: {  	_ =	swait.ge [sflag:s0], $0x680  }
0x30: {  	s2 =	rddreg [dreg:$0x16]  }
0x31: {  	[sflag:s0] =	ssyncset.done $0x0;
	s2 =	sshrl.u32 @!p0 s2, $0x3  }
0x32: {  	[sflag:s0] =	ssyncadd.s32 $0xFFFFF980;
	[dreg:$0x1c] =	wrdreg s2  }
0x33: {  	[spmem:s2], [sflag:s11] =	dma.local @!p0 [hbm:s8], $0x40  }
0x34: {  	s2 =	simm.s32 @!p0 $0x3  }
0x35: {  	_ =	swait.ge @!p0 [sflag:s2], $0x40  }
0x36: {  	s8 =	rddreg [dreg:$0x17]  }
0x37: {  	[dreg:$0x19] =	wrdreg s11;
	[sflag:s2] =	ssyncset.done @!p0 $0x0;
	s8 =	sshrl.u32 @!p0 s8, $0x3  }
0x38: {  	[sflag:s2] =	ssyncadd.s32 @!p0 $0xFFFFFFC0;
	[dreg:$0x1d] =	wrdreg s8  }
0x39: {  	[spmem:s8], [sflag:s11] =	dma.local @!p0 [hbm:s3], $0x8  }
0x3a: {  	_ =	swait.ge @!p0 [sflag:s2], $0x8  }
0x3b: {  	[sflag:s2] =	ssyncset.done @!p0 $0x0  }
0x3c: {  	[sflag:s2] =	ssyncadd.s32 @!p0 $0xFFFFFFF8  }
0x3d: {  	[bflag:$0x0] =	sbarrier.arrive $0xFFFF  }
0x3e: {  	v6 =	vld [tilespmem:$0x1BA28]  }
0x3f: {  	v7 =	vld [tilespmem:$0x1BA38]  }
0x40: {  	v8 =	vld [tilespmem:$0x1BA48]  }
0x41: {  	s11 =	simm.s32 $0x0;
	v9 =	vld [tilespmem:$0x1BA58]  }
.LBB2_2:
0x42: {  	s2 =	sshll.u32 s11, $0x6  }
0x43: {  	s2 =	sadd.s32 s28, s2  }
0x44: {  	s3 =	sshrl.u32 s2, $0x3  }
0x45: {  	s22 =	simm.s32 $0x0;
	s23 =	simm.s32 $0x1BB28;
	s8 =	sadd.s32 s9, s3  }
0x46: {  	[tilespmem:s23], [sflag:$0x3] =	stream.linear.gather [hbm4b:s8+s22], $0x40, $0x38;
	[tilespmem:$0x1FE78] =	vst v63  }
0x47: {  	_ =	swait.ge [sflag:s0], $0x40  }
0x48: {  	[sflag:s0] =	ssyncset.done $0x0  }
0x49: {  	s3 =	sadd.s32 s10, s3;
	[sflag:s0] =	ssyncadd.s32 $0xFFFFFFC0  }
0x4a: {  	[tilespmem:s31], [sflag:$0x3] =	stream.linear.gather [hbm4b:s3+s22], $0x40, $0x38;
	[tilespmem:$0x1FE78] =	vst v63  }
0x4b: {  	_ =	swait.ge [sflag:s0], $0x40  }
0x4c: {  	[sflag:s0] =	ssyncset.done $0x0  }
0x4d: {  	[sflag:s0] =	ssyncadd.s32 $0xFFFFFFC0  }
0x4e: {  	v10 =	vld [tilespmem:$0x1BB28]  }
0x4f: {  	v11 =	vld [tilespmem:$0x1BB68]  }
0x50: {  	v12 =	vld [tilespmem:$0x1BB38]  }
0x51: {  	v13 =	vld [tilespmem:$0x1BB78];
	_ =	sdelay $0x1  }
0x52: {  	v14 =	vld [tilespmem:$0x1BB48];
	[tilespmem:$0x1BBA8] =	vst v10  }
0x53: {  	[tilespmem:$0x1BBE8] =	vst v11  }
0x54: {  	v10 =	vsub.s32 v11, v0;
	v11 =	vld [tilespmem:$0x1BB88];
	[tilespmem:$0x1BBB8] =	vst v12  }
0x55: {  	v12 =	vld [tilespmem:$0x1BB58];
	[tilespmem:$0x1BBF8] =	vst v13;
	v10 =	vmin.u32 v10, $0x6800  }
0x56: {  	[tilespmem:$0x1BC28] =	vst v10;
	v10 =	vsub.s32 v13, v0;
	v13 =	vld [tilespmem:$0x1BB98]  }
0x57: {  	[tilespmem:$0x1BBC8] =	vst v14;
	v10 =	vmin.u32 v10, $0x6800  }
0x58: {  	[tilespmem:$0x1BC38] =	vst v10  }
0x59: {  	v10 =	vsub.s32 v11, v0;
	[tilespmem:$0x1BC08] =	vst v11  }
0x5a: {  	[tilespmem:$0x1BBD8] =	vst v12;
	v10 =	vmin.u32 v10, $0x6800  }
0x5b: {  	[tilespmem:$0x1BC48] =	vst v10;
	v10 =	vsub.s32 v13, v0  }
0x5c: {  	[tilespmem:$0x1BC18] =	vst v13;
	v10 =	vmin.u32 v10, $0x6800  }
0x5d: {  	[tilespmem:$0x1BC58] =	vst v10  }
0x5e: {  	[tilespmem:s12], [sflag:$0x1] =	stream.indirect.gather [hbm4b:s6+s5], $0x40, s7, s5, $0xb8;
	[tilespmem:$0x1FE78] =	vst v63  }
0x5f: {  	s2 =	sshll.u32 s2, $0x3;
	s23 =	rddreg [dreg:$0x6]  }
0x60: {  	[tilespmem:s14], [sflag:$0x2] =	stream.indirect.gather [hbm4b:s24+s5], $0x40, s13, s5, $0xb8;
	[tilespmem:$0x1FE78] =	vst v63  }
0x61: {  	s2 =	sadd.s32 s23, s2  }
0x62: {  	[tilespmem:s15], [sflag:$0x3] =	stream.linear.gather [hbm4b:s2+s22], $0x1000, $0x38;
	[tilespmem:$0x1FE78] =	vst v63  }
0x63: {  	_ =	swait.ge [sflag:s0], $0x1000  }
0x64: {  	[sflag:s0] =	ssyncset.done $0x0  }
0x65: {  	[sflag:s0] =	ssyncadd.s32 $0xFFFFF000  }
0x66: {  	_ =	swait.ge [sflag:s16], $0x1000  }
0x67: {  	[sflag:s16] =	ssyncset.done $0x0  }
0x68: {  	[sflag:s16] =	ssyncadd.s32 $0xFFFFF000  }
0x69: {  	_ =	swait.ge [sflag:s17], $0x1000  }
0x6a: {  	[sflag:s17] =	ssyncset.done $0x0  }
0x6b: {  	s26 =	simm.s32 $0x1CCA8;
	[sflag:s17] =	ssyncadd.s32 $0xFFFFF000  }
0x6c: {  	v10 =	vld [tilespmem:s26+$0xFFFFFFF0]  }
0x6d: {  	v11 =	vld [tilespmem:s26+$0xFFFFFFE0]  }
0x6e: {  	s25 =	simm.s32 $0x1BCA8;
	v12 =	vld [tilespmem:s26+$0xFFFFFFD0]  }
0x6f: {  	v13 =	vld [tilespmem:s25+$0xFFFFFFC0]  }
0x70: {  	v14 =	vld [tilespmem:s26+$0xFFFFFFC0]  }
0x71: {  	s30 =	simm.s32 $0x1DCA8;
	v15 =	vld [tilespmem:s25+$0xFFFFFFD0]  }
0x72: {  	v16 =	vld [tilespmem:s30+$0xFFFFFFC0]  }
0x73: {  	v17 =	vld [tilespmem:s30+$0xFFFFFFD0]  }
0x74: {  	v18 =	vld [tilespmem:s25+$0xFFFFFFE0]  }
0x75: {  	v19 =	vld [tilespmem:s25+$0xFFFFFFF0];
	v14 =	vadd.f32 v14, v13  }
0x76: {  	v20 =	vld [tilespmem:s30+$0xFFFFFFE0]  }
0x77: {  	v12 =	vadd.f32 v12, v15;
	v14 =	vadd.f32 v16, v14  }
0x78: {  	v50 =	vld [tilespmem:s30+$0xFFFFFFF0]  }
0x79: {  	v11 =	vadd.f32 v11, v18;
	v12 =	vadd.f32 v17, v12;
	v51 =	vmul.f32 $2.000000030e-01, v14  }
0x7a: {  	v10 =	vadd.f32 v10, v19;
	vm0 =	vge.f32 v14, $0.0e+00  }
0x7b: {  	v11 =	vadd.f32 v20, v11;
	v21 =	vmul.f32 $2.000000030e-01, v12;
	v14 =	vsel vm0, v14, v51  }
0x7c: {  	vm9 =	vge.f32 v12, $0.0e+00;
	v14 =	vmul.f32 v14, v6  }
0x7d: {  	v10 =	vadd.f32 v50, v10;
	v52 =	vmul.f32 $2.000000030e-01, v11;
	v12 =	vsel vm9, v12, v21  }
0x7e: {  	vm10 =	vge.f32 v11, $0.0e+00;
	v12 =	vmul.f32 v12, v7;
	v14 =	vadd.f32 $0.0e+00, v14  }
0x7f: {  	v53 =	vmul.f32 $2.000000030e-01, v10;
	v11 =	vsel vm10, v11, v52  }
0x80: {  	vm11 =	vge.f32 v10, $0.0e+00;
	v11 =	vmul.f32 v11, v8;
	v12 =	vadd.f32 v12, v14  }
0x81: {  	v10 =	vsel vm11, v10, v53  }
0x82: {  	v10 =	vmul.f32 v10, v9;
	v11 =	vadd.f32 v11, v12;
	_ =	sdelay $0x1  }
0x83: {  	v10 =	vadd.f32 v10, v11;
	_ =	sdelay $0x1  }
0x84: {  	[tilespmem:$0x1FE68] =	vst v10  }
0x85: {  	v11 =	vld.idx.msk [tilespmem:v1+s18+$0x0], $0xffff;
	_ =	sdelay $0x4  }
0x86: {  	v10 =	vadd.f32 v10, v11;
	_ =	sdelay $0x1  }
0x87: {  	[tilespmem:$0x1FE68] =	vst v10  }
0x88: {  	v11 =	vld.idx.msk [tilespmem:v2+s18+$0x0], $0xffff;
	_ =	sdelay $0x4  }
0x89: {  	v10 =	vadd.f32 v10, v11;
	_ =	sdelay $0x1  }
0x8a: {  	[tilespmem:$0x1FE68] =	vst v10  }
0x8b: {  	v11 =	vld.idx.msk [tilespmem:v3+s18+$0x0], $0xffff;
	_ =	sdelay $0x4  }
0x8c: {  	v10 =	vadd.f32 v10, v11;
	_ =	sdelay $0x1  }
0x8d: {  	[tilespmem:$0x1FE68] =	vst v10  }
0x8e: {  	v11 =	vld.idx.msk [tilespmem:v4+s18+$0x0], $0xffff;
	_ =	sdelay $0x4  }
0x8f: {  	v10 =	vadd.f32 v11, v10;
	_ =	sdelay $0x1  }
0x90: {  	v10 =	vmul.f32 $1.442695020e+00, v10;
	_ =	sdelay $0x1  }
0x91: {  	(erf) = vpow2.f32 v10;
	_ =	sdelay $0x8  }
0x92: {  	v10 =	vpop (erf)  }
0x93: {  	s23 =	simm.s32 $0x0;
	v11 =	vmul.f32 v10, v19  }
0x94: {  	s2 =	simm.s32 $0x1ECA8;
	v12 =	vmul.f32 v10, v13;
	v13 =	vor.u32 s23, v5  }
0x95: {  	v14 =	vmul.f32 v10, v15;
	[tilespmem:s2+$0xFFFFFFF0] =	vst v11  }
0x96: {  	v11 =	vmul.f32 v10, v18;
	[tilespmem:s2+$0xFFFFFFC0] =	vst v12  }
0x97: {  	[tilespmem:s2+$0xFFFFFFD0] =	vst v14  }
0x98: {  	[tilespmem:s2+$0xFFFFFFE0] =	vst v11  }
0x99: {  	[tilespmem:v13+s19+$0x0] =	vst.idx.msk $0xf, v10  }
0x9a: {  	v14 =	vld [tilespmem:s30+$0x10]  }
0x9b: {  	v10 =	vld [tilespmem:s25+$0x20]  }
0x9c: {  	v11 =	vld [tilespmem:s25+$0x10]  }
0x9d: {  	v12 =	vld [tilespmem:s25+$0x0]  }
0x9e: {  	v13 =	vld [tilespmem:s26+$0x0]  }
0x9f: {  	v15 =	vld [tilespmem:s26+$0x10]  }
0xa0: {  	v54 =	vld [tilespmem:s30+$0x0]  }
0xa1: {  	v55 =	vld [tilespmem:s26+$0x20]  }
0xa2: {  	v56 =	vld [tilespmem:s30+$0x20]  }
0xa3: {  	v58 =	vld [tilespmem:s26+$0x30];
	v57 =	vadd.f32 v13, v12  }
0xa4: {  	v13 =	vld [tilespmem:s25+$0x30]  }
0xa5: {  	v15 =	vadd.f32 v15, v11;
	v16 =	vadd.f32 v54, v57  }
0xa6: {  	v59 =	vld [tilespmem:s30+$0x30];
	v17 =	vadd.f32 v55, v10  }
0xa7: {  	v14 =	vadd.f32 v14, v15;
	v15 =	vmul.f32 $2.000000030e-01, v16  }
0xa8: {  	v17 =	vadd.f32 v56, v17;
	vm12 =	vge.f32 v16, $0.0e+00  }
0xa9: {  	v60 =	vmul.f32 $2.000000030e-01, v14;
	v61 =	vadd.f32 v58, v13;
	v15 =	vsel vm12, v16, v15  }
0xaa: {  	vm13 =	vge.f32 v14, $0.0e+00;
	v15 =	vmul.f32 v15, v6  }
0xab: {  	v62 =	vmul.f32 $2.000000030e-01, v17;
	v14 =	vsel vm13, v14, v60;
	v16 =	vadd.f32 v59, v61  }
0xac: {  	vm14 =	vge.f32 v17, $0.0e+00;
	v14 =	vmul.f32 v14, v7;
	v15 =	vadd.f32 $0.0e+00, v15  }
0xad: {  	v17 =	vsel vm14, v17, v62;
	v63 =	vmul.f32 $2.000000030e-01, v16  }
0xae: {  	v17 =	vmul.f32 v17, v8;
	vm15 =	vge.f32 v16, $0.0e+00;
	v14 =	vadd.f32 v14, v15  }
0xaf: {  	v15 =	vsel vm15, v16, v63  }
0xb0: {  	v15 =	vmul.f32 v15, v9;
	v14 =	vadd.f32 v17, v14;
	_ =	sdelay $0x1  }
0xb1: {  	v14 =	vadd.f32 v15, v14;
	_ =	sdelay $0x1  }
0xb2: {  	[tilespmem:$0x1FE68] =	vst v14  }
0xb3: {  	v15 =	vld.idx.msk [tilespmem:v1+s18+$0x0], $0xffff;
	_ =	sdelay $0x4  }
0xb4: {  	v14 =	vadd.f32 v14, v15;
	_ =	sdelay $0x1  }
0xb5: {  	[tilespmem:$0x1FE68] =	vst v14  }
0xb6: {  	v15 =	vld.idx.msk [tilespmem:v2+s18+$0x0], $0xffff;
	_ =	sdelay $0x4  }
0xb7: {  	v14 =	vadd.f32 v14, v15;
	_ =	sdelay $0x1  }
0xb8: {  	[tilespmem:$0x1FE68] =	vst v14  }
0xb9: {  	v15 =	vld.idx.msk [tilespmem:v3+s18+$0x0], $0xffff;
	_ =	sdelay $0x4  }
0xba: {  	v14 =	vadd.f32 v14, v15;
	_ =	sdelay $0x1  }
0xbb: {  	[tilespmem:$0x1FE68] =	vst v14  }
0xbc: {  	v15 =	vld.idx.msk [tilespmem:v4+s18+$0x0], $0xffff;
	_ =	sdelay $0x4  }
0xbd: {  	v14 =	vadd.f32 v15, v14;
	_ =	sdelay $0x1  }
0xbe: {  	v14 =	vmul.f32 $1.442695020e+00, v14;
	_ =	sdelay $0x1  }
0xbf: {  	(erf) = vpow2.f32 v14  }
0xc0: {  	s29 =	simm.s32 $0x1ECA8;
	s8 =	simm.s32 $0x2;
	s22 =	simm.s32 $0x1BD28  }
.LBB2_3:
0xc1: {  	s26 =	sadd.s32 $0x80, s26;
	s30 =	sadd.s32 $0x80, s30;
	s2 =	sadd.s32 $0x80, s2  }
0xc2: {  	p1 =	slt.u32 s8, $0x3E;
	s25 =	smov.u32 s8;
	s8 =	sadd.s32 $0x2, s8  }
0xc3: {  	_ =	sdelay $0x4  }
0xc4: {  	s3 =	sadd.s32 $0x8, s23;
	v14 =	vpop (erf)  }
0xc5: {  	v15 =	vadd.s32 s3, v5;
	v12 =	vmul.f32 v14, v12;
	v11 =	vmul.f32 v14, v11  }
0xc6: {  	v10 =	vmul.f32 v14, v10;
	v13 =	vmul.f32 v14, v13  }
0xc7: {  	[tilespmem:s29+$0x0] =	vst v12  }
0xc8: {  	[tilespmem:s29+$0x20] =	vst v10  }
0xc9: {  	[tilespmem:s29+$0x10] =	vst v11  }
0xca: {  	[tilespmem:s29+$0x30] =	vst v13;
	s29 =	smov.u32 s2  }
0xcb: {  	[tilespmem:v15+s19+$0x0] =	vst.idx.msk $0xf, v14  }
0xcc: {  	v10 =	vld [tilespmem:s26+$0xFFFFFFF0]  }
0xcd: {  	v11 =	vld [tilespmem:s26+$0xFFFFFFE0]  }
0xce: {  	v12 =	vld [tilespmem:s26+$0xFFFFFFD0]  }
0xcf: {  	v13 =	vld [tilespmem:s22+$0xFFFFFFC0]  }
0xd0: {  	v14 =	vld [tilespmem:s26+$0xFFFFFFC0]  }
0xd1: {  	v15 =	vld [tilespmem:s22+$0xFFFFFFD0]  }
0xd2: {  	v16 =	vld [tilespmem:s30+$0xFFFFFFC0]  }
0xd3: {  	v17 =	vld [tilespmem:s30+$0xFFFFFFD0]  }
0xd4: {  	v18 =	vld [tilespmem:s22+$0xFFFFFFE0]  }
0xd5: {  	v14 =	vadd.f32 v14, v13;
	v19 =	vld [tilespmem:s22+$0xFFFFFFF0]  }
0xd6: {  	v12 =	vadd.f32 v12, v15;
	v20 =	vld [tilespmem:s30+$0xFFFFFFE0]  }
0xd7: {  	v14 =	vadd.f32 v16, v14;
	v16 =	vld [tilespmem:s30+$0xFFFFFFF0]  }
0xd8: {  	v12 =	vadd.f32 v17, v12  }
0xd9: {  	v17 =	vmul.f32 $2.000000030e-01, v14;
	v11 =	vadd.f32 v11, v18  }
0xda: {  	vm0 =	vge.f32 v14, $0.0e+00;
	v21 =	vmul.f32 $2.000000030e-01, v12;
	v10 =	vadd.f32 v10, v19  }
0xdb: {  	v14 =	vsel vm0, v14, v17;
	vm0 =	vge.f32 v12, $0.0e+00;
	v11 =	vadd.f32 v20, v11  }
0xdc: {  	v14 =	vmul.f32 v14, v6;
	v12 =	vsel vm0, v12, v21;
	v10 =	vadd.f32 v16, v10  }
0xdd: {  	v16 =	vmul.f32 $2.000000030e-01, v11  }
0xde: {  	v12 =	vmul.f32 v12, v7;
	vm0 =	vge.f32 v11, $0.0e+00;
	v14 =	vadd.f32 $0.0e+00, v14  }
0xdf: {  	v11 =	vsel vm0, v11, v16;
	v16 =	vmul.f32 $2.000000030e-01, v10  }
0xe0: {  	vm0 =	vge.f32 v10, $0.0e+00;
	v12 =	vadd.f32 v12, v14;
	v11 =	vmul.f32 v11, v8  }
0xe1: {  	v10 =	vsel vm0, v10, v16  }
0xe2: {  	v11 =	vadd.f32 v11, v12;
	v10 =	vmul.f32 v10, v9;
	_ =	sdelay $0x1  }
0xe3: {  	v10 =	vadd.f32 v10, v11;
	_ =	sdelay $0x1  }
0xe4: {  	[tilespmem:$0x1FE68] =	vst v10  }
0xe5: {  	v11 =	vld.idx.msk [tilespmem:v1+s18+$0x0], $0xffff;
	_ =	sdelay $0x5  }
0xe6: {  	v10 =	vadd.f32 v10, v11;
	_ =	sdelay $0x1  }
0xe7: {  	[tilespmem:$0x1FE68] =	vst v10  }
0xe8: {  	v11 =	vld.idx.msk [tilespmem:v2+s18+$0x0], $0xffff;
	_ =	sdelay $0x5  }
0xe9: {  	v10 =	vadd.f32 v10, v11;
	_ =	sdelay $0x1  }
0xea: {  	[tilespmem:$0x1FE68] =	vst v10  }
0xeb: {  	v11 =	vld.idx.msk [tilespmem:v3+s18+$0x0], $0xffff;
	_ =	sdelay $0x5  }
0xec: {  	v10 =	vadd.f32 v10, v11;
	_ =	sdelay $0x1  }
0xed: {  	[tilespmem:$0x1FE68] =	vst v10  }
0xee: {  	v11 =	vld.idx.msk [tilespmem:v4+s18+$0x0], $0xffff;
	_ =	sdelay $0x5  }
0xef: {  	v10 =	vadd.f32 v11, v10;
	_ =	sdelay $0x1  }
0xf0: {  	v10 =	vmul.f32 $1.442695020e+00, v10;
	_ =	sdelay $0x1  }
0xf1: {  	(erf) = vpow2.f32 v10;
	_ =	sdelay $0x8  }
0xf2: {  	v10 =	vpop (erf)  }
0xf3: {  	s23 =	sshll.u32 s25, $0x3;
	v11 =	vmul.f32 v10, v13;
	v12 =	vmul.f32 v10, v19  }
0xf4: {  	v13 =	vmul.f32 v10, v15;
	v14 =	vmul.f32 v10, v18;
	v15 =	vor.u32 s23, v5  }
0xf5: {  	[tilespmem:s2+$0xFFFFFFF0] =	vst v12  }
0xf6: {  	[tilespmem:s2+$0xFFFFFFC0] =	vst v11  }
0xf7: {  	[tilespmem:s2+$0xFFFFFFD0] =	vst v13  }
0xf8: {  	[tilespmem:s2+$0xFFFFFFE0] =	vst v14  }
0xf9: {  	[tilespmem:v15+s19+$0x0] =	vst.idx.msk $0xf, v10  }
0xfa: {  	v13 =	vld [tilespmem:s30+$0x10]  }
0xfb: {  	v14 =	vld [tilespmem:s30+$0x20]  }
0xfc: {  	v10 =	vld [tilespmem:s22+$0x20]  }
0xfd: {  	v11 =	vld [tilespmem:s22+$0x10]  }
0xfe: {  	v15 =	vld [tilespmem:s26+$0x20]  }
0xff: {  	v16 =	vld [tilespmem:s26+$0x10]  }
0x100: {  	v12 =	vld [tilespmem:s22+$0x0]  }
0x101: {  	v17 =	vld [tilespmem:s26+$0x0];
	_ =	sdelay $0x2  }
0x102: {  	v15 =	vadd.f32 v15, v10;
	v18 =	vld [tilespmem:s30+$0x0];
	v16 =	vadd.f32 v16, v11;
	_ =	sdelay $0x1  }
0x103: {  	v14 =	vadd.f32 v14, v15;
	v16 =	vadd.f32 v13, v16  }
0x104: {  	v15 =	vadd.f32 v17, v12;
	v17 =	vld [tilespmem:s26+$0x30]  }
0x105: {  	v20 =	vmul.f32 $2.000000030e-01, v14;
	v19 =	vmul.f32 $2.000000030e-01, v16;
	v13 =	vld [tilespmem:s22+$0x30]  }
0x106: {  	vm1 =	vge.f32 v14, $0.0e+00;
	vm0 =	vge.f32 v16, $0.0e+00;
	v15 =	vadd.f32 v18, v15  }
0x107: {  	v14 =	vsel vm1, v14, v20;
	v16 =	vsel vm0, v16, v19;
	v18 =	vld [tilespmem:s30+$0x30]  }
0x108: {  	v19 =	vmul.f32 $2.000000030e-01, v15  }
0x109: {  	v14 =	vmul.f32 v14, v8;
	vm0 =	vge.f32 v15, $0.0e+00  }
0x10a: {  	v15 =	vsel vm0, v15, v19;
	v17 =	vadd.f32 v17, v13  }
0x10b: {  	v16 =	vmul.f32 v16, v7;
	v15 =	vmul.f32 v15, v6  }
0x10c: {  	v17 =	vadd.f32 v18, v17  }
0x10d: {  	v15 =	vadd.f32 $0.0e+00, v15  }
0x10e: {  	v18 =	vmul.f32 $2.000000030e-01, v17  }
0x10f: {  	vm0 =	vge.f32 v17, $0.0e+00;
	v15 =	vadd.f32 v16, v15  }
0x110: {  	v16 =	vsel vm0, v17, v18  }
0x111: {  	v14 =	vadd.f32 v14, v15;
	v15 =	vmul.f32 v16, v9;
	_ =	sdelay $0x1  }
0x112: {  	v14 =	vadd.f32 v15, v14;
	_ =	sdelay $0x1  }
0x113: {  	[tilespmem:$0x1FE68] =	vst v14  }
0x114: {  	v15 =	vld.idx.msk [tilespmem:v1+s18+$0x0], $0xffff;
	_ =	sdelay $0x5  }
0x115: {  	v14 =	vadd.f32 v14, v15;
	_ =	sdelay $0x1  }
0x116: {  	[tilespmem:$0x1FE68] =	vst v14  }
0x117: {  	v15 =	vld.idx.msk [tilespmem:v2+s18+$0x0], $0xffff;
	_ =	sdelay $0x5  }
0x118: {  	v14 =	vadd.f32 v14, v15;
	_ =	sdelay $0x1  }
0x119: {  	[tilespmem:$0x1FE68] =	vst v14  }
0x11a: {  	v15 =	vld.idx.msk [tilespmem:v3+s18+$0x0], $0xffff;
	_ =	sdelay $0x5  }
0x11b: {  	v14 =	vadd.f32 v14, v15;
	_ =	sdelay $0x1  }
0x11c: {  	[tilespmem:$0x1FE68] =	vst v14  }
0x11d: {  	v15 =	vld.idx.msk [tilespmem:v4+s18+$0x0], $0xffff;
	_ =	sdelay $0x5  }
0x11e: {  	v14 =	vadd.f32 v15, v14  }
.Ltmp0:
0x11f: {  	(pc) =	sbr.rel @p1 .LBB2_3-.Ltmp0, $3  }
0x120: {  	v14 =	vmul.f32 $1.442695020e+00, v14;
	_ =	sdelay $0x1  }
0x121: {  	(erf) = vpow2.f32 v14  }
0x122: {  	s22 =	sadd.s32 $0x80, s22  }
0x123: {  	_ =	sdelay $0x6  }
0x124: {  	v14 =	vpop (erf)  }
0x125: {  	s2 =	sadd.s32 $0x8, s23;
	v12 =	vmul.f32 v14, v12  }
0x126: {  	v15 =	vadd.s32 s2, v5;
	v10 =	vmul.f32 v14, v10  }
0x127: {  	v11 =	vmul.f32 v14, v11;
	[tilespmem:s29+$0x0] =	vst v12  }
0x128: {  	v63 =	vmul.f32 v14, v13;
	[tilespmem:s29+$0x20] =	vst v10  }
0x129: {  	[tilespmem:s29+$0x10] =	vst v11  }
0x12a: {  	[tilespmem:s29+$0x30] =	vst v63  }
0x12b: {  	[tilespmem:v15+s19+$0x0] =	vst.idx.msk $0xf, v14  }
0x12c: {  	[spmem:s4] =	stream.indirect.scatter.add.f32 [tilespmem:s21], [sflag:$0x3], $0x40, s20, s5, $0xb8;
	[tilespmem:$0x1FE78] =	vst v63  }
0x12d: {  	s11 =	sadd.s32 $0x1, s11;
	_ =	swait.ge [sflag:s0], $0x1000  }
0x12e: {  	p1 =	sne.s32 s11, $0x60;
	[sflag:s0] =	ssyncset.done $0x0  }
.Ltmp1:
0x12f: {  	[sflag:s0] =	ssyncadd.s32 $0xFFFFF000;
	(pc) =	sbr.rel @p1 .LBB2_2-.Ltmp1, $4  }
0x130: {  	[spmem:s1] =	stream.indirect.scatter.add.f32 [tilespmem:s19], [sflag:$0x3], $0x4, s20, s5, $0xb8;
	[tilespmem:$0x1FE78] =	vst v63  }
0x131: {  	_ =	swait.ge [sflag:s0], $0x100  }
0x132: {  	[sflag:s0] =	ssyncset.done $0x0  }
0x133: {  	[sflag:s0] =	ssyncadd.s32 $0xFFFFFF00  }
0x134: {  	[bflag:$0x0] =	sbarrier.arrive $0xFFFF  }
0x135: {  	s2 =	rddreg [dreg:$0x8]  }
0x136: {  	s11 =	rddreg [dreg:$0x19]  }
0x137: {  	s3 =	rddreg [dreg:$0x1a]  }
0x138: {  	[hbm:s2], [sflag:s11] =	dma.local [spmem:s3], $0x3400  }
0x139: {  	_ =	swait.ge [sflag:s0], $0x3400  }
0x13a: {  	[sflag:s0] =	ssyncset.done $0x0;
	s30 =	rddreg [dreg:$0xe]  }
0x13b: {  	s22 =	rddreg [dreg:$0x1b];
	[sflag:s0] =	ssyncadd.s32 $0xFFFFCC00  }
0x13c: {  	[hbm:s30], [sflag:s11] =	dma.local [spmem:s22], $0x680  }
0x13d: {  	_ =	swait.ge [sflag:s0], $0x680  }
0x13e: {  	[sflag:s0] =	ssyncset.done $0x0  }
0x13f: {  	[sflag:s0] =	ssyncadd.s32 $0xFFFFF980  }
0x140: {  	[bflag:$0x0] =	sbarrier.arrive $0xFFFF  }
0x141: {  	s8 =	rddreg [dreg:$0x7]  }
0x142: {  	[spmem:s3], [sflag:s11] =	dma.local [hbm:s8], $0x3400  }
0x143: {  	_ =	swait.ge [sflag:s0], $0x3400  }
0x144: {  	[sflag:s0] =	ssyncset.done $0x0  }
0x145: {  	[sflag:s0] =	ssyncadd.s32 $0xFFFFCC00  }
0x146: {  	s3 =	rddreg [dreg:$0x2]  }
0x147: {  	[spmem:s22], [sflag:s11] =	dma.local [hbm:s3], $0x680  }
0x148: {  	_ =	swait.ge [sflag:s0], $0x680  }
0x149: {  	[sflag:s0] =	ssyncset.done $0x0  }
0x14a: {  	s2 =	rddreg [dreg:$0x1c];
	[sflag:s0] =	ssyncadd.s32 $0xFFFFF980  }
0x14b: {  	[spmem:s2], [sflag:s11] =	dma.local @!p0 [hbm:s8], $0x40  }
0x14c: {  	s2 =	simm.s32 @!p0 $0x3  }
0x14d: {  	_ =	swait.ge @!p0 [sflag:s2], $0x40  }
0x14e: {  	[sflag:s2] =	ssyncset.done @!p0 $0x0  }
0x14f: {  	s8 =	rddreg [dreg:$0x1d];
	[sflag:s2] =	ssyncadd.s32 @!p0 $0xFFFFFFC0  }
0x150: {  	[spmem:s8], [sflag:s11] =	dma.local @!p0 [hbm:s3], $0x8  }
0x151: {  	_ =	swait.ge @!p0 [sflag:s2], $0x8  }
0x152: {  	[sflag:s2] =	ssyncset.done @!p0 $0x0  }
0x153: {  	[sflag:s2] =	ssyncadd.s32 @!p0 $0xFFFFFFF8  }
0x154: {  	[bflag:$0x0] =	sbarrier.arrive $0xFFFF  }
0x155: {  	v6 =	vld [tilespmem:$0x1BA68]  }
0x156: {  	v7 =	vld [tilespmem:$0x1BA78]  }
0x157: {  	v8 =	vld [tilespmem:$0x1BA88]  }
0x158: {  	s26 =	simm.s32 $0x0;
	s11 =	simm.s32 $0x0;
	v9 =	vld [tilespmem:$0x1BA98]  }
.LBB2_6:
0x159: {  	s2 =	sshll.u32 s11, $0x6  }
0x15a: {  	s2 =	sadd.s32 s28, s2  }
0x15b: {  	s3 =	sshrl.u32 s2, $0x3  }
0x15c: {  	s22 =	simm.s32 $0x1BB28;
	s8 =	sadd.s32 s9, s3  }
0x15d: {  	[tilespmem:s22], [sflag:$0x3] =	stream.linear.gather [hbm4b:s8+s26], $0x40, $0x38;
	[tilespmem:$0x1FE78] =	vst v63  }
0x15e: {  	_ =	swait.ge [sflag:s0], $0x40  }
0x15f: {  	[sflag:s0] =	ssyncset.done $0x0  }
0x160: {  	s3 =	sadd.s32 s10, s3;
	[sflag:s0] =	ssyncadd.s32 $0xFFFFFFC0  }
0x161: {  	[tilespmem:s31], [sflag:$0x3] =	stream.linear.gather [hbm4b:s3+s26], $0x40, $0x38;
	[tilespmem:$0x1FE78] =	vst v63  }
0x162: {  	_ =	swait.ge [sflag:s0], $0x40  }
0x163: {  	[sflag:s0] =	ssyncset.done $0x0  }
0x164: {  	[sflag:s0] =	ssyncadd.s32 $0xFFFFFFC0  }
0x165: {  	v10 =	vld [tilespmem:$0x1BB28]  }
0x166: {  	v11 =	vld [tilespmem:$0x1BB68];
	_ =	sdelay $0x1  }
0x167: {  	v12 =	vld [tilespmem:$0x1BB38]  }
0x168: {  	v13 =	vld [tilespmem:$0x1BB78]  }
0x169: {  	v10 =	vadd.s32 $0xD000, v10  }
0x16a: {  	v14 =	vld [tilespmem:$0x1BB48];
	[tilespmem:$0x1BBA8] =	vst v10;
	v10 =	vadd.s32 $0xD000, v11;
	v11 =	vsub.s32 v11, v0  }
0x16b: {  	[tilespmem:$0x1BBE8] =	vst v10;
	v10 =	vmin.u32 v11, $0x6800;
	v11 =	vld [tilespmem:$0x1BB88]  }
0x16c: {  	[tilespmem:$0x1BC28] =	vst v10;
	v10 =	vadd.s32 $0xD000, v12  }
0x16d: {  	v12 =	vsub.s32 v13, v0;
	[tilespmem:$0x1BBB8] =	vst v10;
	v10 =	vadd.s32 $0xD000, v13;
	v13 =	vld [tilespmem:$0x1BB58]  }
0x16e: {  	[tilespmem:$0x1BBF8] =	vst v10;
	v10 =	vmin.u32 v12, $0x6800;
	v12 =	vld [tilespmem:$0x1BB98]  }
0x16f: {  	[tilespmem:$0x1BC38] =	vst v10;
	v10 =	vadd.s32 $0xD000, v14  }
0x170: {  	[tilespmem:$0x1BBC8] =	vst v10;
	v10 =	vadd.s32 $0xD000, v11;
	v11 =	vsub.s32 v11, v0  }
0x171: {  	[tilespmem:$0x1BC08] =	vst v10;
	v10 =	vmin.u32 v11, $0x6800  }
0x172: {  	[tilespmem:$0x1BC48] =	vst v10;
	v10 =	vadd.s32 $0xD000, v13  }
0x173: {  	[tilespmem:$0x1BBD8] =	vst v10;
	v10 =	vadd.s32 $0xD000, v12;
	v11 =	vsub.s32 v12, v0  }
0x174: {  	[tilespmem:$0x1BC18] =	vst v10;
	v10 =	vmin.u32 v11, $0x6800  }
0x175: {  	[tilespmem:$0x1BC58] =	vst v10  }
0x176: {  	[tilespmem:s12], [sflag:$0x1] =	stream.indirect.gather [hbm4b:s6+s5], $0x40, s7, s5, $0xb8;
	[tilespmem:$0x1FE78] =	vst v63  }
0x177: {  	s2 =	sshll.u32 s2, $0x3;
	s22 =	rddreg [dreg:$0x12]  }
0x178: {  	[tilespmem:s14], [sflag:$0x2] =	stream.indirect.gather [hbm4b:s24+s5], $0x40, s13, s5, $0xb8;
	[tilespmem:$0x1FE78] =	vst v63  }
0x179: {  	s2 =	sadd.s32 s2, s22  }
0x17a: {  	[tilespmem:s15], [sflag:$0x3] =	stream.linear.gather [hbm4b:s2+s26], $0x1000, $0x38;
	[tilespmem:$0x1FE78] =	vst v63  }
0x17b: {  	_ =	swait.ge [sflag:s0], $0x1000  }
0x17c: {  	[sflag:s0] =	ssyncset.done $0x0  }
0x17d: {  	[sflag:s0] =	ssyncadd.s32 $0xFFFFF000  }
0x17e: {  	_ =	swait.ge [sflag:s16], $0x1000  }
0x17f: {  	[sflag:s16] =	ssyncset.done $0x0  }
0x180: {  	[sflag:s16] =	ssyncadd.s32 $0xFFFFF000  }
0x181: {  	_ =	swait.ge [sflag:s17], $0x1000  }
0x182: {  	[sflag:s17] =	ssyncset.done $0x0  }
0x183: {  	s30 =	simm.s32 $0x1CCA8;
	[sflag:s17] =	ssyncadd.s32 $0xFFFFF000  }
0x184: {  	v10 =	vld [tilespmem:s30+$0xFFFFFFF0]  }
0x185: {  	v11 =	vld [tilespmem:s30+$0xFFFFFFE0]  }
0x186: {  	s23 =	simm.s32 $0x1BCA8;
	v12 =	vld [tilespmem:s30+$0xFFFFFFD0]  }
0x187: {  	v13 =	vld [tilespmem:s23+$0xFFFFFFC0]  }
0x188: {  	v14 =	vld [tilespmem:s30+$0xFFFFFFC0]  }
0x189: {  	s2 =	simm.s32 $0x1DCA8;
	v15 =	vld [tilespmem:s23+$0xFFFFFFD0]  }
0x18a: {  	v16 =	vld [tilespmem:s2+$0xFFFFFFC0]  }
0x18b: {  	v17 =	vld [tilespmem:s2+$0xFFFFFFD0]  }
0x18c: {  	v18 =	vld [tilespmem:s23+$0xFFFFFFE0]  }
0x18d: {  	v19 =	vld [tilespmem:s23+$0xFFFFFFF0];
	v14 =	vadd.f32 v14, v13  }
0x18e: {  	v20 =	vld [tilespmem:s2+$0xFFFFFFE0]  }
0x18f: {  	v12 =	vadd.f32 v12, v15;
	v14 =	vadd.f32 v16, v14  }
0x190: {  	v50 =	vld [tilespmem:s2+$0xFFFFFFF0]  }
0x191: {  	v11 =	vadd.f32 v11, v18;
	v12 =	vadd.f32 v17, v12;
	v51 =	vmul.f32 $2.000000030e-01, v14  }
0x192: {  	v10 =	vadd.f32 v10, v19;
	vm0 =	vge.f32 v14, $0.0e+00  }
0x193: {  	v11 =	vadd.f32 v20, v11;
	v21 =	vmul.f32 $2.000000030e-01, v12;
	v14 =	vsel vm0, v14, v51  }
0x194: {  	vm9 =	vge.f32 v12, $0.0e+00;
	v14 =	vmul.f32 v14, v6  }
0x195: {  	v10 =	vadd.f32 v50, v10;
	v52 =	vmul.f32 $2.000000030e-01, v11;
	v12 =	vsel vm9, v12, v21  }
0x196: {  	vm10 =	vge.f32 v11, $0.0e+00;
	v12 =	vmul.f32 v12, v7;
	v14 =	vadd.f32 $0.0e+00, v14  }
0x197: {  	v53 =	vmul.f32 $2.000000030e-01, v10;
	v11 =	vsel vm10, v11, v52  }
0x198: {  	vm11 =	vge.f32 v10, $0.0e+00;
	v11 =	vmul.f32 v11, v8;
	v12 =	vadd.f32 v12, v14  }
0x199: {  	v10 =	vsel vm11, v10, v53  }
0x19a: {  	v10 =	vmul.f32 v10, v9;
	v11 =	vadd.f32 v11, v12;
	_ =	sdelay $0x1  }
0x19b: {  	v10 =	vadd.f32 v10, v11;
	_ =	sdelay $0x1  }
0x19c: {  	[tilespmem:$0x1FE68] =	vst v10  }
0x19d: {  	v11 =	vld.idx.msk [tilespmem:v1+s18+$0x0], $0xffff;
	_ =	sdelay $0x4  }
0x19e: {  	v10 =	vadd.f32 v10, v11;
	_ =	sdelay $0x1  }
0x19f: {  	[tilespmem:$0x1FE68] =	vst v10  }
0x1a0: {  	v11 =	vld.idx.msk [tilespmem:v2+s18+$0x0], $0xffff;
	_ =	sdelay $0x4  }
0x1a1: {  	v10 =	vadd.f32 v10, v11;
	_ =	sdelay $0x1  }
0x1a2: {  	[tilespmem:$0x1FE68] =	vst v10  }
0x1a3: {  	v11 =	vld.idx.msk [tilespmem:v3+s18+$0x0], $0xffff;
	_ =	sdelay $0x4  }
0x1a4: {  	v10 =	vadd.f32 v10, v11;
	_ =	sdelay $0x1  }
0x1a5: {  	[tilespmem:$0x1FE68] =	vst v10  }
0x1a6: {  	v11 =	vld.idx.msk [tilespmem:v4+s18+$0x0], $0xffff;
	_ =	sdelay $0x4  }
0x1a7: {  	v10 =	vadd.f32 v11, v10;
	_ =	sdelay $0x1  }
0x1a8: {  	v10 =	vmul.f32 $1.442695020e+00, v10;
	_ =	sdelay $0x1  }
0x1a9: {  	(erf) = vpow2.f32 v10;
	_ =	sdelay $0x8  }
0x1aa: {  	v10 =	vpop (erf)  }
0x1ab: {  	s25 =	simm.s32 $0x0;
	v11 =	vmul.f32 v10, v19  }
0x1ac: {  	s29 =	simm.s32 $0x1ECA8;
	v12 =	vmul.f32 v10, v13;
	v13 =	vor.u32 s25, v5  }
0x1ad: {  	v14 =	vmul.f32 v10, v15;
	[tilespmem:s29+$0xFFFFFFF0] =	vst v11  }
0x1ae: {  	v11 =	vmul.f32 v10, v18;
	[tilespmem:s29+$0xFFFFFFC0] =	vst v12  }
0x1af: {  	[tilespmem:s29+$0xFFFFFFD0] =	vst v14  }
0x1b0: {  	[tilespmem:s29+$0xFFFFFFE0] =	vst v11  }
0x1b1: {  	[tilespmem:v13+s19+$0x0] =	vst.idx.msk $0xf, v10  }
0x1b2: {  	v14 =	vld [tilespmem:s2+$0x10]  }
0x1b3: {  	v10 =	vld [tilespmem:s23+$0x20]  }
0x1b4: {  	v11 =	vld [tilespmem:s23+$0x10]  }
0x1b5: {  	v12 =	vld [tilespmem:s23+$0x0]  }
0x1b6: {  	v13 =	vld [tilespmem:s30+$0x0]  }
0x1b7: {  	v15 =	vld [tilespmem:s30+$0x10]  }
0x1b8: {  	v54 =	vld [tilespmem:s2+$0x0]  }
0x1b9: {  	v55 =	vld [tilespmem:s30+$0x20]  }
0x1ba: {  	v56 =	vld [tilespmem:s2+$0x20]  }
0x1bb: {  	v58 =	vld [tilespmem:s30+$0x30];
	v57 =	vadd.f32 v13, v12  }
0x1bc: {  	v13 =	vld [tilespmem:s23+$0x30]  }
0x1bd: {  	v15 =	vadd.f32 v15, v11;
	v16 =	vadd.f32 v54, v57  }
0x1be: {  	v59 =	vld [tilespmem:s2+$0x30];
	v17 =	vadd.f32 v55, v10  }
0x1bf: {  	v14 =	vadd.f32 v14, v15;
	v15 =	vmul.f32 $2.000000030e-01, v16  }
0x1c0: {  	v17 =	vadd.f32 v56, v17;
	vm12 =	vge.f32 v16, $0.0e+00  }
0x1c1: {  	v60 =	vmul.f32 $2.000000030e-01, v14;
	v61 =	vadd.f32 v58, v13;
	v15 =	vsel vm12, v16, v15  }
0x1c2: {  	vm13 =	vge.f32 v14, $0.0e+00;
	v15 =	vmul.f32 v15, v6  }
0x1c3: {  	v62 =	vmul.f32 $2.000000030e-01, v17;
	v14 =	vsel vm13, v14, v60;
	v16 =	vadd.f32 v59, v61  }
0x1c4: {  	vm14 =	vge.f32 v17, $0.0e+00;
	v14 =	vmul.f32 v14, v7;
	v15 =	vadd.f32 $0.0e+00, v15  }
0x1c5: {  	v17 =	vsel vm14, v17, v62;
	v63 =	vmul.f32 $2.000000030e-01, v16  }
0x1c6: {  	v17 =	vmul.f32 v17, v8;
	vm15 =	vge.f32 v16, $0.0e+00;
	v14 =	vadd.f32 v14, v15  }
0x1c7: {  	v15 =	vsel vm15, v16, v63  }
0x1c8: {  	v15 =	vmul.f32 v15, v9;
	v14 =	vadd.f32 v17, v14;
	_ =	sdelay $0x1  }
0x1c9: {  	v14 =	vadd.f32 v15, v14;
	_ =	sdelay $0x1  }
0x1ca: {  	[tilespmem:$0x1FE68] =	vst v14  }
0x1cb: {  	v15 =	vld.idx.msk [tilespmem:v1+s18+$0x0], $0xffff;
	_ =	sdelay $0x4  }
0x1cc: {  	v14 =	vadd.f32 v14, v15;
	_ =	sdelay $0x1  }
0x1cd: {  	[tilespmem:$0x1FE68] =	vst v14  }
0x1ce: {  	v15 =	vld.idx.msk [tilespmem:v2+s18+$0x0], $0xffff;
	_ =	sdelay $0x4  }
0x1cf: {  	v14 =	vadd.f32 v14, v15;
	_ =	sdelay $0x1  }
0x1d0: {  	[tilespmem:$0x1FE68] =	vst v14  }
0x1d1: {  	v15 =	vld.idx.msk [tilespmem:v3+s18+$0x0], $0xffff;
	_ =	sdelay $0x4  }
0x1d2: {  	v14 =	vadd.f32 v14, v15;
	_ =	sdelay $0x1  }
0x1d3: {  	[tilespmem:$0x1FE68] =	vst v14  }
0x1d4: {  	v15 =	vld.idx.msk [tilespmem:v4+s18+$0x0], $0xffff;
	_ =	sdelay $0x4  }
0x1d5: {  	v14 =	vadd.f32 v15, v14;
	_ =	sdelay $0x1  }
0x1d6: {  	v14 =	vmul.f32 $1.442695020e+00, v14;
	_ =	sdelay $0x1  }
0x1d7: {  	(erf) = vpow2.f32 v14  }
0x1d8: {  	s8 =	simm.s32 $0x1ECA8;
	s22 =	simm.s32 $0x2;
	s23 =	simm.s32 $0x1BD28  }
.LBB2_7:
0x1d9: {  	s30 =	sadd.s32 $0x80, s30;
	s2 =	sadd.s32 $0x80, s2;
	s29 =	sadd.s32 $0x80, s29  }
0x1da: {  	p1 =	slt.u32 s22, $0x3E;
	s3 =	smov.u32 s22;
	s22 =	sadd.s32 $0x2, s22  }
0x1db: {  	_ =	sdelay $0x4  }
0x1dc: {  	s25 =	sadd.s32 $0x8, s25;
	v14 =	vpop (erf)  }
0x1dd: {  	v15 =	vadd.s32 s25, v5;
	v12 =	vmul.f32 v14, v12;
	v11 =	vmul.f32 v14, v11  }
0x1de: {  	v10 =	vmul.f32 v14, v10;
	v13 =	vmul.f32 v14, v13  }
0x1df: {  	[tilespmem:s8+$0x0] =	vst v12  }
0x1e0: {  	[tilespmem:s8+$0x20] =	vst v10  }
0x1e1: {  	[tilespmem:s8+$0x10] =	vst v11  }
0x1e2: {  	[tilespmem:s8+$0x30] =	vst v13;
	s8 =	smov.u32 s29  }
0x1e3: {  	[tilespmem:v15+s19+$0x0] =	vst.idx.msk $0xf, v14  }
0x1e4: {  	v10 =	vld [tilespmem:s30+$0xFFFFFFF0]  }
0x1e5: {  	v11 =	vld [tilespmem:s30+$0xFFFFFFE0]  }
0x1e6: {  	v12 =	vld [tilespmem:s30+$0xFFFFFFD0]  }
0x1e7: {  	v13 =	vld [tilespmem:s23+$0xFFFFFFC0]  }
0x1e8: {  	v14 =	vld [tilespmem:s30+$0xFFFFFFC0]  }
0x1e9: {  	v15 =	vld [tilespmem:s23+$0xFFFFFFD0]  }
0x1ea: {  	v16 =	vld [tilespmem:s2+$0xFFFFFFC0]  }
0x1eb: {  	v17 =	vld [tilespmem:s2+$0xFFFFFFD0]  }
0x1ec: {  	v18 =	vld [tilespmem:s23+$0xFFFFFFE0]  }
0x1ed: {  	v14 =	vadd.f32 v14, v13;
	v19 =	vld [tilespmem:s23+$0xFFFFFFF0]  }
0x1ee: {  	v12 =	vadd.f32 v12, v15;
	v20 =	vld [tilespmem:s2+$0xFFFFFFE0]  }
0x1ef: {  	v14 =	vadd.f32 v16, v14;
	v16 =	vld [tilespmem:s2+$0xFFFFFFF0]  }
0x1f0: {  	v12 =	vadd.f32 v17, v12  }
0x1f1: {  	v17 =	vmul.f32 $2.000000030e-01, v14;
	v11 =	vadd.f32 v11, v18  }
0x1f2: {  	vm0 =	vge.f32 v14, $0.0e+00;
	v21 =	vmul.f32 $2.000000030e-01, v12;
	v10 =	vadd.f32 v10, v19  }
0x1f3: {  	v14 =	vsel vm0, v14, v17;
	vm0 =	vge.f32 v12, $0.0e+00;
	v11 =	vadd.f32 v20, v11  }
0x1f4: {  	v14 =	vmul.f32 v14, v6;
	v12 =	vsel vm0, v12, v21;
	v10 =	vadd.f32 v16, v10  }
0x1f5: {  	v16 =	vmul.f32 $2.000000030e-01, v11  }
0x1f6: {  	v12 =	vmul.f32 v12, v7;
	vm0 =	vge.f32 v11, $0.0e+00;
	v14 =	vadd.f32 $0.0e+00, v14  }
0x1f7: {  	v11 =	vsel vm0, v11, v16;
	v16 =	vmul.f32 $2.000000030e-01, v10  }
0x1f8: {  	vm0 =	vge.f32 v10, $0.0e+00;
	v12 =	vadd.f32 v12, v14;
	v11 =	vmul.f32 v11, v8  }
0x1f9: {  	v10 =	vsel vm0, v10, v16  }
0x1fa: {  	v11 =	vadd.f32 v11, v12;
	v10 =	vmul.f32 v10, v9;
	_ =	sdelay $0x1  }
0x1fb: {  	v10 =	vadd.f32 v10, v11;
	_ =	sdelay $0x1  }
0x1fc: {  	[tilespmem:$0x1FE68] =	vst v10  }
0x1fd: {  	v11 =	vld.idx.msk [tilespmem:v1+s18+$0x0], $0xffff;
	_ =	sdelay $0x5  }
0x1fe: {  	v10 =	vadd.f32 v10, v11;
	_ =	sdelay $0x1  }
0x1ff: {  	[tilespmem:$0x1FE68] =	vst v10  }
0x200: {  	v11 =	vld.idx.msk [tilespmem:v2+s18+$0x0], $0xffff;
	_ =	sdelay $0x5  }
0x201: {  	v10 =	vadd.f32 v10, v11;
	_ =	sdelay $0x1  }
0x202: {  	[tilespmem:$0x1FE68] =	vst v10  }
0x203: {  	v11 =	vld.idx.msk [tilespmem:v3+s18+$0x0], $0xffff;
	_ =	sdelay $0x5  }
0x204: {  	v10 =	vadd.f32 v10, v11;
	_ =	sdelay $0x1  }
0x205: {  	[tilespmem:$0x1FE68] =	vst v10  }
0x206: {  	v11 =	vld.idx.msk [tilespmem:v4+s18+$0x0], $0xffff;
	_ =	sdelay $0x5  }
0x207: {  	v10 =	vadd.f32 v11, v10;
	_ =	sdelay $0x1  }
0x208: {  	v10 =	vmul.f32 $1.442695020e+00, v10;
	_ =	sdelay $0x1  }
0x209: {  	(erf) = vpow2.f32 v10;
	_ =	sdelay $0x8  }
0x20a: {  	v10 =	vpop (erf)  }
0x20b: {  	s25 =	sshll.u32 s3, $0x3;
	v11 =	vmul.f32 v10, v13;
	v12 =	vmul.f32 v10, v19  }
0x20c: {  	v13 =	vmul.f32 v10, v15;
	v14 =	vmul.f32 v10, v18;
	v15 =	vor.u32 s25, v5  }
0x20d: {  	[tilespmem:s29+$0xFFFFFFF0] =	vst v12  }
0x20e: {  	[tilespmem:s29+$0xFFFFFFC0] =	vst v11  }
0x20f: {  	[tilespmem:s29+$0xFFFFFFD0] =	vst v13  }
0x210: {  	[tilespmem:s29+$0xFFFFFFE0] =	vst v14  }
0x211: {  	[tilespmem:v15+s19+$0x0] =	vst.idx.msk $0xf, v10  }
0x212: {  	v13 =	vld [tilespmem:s2+$0x10]  }
0x213: {  	v14 =	vld [tilespmem:s2+$0x20]  }
0x214: {  	v10 =	vld [tilespmem:s23+$0x20]  }
0x215: {  	v11 =	vld [tilespmem:s23+$0x10]  }
0x216: {  	v15 =	vld [tilespmem:s30+$0x20]  }
0x217: {  	v16 =	vld [tilespmem:s30+$0x10]  }
0x218: {  	v12 =	vld [tilespmem:s23+$0x0]  }
0x219: {  	v17 =	vld [tilespmem:s30+$0x0];
	_ =	sdelay $0x2  }
0x21a: {  	v15 =	vadd.f32 v15, v10;
	v18 =	vld [tilespmem:s2+$0x0];
	v16 =	vadd.f32 v16, v11;
	_ =	sdelay $0x1  }
0x21b: {  	v14 =	vadd.f32 v14, v15;
	v16 =	vadd.f32 v13, v16  }
0x21c: {  	v15 =	vadd.f32 v17, v12;
	v17 =	vld [tilespmem:s30+$0x30]  }
0x21d: {  	v20 =	vmul.f32 $2.000000030e-01, v14;
	v19 =	vmul.f32 $2.000000030e-01, v16;
	v13 =	vld [tilespmem:s23+$0x30]  }
0x21e: {  	vm1 =	vge.f32 v14, $0.0e+00;
	vm0 =	vge.f32 v16, $0.0e+00;
	v15 =	vadd.f32 v18, v15  }
0x21f: {  	v14 =	vsel vm1, v14, v20;
	v16 =	vsel vm0, v16, v19;
	v18 =	vld [tilespmem:s2+$0x30]  }
0x220: {  	v19 =	vmul.f32 $2.000000030e-01, v15  }
0x221: {  	v14 =	vmul.f32 v14, v8;
	vm0 =	vge.f32 v15, $0.0e+00  }
0x222: {  	v15 =	vsel vm0, v15, v19;
	v17 =	vadd.f32 v17, v13  }
0x223: {  	v16 =	vmul.f32 v16, v7;
	v15 =	vmul.f32 v15, v6  }
0x224: {  	v17 =	vadd.f32 v18, v17  }
0x225: {  	v15 =	vadd.f32 $0.0e+00, v15  }
0x226: {  	v18 =	vmul.f32 $2.000000030e-01, v17  }
0x227: {  	vm0 =	vge.f32 v17, $0.0e+00;
	v15 =	vadd.f32 v16, v15  }
0x228: {  	v16 =	vsel vm0, v17, v18  }
0x229: {  	v14 =	vadd.f32 v14, v15;
	v15 =	vmul.f32 v16, v9;
	_ =	sdelay $0x1  }
0x22a: {  	v14 =	vadd.f32 v15, v14;
	_ =	sdelay $0x1  }
0x22b: {  	[tilespmem:$0x1FE68] =	vst v14  }
0x22c: {  	v15 =	vld.idx.msk [tilespmem:v1+s18+$0x0], $0xffff;
	_ =	sdelay $0x5  }
0x22d: {  	v14 =	vadd.f32 v14, v15;
	_ =	sdelay $0x1  }
0x22e: {  	[tilespmem:$0x1FE68] =	vst v14  }
0x22f: {  	v15 =	vld.idx.msk [tilespmem:v2+s18+$0x0], $0xffff;
	_ =	sdelay $0x5  }
0x230: {  	v14 =	vadd.f32 v14, v15;
	_ =	sdelay $0x1  }
0x231: {  	[tilespmem:$0x1FE68] =	vst v14  }
0x232: {  	v15 =	vld.idx.msk [tilespmem:v3+s18+$0x0], $0xffff;
	_ =	sdelay $0x5  }
0x233: {  	v14 =	vadd.f32 v14, v15;
	_ =	sdelay $0x1  }
0x234: {  	[tilespmem:$0x1FE68] =	vst v14  }
0x235: {  	v15 =	vld.idx.msk [tilespmem:v4+s18+$0x0], $0xffff;
	_ =	sdelay $0x5  }
0x236: {  	v14 =	vadd.f32 v15, v14  }
.Ltmp2:
0x237: {  	(pc) =	sbr.rel @p1 .LBB2_7-.Ltmp2, $3  }
0x238: {  	v14 =	vmul.f32 $1.442695020e+00, v14;
	_ =	sdelay $0x1  }
0x239: {  	(erf) = vpow2.f32 v14  }
0x23a: {  	s23 =	sadd.s32 $0x80, s23  }
0x23b: {  	_ =	sdelay $0x6  }
0x23c: {  	v14 =	vpop (erf)  }
0x23d: {  	s2 =	sadd.s32 $0x8, s25;
	v12 =	vmul.f32 v14, v12  }
0x23e: {  	v15 =	vadd.s32 s2, v5;
	v10 =	vmul.f32 v14, v10  }
0x23f: {  	v11 =	vmul.f32 v14, v11;
	[tilespmem:s8+$0x0] =	vst v12  }
0x240: {  	v63 =	vmul.f32 v14, v13;
	[tilespmem:s8+$0x20] =	vst v10  }
0x241: {  	[tilespmem:s8+$0x10] =	vst v11  }
0x242: {  	[tilespmem:s8+$0x30] =	vst v63  }
0x243: {  	[tilespmem:v15+s19+$0x0] =	vst.idx.msk $0xf, v14  }
0x244: {  	[spmem:s4] =	stream.indirect.scatter.add.f32 [tilespmem:s21], [sflag:$0x3], $0x40, s20, s5, $0xb8;
	[tilespmem:$0x1FE78] =	vst v63  }
0x245: {  	s11 =	sadd.s32 $0x1, s11;
	_ =	swait.ge [sflag:s0], $0x1000  }
0x246: {  	p1 =	sne.s32 s11, $0x60;
	[sflag:s0] =	ssyncset.done $0x0  }
.Ltmp3:
0x247: {  	[sflag:s0] =	ssyncadd.s32 $0xFFFFF000;
	(pc) =	sbr.rel @p1 .LBB2_6-.Ltmp3, $4  }
0x248: {  	[spmem:s1] =	stream.indirect.scatter.add.f32 [tilespmem:s19], [sflag:$0x3], $0x4, s20, s5, $0xb8;
	[tilespmem:$0x1FE78] =	vst v63  }
0x249: {  	_ =	swait.ge [sflag:s0], $0x100  }
0x24a: {  	[sflag:s0] =	ssyncset.done $0x0  }
0x24b: {  	[sflag:s0] =	ssyncadd.s32 $0xFFFFFF00  }
0x24c: {  	[bflag:$0x0] =	sbarrier.arrive $0xFFFF  }
0x24d: {  	s2 =	rddreg [dreg:$0x9]  }
0x24e: {  	s11 =	rddreg [dreg:$0x19]  }
0x24f: {  	s3 =	rddreg [dreg:$0x1a]  }
0x250: {  	[hbm:s2], [sflag:s11] =	dma.local [spmem:s3], $0x3400  }
0x251: {  	_ =	swait.ge [sflag:s0], $0x3400  }
0x252: {  	[sflag:s0] =	ssyncset.done $0x0;
	s30 =	rddreg [dreg:$0xf]  }
0x253: {  	s22 =	rddreg [dreg:$0x1b];
	[sflag:s0] =	ssyncadd.s32 $0xFFFFCC00  }
0x254: {  	[hbm:s30], [sflag:s11] =	dma.local [spmem:s22], $0x680  }
0x255: {  	_ =	swait.ge [sflag:s0], $0x680  }
0x256: {  	[sflag:s0] =	ssyncset.done $0x0  }
0x257: {  	[sflag:s0] =	ssyncadd.s32 $0xFFFFF980  }
0x258: {  	[bflag:$0x0] =	sbarrier.arrive $0xFFFF  }
0x259: {  	s8 =	rddreg [dreg:$0x7]  }
0x25a: {  	[spmem:s3], [sflag:s11] =	dma.local [hbm:s8], $0x3400  }
0x25b: {  	_ =	swait.ge [sflag:s0], $0x3400  }
0x25c: {  	[sflag:s0] =	ssyncset.done $0x0  }
0x25d: {  	[sflag:s0] =	ssyncadd.s32 $0xFFFFCC00  }
0x25e: {  	s3 =	rddreg [dreg:$0x2]  }
0x25f: {  	[spmem:s22], [sflag:s11] =	dma.local [hbm:s3], $0x680  }
0x260: {  	_ =	swait.ge [sflag:s0], $0x680  }
0x261: {  	[sflag:s0] =	ssyncset.done $0x0  }
0x262: {  	s2 =	rddreg [dreg:$0x1c];
	[sflag:s0] =	ssyncadd.s32 $0xFFFFF980  }
0x263: {  	[spmem:s2], [sflag:s11] =	dma.local @!p0 [hbm:s8], $0x40  }
0x264: {  	s2 =	simm.s32 @!p0 $0x3  }
0x265: {  	_ =	swait.ge @!p0 [sflag:s2], $0x40  }
0x266: {  	[sflag:s2] =	ssyncset.done @!p0 $0x0  }
0x267: {  	s8 =	rddreg [dreg:$0x1d];
	[sflag:s2] =	ssyncadd.s32 @!p0 $0xFFFFFFC0  }
0x268: {  	[spmem:s8], [sflag:s11] =	dma.local @!p0 [hbm:s3], $0x8  }
0x269: {  	_ =	swait.ge @!p0 [sflag:s2], $0x8  }
0x26a: {  	[sflag:s2] =	ssyncset.done @!p0 $0x0  }
0x26b: {  	[sflag:s2] =	ssyncadd.s32 @!p0 $0xFFFFFFF8  }
0x26c: {  	[bflag:$0x0] =	sbarrier.arrive $0xFFFF  }
0x26d: {  	v6 =	vld [tilespmem:$0x1BAA8]  }
0x26e: {  	v7 =	vld [tilespmem:$0x1BAB8]  }
0x26f: {  	v8 =	vld [tilespmem:$0x1BAC8]  }
0x270: {  	s26 =	simm.s32 $0x0;
	s11 =	simm.s32 $0x0;
	v9 =	vld [tilespmem:$0x1BAD8]  }
.LBB2_10:
0x271: {  	s2 =	sshll.u32 s11, $0x6  }
0x272: {  	s2 =	sadd.s32 s28, s2  }
0x273: {  	s3 =	sshrl.u32 s2, $0x3  }
0x274: {  	s22 =	simm.s32 $0x1BB28;
	s8 =	sadd.s32 s9, s3  }
0x275: {  	[tilespmem:s22], [sflag:$0x3] =	stream.linear.gather [hbm4b:s8+s26], $0x40, $0x38;
	[tilespmem:$0x1FE78] =	vst v63  }
0x276: {  	_ =	swait.ge [sflag:s0], $0x40  }
0x277: {  	[sflag:s0] =	ssyncset.done $0x0  }
0x278: {  	s3 =	sadd.s32 s10, s3;
	[sflag:s0] =	ssyncadd.s32 $0xFFFFFFC0  }
0x279: {  	[tilespmem:s31], [sflag:$0x3] =	stream.linear.gather [hbm4b:s3+s26], $0x40, $0x38;
	[tilespmem:$0x1FE78] =	vst v63  }
0x27a: {  	_ =	swait.ge [sflag:s0], $0x40  }
0x27b: {  	[sflag:s0] =	ssyncset.done $0x0  }
0x27c: {  	[sflag:s0] =	ssyncadd.s32 $0xFFFFFFC0  }
0x27d: {  	v10 =	vld [tilespmem:$0x1BB28]  }
0x27e: {  	v11 =	vld [tilespmem:$0x1BB68];
	_ =	sdelay $0x1  }
0x27f: {  	v12 =	vld [tilespmem:$0x1BB38]  }
0x280: {  	v13 =	vld [tilespmem:$0x1BB78]  }
0x281: {  	v10 =	vadd.s32 $0x1A000, v10  }
0x282: {  	v14 =	vld [tilespmem:$0x1BB48];
	[tilespmem:$0x1BBA8] =	vst v10;
	v10 =	vadd.s32 $0x1A000, v11;
	v11 =	vsub.s32 v11, v0  }
0x283: {  	[tilespmem:$0x1BBE8] =	vst v10;
	v10 =	vmin.u32 v11, $0x6800;
	v11 =	vld [tilespmem:$0x1BB88]  }
0x284: {  	[tilespmem:$0x1BC28] =	vst v10;
	v10 =	vadd.s32 $0x1A000, v12  }
0x285: {  	v12 =	vsub.s32 v13, v0;
	[tilespmem:$0x1BBB8] =	vst v10;
	v10 =	vadd.s32 $0x1A000, v13;
	v13 =	vld [tilespmem:$0x1BB58]  }
0x286: {  	[tilespmem:$0x1BBF8] =	vst v10;
	v10 =	vmin.u32 v12, $0x6800;
	v12 =	vld [tilespmem:$0x1BB98]  }
0x287: {  	[tilespmem:$0x1BC38] =	vst v10;
	v10 =	vadd.s32 $0x1A000, v14  }
0x288: {  	[tilespmem:$0x1BBC8] =	vst v10;
	v10 =	vadd.s32 $0x1A000, v11;
	v11 =	vsub.s32 v11, v0  }
0x289: {  	[tilespmem:$0x1BC08] =	vst v10;
	v10 =	vmin.u32 v11, $0x6800  }
0x28a: {  	[tilespmem:$0x1BC48] =	vst v10;
	v10 =	vadd.s32 $0x1A000, v13  }
0x28b: {  	[tilespmem:$0x1BBD8] =	vst v10;
	v10 =	vadd.s32 $0x1A000, v12;
	v11 =	vsub.s32 v12, v0  }
0x28c: {  	[tilespmem:$0x1BC18] =	vst v10;
	v10 =	vmin.u32 v11, $0x6800  }
0x28d: {  	[tilespmem:$0x1BC58] =	vst v10  }
0x28e: {  	[tilespmem:s12], [sflag:$0x1] =	stream.indirect.gather [hbm4b:s6+s5], $0x40, s7, s5, $0xb8;
	[tilespmem:$0x1FE78] =	vst v63  }
0x28f: {  	s2 =	sshll.u32 s2, $0x3;
	s22 =	rddreg [dreg:$0x13]  }
0x290: {  	[tilespmem:s14], [sflag:$0x2] =	stream.indirect.gather [hbm4b:s24+s5], $0x40, s13, s5, $0xb8;
	[tilespmem:$0x1FE78] =	vst v63  }
0x291: {  	s2 =	sadd.s32 s2, s22  }
0x292: {  	[tilespmem:s15], [sflag:$0x3] =	stream.linear.gather [hbm4b:s2+s26], $0x1000, $0x38;
	[tilespmem:$0x1FE78] =	vst v63  }
0x293: {  	_ =	swait.ge [sflag:s0], $0x1000  }
0x294: {  	[sflag:s0] =	ssyncset.done $0x0  }
0x295: {  	[sflag:s0] =	ssyncadd.s32 $0xFFFFF000  }
0x296: {  	_ =	swait.ge [sflag:s16], $0x1000  }
0x297: {  	[sflag:s16] =	ssyncset.done $0x0  }
0x298: {  	[sflag:s16] =	ssyncadd.s32 $0xFFFFF000  }
0x299: {  	_ =	swait.ge [sflag:s17], $0x1000  }
0x29a: {  	[sflag:s17] =	ssyncset.done $0x0  }
0x29b: {  	s30 =	simm.s32 $0x1CCA8;
	[sflag:s17] =	ssyncadd.s32 $0xFFFFF000  }
0x29c: {  	v10 =	vld [tilespmem:s30+$0xFFFFFFF0]  }
0x29d: {  	v11 =	vld [tilespmem:s30+$0xFFFFFFE0]  }
0x29e: {  	s23 =	simm.s32 $0x1BCA8;
	v12 =	vld [tilespmem:s30+$0xFFFFFFD0]  }
0x29f: {  	v13 =	vld [tilespmem:s23+$0xFFFFFFC0]  }
0x2a0: {  	v14 =	vld [tilespmem:s30+$0xFFFFFFC0]  }
0x2a1: {  	s2 =	simm.s32 $0x1DCA8;
	v15 =	vld [tilespmem:s23+$0xFFFFFFD0]  }
0x2a2: {  	v16 =	vld [tilespmem:s2+$0xFFFFFFC0]  }
0x2a3: {  	v17 =	vld [tilespmem:s2+$0xFFFFFFD0]  }
0x2a4: {  	v18 =	vld [tilespmem:s23+$0xFFFFFFE0]  }
0x2a5: {  	v19 =	vld [tilespmem:s23+$0xFFFFFFF0];
	v14 =	vadd.f32 v14, v13  }
0x2a6: {  	v20 =	vld [tilespmem:s2+$0xFFFFFFE0]  }
0x2a7: {  	v12 =	vadd.f32 v12, v15;
	v14 =	vadd.f32 v16, v14  }
0x2a8: {  	v50 =	vld [tilespmem:s2+$0xFFFFFFF0]  }
0x2a9: {  	v11 =	vadd.f32 v11, v18;
	v12 =	vadd.f32 v17, v12;
	v51 =	vmul.f32 $2.000000030e-01, v14  }
0x2aa: {  	v10 =	vadd.f32 v10, v19;
	vm0 =	vge.f32 v14, $0.0e+00  }
0x2ab: {  	v11 =	vadd.f32 v20, v11;
	v21 =	vmul.f32 $2.000000030e-01, v12;
	v14 =	vsel vm0, v14, v51  }
0x2ac: {  	vm9 =	vge.f32 v12, $0.0e+00;
	v14 =	vmul.f32 v14, v6  }
0x2ad: {  	v10 =	vadd.f32 v50, v10;
	v52 =	vmul.f32 $2.000000030e-01, v11;
	v12 =	vsel vm9, v12, v21  }
0x2ae: {  	vm10 =	vge.f32 v11, $0.0e+00;
	v12 =	vmul.f32 v12, v7;
	v14 =	vadd.f32 $0.0e+00, v14  }
0x2af: {  	v53 =	vmul.f32 $2.000000030e-01, v10;
	v11 =	vsel vm10, v11, v52  }
0x2b0: {  	vm11 =	vge.f32 v10, $0.0e+00;
	v11 =	vmul.f32 v11, v8;
	v12 =	vadd.f32 v12, v14  }
0x2b1: {  	v10 =	vsel vm11, v10, v53  }
0x2b2: {  	v10 =	vmul.f32 v10, v9;
	v11 =	vadd.f32 v11, v12;
	_ =	sdelay $0x1  }
0x2b3: {  	v10 =	vadd.f32 v10, v11;
	_ =	sdelay $0x1  }
0x2b4: {  	[tilespmem:$0x1FE68] =	vst v10  }
0x2b5: {  	v11 =	vld.idx.msk [tilespmem:v1+s18+$0x0], $0xffff;
	_ =	sdelay $0x4  }
0x2b6: {  	v10 =	vadd.f32 v10, v11;
	_ =	sdelay $0x1  }
0x2b7: {  	[tilespmem:$0x1FE68] =	vst v10  }
0x2b8: {  	v11 =	vld.idx.msk [tilespmem:v2+s18+$0x0], $0xffff;
	_ =	sdelay $0x4  }
0x2b9: {  	v10 =	vadd.f32 v10, v11;
	_ =	sdelay $0x1  }
0x2ba: {  	[tilespmem:$0x1FE68] =	vst v10  }
0x2bb: {  	v11 =	vld.idx.msk [tilespmem:v3+s18+$0x0], $0xffff;
	_ =	sdelay $0x4  }
0x2bc: {  	v10 =	vadd.f32 v10, v11;
	_ =	sdelay $0x1  }
0x2bd: {  	[tilespmem:$0x1FE68] =	vst v10  }
0x2be: {  	v11 =	vld.idx.msk [tilespmem:v4+s18+$0x0], $0xffff;
	_ =	sdelay $0x4  }
0x2bf: {  	v10 =	vadd.f32 v11, v10;
	_ =	sdelay $0x1  }
0x2c0: {  	v10 =	vmul.f32 $1.442695020e+00, v10;
	_ =	sdelay $0x1  }
0x2c1: {  	(erf) = vpow2.f32 v10;
	_ =	sdelay $0x8  }
0x2c2: {  	v10 =	vpop (erf)  }
0x2c3: {  	s25 =	simm.s32 $0x0;
	v11 =	vmul.f32 v10, v19  }
0x2c4: {  	s29 =	simm.s32 $0x1ECA8;
	v12 =	vmul.f32 v10, v13;
	v13 =	vor.u32 s25, v5  }
0x2c5: {  	v14 =	vmul.f32 v10, v15;
	[tilespmem:s29+$0xFFFFFFF0] =	vst v11  }
0x2c6: {  	v11 =	vmul.f32 v10, v18;
	[tilespmem:s29+$0xFFFFFFC0] =	vst v12  }
0x2c7: {  	[tilespmem:s29+$0xFFFFFFD0] =	vst v14  }
0x2c8: {  	[tilespmem:s29+$0xFFFFFFE0] =	vst v11  }
0x2c9: {  	[tilespmem:v13+s19+$0x0] =	vst.idx.msk $0xf, v10  }
0x2ca: {  	v14 =	vld [tilespmem:s2+$0x10]  }
0x2cb: {  	v10 =	vld [tilespmem:s23+$0x20]  }
0x2cc: {  	v11 =	vld [tilespmem:s23+$0x10]  }
0x2cd: {  	v12 =	vld [tilespmem:s23+$0x0]  }
0x2ce: {  	v13 =	vld [tilespmem:s30+$0x0]  }
0x2cf: {  	v15 =	vld [tilespmem:s30+$0x10]  }
0x2d0: {  	v54 =	vld [tilespmem:s2+$0x0]  }
0x2d1: {  	v55 =	vld [tilespmem:s30+$0x20]  }
0x2d2: {  	v56 =	vld [tilespmem:s2+$0x20]  }
0x2d3: {  	v58 =	vld [tilespmem:s30+$0x30];
	v57 =	vadd.f32 v13, v12  }
0x2d4: {  	v13 =	vld [tilespmem:s23+$0x30]  }
0x2d5: {  	v15 =	vadd.f32 v15, v11;
	v16 =	vadd.f32 v54, v57  }
0x2d6: {  	v59 =	vld [tilespmem:s2+$0x30];
	v17 =	vadd.f32 v55, v10  }
0x2d7: {  	v14 =	vadd.f32 v14, v15;
	v15 =	vmul.f32 $2.000000030e-01, v16  }
0x2d8: {  	v17 =	vadd.f32 v56, v17;
	vm12 =	vge.f32 v16, $0.0e+00  }
0x2d9: {  	v60 =	vmul.f32 $2.000000030e-01, v14;
	v61 =	vadd.f32 v58, v13;
	v15 =	vsel vm12, v16, v15  }
0x2da: {  	vm13 =	vge.f32 v14, $0.0e+00;
	v15 =	vmul.f32 v15, v6  }
0x2db: {  	v62 =	vmul.f32 $2.000000030e-01, v17;
	v14 =	vsel vm13, v14, v60;
	v16 =	vadd.f32 v59, v61  }
0x2dc: {  	vm14 =	vge.f32 v17, $0.0e+00;
	v14 =	vmul.f32 v14, v7;
	v15 =	vadd.f32 $0.0e+00, v15  }
0x2dd: {  	v17 =	vsel vm14, v17, v62;
	v63 =	vmul.f32 $2.000000030e-01, v16  }
0x2de: {  	v17 =	vmul.f32 v17, v8;
	vm15 =	vge.f32 v16, $0.0e+00;
	v14 =	vadd.f32 v14, v15  }
0x2df: {  	v15 =	vsel vm15, v16, v63  }
0x2e0: {  	v15 =	vmul.f32 v15, v9;
	v14 =	vadd.f32 v17, v14;
	_ =	sdelay $0x1  }
0x2e1: {  	v14 =	vadd.f32 v15, v14;
	_ =	sdelay $0x1  }
0x2e2: {  	[tilespmem:$0x1FE68] =	vst v14  }
0x2e3: {  	v15 =	vld.idx.msk [tilespmem:v1+s18+$0x0], $0xffff;
	_ =	sdelay $0x4  }
0x2e4: {  	v14 =	vadd.f32 v14, v15;
	_ =	sdelay $0x1  }
0x2e5: {  	[tilespmem:$0x1FE68] =	vst v14  }
0x2e6: {  	v15 =	vld.idx.msk [tilespmem:v2+s18+$0x0], $0xffff;
	_ =	sdelay $0x4  }
0x2e7: {  	v14 =	vadd.f32 v14, v15;
	_ =	sdelay $0x1  }
0x2e8: {  	[tilespmem:$0x1FE68] =	vst v14  }
0x2e9: {  	v15 =	vld.idx.msk [tilespmem:v3+s18+$0x0], $0xffff;
	_ =	sdelay $0x4  }
0x2ea: {  	v14 =	vadd.f32 v14, v15;
	_ =	sdelay $0x1  }
0x2eb: {  	[tilespmem:$0x1FE68] =	vst v14  }
0x2ec: {  	v15 =	vld.idx.msk [tilespmem:v4+s18+$0x0], $0xffff;
	_ =	sdelay $0x4  }
0x2ed: {  	v14 =	vadd.f32 v15, v14;
	_ =	sdelay $0x1  }
0x2ee: {  	v14 =	vmul.f32 $1.442695020e+00, v14;
	_ =	sdelay $0x1  }
0x2ef: {  	(erf) = vpow2.f32 v14  }
0x2f0: {  	s8 =	simm.s32 $0x1ECA8;
	s22 =	simm.s32 $0x2;
	s23 =	simm.s32 $0x1BD28  }
.LBB2_11:
0x2f1: {  	s30 =	sadd.s32 $0x80, s30;
	s2 =	sadd.s32 $0x80, s2;
	s29 =	sadd.s32 $0x80, s29  }
0x2f2: {  	p1 =	slt.u32 s22, $0x3E;
	s3 =	smov.u32 s22;
	s22 =	sadd.s32 $0x2, s22  }
0x2f3: {  	_ =	sdelay $0x4  }
0x2f4: {  	s25 =	sadd.s32 $0x8, s25;
	v14 =	vpop (erf)  }
0x2f5: {  	v15 =	vadd.s32 s25, v5;
	v12 =	vmul.f32 v14, v12;
	v11 =	vmul.f32 v14, v11  }
0x2f6: {  	v10 =	vmul.f32 v14, v10;
	v13 =	vmul.f32 v14, v13  }
0x2f7: {  	[tilespmem:s8+$0x0] =	vst v12  }
0x2f8: {  	[tilespmem:s8+$0x20] =	vst v10  }
0x2f9: {  	[tilespmem:s8+$0x10] =	vst v11  }
0x2fa: {  	[tilespmem:s8+$0x30] =	vst v13;
	s8 =	smov.u32 s29  }
0x2fb: {  	[tilespmem:v15+s19+$0x0] =	vst.idx.msk $0xf, v14  }
0x2fc: {  	v10 =	vld [tilespmem:s30+$0xFFFFFFF0]  }
0x2fd: {  	v11 =	vld [tilespmem:s30+$0xFFFFFFE0]  }
0x2fe: {  	v12 =	vld [tilespmem:s30+$0xFFFFFFD0]  }
0x2ff: {  	v13 =	vld [tilespmem:s23+$0xFFFFFFC0]  }
0x300: {  	v14 =	vld [tilespmem:s30+$0xFFFFFFC0]  }
0x301: {  	v15 =	vld [tilespmem:s23+$0xFFFFFFD0]  }
0x302: {  	v16 =	vld [tilespmem:s2+$0xFFFFFFC0]  }
0x303: {  	v17 =	vld [tilespmem:s2+$0xFFFFFFD0]  }
0x304: {  	v18 =	vld [tilespmem:s23+$0xFFFFFFE0]  }
0x305: {  	v14 =	vadd.f32 v14, v13;
	v19 =	vld [tilespmem:s23+$0xFFFFFFF0]  }
0x306: {  	v12 =	vadd.f32 v12, v15;
	v20 =	vld [tilespmem:s2+$0xFFFFFFE0]  }
0x307: {  	v14 =	vadd.f32 v16, v14;
	v16 =	vld [tilespmem:s2+$0xFFFFFFF0]  }
0x308: {  	v12 =	vadd.f32 v17, v12  }
0x309: {  	v17 =	vmul.f32 $2.000000030e-01, v14;
	v11 =	vadd.f32 v11, v18  }
0x30a: {  	vm0 =	vge.f32 v14, $0.0e+00;
	v21 =	vmul.f32 $2.000000030e-01, v12;
	v10 =	vadd.f32 v10, v19  }
0x30b: {  	v14 =	vsel vm0, v14, v17;
	vm0 =	vge.f32 v12, $0.0e+00;
	v11 =	vadd.f32 v20, v11  }
0x30c: {  	v14 =	vmul.f32 v14, v6;
	v12 =	vsel vm0, v12, v21;
	v10 =	vadd.f32 v16, v10  }
0x30d: {  	v16 =	vmul.f32 $2.000000030e-01, v11  }
0x30e: {  	v12 =	vmul.f32 v12, v7;
	vm0 =	vge.f32 v11, $0.0e+00;
	v14 =	vadd.f32 $0.0e+00, v14  }
0x30f: {  	v11 =	vsel vm0, v11, v16;
	v16 =	vmul.f32 $2.000000030e-01, v10  }
0x310: {  	vm0 =	vge.f32 v10, $0.0e+00;
	v12 =	vadd.f32 v12, v14;
	v11 =	vmul.f32 v11, v8  }
0x311: {  	v10 =	vsel vm0, v10, v16  }
0x312: {  	v11 =	vadd.f32 v11, v12;
	v10 =	vmul.f32 v10, v9;
	_ =	sdelay $0x1  }
0x313: {  	v10 =	vadd.f32 v10, v11;
	_ =	sdelay $0x1  }
0x314: {  	[tilespmem:$0x1FE68] =	vst v10  }
0x315: {  	v11 =	vld.idx.msk [tilespmem:v1+s18+$0x0], $0xffff;
	_ =	sdelay $0x5  }
0x316: {  	v10 =	vadd.f32 v10, v11;
	_ =	sdelay $0x1  }
0x317: {  	[tilespmem:$0x1FE68] =	vst v10  }
0x318: {  	v11 =	vld.idx.msk [tilespmem:v2+s18+$0x0], $0xffff;
	_ =	sdelay $0x5  }
0x319: {  	v10 =	vadd.f32 v10, v11;
	_ =	sdelay $0x1  }
0x31a: {  	[tilespmem:$0x1FE68] =	vst v10  }
0x31b: {  	v11 =	vld.idx.msk [tilespmem:v3+s18+$0x0], $0xffff;
	_ =	sdelay $0x5  }
0x31c: {  	v10 =	vadd.f32 v10, v11;
	_ =	sdelay $0x1  }
0x31d: {  	[tilespmem:$0x1FE68] =	vst v10  }
0x31e: {  	v11 =	vld.idx.msk [tilespmem:v4+s18+$0x0], $0xffff;
	_ =	sdelay $0x5  }
0x31f: {  	v10 =	vadd.f32 v11, v10;
	_ =	sdelay $0x1  }
0x320: {  	v10 =	vmul.f32 $1.442695020e+00, v10;
	_ =	sdelay $0x1  }
0x321: {  	(erf) = vpow2.f32 v10;
	_ =	sdelay $0x8  }
0x322: {  	v10 =	vpop (erf)  }
0x323: {  	s25 =	sshll.u32 s3, $0x3;
	v11 =	vmul.f32 v10, v13;
	v12 =	vmul.f32 v10, v19  }
0x324: {  	v13 =	vmul.f32 v10, v15;
	v14 =	vmul.f32 v10, v18;
	v15 =	vor.u32 s25, v5  }
0x325: {  	[tilespmem:s29+$0xFFFFFFF0] =	vst v12  }
0x326: {  	[tilespmem:s29+$0xFFFFFFC0] =	vst v11  }
0x327: {  	[tilespmem:s29+$0xFFFFFFD0] =	vst v13  }
0x328: {  	[tilespmem:s29+$0xFFFFFFE0] =	vst v14  }
0x329: {  	[tilespmem:v15+s19+$0x0] =	vst.idx.msk $0xf, v10  }
0x32a: {  	v13 =	vld [tilespmem:s2+$0x10]  }
0x32b: {  	v14 =	vld [tilespmem:s2+$0x20]  }
0x32c: {  	v10 =	vld [tilespmem:s23+$0x20]  }
0x32d: {  	v11 =	vld [tilespmem:s23+$0x10]  }
0x32e: {  	v15 =	vld [tilespmem:s30+$0x20]  }
0x32f: {  	v16 =	vld [tilespmem:s30+$0x10]  }
0x330: {  	v12 =	vld [tilespmem:s23+$0x0]  }
0x331: {  	v17 =	vld [tilespmem:s30+$0x0];
	_ =	sdelay $0x2  }
0x332: {  	v15 =	vadd.f32 v15, v10;
	v18 =	vld [tilespmem:s2+$0x0];
	v16 =	vadd.f32 v16, v11;
	_ =	sdelay $0x1  }
0x333: {  	v14 =	vadd.f32 v14, v15;
	v16 =	vadd.f32 v13, v16  }
0x334: {  	v15 =	vadd.f32 v17, v12;
	v17 =	vld [tilespmem:s30+$0x30]  }
0x335: {  	v20 =	vmul.f32 $2.000000030e-01, v14;
	v19 =	vmul.f32 $2.000000030e-01, v16;
	v13 =	vld [tilespmem:s23+$0x30]  }
0x336: {  	vm1 =	vge.f32 v14, $0.0e+00;
	vm0 =	vge.f32 v16, $0.0e+00;
	v15 =	vadd.f32 v18, v15  }
0x337: {  	v14 =	vsel vm1, v14, v20;
	v16 =	vsel vm0, v16, v19;
	v18 =	vld [tilespmem:s2+$0x30]  }
0x338: {  	v19 =	vmul.f32 $2.000000030e-01, v15  }
0x339: {  	v14 =	vmul.f32 v14, v8;
	vm0 =	vge.f32 v15, $0.0e+00  }
0x33a: {  	v15 =	vsel vm0, v15, v19;
	v17 =	vadd.f32 v17, v13  }
0x33b: {  	v16 =	vmul.f32 v16, v7;
	v15 =	vmul.f32 v15, v6  }
0x33c: {  	v17 =	vadd.f32 v18, v17  }
0x33d: {  	v15 =	vadd.f32 $0.0e+00, v15  }
0x33e: {  	v18 =	vmul.f32 $2.000000030e-01, v17  }
0x33f: {  	vm0 =	vge.f32 v17, $0.0e+00;
	v15 =	vadd.f32 v16, v15  }
0x340: {  	v16 =	vsel vm0, v17, v18  }
0x341: {  	v14 =	vadd.f32 v14, v15;
	v15 =	vmul.f32 v16, v9;
	_ =	sdelay $0x1  }
0x342: {  	v14 =	vadd.f32 v15, v14;
	_ =	sdelay $0x1  }
0x343: {  	[tilespmem:$0x1FE68] =	vst v14  }
0x344: {  	v15 =	vld.idx.msk [tilespmem:v1+s18+$0x0], $0xffff;
	_ =	sdelay $0x5  }
0x345: {  	v14 =	vadd.f32 v14, v15;
	_ =	sdelay $0x1  }
0x346: {  	[tilespmem:$0x1FE68] =	vst v14  }
0x347: {  	v15 =	vld.idx.msk [tilespmem:v2+s18+$0x0], $0xffff;
	_ =	sdelay $0x5  }
0x348: {  	v14 =	vadd.f32 v14, v15;
	_ =	sdelay $0x1  }
0x349: {  	[tilespmem:$0x1FE68] =	vst v14  }
0x34a: {  	v15 =	vld.idx.msk [tilespmem:v3+s18+$0x0], $0xffff;
	_ =	sdelay $0x5  }
0x34b: {  	v14 =	vadd.f32 v14, v15;
	_ =	sdelay $0x1  }
0x34c: {  	[tilespmem:$0x1FE68] =	vst v14  }
0x34d: {  	v15 =	vld.idx.msk [tilespmem:v4+s18+$0x0], $0xffff;
	_ =	sdelay $0x5  }
0x34e: {  	v14 =	vadd.f32 v15, v14  }
.Ltmp4:
0x34f: {  	(pc) =	sbr.rel @p1 .LBB2_11-.Ltmp4, $3  }
0x350: {  	v14 =	vmul.f32 $1.442695020e+00, v14;
	_ =	sdelay $0x1  }
0x351: {  	(erf) = vpow2.f32 v14  }
0x352: {  	s23 =	sadd.s32 $0x80, s23  }
0x353: {  	_ =	sdelay $0x6  }
0x354: {  	v14 =	vpop (erf)  }
0x355: {  	s2 =	sadd.s32 $0x8, s25;
	v12 =	vmul.f32 v14, v12  }
0x356: {  	v15 =	vadd.s32 s2, v5;
	v10 =	vmul.f32 v14, v10  }
0x357: {  	v11 =	vmul.f32 v14, v11;
	[tilespmem:s8+$0x0] =	vst v12  }
0x358: {  	v63 =	vmul.f32 v14, v13;
	[tilespmem:s8+$0x20] =	vst v10  }
0x359: {  	[tilespmem:s8+$0x10] =	vst v11  }
0x35a: {  	[tilespmem:s8+$0x30] =	vst v63  }
0x35b: {  	[tilespmem:v15+s19+$0x0] =	vst.idx.msk $0xf, v14  }
0x35c: {  	[spmem:s4] =	stream.indirect.scatter.add.f32 [tilespmem:s21], [sflag:$0x3], $0x40, s20, s5, $0xb8;
	[tilespmem:$0x1FE78] =	vst v63  }
0x35d: {  	s11 =	sadd.s32 $0x1, s11;
	_ =	swait.ge [sflag:s0], $0x1000  }
0x35e: {  	p1 =	sne.s32 s11, $0x60;
	[sflag:s0] =	ssyncset.done $0x0  }
.Ltmp5:
0x35f: {  	[sflag:s0] =	ssyncadd.s32 $0xFFFFF000;
	(pc) =	sbr.rel @p1 .LBB2_10-.Ltmp5, $4  }
0x360: {  	[spmem:s1] =	stream.indirect.scatter.add.f32 [tilespmem:s19], [sflag:$0x3], $0x4, s20, s5, $0xb8;
	[tilespmem:$0x1FE78] =	vst v63  }
0x361: {  	_ =	swait.ge [sflag:s0], $0x100  }
0x362: {  	[sflag:s0] =	ssyncset.done $0x0  }
0x363: {  	[sflag:s0] =	ssyncadd.s32 $0xFFFFFF00  }
0x364: {  	[bflag:$0x0] =	sbarrier.arrive $0xFFFF  }
0x365: {  	s2 =	rddreg [dreg:$0xa]  }
0x366: {  	s11 =	rddreg [dreg:$0x19]  }
0x367: {  	s3 =	rddreg [dreg:$0x1a]  }
0x368: {  	[hbm:s2], [sflag:s11] =	dma.local [spmem:s3], $0x3400  }
0x369: {  	_ =	swait.ge [sflag:s0], $0x3400  }
0x36a: {  	[sflag:s0] =	ssyncset.done $0x0;
	s30 =	rddreg [dreg:$0x10]  }
0x36b: {  	s22 =	rddreg [dreg:$0x1b];
	[sflag:s0] =	ssyncadd.s32 $0xFFFFCC00  }
0x36c: {  	[hbm:s30], [sflag:s11] =	dma.local [spmem:s22], $0x680  }
0x36d: {  	_ =	swait.ge [sflag:s0], $0x680  }
0x36e: {  	[sflag:s0] =	ssyncset.done $0x0  }
0x36f: {  	[sflag:s0] =	ssyncadd.s32 $0xFFFFF980  }
0x370: {  	[bflag:$0x0] =	sbarrier.arrive $0xFFFF  }
0x371: {  	s8 =	rddreg [dreg:$0x7]  }
0x372: {  	[spmem:s3], [sflag:s11] =	dma.local [hbm:s8], $0x3400  }
0x373: {  	_ =	swait.ge [sflag:s0], $0x3400  }
0x374: {  	[sflag:s0] =	ssyncset.done $0x0  }
0x375: {  	[sflag:s0] =	ssyncadd.s32 $0xFFFFCC00  }
0x376: {  	s3 =	rddreg [dreg:$0x2]  }
0x377: {  	[spmem:s22], [sflag:s11] =	dma.local [hbm:s3], $0x680  }
0x378: {  	_ =	swait.ge [sflag:s0], $0x680  }
0x379: {  	[sflag:s0] =	ssyncset.done $0x0  }
0x37a: {  	s2 =	rddreg [dreg:$0x1c];
	[sflag:s0] =	ssyncadd.s32 $0xFFFFF980  }
0x37b: {  	[spmem:s2], [sflag:s11] =	dma.local @!p0 [hbm:s8], $0x40  }
0x37c: {  	s2 =	simm.s32 @!p0 $0x3  }
0x37d: {  	_ =	swait.ge @!p0 [sflag:s2], $0x40  }
0x37e: {  	[sflag:s2] =	ssyncset.done @!p0 $0x0  }
0x37f: {  	s8 =	rddreg [dreg:$0x1d];
	[sflag:s2] =	ssyncadd.s32 @!p0 $0xFFFFFFC0  }
0x380: {  	[spmem:s8], [sflag:s11] =	dma.local @!p0 [hbm:s3], $0x8  }
0x381: {  	_ =	swait.ge @!p0 [sflag:s2], $0x8  }
0x382: {  	[sflag:s2] =	ssyncset.done @!p0 $0x0  }
0x383: {  	[sflag:s2] =	ssyncadd.s32 @!p0 $0xFFFFFFF8  }
0x384: {  	[bflag:$0x0] =	sbarrier.arrive $0xFFFF  }
0x385: {  	v6 =	vld [tilespmem:$0x1BAE8]  }
0x386: {  	v7 =	vld [tilespmem:$0x1BAF8]  }
0x387: {  	v8 =	vld [tilespmem:$0x1BB08]  }
0x388: {  	s26 =	simm.s32 $0x0;
	s11 =	simm.s32 $0x0;
	v9 =	vld [tilespmem:$0x1BB18]  }
.LBB2_14:
0x389: {  	s2 =	sshll.u32 s11, $0x6  }
0x38a: {  	s2 =	sadd.s32 s28, s2  }
0x38b: {  	s3 =	sshrl.u32 s2, $0x3  }
0x38c: {  	s22 =	simm.s32 $0x1BB28;
	s8 =	sadd.s32 s9, s3  }
0x38d: {  	[tilespmem:s22], [sflag:$0x3] =	stream.linear.gather [hbm4b:s8+s26], $0x40, $0x38;
	[tilespmem:$0x1FE78] =	vst v63  }
0x38e: {  	_ =	swait.ge [sflag:s0], $0x40  }
0x38f: {  	[sflag:s0] =	ssyncset.done $0x0  }
0x390: {  	s3 =	sadd.s32 s10, s3;
	[sflag:s0] =	ssyncadd.s32 $0xFFFFFFC0  }
0x391: {  	[tilespmem:s31], [sflag:$0x3] =	stream.linear.gather [hbm4b:s3+s26], $0x40, $0x38;
	[tilespmem:$0x1FE78] =	vst v63  }
0x392: {  	_ =	swait.ge [sflag:s0], $0x40  }
0x393: {  	[sflag:s0] =	ssyncset.done $0x0  }
0x394: {  	[sflag:s0] =	ssyncadd.s32 $0xFFFFFFC0  }
0x395: {  	v10 =	vld [tilespmem:$0x1BB28]  }
0x396: {  	v11 =	vld [tilespmem:$0x1BB68];
	_ =	sdelay $0x1  }
0x397: {  	v12 =	vld [tilespmem:$0x1BB38]  }
0x398: {  	v13 =	vld [tilespmem:$0x1BB78]  }
0x399: {  	v10 =	vadd.s32 $0x27000, v10  }
0x39a: {  	v14 =	vld [tilespmem:$0x1BB48];
	[tilespmem:$0x1BBA8] =	vst v10;
	v10 =	vadd.s32 $0x27000, v11;
	v11 =	vsub.s32 v11, v0  }
0x39b: {  	[tilespmem:$0x1BBE8] =	vst v10;
	v10 =	vmin.u32 v11, $0x6800;
	v11 =	vld [tilespmem:$0x1BB88]  }
0x39c: {  	[tilespmem:$0x1BC28] =	vst v10;
	v10 =	vadd.s32 $0x27000, v12  }
0x39d: {  	v12 =	vsub.s32 v13, v0;
	[tilespmem:$0x1BBB8] =	vst v10;
	v10 =	vadd.s32 $0x27000, v13;
	v13 =	vld [tilespmem:$0x1BB58]  }
0x39e: {  	[tilespmem:$0x1BBF8] =	vst v10;
	v10 =	vmin.u32 v12, $0x6800;
	v12 =	vld [tilespmem:$0x1BB98]  }
0x39f: {  	[tilespmem:$0x1BC38] =	vst v10;
	v10 =	vadd.s32 $0x27000, v14  }
0x3a0: {  	[tilespmem:$0x1BBC8] =	vst v10;
	v10 =	vadd.s32 $0x27000, v11;
	v11 =	vsub.s32 v11, v0  }
0x3a1: {  	[tilespmem:$0x1BC08] =	vst v10;
	v10 =	vmin.u32 v11, $0x6800  }
0x3a2: {  	[tilespmem:$0x1BC48] =	vst v10;
	v10 =	vadd.s32 $0x27000, v13  }
0x3a3: {  	[tilespmem:$0x1BBD8] =	vst v10;
	v10 =	vadd.s32 $0x27000, v12;
	v11 =	vsub.s32 v12, v0  }
0x3a4: {  	[tilespmem:$0x1BC18] =	vst v10;
	v10 =	vmin.u32 v11, $0x6800  }
0x3a5: {  	[tilespmem:$0x1BC58] =	vst v10  }
0x3a6: {  	[tilespmem:s12], [sflag:$0x1] =	stream.indirect.gather [hbm4b:s6+s5], $0x40, s7, s5, $0xb8;
	[tilespmem:$0x1FE78] =	vst v63  }
0x3a7: {  	s2 =	sshll.u32 s2, $0x3;
	s22 =	rddreg [dreg:$0x14]  }
0x3a8: {  	[tilespmem:s14], [sflag:$0x2] =	stream.indirect.gather [hbm4b:s24+s5], $0x40, s13, s5, $0xb8;
	[tilespmem:$0x1FE78] =	vst v63  }
0x3a9: {  	s2 =	sadd.s32 s2, s22  }
0x3aa: {  	[tilespmem:s15], [sflag:$0x3] =	stream.linear.gather [hbm4b:s2+s26], $0x1000, $0x38;
	[tilespmem:$0x1FE78] =	vst v63  }
0x3ab: {  	_ =	swait.ge [sflag:s0], $0x1000  }
0x3ac: {  	[sflag:s0] =	ssyncset.done $0x0  }
0x3ad: {  	[sflag:s0] =	ssyncadd.s32 $0xFFFFF000  }
0x3ae: {  	_ =	swait.ge [sflag:s16], $0x1000  }
0x3af: {  	[sflag:s16] =	ssyncset.done $0x0  }
0x3b0: {  	[sflag:s16] =	ssyncadd.s32 $0xFFFFF000  }
0x3b1: {  	_ =	swait.ge [sflag:s17], $0x1000  }
0x3b2: {  	[sflag:s17] =	ssyncset.done $0x0  }
0x3b3: {  	s30 =	simm.s32 $0x1CCA8;
	[sflag:s17] =	ssyncadd.s32 $0xFFFFF000  }
0x3b4: {  	v10 =	vld [tilespmem:s30+$0xFFFFFFF0]  }
0x3b5: {  	v11 =	vld [tilespmem:s30+$0xFFFFFFE0]  }
0x3b6: {  	s23 =	simm.s32 $0x1BCA8;
	v12 =	vld [tilespmem:s30+$0xFFFFFFD0]  }
0x3b7: {  	v13 =	vld [tilespmem:s23+$0xFFFFFFC0]  }
0x3b8: {  	v14 =	vld [tilespmem:s30+$0xFFFFFFC0]  }
0x3b9: {  	s2 =	simm.s32 $0x1DCA8;
	v15 =	vld [tilespmem:s23+$0xFFFFFFD0]  }
0x3ba: {  	v16 =	vld [tilespmem:s2+$0xFFFFFFC0]  }
0x3bb: {  	v17 =	vld [tilespmem:s2+$0xFFFFFFD0]  }
0x3bc: {  	v18 =	vld [tilespmem:s23+$0xFFFFFFE0]  }
0x3bd: {  	v19 =	vld [tilespmem:s23+$0xFFFFFFF0];
	v14 =	vadd.f32 v14, v13  }
0x3be: {  	v20 =	vld [tilespmem:s2+$0xFFFFFFE0]  }
0x3bf: {  	v12 =	vadd.f32 v12, v15;
	v14 =	vadd.f32 v16, v14  }
0x3c0: {  	v50 =	vld [tilespmem:s2+$0xFFFFFFF0]  }
0x3c1: {  	v11 =	vadd.f32 v11, v18;
	v12 =	vadd.f32 v17, v12;
	v51 =	vmul.f32 $2.000000030e-01, v14  }
0x3c2: {  	v10 =	vadd.f32 v10, v19;
	vm0 =	vge.f32 v14, $0.0e+00  }
0x3c3: {  	v11 =	vadd.f32 v20, v11;
	v21 =	vmul.f32 $2.000000030e-01, v12;
	v14 =	vsel vm0, v14, v51  }
0x3c4: {  	vm9 =	vge.f32 v12, $0.0e+00;
	v14 =	vmul.f32 v14, v6  }
0x3c5: {  	v10 =	vadd.f32 v50, v10;
	v52 =	vmul.f32 $2.000000030e-01, v11;
	v12 =	vsel vm9, v12, v21  }
0x3c6: {  	vm10 =	vge.f32 v11, $0.0e+00;
	v12 =	vmul.f32 v12, v7;
	v14 =	vadd.f32 $0.0e+00, v14  }
0x3c7: {  	v53 =	vmul.f32 $2.000000030e-01, v10;
	v11 =	vsel vm10, v11, v52  }
0x3c8: {  	vm11 =	vge.f32 v10, $0.0e+00;
	v11 =	vmul.f32 v11, v8;
	v12 =	vadd.f32 v12, v14  }
0x3c9: {  	v10 =	vsel vm11, v10, v53  }
0x3ca: {  	v10 =	vmul.f32 v10, v9;
	v11 =	vadd.f32 v11, v12;
	_ =	sdelay $0x1  }
0x3cb: {  	v10 =	vadd.f32 v10, v11;
	_ =	sdelay $0x1  }
0x3cc: {  	[tilespmem:$0x1FE68] =	vst v10  }
0x3cd: {  	v11 =	vld.idx.msk [tilespmem:v1+s18+$0x0], $0xffff;
	_ =	sdelay $0x4  }
0x3ce: {  	v10 =	vadd.f32 v10, v11;
	_ =	sdelay $0x1  }
0x3cf: {  	[tilespmem:$0x1FE68] =	vst v10  }
0x3d0: {  	v11 =	vld.idx.msk [tilespmem:v2+s18+$0x0], $0xffff;
	_ =	sdelay $0x4  }
0x3d1: {  	v10 =	vadd.f32 v10, v11;
	_ =	sdelay $0x1  }
0x3d2: {  	[tilespmem:$0x1FE68] =	vst v10  }
0x3d3: {  	v11 =	vld.idx.msk [tilespmem:v3+s18+$0x0], $0xffff;
	_ =	sdelay $0x4  }
0x3d4: {  	v10 =	vadd.f32 v10, v11;
	_ =	sdelay $0x1  }
0x3d5: {  	[tilespmem:$0x1FE68] =	vst v10  }
0x3d6: {  	v11 =	vld.idx.msk [tilespmem:v4+s18+$0x0], $0xffff;
	_ =	sdelay $0x4  }
0x3d7: {  	v10 =	vadd.f32 v11, v10;
	_ =	sdelay $0x1  }
0x3d8: {  	v10 =	vmul.f32 $1.442695020e+00, v10;
	_ =	sdelay $0x1  }
0x3d9: {  	(erf) = vpow2.f32 v10;
	_ =	sdelay $0x8  }
0x3da: {  	v10 =	vpop (erf)  }
0x3db: {  	s25 =	simm.s32 $0x0;
	v11 =	vmul.f32 v10, v19  }
0x3dc: {  	s29 =	simm.s32 $0x1ECA8;
	v12 =	vmul.f32 v10, v13;
	v13 =	vor.u32 s25, v5  }
0x3dd: {  	v14 =	vmul.f32 v10, v15;
	[tilespmem:s29+$0xFFFFFFF0] =	vst v11  }
0x3de: {  	v11 =	vmul.f32 v10, v18;
	[tilespmem:s29+$0xFFFFFFC0] =	vst v12  }
0x3df: {  	[tilespmem:s29+$0xFFFFFFD0] =	vst v14  }
0x3e0: {  	[tilespmem:s29+$0xFFFFFFE0] =	vst v11  }
0x3e1: {  	[tilespmem:v13+s19+$0x0] =	vst.idx.msk $0xf, v10  }
0x3e2: {  	v14 =	vld [tilespmem:s2+$0x10]  }
0x3e3: {  	v10 =	vld [tilespmem:s23+$0x20]  }
0x3e4: {  	v11 =	vld [tilespmem:s23+$0x10]  }
0x3e5: {  	v12 =	vld [tilespmem:s23+$0x0]  }
0x3e6: {  	v13 =	vld [tilespmem:s30+$0x0]  }
0x3e7: {  	v15 =	vld [tilespmem:s30+$0x10]  }
0x3e8: {  	v54 =	vld [tilespmem:s2+$0x0]  }
0x3e9: {  	v55 =	vld [tilespmem:s30+$0x20]  }
0x3ea: {  	v56 =	vld [tilespmem:s2+$0x20]  }
0x3eb: {  	v58 =	vld [tilespmem:s30+$0x30];
	v57 =	vadd.f32 v13, v12  }
0x3ec: {  	v13 =	vld [tilespmem:s23+$0x30]  }
0x3ed: {  	v15 =	vadd.f32 v15, v11;
	v16 =	vadd.f32 v54, v57  }
0x3ee: {  	v59 =	vld [tilespmem:s2+$0x30];
	v17 =	vadd.f32 v55, v10  }
0x3ef: {  	v14 =	vadd.f32 v14, v15;
	v15 =	vmul.f32 $2.000000030e-01, v16  }
0x3f0: {  	v17 =	vadd.f32 v56, v17;
	vm12 =	vge.f32 v16, $0.0e+00  }
0x3f1: {  	v60 =	vmul.f32 $2.000000030e-01, v14;
	v61 =	vadd.f32 v58, v13;
	v15 =	vsel vm12, v16, v15  }
0x3f2: {  	vm13 =	vge.f32 v14, $0.0e+00;
	v15 =	vmul.f32 v15, v6  }
0x3f3: {  	v62 =	vmul.f32 $2.000000030e-01, v17;
	v14 =	vsel vm13, v14, v60;
	v16 =	vadd.f32 v59, v61  }
0x3f4: {  	vm14 =	vge.f32 v17, $0.0e+00;
	v14 =	vmul.f32 v14, v7;
	v15 =	vadd.f32 $0.0e+00, v15  }
0x3f5: {  	v17 =	vsel vm14, v17, v62;
	v63 =	vmul.f32 $2.000000030e-01, v16  }
0x3f6: {  	v17 =	vmul.f32 v17, v8;
	vm15 =	vge.f32 v16, $0.0e+00;
	v14 =	vadd.f32 v14, v15  }
0x3f7: {  	v15 =	vsel vm15, v16, v63  }
0x3f8: {  	v15 =	vmul.f32 v15, v9;
	v14 =	vadd.f32 v17, v14;
	_ =	sdelay $0x1  }
0x3f9: {  	v14 =	vadd.f32 v15, v14;
	_ =	sdelay $0x1  }
0x3fa: {  	[tilespmem:$0x1FE68] =	vst v14  }
0x3fb: {  	v15 =	vld.idx.msk [tilespmem:v1+s18+$0x0], $0xffff;
	_ =	sdelay $0x4  }
0x3fc: {  	v14 =	vadd.f32 v14, v15;
	_ =	sdelay $0x1  }
0x3fd: {  	[tilespmem:$0x1FE68] =	vst v14  }
0x3fe: {  	v15 =	vld.idx.msk [tilespmem:v2+s18+$0x0], $0xffff;
	_ =	sdelay $0x4  }
0x3ff: {  	v14 =	vadd.f32 v14, v15;
	_ =	sdelay $0x1  }
0x400: {  	[tilespmem:$0x1FE68] =	vst v14  }
0x401: {  	v15 =	vld.idx.msk [tilespmem:v3+s18+$0x0], $0xffff;
	_ =	sdelay $0x4  }
0x402: {  	v14 =	vadd.f32 v14, v15;
	_ =	sdelay $0x1  }
0x403: {  	[tilespmem:$0x1FE68] =	vst v14  }
0x404: {  	v15 =	vld.idx.msk [tilespmem:v4+s18+$0x0], $0xffff;
	_ =	sdelay $0x4  }
0x405: {  	v14 =	vadd.f32 v15, v14;
	_ =	sdelay $0x1  }
0x406: {  	v14 =	vmul.f32 $1.442695020e+00, v14;
	_ =	sdelay $0x1  }
0x407: {  	(erf) = vpow2.f32 v14  }
0x408: {  	s8 =	simm.s32 $0x1ECA8;
	s22 =	simm.s32 $0x2;
	s23 =	simm.s32 $0x1BD28  }
.LBB2_15:
0x409: {  	s30 =	sadd.s32 $0x80, s30;
	s2 =	sadd.s32 $0x80, s2;
	s29 =	sadd.s32 $0x80, s29  }
0x40a: {  	p1 =	slt.u32 s22, $0x3E;
	s3 =	smov.u32 s22;
	s22 =	sadd.s32 $0x2, s22  }
0x40b: {  	_ =	sdelay $0x4  }
0x40c: {  	s25 =	sadd.s32 $0x8, s25;
	v14 =	vpop (erf)  }
0x40d: {  	v15 =	vadd.s32 s25, v5;
	v12 =	vmul.f32 v14, v12;
	v11 =	vmul.f32 v14, v11  }
0x40e: {  	v10 =	vmul.f32 v14, v10;
	v13 =	vmul.f32 v14, v13  }
0x40f: {  	[tilespmem:s8+$0x0] =	vst v12  }
0x410: {  	[tilespmem:s8+$0x20] =	vst v10  }
0x411: {  	[tilespmem:s8+$0x10] =	vst v11  }
0x412: {  	[tilespmem:s8+$0x30] =	vst v13;
	s8 =	smov.u32 s29  }
0x413: {  	[tilespmem:v15+s19+$0x0] =	vst.idx.msk $0xf, v14  }
0x414: {  	v10 =	vld [tilespmem:s30+$0xFFFFFFF0]  }
0x415: {  	v11 =	vld [tilespmem:s30+$0xFFFFFFE0]  }
0x416: {  	v12 =	vld [tilespmem:s30+$0xFFFFFFD0]  }
0x417: {  	v13 =	vld [tilespmem:s23+$0xFFFFFFC0]  }
0x418: {  	v14 =	vld [tilespmem:s30+$0xFFFFFFC0]  }
0x419: {  	v15 =	vld [tilespmem:s23+$0xFFFFFFD0]  }
0x41a: {  	v16 =	vld [tilespmem:s2+$0xFFFFFFC0]  }
0x41b: {  	v17 =	vld [tilespmem:s2+$0xFFFFFFD0]  }
0x41c: {  	v18 =	vld [tilespmem:s23+$0xFFFFFFE0]  }
0x41d: {  	v14 =	vadd.f32 v14, v13;
	v19 =	vld [tilespmem:s23+$0xFFFFFFF0]  }
0x41e: {  	v12 =	vadd.f32 v12, v15;
	v20 =	vld [tilespmem:s2+$0xFFFFFFE0]  }
0x41f: {  	v14 =	vadd.f32 v16, v14;
	v16 =	vld [tilespmem:s2+$0xFFFFFFF0]  }
0x420: {  	v12 =	vadd.f32 v17, v12  }
0x421: {  	v17 =	vmul.f32 $2.000000030e-01, v14;
	v11 =	vadd.f32 v11, v18  }
0x422: {  	vm0 =	vge.f32 v14, $0.0e+00;
	v21 =	vmul.f32 $2.000000030e-01, v12;
	v10 =	vadd.f32 v10, v19  }
0x423: {  	v14 =	vsel vm0, v14, v17;
	vm0 =	vge.f32 v12, $0.0e+00;
	v11 =	vadd.f32 v20, v11  }
0x424: {  	v14 =	vmul.f32 v14, v6;
	v12 =	vsel vm0, v12, v21;
	v10 =	vadd.f32 v16, v10  }
0x425: {  	v16 =	vmul.f32 $2.000000030e-01, v11  }
0x426: {  	v12 =	vmul.f32 v12, v7;
	vm0 =	vge.f32 v11, $0.0e+00;
	v14 =	vadd.f32 $0.0e+00, v14  }
0x427: {  	v11 =	vsel vm0, v11, v16;
	v16 =	vmul.f32 $2.000000030e-01, v10  }
0x428: {  	vm0 =	vge.f32 v10, $0.0e+00;
	v12 =	vadd.f32 v12, v14;
	v11 =	vmul.f32 v11, v8  }
0x429: {  	v10 =	vsel vm0, v10, v16  }
0x42a: {  	v11 =	vadd.f32 v11, v12;
	v10 =	vmul.f32 v10, v9;
	_ =	sdelay $0x1  }
0x42b: {  	v10 =	vadd.f32 v10, v11;
	_ =	sdelay $0x1  }
0x42c: {  	[tilespmem:$0x1FE68] =	vst v10  }
0x42d: {  	v11 =	vld.idx.msk [tilespmem:v1+s18+$0x0], $0xffff;
	_ =	sdelay $0x5  }
0x42e: {  	v10 =	vadd.f32 v10, v11;
	_ =	sdelay $0x1  }
0x42f: {  	[tilespmem:$0x1FE68] =	vst v10  }
0x430: {  	v11 =	vld.idx.msk [tilespmem:v2+s18+$0x0], $0xffff;
	_ =	sdelay $0x5  }
0x431: {  	v10 =	vadd.f32 v10, v11;
	_ =	sdelay $0x1  }
0x432: {  	[tilespmem:$0x1FE68] =	vst v10  }
0x433: {  	v11 =	vld.idx.msk [tilespmem:v3+s18+$0x0], $0xffff;
	_ =	sdelay $0x5  }
0x434: {  	v10 =	vadd.f32 v10, v11;
	_ =	sdelay $0x1  }
0x435: {  	[tilespmem:$0x1FE68] =	vst v10  }
0x436: {  	v11 =	vld.idx.msk [tilespmem:v4+s18+$0x0], $0xffff;
	_ =	sdelay $0x5  }
0x437: {  	v10 =	vadd.f32 v11, v10;
	_ =	sdelay $0x1  }
0x438: {  	v10 =	vmul.f32 $1.442695020e+00, v10;
	_ =	sdelay $0x1  }
0x439: {  	(erf) = vpow2.f32 v10;
	_ =	sdelay $0x8  }
0x43a: {  	v10 =	vpop (erf)  }
0x43b: {  	s25 =	sshll.u32 s3, $0x3;
	v11 =	vmul.f32 v10, v13;
	v12 =	vmul.f32 v10, v19  }
0x43c: {  	v13 =	vmul.f32 v10, v15;
	v14 =	vmul.f32 v10, v18;
	v15 =	vor.u32 s25, v5  }
0x43d: {  	[tilespmem:s29+$0xFFFFFFF0] =	vst v12  }
0x43e: {  	[tilespmem:s29+$0xFFFFFFC0] =	vst v11  }
0x43f: {  	[tilespmem:s29+$0xFFFFFFD0] =	vst v13  }
0x440: {  	[tilespmem:s29+$0xFFFFFFE0] =	vst v14  }
0x441: {  	[tilespmem:v15+s19+$0x0] =	vst.idx.msk $0xf, v10  }
0x442: {  	v13 =	vld [tilespmem:s2+$0x10]  }
0x443: {  	v14 =	vld [tilespmem:s2+$0x20]  }
0x444: {  	v10 =	vld [tilespmem:s23+$0x20]  }
0x445: {  	v11 =	vld [tilespmem:s23+$0x10]  }
0x446: {  	v15 =	vld [tilespmem:s30+$0x20]  }
0x447: {  	v16 =	vld [tilespmem:s30+$0x10]  }
0x448: {  	v12 =	vld [tilespmem:s23+$0x0]  }
0x449: {  	v17 =	vld [tilespmem:s30+$0x0];
	_ =	sdelay $0x2  }
0x44a: {  	v15 =	vadd.f32 v15, v10;
	v18 =	vld [tilespmem:s2+$0x0];
	v16 =	vadd.f32 v16, v11;
	_ =	sdelay $0x1  }
0x44b: {  	v14 =	vadd.f32 v14, v15;
	v16 =	vadd.f32 v13, v16  }
0x44c: {  	v15 =	vadd.f32 v17, v12;
	v17 =	vld [tilespmem:s30+$0x30]  }
0x44d: {  	v20 =	vmul.f32 $2.000000030e-01, v14;
	v19 =	vmul.f32 $2.000000030e-01, v16;
	v13 =	vld [tilespmem:s23+$0x30]  }
0x44e: {  	vm1 =	vge.f32 v14, $0.0e+00;
	vm0 =	vge.f32 v16, $0.0e+00;
	v15 =	vadd.f32 v18, v15  }
0x44f: {  	v14 =	vsel vm1, v14, v20;
	v16 =	vsel vm0, v16, v19;
	v18 =	vld [tilespmem:s2+$0x30]  }
0x450: {  	v19 =	vmul.f32 $2.000000030e-01, v15  }
0x451: {  	v14 =	vmul.f32 v14, v8;
	vm0 =	vge.f32 v15, $0.0e+00  }
0x452: {  	v15 =	vsel vm0, v15, v19;
	v17 =	vadd.f32 v17, v13  }
0x453: {  	v16 =	vmul.f32 v16, v7;
	v15 =	vmul.f32 v15, v6  }
0x454: {  	v17 =	vadd.f32 v18, v17  }
0x455: {  	v15 =	vadd.f32 $0.0e+00, v15  }
0x456: {  	v18 =	vmul.f32 $2.000000030e-01, v17  }
0x457: {  	vm0 =	vge.f32 v17, $0.0e+00;
	v15 =	vadd.f32 v16, v15  }
0x458: {  	v16 =	vsel vm0, v17, v18  }
0x459: {  	v14 =	vadd.f32 v14, v15;
	v15 =	vmul.f32 v16, v9;
	_ =	sdelay $0x1  }
0x45a: {  	v14 =	vadd.f32 v15, v14;
	_ =	sdelay $0x1  }
0x45b: {  	[tilespmem:$0x1FE68] =	vst v14  }
0x45c: {  	v15 =	vld.idx.msk [tilespmem:v1+s18+$0x0], $0xffff;
	_ =	sdelay $0x5  }
0x45d: {  	v14 =	vadd.f32 v14, v15;
	_ =	sdelay $0x1  }
0x45e: {  	[tilespmem:$0x1FE68] =	vst v14  }
0x45f: {  	v15 =	vld.idx.msk [tilespmem:v2+s18+$0x0], $0xffff;
	_ =	sdelay $0x5  }
0x460: {  	v14 =	vadd.f32 v14, v15;
	_ =	sdelay $0x1  }
0x461: {  	[tilespmem:$0x1FE68] =	vst v14  }
0x462: {  	v15 =	vld.idx.msk [tilespmem:v3+s18+$0x0], $0xffff;
	_ =	sdelay $0x5  }
0x463: {  	v14 =	vadd.f32 v14, v15;
	_ =	sdelay $0x1  }
0x464: {  	[tilespmem:$0x1FE68] =	vst v14  }
0x465: {  	v15 =	vld.idx.msk [tilespmem:v4+s18+$0x0], $0xffff;
	_ =	sdelay $0x5  }
0x466: {  	v14 =	vadd.f32 v15, v14  }
.Ltmp6:
0x467: {  	(pc) =	sbr.rel @p1 .LBB2_15-.Ltmp6, $3  }
0x468: {  	v14 =	vmul.f32 $1.442695020e+00, v14;
	_ =	sdelay $0x1  }
0x469: {  	(erf) = vpow2.f32 v14  }
0x46a: {  	s23 =	sadd.s32 $0x80, s23  }
0x46b: {  	_ =	sdelay $0x6  }
0x46c: {  	v14 =	vpop (erf)  }
0x46d: {  	s2 =	sadd.s32 $0x8, s25;
	v12 =	vmul.f32 v14, v12  }
0x46e: {  	v15 =	vadd.s32 s2, v5;
	v10 =	vmul.f32 v14, v10  }
0x46f: {  	v11 =	vmul.f32 v14, v11;
	[tilespmem:s8+$0x0] =	vst v12  }
0x470: {  	v63 =	vmul.f32 v14, v13;
	[tilespmem:s8+$0x20] =	vst v10  }
0x471: {  	[tilespmem:s8+$0x10] =	vst v11  }
0x472: {  	[tilespmem:s8+$0x30] =	vst v63  }
0x473: {  	[tilespmem:v15+s19+$0x0] =	vst.idx.msk $0xf, v14  }
0x474: {  	[spmem:s4] =	stream.indirect.scatter.add.f32 [tilespmem:s21], [sflag:$0x3], $0x40, s20, s5, $0xb8;
	[tilespmem:$0x1FE78] =	vst v63  }
0x475: {  	s11 =	sadd.s32 $0x1, s11;
	_ =	swait.ge [sflag:s0], $0x1000  }
0x476: {  	p1 =	sne.s32 s11, $0x60;
	[sflag:s0] =	ssyncset.done $0x0  }
.Ltmp7:
0x477: {  	[sflag:s0] =	ssyncadd.s32 $0xFFFFF000;
	(pc) =	sbr.rel @p1 .LBB2_14-.Ltmp7, $4  }
0x478: {  	[spmem:s1] =	stream.indirect.scatter.add.f32 [tilespmem:s19], [sflag:$0x3], $0x4, s20, s5, $0xb8;
	[tilespmem:$0x1FE78] =	vst v63  }
0x479: {  	_ =	swait.ge [sflag:s0], $0x100  }
0x47a: {  	[sflag:s0] =	ssyncset.done $0x0  }
0x47b: {  	[sflag:s0] =	ssyncadd.s32 $0xFFFFFF00  }
0x47c: {  	[bflag:$0x0] =	sbarrier.arrive $0xFFFF  }
0x47d: {  	s2 =	rddreg [dreg:$0xb]  }
0x47e: {  	s3 =	rddreg [dreg:$0x19]  }
0x47f: {  	s8 =	rddreg [dreg:$0x1a]  }
0x480: {  	[hbm:s2], [sflag:s3] =	dma.local [spmem:s8], $0x3400  }
0x481: {  	_ =	swait.ge [sflag:s0], $0x3400  }
0x482: {  	[sflag:s0] =	ssyncset.done $0x0;
	s25 =	rddreg [dreg:$0x11]  }
0x483: {  	s26 =	rddreg [dreg:$0x1b];
	[sflag:s0] =	ssyncadd.s32 $0xFFFFCC00  }
0x484: {  	[hbm:s25], [sflag:s3] =	dma.local [spmem:s26], $0x680  }
0x485: {  	_ =	swait.ge [sflag:s0], $0x680  }
0x486: {  	s29 =	rddreg [dreg:$0x18]  }
0x487: {  	s30 =	rddreg [dreg:$0x15];
	s3 =	sadd.s32 $0x1, s29  }
0x488: {  	p1 =	sne.s32 s3, s30  }
.Ltmp8:
0x489: {  	_ = 	snop;
	(pc) =	sbr.rel @p1 .LBB2_1-.Ltmp8, $3  }
0x48a: {  	[sflag:s0] =	ssyncset.done $0x0  }
0x48b: {  	[sflag:s0] =	ssyncadd.s32 $0xFFFFF980  }
0x48c: {  	[bflag:$0x0] =	sbarrier.arrive $0xFFFF;
	_ =	sdelay $0x1  }
0x48d: {  	_ =	sfence.sel $0x180000  }
0x48e: {  	[bflag:$0x0] =	sbarrier.arrive $0xFFFF  }
0x48f: {  	_ =	strace $0x90000047  }
0x490: {  	[bflag:$0x2] =	sbarrier.arrive $0xFFFF  }
0x491: {  	s0 =	rddreg [dreg:$0x5]  }
0x492: {  	s0 =	sadd.s32 @!p0 $0x100000, s0  }
0x493: {  	[sflag:s0] =	ssyncadd.tile.s32 @!p0 $0x1;
	_ =	shalt  }
.Lfunc_end2:
_tile_overlayer_lowered:
.L_overlay_start_2:
0x494: {  	(tag) =	ssettag $0x2  }
0x495: {  	s0 =	rddreg [dreg:$0x0];
	s2 =	stileid.u32  }
0x496: {  	s1 =	rddreg [dreg:$0x1];
	p0 =	sne.s32 s2, $0x0  }
0x497: {  	s3 =	rddreg [dreg:$0x2];
	[bflag:$0x3] =	sbarrier.arrive $0xFFFF;
	s2 =	simm.s32 @!p0 $0x1C03  }
0x498: {  	[timem:s3], [sflag:s2] =	dma.local @!p0 [hbm:s0], s1  }
0x499: {  	s0 =	simm.s32 @!p0 $0x3  }
0x49a: {  	_ =	swait.ge @!p0 [sflag:s0], s1  }
0x49b: {  	s1 =	ssub.s32 @!p0 $0x0, s1;
	[sflag:s0] =	ssyncset.done @!p0 $0x0  }
0x49c: {  	[sflag:s0] =	ssyncadd.s32 @!p0 s1  }
0x49d: {  	[bflag:$0x3] =	sbarrier.arrive $0xFFFF  }
0x49e: {  	_ =	shalt  }

</sc_bundles>
